<compile_context>
chip_gen: v7x
topology: tpu7x:2x2x1
jax: 0.10.2.dev20260603
libtpu: 0.0.44.dev20260713+nightly
codegen_flags: <defaults>
</compile_context>

<pallas_src>
import functools

import jax
import jax.numpy as jnp
from jax import lax
from jax.experimental import pallas as pl
from jax.experimental.pallas import tpu as pltpu
from jax.experimental.pallas import tpu_sc as plsc

_L = 2048
_D = 256
_C = 256
_NCH = _L // _C
_W = 384


def _rms(x):
    return x * jax.lax.rsqrt(jnp.mean(x * x, axis=-1, keepdims=True) + 1e-6)


def _lane_iota():
    return jax.lax.broadcasted_iota(jnp.int32, (1, _L), 1).astype(jnp.float32)


def _eye_c():
    r = jax.lax.broadcasted_iota(jnp.int32, (_C, _C), 0)
    c = jax.lax.broadcasted_iota(jnp.int32, (_C, _C), 1)
    return r == c


def _col_to_row(col):
    eye = _eye_c()
    parts = []
    for c in range(_NCH):
        blk = jax.lax.slice(col, (c * _C, 0), ((c + 1) * _C, 1))
        m = jnp.where(eye, jnp.broadcast_to(blk, (_C, _C)), 0.0)
        parts.append(jnp.sum(m, axis=0, keepdims=True))
    return jnp.concatenate(parts, axis=1)


def _row_to_col_chunk(row):
    m = jnp.where(_eye_c(), jnp.broadcast_to(row, (_C, _C)), 0.0)
    return jnp.sum(m, axis=1, keepdims=True)


def _cumsum_row(x):
    s = x
    k = 1
    while k < _L:
        sh = jnp.concatenate(
            [jnp.zeros((1, k), x.dtype), jax.lax.slice(s, (0, 0), (1, _L - k))],
            axis=1)
        s = s + sh
        k *= 2
    return s


def _routing(x, m_row, Wq, bq, Wk, bk):
    dn = (((1,), (1,)), ((), ()))
    Qf = jax.lax.dot_general(x, Wq, dn, preferred_element_type=jnp.float32) + bq
    Kf = jax.lax.dot_general(x, Wk, dn, preferred_element_type=jnp.float32) + bk
    Ks = jnp.concatenate(
        [jax.lax.slice(Kf, (1, 0), (_L, _D)), jnp.zeros((1, _D), jnp.float32)],
        axis=0)
    qn = jnp.sqrt(jnp.sum(Qf * Qf, axis=1, keepdims=True))
    kn = jnp.sqrt(jnp.sum(Ks * Ks, axis=1, keepdims=True))
    Qn = Qf / jnp.maximum(qn, 1e-12)
    Kn = Ks / jnp.maximum(kn, 1e-12)
    cos = jnp.sum(Qn * Kn, axis=1, keepdims=True)
    a = jnp.clip(0.5 * (1.0 - cos), 0.0, 1.0)
    a_col = jnp.concatenate(
        [jnp.ones((1, 1), jnp.float32), jax.lax.slice(a, (0, 0), (_L - 1, 1))],
        axis=0)
    A_row = _col_to_row(a_col)
    bm_row = (A_row > 0.5) & m_row
    return A_row, bm_row



def _enc_body(h_ref, m_ref, Wq_ref, bq_ref, Wk_ref, bk_ref,
              e_ref, ord_ref, mn_ref):
    h = h_ref[0]
    m_row = m_ref[0] > 0.5
    e = _rms(h)
    e_ref[0] = e
    _, bm = _routing(e, m_row, Wq_ref[...], bq_ref[0], Wk_ref[...], bk_ref[0])
    cum = _cumsum_row(bm.astype(jnp.float32))
    num = jax.lax.slice(cum, (0, _L - 1), (1, _L))
    lane = _lane_iota()
    dest = jnp.where(bm, cum - 1.0, num + lane - cum)
    dn = (((1,), (1,)), ((), ()))
    parts = []
    for c in range(_NCH):
        ridx = (jax.lax.broadcasted_iota(jnp.int32, (_C, 1), 0).astype(jnp.float32)
                + float(c * _C))
        P = jnp.where(ridx == dest, 1.0, 0.0)
        oc = jax.lax.dot_general(P, lane, dn,
                                 preferred_element_type=jnp.float32)
        parts.append(_col_to_row_chunk_small(oc))
    ord_row = jnp.concatenate(parts, axis=1)
    ord_ref[0] = ord_row.astype(jnp.int32)
    mn_ref[0] = (lane < num).astype(jnp.float32)


def _col_to_row_chunk_small(col):
    m = jnp.where(_eye_c(), jnp.broadcast_to(col, (_C, _C)), 0.0)
    return jnp.sum(m, axis=0, keepdims=True)


def _enc_call(h, m_f, Wq, bq, Wk, bk):
    B = h.shape[0]
    return pl.pallas_call(
        _enc_body,
        grid=(B,),
        in_specs=[
            pl.BlockSpec((1, _L, _D), lambda b: (b, 0, 0)),
            pl.BlockSpec((1, 1, _L), lambda b: (b, 0, 0)),
            pl.BlockSpec((_D, _D), lambda b: (0, 0)),
            pl.BlockSpec((1, 1, _D), lambda b: (0, 0, 0)),
            pl.BlockSpec((_D, _D), lambda b: (0, 0)),
            pl.BlockSpec((1, 1, _D), lambda b: (0, 0, 0)),
        ],
        out_specs=[
            pl.BlockSpec((1, _L, _D), lambda b: (b, 0, 0)),
            pl.BlockSpec((1, 1, _L), lambda b: (b, 0, 0)),
            pl.BlockSpec((1, 1, _L), lambda b: (b, 0, 0)),
        ],
        out_shape=[
            jax.ShapeDtypeStruct((B, _L, _D), jnp.float32),
            jax.ShapeDtypeStruct((B, 1, _L), jnp.int32),
            jax.ShapeDtypeStruct((B, 1, _L), jnp.float32),
        ],
    )(h, m_f, Wq, bq.reshape(1, 1, _D), Wk, bk.reshape(1, 1, _D))



def _sc_gather(table_flat, idx2d):
    R = table_flat.shape[0]
    info = plsc.get_sparse_core_info()
    nw = info.num_cores * info.num_subcores
    rpw = R // nw
    nseg = rpw // 128
    mesh = plsc.VectorSubcoreMesh(core_axis_name="c", subcore_axis_name="s")

    @functools.partial(
        pl.kernel, mesh=mesh,
        out_type=jax.ShapeDtypeStruct((R, _D), jnp.float32),
        scratch_types=[
            pltpu.VMEM((nseg, 128), jnp.int32),
            pltpu.VMEM((rpw, _D), jnp.float32),
            pltpu.SemaphoreType.DMA,
        ],
    )
    def k(table_hbm, idx_hbm, out_hbm, idx_v, rows_v, sem):
        wid = lax.axis_index("s") * info.num_cores + lax.axis_index("c")
        pltpu.sync_copy(idx_hbm.at[pl.ds(wid * nseg, nseg)], idx_v)
        for j in range(nseg):
            pltpu.async_copy(table_hbm.at[idx_v.at[j]],
                             rows_v.at[pl.ds(j * 128, 128)], sem).wait()
        pltpu.sync_copy(rows_v, out_hbm.at[pl.ds(wid * rpw, rpw)])

    return k(table_flat, idx2d)


def _gather_rows(e, order):
    B = e.shape[0]
    offs = (jnp.arange(B, dtype=jnp.int32) * _L).reshape(B, 1, 1)
    idx_flat = (order + offs).reshape(B * _L // 128, 128)
    out = _sc_gather(e.reshape(B * _L, _D), idx_flat)
    return out.reshape(B, _L, _D)



def _upsample2(z_ref, sc_ref, z1, z2, A_row, bm_row):
    z_ref[:, 0:_D] = z1
    z_ref[:, _D:2 * _D] = z2
    p = jnp.clip(A_row, 1e-4, 1.0 - 1e-4)
    cum = _cumsum_row(bm_row.astype(jnp.float32))
    cb = jnp.maximum(cum - 1.0, 0.0)
    sc_ref[0:1, :] = cb
    S = _cumsum_row(jnp.log(1.0 - p))
    Spad = jnp.concatenate(
        [jnp.zeros((1, 1), jnp.float32), jax.lax.slice(S, (0, 0), (1, _L - 1))],
        axis=1)
    r = jax.lax.broadcasted_iota(jnp.int32, (_C, _C), 0)
    c = jax.lax.broadcasted_iota(jnp.int32, (_C, _C), 1)
    tril = r >= c
    dn = (((1,), (0,)), ((), ()))
    lane_w = jax.lax.broadcasted_iota(jnp.int32, (1, _W), 1).astype(jnp.float32)
    carry = jnp.zeros((1, 2 * _D), jnp.float32)
    outs = []
    for ch in range(_NCH):
        s0 = ch * _C
        Sp_row = jax.lax.slice(Spad, (0, s0), (1, s0 + _C))
        p_row = jax.lax.slice(p, (0, s0), (1, s0 + _C))
        cb_col = _row_to_col_chunk(jax.lax.slice(cb, (0, s0), (1, s0 + _C)))
        Sp_col = _row_to_col_chunk(Sp_row)
        base = jnp.minimum((sc_ref[0, s0].astype(jnp.int32) // 128) * 128,
                           _L - _W)
        zwin = z_ref[pl.ds(base, _W), :]
        G = jnp.where(cb_col - base.astype(jnp.float32) == lane_w, 1.0, 0.0)
        z_exp = jax.lax.dot_general(G, zwin, dn, preferred_element_type=jnp.float32)
        Wl = jnp.where(tril, p_row * jnp.exp(Sp_col - Sp_row), 0.0)
        loc = jax.lax.dot_general(Wl, z_exp, dn, preferred_element_type=jnp.float32)
        S0 = jax.lax.slice(Sp_row, (0, 0), (1, 1))
        out_c = loc + jnp.exp(Sp_col - S0) * carry
        p_last = jax.lax.slice(p_row, (0, _C - 1), (1, _C))
        out_last = jax.lax.slice(out_c, (_C - 1, 0), (_C, 2 * _D))
        carry = (1.0 - p_last) * out_last
        outs.append(out_c)
    return jnp.concatenate(outs, axis=0)


def _dec_body(h2_ref, m_ref, e1_ref, e0_ref, dWq_ref, dbq_ref, dWk_ref,
              dbk_ref, rw_ref, out_ref, z_ref, sc_ref):
    m2 = m_ref[0] > 0.5
    rw = rw_ref[0]

    d0 = _rms(h2_ref[0])
    A0, bmA = _routing(d0, m2, dWq_ref[0], dbq_ref[0], dWk_ref[0], dbk_ref[0])
    u = _upsample2(z_ref, sc_ref, d0, e1_ref[0], A0, bmA)
    h3 = (jax.lax.slice(u, (0, 0), (_L, _D))
          + jax.lax.slice(rw, (0, 0), (1, 1))
          * jax.lax.slice(u, (0, _D), (_L, 2 * _D)))

    d1 = _rms(h3)
    A1, bmB = _routing(d1, m2, dWq_ref[1], dbq_ref[1], dWk_ref[1], dbk_ref[1])
    u2 = _upsample2(z_ref, sc_ref, d1, e0_ref[0], A1, bmB)
    out_ref[0] = (jax.lax.slice(u2, (0, 0), (_L, _D))
                  + jax.lax.slice(rw, (0, 1), (1, 2))
                  * jax.lax.slice(u2, (0, _D), (_L, 2 * _D)))


def _dec_call(h2, m2_f, e1, e0, dWq, dbq, dWk, dbk, rw):
    B = h2.shape[0]
    nl = dWq.shape[0]
    full = lambda shape: pl.BlockSpec(shape, lambda b: (0,) * len(shape))
    return pl.pallas_call(
        _dec_body,
        grid=(B,),
        in_specs=[
            pl.BlockSpec((1, _L, _D), lambda b: (b, 0, 0)),
            pl.BlockSpec((1, 1, _L), lambda b: (b, 0, 0)),
            pl.BlockSpec((1, _L, _D), lambda b: (b, 0, 0)),
            pl.BlockSpec((1, _L, _D), lambda b: (b, 0, 0)),
            full((nl, _D, _D)), full((nl, 1, _D)),
            full((nl, _D, _D)), full((nl, 1, _D)),
            full((1, 1, nl)),
        ],
        out_specs=pl.BlockSpec((1, _L, _D), lambda b: (b, 0, 0)),
        out_shape=jax.ShapeDtypeStruct((B, _L, _D), jnp.float32),
        scratch_shapes=[pltpu.VMEM((_L, 2 * _D), jnp.float32),
                        pltpu.VMEM((1, _L), jnp.float32)],
    )(h2, m2_f, e1, e0, dWq, dbq.reshape(nl, 1, _D), dWk,
      dbk.reshape(nl, 1, _D), rw.astype(jnp.float32).reshape(1, 1, nl))


def kernel(hidden_states, mask, enc_Wq, enc_bq, enc_Wk, enc_bk,
           dec_Wq, dec_bq, dec_Wk, dec_bk, residual_weights):
    B = hidden_states.shape[0]
    m0 = mask.astype(jnp.float32).reshape(B, 1, _L)
    e0, ord0, m1 = _enc_call(hidden_states, m0,
                             enc_Wq[0], enc_bq[0], enc_Wk[0], enc_bk[0])
    h1 = _gather_rows(e0, ord0)
    e1, ord1, m2 = _enc_call(h1, m1,
                             enc_Wq[1], enc_bq[1], enc_Wk[1], enc_bk[1])
    h2 = _gather_rows(e1, ord1)
    return _dec_call(h2, m2, e1, e0, dec_Wq, dec_bq, dec_Wk, dec_bk,
                     residual_weights)

# --- scband reference (transcript-rebuilt; emitter-appended) ---
"""Pipeline reference for scband-hnet-5317169512678 (READ-ONLY COPY).

The authoritative reference and input builder live on the scoring server;
editing this copy changes nothing except your own understanding.
"""

import jax, jax.numpy as jnp
import numpy as np

N_LAYERS = 2
B, L, D = 4, 2048, 256

def rms_norm(x, eps=1e-6):
    return x * jax.lax.rsqrt(jnp.mean(x * x, axis=-1, keepdims=True) + eps)

def routing(x, mask, Wq, bq, Wk, bk):
    Q = (x @ Wq.T + bq)[:, :-1]
    K = (x @ Wk.T + bk)[:, 1:]
    Qn = Q / jnp.maximum(jnp.linalg.norm(Q, axis=-1, keepdims=True), 1e-12)
    Kn = K / jnp.maximum(jnp.linalg.norm(K, axis=-1, keepdims=True), 1e-12)
    cos_sim = jnp.sum(Qn * Kn, axis=-1)
    A = jnp.clip(0.5 * (1.0 - cos_sim), 0.0, 1.0)
    A = jnp.pad(A, ((0, 0), (1, 0)), constant_values=1.0)
    boundary_probs = jnp.stack((1.0 - A, A), axis=-1)
    sel = jnp.argmax(boundary_probs, axis=-1)
    boundary_mask = sel.astype(bool) & mask
    return boundary_probs, boundary_mask, sel

def down_sample(h, boundary_mask):
    b, l, d = h.shape
    num_tokens = boundary_mask.sum(axis=-1)
    flat = jnp.arange(l)[None, :] + (~boundary_mask).astype(jnp.int32) * l
    order = jnp.argsort(flat, axis=1)
    nh = jnp.take_along_axis(h, jnp.broadcast_to(order[:, :, None], (b, l, d)), axis=1)
    nmask = jnp.arange(l)[None, :] < num_tokens[:, None]
    return nh, nmask

def upsample(z, boundary_probs, boundary_mask):
    b, lc, d = z.shape
    lo = boundary_mask.shape[1]
    cb = jnp.cumsum(boundary_mask.astype(jnp.float32), axis=-1)
    cb = jnp.clip(cb - 1.0, 0, lc - 1).astype(jnp.int32)
    p = jnp.clip(boundary_probs[:, :, 1].astype(jnp.float32), 1e-4, 1.0 - 1e-4)
    z_exp = jnp.take_along_axis(z, jnp.broadcast_to(cb[:, :, None], (b, lo, d)), axis=1)
    log1mp = jnp.log1p(-p)
    S = jnp.cumsum(log1mp, axis=1)
    Spad = jnp.concatenate([jnp.zeros((b, 1), z.dtype), S[:, :-1]], axis=1)
    causal = jnp.tril(jnp.ones((lo, lo), dtype=bool))
    expo = Spad[:, :, None] - Spad[:, None, :]
    expo = jnp.where(causal[None], expo, -jnp.inf)
    W = p[:, None, :] * jnp.exp(expo)
    return jnp.einsum('bij,bjd->bid', W, z_exp)

def hnet_forward(h, mask, enc_params, dec_params, residual_weights):
    enc_outs = []
    m = mask
    for i in range(N_LAYERS):
        h = rms_norm(h)
        enc_outs.append(h)
        bp, bm, sel = routing(h, m, *enc_params[i])
        h, m = down_sample(h, bm)
    enc_rev = enc_outs[::-1]
    for i in range(N_LAYERS):
        h = rms_norm(h)
        bp, bm, sel = routing(h, m, *dec_params[i])
        h = upsample(h, bp, bm)
        er = upsample(enc_rev[i], bp, bm)
        h = h + residual_weights[i] * er
    return h

def setup_inputs(seed: int = 0):
    key = jax.random.key(seed)
    ks = jax.random.split(key, 10)
    s = 1.0 / np.sqrt(D)
    return {
        "hidden_states": jax.random.normal(ks[0], (B, L, D), jnp.float32),
        "mask": jnp.ones((B, L), dtype=bool),
        "enc_Wq": jax.random.uniform(ks[1], (N_LAYERS, D, D), jnp.float32, -s, s),
        "enc_bq": jax.random.uniform(ks[2], (N_LAYERS, D), jnp.float32, -s, s),
        "enc_Wk": jax.random.uniform(ks[3], (N_LAYERS, D, D), jnp.float32, -s, s),
        "enc_bk": jax.random.uniform(ks[4], (N_LAYERS, D), jnp.float32, -s, s),
        "dec_Wq": jax.random.uniform(ks[5], (N_LAYERS, D, D), jnp.float32, -s, s),
        "dec_bq": jax.random.uniform(ks[6], (N_LAYERS, D), jnp.float32, -s, s),
        "dec_Wk": jax.random.uniform(ks[7], (N_LAYERS, D, D), jnp.float32, -s, s),
        "dec_bk": jax.random.uniform(ks[8], (N_LAYERS, D), jnp.float32, -s, s),
        "residual_weights": jnp.ones((N_LAYERS,), jnp.float32),
    }

def reference(hidden_states, mask, enc_Wq, enc_bq, enc_Wk, enc_bk, dec_Wq, dec_bq, dec_Wk, dec_bk, residual_weights):
    enc_params = [(enc_Wq[i], enc_bq[i], enc_Wk[i], enc_bk[i]) for i in range(N_LAYERS)]
    dec_params = [(dec_Wq[i], dec_bq[i], dec_Wk[i], dec_bk[i]) for i in range(N_LAYERS)]
    return hnet_forward(hidden_states, mask, enc_params, dec_params, residual_weights)

if __name__ == "__main__":
    import jax
    _d = setup_inputs()
    print(jax.jit(kernel)(*tuple(_d.values())))

</pallas_src>

<mosaic_0001>
#map = affine_map<(d0, d1) -> (0, 0)>
module attributes {stable_mosaic.version = 14 : i64} {
  func.func @k(%arg0: i32, %arg1: i32, %arg2: memref<8192x256xf32, #tpu.memory_space<hbm>>, %arg3: memref<64x128xi32, #tpu.memory_space<hbm>>, %arg4: memref<8192x256xf32, #tpu.memory_space<hbm>>, %arg5: memref<2x128xi32, #tpu.memory_space<vmem>>, %arg6: memref<256x256xf32, #tpu.memory_space<vmem>>, %arg7: memref<!tpu.dma_semaphore, #tpu.memory_space<semaphore_mem>>) attributes {dimension_semantics = [#tpu.dimension_semantics<core_parallel>, #tpu.dimension_semantics<subcore_parallel>], iteration_bounds = array<i64: 2, 16>, scalar_prefetch = 0 : i64, scratch_operands = 3 : i64, tpu.core_type = #tpu.core_type<sc_vector_subcore>, window_params = [{transform_indices = #map}, {transform_indices = #map}, {transform_indices = #map}]} {
    %mul3A = arith.constant 2 : i32
    %mul3A_0 = arith.muli %arg1, %mul3A : i32
    %add3A = arith.addi %mul3A_0, %arg0 : i32
    %mul3A_1 = arith.constant 2 : i32
    %mul3A_2 = arith.muli %add3A, %mul3A_1 : i32
    "tpu.region"() ({
      %run_scoped3A = tpu.sem_alloc : memref<!tpu.dma_semaphore, #tpu.memory_space<semaphore_mem>>
      %dma_start3A_43 = arith.constant 0 : i32
      %dma_start3A_44 = tpu.memref_slice %arg3[%mul3A_2, %dma_start3A_43] : memref<64x128xi32, #tpu.memory_space<hbm>> -> memref<2x128xi32, #tpu.memory_space<hbm>>
      %dma_start3A_45 = arith.constant 0 : i32
      %dma_start3A_46 = tpu.memref_slice %arg3[%mul3A_2, %dma_start3A_45] : memref<64x128xi32, #tpu.memory_space<hbm>> -> memref<2x128xi32, #tpu.memory_space<hbm>>
      tpu.enqueue_dma source(%dma_start3A_46 : memref<2x128xi32, #tpu.memory_space<hbm>>) target(%arg5 : memref<2x128xi32, #tpu.memory_space<vmem>>) target_semaphore(%run_scoped3A : memref<!tpu.dma_semaphore, #tpu.memory_space<semaphore_mem>>)
      %dma_wait3A_47 = arith.constant 0 : i32
      %dma_wait3A_48 = tpu.memref_slice %arg3[%mul3A_2, %dma_wait3A_47] : memref<64x128xi32, #tpu.memory_space<hbm>> -> memref<2x128xi32, #tpu.memory_space<hbm>>
      %dma_wait3A_49 = arith.constant 0 : i32
      %dma_wait3A_50 = tpu.memref_slice %arg3[%mul3A_2, %dma_wait3A_49] : memref<64x128xi32, #tpu.memory_space<hbm>> -> memref<2x128xi32, #tpu.memory_space<hbm>>
      tpu.wait_dma2 semaphore(%run_scoped3A : memref<!tpu.dma_semaphore, #tpu.memory_space<semaphore_mem>>) src(%dma_wait3A_50 : memref<2x128xi32, #tpu.memory_space<hbm>>) dst(%arg5 : memref<2x128xi32, #tpu.memory_space<vmem>>)
      tpu.yield
    }) : () -> ()
    %dma_start3A = arith.constant 0 : i32
    %dma_start3A_3 = arith.constant 0 : i32
    %dma_start3A_4 = arith.constant 0 : i32
    %dma_start3A_5 = tpu.memref_slice %arg6[%dma_start3A_3, %dma_start3A_4] : memref<256x256xf32, #tpu.memory_space<vmem>> -> memref<128x256xf32, #tpu.memory_space<vmem>>
    %dma_start3A_6 = arith.constant 0 : i32
    %dma_start3A_7 = tpu.memref_slice %arg5[%dma_start3A, %dma_start3A_6] : memref<2x128xi32, #tpu.memory_space<vmem>> -> memref<1x128xi32, #tpu.memory_space<vmem>>
    %dma_start3A_8 = tpu.memref_squeeze %dma_start3A_7 : memref<1x128xi32, #tpu.memory_space<vmem>> -> memref<128xi32, #tpu.memory_space<vmem>>
    %dma_start3A_9 = arith.constant 0 : i32
    %dma_start3A_10 = arith.constant 0 : i32
    %dma_start3A_11 = tpu.memref_slice %arg2[%dma_start3A_9, %dma_start3A_10] : memref<8192x256xf32, #tpu.memory_space<hbm>> -> memref<8192x256xf32, #tpu.memory_space<hbm>>
    tpu.enqueue_indirect_dma source(%dma_start3A_11 : memref<8192x256xf32, #tpu.memory_space<hbm>>) target(%dma_start3A_5 : memref<128x256xf32, #tpu.memory_space<vmem>>) offsets(%dma_start3A_8 : memref<128xi32, #tpu.memory_space<vmem>>) semaphore(%arg7 : memref<!tpu.dma_semaphore, #tpu.memory_space<semaphore_mem>>)
    %dma_wait3A = arith.constant 0 : i32
    %dma_wait3A_12 = arith.constant 0 : i32
    %dma_wait3A_13 = arith.constant 0 : i32
    %dma_wait3A_14 = tpu.memref_slice %arg6[%dma_wait3A_12, %dma_wait3A_13] : memref<256x256xf32, #tpu.memory_space<vmem>> -> memref<128x256xf32, #tpu.memory_space<vmem>>
    %dma_wait3A_15 = arith.constant 0 : i32
    %dma_wait3A_16 = tpu.memref_slice %arg5[%dma_wait3A, %dma_wait3A_15] : memref<2x128xi32, #tpu.memory_space<vmem>> -> memref<1x128xi32, #tpu.memory_space<vmem>>
    %dma_wait3A_17 = tpu.memref_squeeze %dma_wait3A_16 : memref<1x128xi32, #tpu.memory_space<vmem>> -> memref<128xi32, #tpu.memory_space<vmem>>
    %dma_wait3A_18 = arith.constant 0 : i32
    %dma_wait3A_19 = arith.constant 0 : i32
    %dma_wait3A_20 = tpu.memref_slice %arg2[%dma_wait3A_18, %dma_wait3A_19] : memref<8192x256xf32, #tpu.memory_space<hbm>> -> memref<8192x256xf32, #tpu.memory_space<hbm>>
    tpu.wait_indirect_dma semaphore(%arg7 : memref<!tpu.dma_semaphore, #tpu.memory_space<semaphore_mem>>) src(%dma_wait3A_20 : memref<8192x256xf32, #tpu.memory_space<hbm>>) dst(%dma_wait3A_14 : memref<128x256xf32, #tpu.memory_space<vmem>>)
    %dma_start3A_21 = arith.constant 1 : i32
    %dma_start3A_22 = arith.constant 128 : i32
    %dma_start3A_23 = arith.constant 0 : i32
    %dma_start3A_24 = tpu.memref_slice %arg6[%dma_start3A_22, %dma_start3A_23] : memref<256x256xf32, #tpu.memory_space<vmem>> -> memref<128x256xf32, #tpu.memory_space<vmem>>
    %dma_start3A_25 = arith.constant 0 : i32
    %dma_start3A_26 = tpu.memref_slice %arg5[%dma_start3A_21, %dma_start3A_25] : memref<2x128xi32, #tpu.memory_space<vmem>> -> memref<1x128xi32, #tpu.memory_space<vmem>>
    %dma_start3A_27 = tpu.memref_squeeze %dma_start3A_26 : memref<1x128xi32, #tpu.memory_space<vmem>> -> memref<128xi32, #tpu.memory_space<vmem>>
    %dma_start3A_28 = arith.constant 0 : i32
    %dma_start3A_29 = arith.constant 0 : i32
    %dma_start3A_30 = tpu.memref_slice %arg2[%dma_start3A_28, %dma_start3A_29] : memref<8192x256xf32, #tpu.memory_space<hbm>> -> memref<8192x256xf32, #tpu.memory_space<hbm>>
    tpu.enqueue_indirect_dma source(%dma_start3A_30 : memref<8192x256xf32, #tpu.memory_space<hbm>>) target(%dma_start3A_24 : memref<128x256xf32, #tpu.memory_space<vmem>>) offsets(%dma_start3A_27 : memref<128xi32, #tpu.memory_space<vmem>>) semaphore(%arg7 : memref<!tpu.dma_semaphore, #tpu.memory_space<semaphore_mem>>)
    %dma_wait3A_31 = arith.constant 1 : i32
    %dma_wait3A_32 = arith.constant 128 : i32
    %dma_wait3A_33 = arith.constant 0 : i32
    %dma_wait3A_34 = tpu.memref_slice %arg6[%dma_wait3A_32, %dma_wait3A_33] : memref<256x256xf32, #tpu.memory_space<vmem>> -> memref<128x256xf32, #tpu.memory_space<vmem>>
    %dma_wait3A_35 = arith.constant 0 : i32
    %dma_wait3A_36 = tpu.memref_slice %arg5[%dma_wait3A_31, %dma_wait3A_35] : memref<2x128xi32, #tpu.memory_space<vmem>> -> memref<1x128xi32, #tpu.memory_space<vmem>>
    %dma_wait3A_37 = tpu.memref_squeeze %dma_wait3A_36 : memref<1x128xi32, #tpu.memory_space<vmem>> -> memref<128xi32, #tpu.memory_space<vmem>>
    %dma_wait3A_38 = arith.constant 0 : i32
    %dma_wait3A_39 = arith.constant 0 : i32
    %dma_wait3A_40 = tpu.memref_slice %arg2[%dma_wait3A_38, %dma_wait3A_39] : memref<8192x256xf32, #tpu.memory_space<hbm>> -> memref<8192x256xf32, #tpu.memory_space<hbm>>
    tpu.wait_indirect_dma semaphore(%arg7 : memref<!tpu.dma_semaphore, #tpu.memory_space<semaphore_mem>>) src(%dma_wait3A_40 : memref<8192x256xf32, #tpu.memory_space<hbm>>) dst(%dma_wait3A_34 : memref<128x256xf32, #tpu.memory_space<vmem>>)
    %mul3A_41 = arith.constant 256 : i32
    %mul3A_42 = arith.muli %add3A, %mul3A_41 : i32
    "tpu.region"() ({
      %run_scoped3A = tpu.sem_alloc : memref<!tpu.dma_semaphore, #tpu.memory_space<semaphore_mem>>
      %dma_start3A_43 = arith.constant 0 : i32
      %dma_start3A_44 = tpu.memref_slice %arg4[%mul3A_42, %dma_start3A_43] : memref<8192x256xf32, #tpu.memory_space<hbm>> -> memref<256x256xf32, #tpu.memory_space<hbm>>
      %dma_start3A_45 = arith.constant 0 : i32
      %dma_start3A_46 = tpu.memref_slice %arg4[%mul3A_42, %dma_start3A_45] : memref<8192x256xf32, #tpu.memory_space<hbm>> -> memref<256x256xf32, #tpu.memory_space<hbm>>
      tpu.enqueue_dma source(%arg6 : memref<256x256xf32, #tpu.memory_space<vmem>>) target(%dma_start3A_46 : memref<256x256xf32, #tpu.memory_space<hbm>>) target_semaphore(%run_scoped3A : memref<!tpu.dma_semaphore, #tpu.memory_space<semaphore_mem>>)
      %dma_wait3A_47 = arith.constant 0 : i32
      %dma_wait3A_48 = tpu.memref_slice %arg4[%mul3A_42, %dma_wait3A_47] : memref<8192x256xf32, #tpu.memory_space<hbm>> -> memref<256x256xf32, #tpu.memory_space<hbm>>
      %dma_wait3A_49 = arith.constant 0 : i32
      %dma_wait3A_50 = tpu.memref_slice %arg4[%mul3A_42, %dma_wait3A_49] : memref<8192x256xf32, #tpu.memory_space<hbm>> -> memref<256x256xf32, #tpu.memory_space<hbm>>
      tpu.wait_dma2 semaphore(%run_scoped3A : memref<!tpu.dma_semaphore, #tpu.memory_space<semaphore_mem>>) src(%arg6 : memref<256x256xf32, #tpu.memory_space<vmem>>) dst(%dma_wait3A_50 : memref<256x256xf32, #tpu.memory_space<hbm>>)
      tpu.yield
    }) : () -> ()
    return
  }
}

#map = affine_map<(d0, d1) -> (0, 0)>
module attributes {stable_mosaic.version = 14 : i64} {
  func.func @k(%arg0: i32, %arg1: i32, %arg2: memref<8192x256xf32, #tpu.memory_space<hbm>>, %arg3: memref<64x128xi32, #tpu.memory_space<hbm>>, %arg4: memref<8192x256xf32, #tpu.memory_space<hbm>>, %arg5: memref<2x128xi32, #tpu.memory_space<vmem>>, %arg6: memref<256x256xf32, #tpu.memory_space<vmem>>, %arg7: memref<!tpu.dma_semaphore, #tpu.memory_space<semaphore_mem>>) attributes {dimension_semantics = [#tpu.dimension_semantics<core_parallel>, #tpu.dimension_semantics<subcore_parallel>], iteration_bounds = array<i64: 2, 16>, scalar_prefetch = 0 : i64, scratch_operands = 3 : i64, tpu.core_type = #tpu.core_type<sc_vector_subcore>, window_params = [{transform_indices = #map}, {transform_indices = #map}, {transform_indices = #map}]} {
    %mul3A = arith.constant 2 : i32
    %mul3A_0 = arith.muli %arg1, %mul3A : i32
    %add3A = arith.addi %mul3A_0, %arg0 : i32
    %mul3A_1 = arith.constant 2 : i32
    %mul3A_2 = arith.muli %add3A, %mul3A_1 : i32
    "tpu.region"() ({
      %run_scoped3A = tpu.sem_alloc : memref<!tpu.dma_semaphore, #tpu.memory_space<semaphore_mem>>
      %dma_start3A_43 = arith.constant 0 : i32
      %dma_start3A_44 = tpu.memref_slice %arg3[%mul3A_2, %dma_start3A_43] : memref<64x128xi32, #tpu.memory_space<hbm>> -> memref<2x128xi32, #tpu.memory_space<hbm>>
      %dma_start3A_45 = arith.constant 0 : i32
      %dma_start3A_46 = tpu.memref_slice %arg3[%mul3A_2, %dma_start3A_45] : memref<64x128xi32, #tpu.memory_space<hbm>> -> memref<2x128xi32, #tpu.memory_space<hbm>>
      tpu.enqueue_dma source(%dma_start3A_46 : memref<2x128xi32, #tpu.memory_space<hbm>>) target(%arg5 : memref<2x128xi32, #tpu.memory_space<vmem>>) target_semaphore(%run_scoped3A : memref<!tpu.dma_semaphore, #tpu.memory_space<semaphore_mem>>)
      %dma_wait3A_47 = arith.constant 0 : i32
      %dma_wait3A_48 = tpu.memref_slice %arg3[%mul3A_2, %dma_wait3A_47] : memref<64x128xi32, #tpu.memory_space<hbm>> -> memref<2x128xi32, #tpu.memory_space<hbm>>
      %dma_wait3A_49 = arith.constant 0 : i32
      %dma_wait3A_50 = tpu.memref_slice %arg3[%mul3A_2, %dma_wait3A_49] : memref<64x128xi32, #tpu.memory_space<hbm>> -> memref<2x128xi32, #tpu.memory_space<hbm>>
      tpu.wait_dma2 semaphore(%run_scoped3A : memref<!tpu.dma_semaphore, #tpu.memory_space<semaphore_mem>>) src(%dma_wait3A_50 : memref<2x128xi32, #tpu.memory_space<hbm>>) dst(%arg5 : memref<2x128xi32, #tpu.memory_space<vmem>>)
      tpu.yield
    }) : () -> ()
    %dma_start3A = arith.constant 0 : i32
    %dma_start3A_3 = arith.constant 0 : i32
    %dma_start3A_4 = arith.constant 0 : i32
    %dma_start3A_5 = tpu.memref_slice %arg6[%dma_start3A_3, %dma_start3A_4] : memref<256x256xf32, #tpu.memory_space<vmem>> -> memref<128x256xf32, #tpu.memory_space<vmem>>
    %dma_start3A_6 = arith.constant 0 : i32
    %dma_start3A_7 = tpu.memref_slice %arg5[%dma_start3A, %dma_start3A_6] : memref<2x128xi32, #tpu.memory_space<vmem>> -> memref<1x128xi32, #tpu.memory_space<vmem>>
    %dma_start3A_8 = tpu.memref_squeeze %dma_start3A_7 : memref<1x128xi32, #tpu.memory_space<vmem>> -> memref<128xi32, #tpu.memory_space<vmem>>
    %dma_start3A_9 = arith.constant 0 : i32
    %dma_start3A_10 = arith.constant 0 : i32
    %dma_start3A_11 = tpu.memref_slice %arg2[%dma_start3A_9, %dma_start3A_10] : memref<8192x256xf32, #tpu.memory_space<hbm>> -> memref<8192x256xf32, #tpu.memory_space<hbm>>
    tpu.enqueue_indirect_dma source(%dma_start3A_11 : memref<8192x256xf32, #tpu.memory_space<hbm>>) target(%dma_start3A_5 : memref<128x256xf32, #tpu.memory_space<vmem>>) offsets(%dma_start3A_8 : memref<128xi32, #tpu.memory_space<vmem>>) semaphore(%arg7 : memref<!tpu.dma_semaphore, #tpu.memory_space<semaphore_mem>>)
    %dma_wait3A = arith.constant 0 : i32
    %dma_wait3A_12 = arith.constant 0 : i32
    %dma_wait3A_13 = arith.constant 0 : i32
    %dma_wait3A_14 = tpu.memref_slice %arg6[%dma_wait3A_12, %dma_wait3A_13] : memref<256x256xf32, #tpu.memory_space<vmem>> -> memref<128x256xf32, #tpu.memory_space<vmem>>
    %dma_wait3A_15 = arith.constant 0 : i32
    %dma_wait3A_16 = tpu.memref_slice %arg5[%dma_wait3A, %dma_wait3A_15] : memref<2x128xi32, #tpu.memory_space<vmem>> -> memref<1x128xi32, #tpu.memory_space<vmem>>
    %dma_wait3A_17 = tpu.memref_squeeze %dma_wait3A_16 : memref<1x128xi32, #tpu.memory_space<vmem>> -> memref<128xi32, #tpu.memory_space<vmem>>
    %dma_wait3A_18 = arith.constant 0 : i32
    %dma_wait3A_19 = arith.constant 0 : i32
    %dma_wait3A_20 = tpu.memref_slice %arg2[%dma_wait3A_18, %dma_wait3A_19] : memref<8192x256xf32, #tpu.memory_space<hbm>> -> memref<8192x256xf32, #tpu.memory_space<hbm>>
    tpu.wait_indirect_dma semaphore(%arg7 : memref<!tpu.dma_semaphore, #tpu.memory_space<semaphore_mem>>) src(%dma_wait3A_20 : memref<8192x256xf32, #tpu.memory_space<hbm>>) dst(%dma_wait3A_14 : memref<128x256xf32, #tpu.memory_space<vmem>>)
    %dma_start3A_21 = arith.constant 1 : i32
    %dma_start3A_22 = arith.constant 128 : i32
    %dma_start3A_23 = arith.constant 0 : i32
    %dma_start3A_24 = tpu.memref_slice %arg6[%dma_start3A_22, %dma_start3A_23] : memref<256x256xf32, #tpu.memory_space<vmem>> -> memref<128x256xf32, #tpu.memory_space<vmem>>
    %dma_start3A_25 = arith.constant 0 : i32
    %dma_start3A_26 = tpu.memref_slice %arg5[%dma_start3A_21, %dma_start3A_25] : memref<2x128xi32, #tpu.memory_space<vmem>> -> memref<1x128xi32, #tpu.memory_space<vmem>>
    %dma_start3A_27 = tpu.memref_squeeze %dma_start3A_26 : memref<1x128xi32, #tpu.memory_space<vmem>> -> memref<128xi32, #tpu.memory_space<vmem>>
    %dma_start3A_28 = arith.constant 0 : i32
    %dma_start3A_29 = arith.constant 0 : i32
    %dma_start3A_30 = tpu.memref_slice %arg2[%dma_start3A_28, %dma_start3A_29] : memref<8192x256xf32, #tpu.memory_space<hbm>> -> memref<8192x256xf32, #tpu.memory_space<hbm>>
    tpu.enqueue_indirect_dma source(%dma_start3A_30 : memref<8192x256xf32, #tpu.memory_space<hbm>>) target(%dma_start3A_24 : memref<128x256xf32, #tpu.memory_space<vmem>>) offsets(%dma_start3A_27 : memref<128xi32, #tpu.memory_space<vmem>>) semaphore(%arg7 : memref<!tpu.dma_semaphore, #tpu.memory_space<semaphore_mem>>)
    %dma_wait3A_31 = arith.constant 1 : i32
    %dma_wait3A_32 = arith.constant 128 : i32
    %dma_wait3A_33 = arith.constant 0 : i32
    %dma_wait3A_34 = tpu.memref_slice %arg6[%dma_wait3A_32, %dma_wait3A_33] : memref<256x256xf32, #tpu.memory_space<vmem>> -> memref<128x256xf32, #tpu.memory_space<vmem>>
    %dma_wait3A_35 = arith.constant 0 : i32
    %dma_wait3A_36 = tpu.memref_slice %arg5[%dma_wait3A_31, %dma_wait3A_35] : memref<2x128xi32, #tpu.memory_space<vmem>> -> memref<1x128xi32, #tpu.memory_space<vmem>>
    %dma_wait3A_37 = tpu.memref_squeeze %dma_wait3A_36 : memref<1x128xi32, #tpu.memory_space<vmem>> -> memref<128xi32, #tpu.memory_space<vmem>>
    %dma_wait3A_38 = arith.constant 0 : i32
    %dma_wait3A_39 = arith.constant 0 : i32
    %dma_wait3A_40 = tpu.memref_slice %arg2[%dma_wait3A_38, %dma_wait3A_39] : memref<8192x256xf32, #tpu.memory_space<hbm>> -> memref<8192x256xf32, #tpu.memory_space<hbm>>
    tpu.wait_indirect_dma semaphore(%arg7 : memref<!tpu.dma_semaphore, #tpu.memory_space<semaphore_mem>>) src(%dma_wait3A_40 : memref<8192x256xf32, #tpu.memory_space<hbm>>) dst(%dma_wait3A_34 : memref<128x256xf32, #tpu.memory_space<vmem>>)
    %mul3A_41 = arith.constant 256 : i32
    %mul3A_42 = arith.muli %add3A, %mul3A_41 : i32
    "tpu.region"() ({
      %run_scoped3A = tpu.sem_alloc : memref<!tpu.dma_semaphore, #tpu.memory_space<semaphore_mem>>
      %dma_start3A_43 = arith.constant 0 : i32
      %dma_start3A_44 = tpu.memref_slice %arg4[%mul3A_42, %dma_start3A_43] : memref<8192x256xf32, #tpu.memory_space<hbm>> -> memref<256x256xf32, #tpu.memory_space<hbm>>
      %dma_start3A_45 = arith.constant 0 : i32
      %dma_start3A_46 = tpu.memref_slice %arg4[%mul3A_42, %dma_start3A_45] : memref<8192x256xf32, #tpu.memory_space<hbm>> -> memref<256x256xf32, #tpu.memory_space<hbm>>
      tpu.enqueue_dma source(%arg6 : memref<256x256xf32, #tpu.memory_space<vmem>>) target(%dma_start3A_46 : memref<256x256xf32, #tpu.memory_space<hbm>>) target_semaphore(%run_scoped3A : memref<!tpu.dma_semaphore, #tpu.memory_space<semaphore_mem>>)
      %dma_wait3A_47 = arith.constant 0 : i32
      %dma_wait3A_48 = tpu.memref_slice %arg4[%mul3A_42, %dma_wait3A_47] : memref<8192x256xf32, #tpu.memory_space<hbm>> -> memref<256x256xf32, #tpu.memory_space<hbm>>
      %dma_wait3A_49 = arith.constant 0 : i32
      %dma_wait3A_50 = tpu.memref_slice %arg4[%mul3A_42, %dma_wait3A_49] : memref<8192x256xf32, #tpu.memory_space<hbm>> -> memref<256x256xf32, #tpu.memory_space<hbm>>
      tpu.wait_dma2 semaphore(%run_scoped3A : memref<!tpu.dma_semaphore, #tpu.memory_space<semaphore_mem>>) src(%arg6 : memref<256x256xf32, #tpu.memory_space<vmem>>) dst(%dma_wait3A_50 : memref<256x256xf32, #tpu.memory_space<hbm>>)
      tpu.yield
    }) : () -> ()
    return
  }
}

module attributes {stable_mosaic.version = 14 : i64} {
  func.func @_enc_body(%arg0: i32, %arg1: memref<1x2048x256xf32, #tpu.memory_space<vmem>>, %arg2: memref<1x1x2048xf32, #tpu.memory_space<vmem>>, %arg3: memref<256x256xf32, #tpu.memory_space<vmem>>, %arg4: memref<1x1x256xf32, #tpu.memory_space<vmem>>, %arg5: memref<256x256xf32, #tpu.memory_space<vmem>>, %arg6: memref<1x1x256xf32, #tpu.memory_space<vmem>>, %arg7: memref<1x2048x256xf32, #tpu.memory_space<vmem>>, %arg8: memref<1x1x2048xi32, #tpu.memory_space<vmem>>, %arg9: memref<1x1x2048xf32, #tpu.memory_space<vmem>>) attributes {dimension_semantics = [#tpu.dimension_semantics<arbitrary>], iteration_bounds = array<i64: 4>, scalar_prefetch = 0 : i64, scratch_operands = 0 : i64, tpu.core_type = #tpu.core_type<tc>, window_params = [{transform_indices = @transform_0, window_bounds = array<i64: 1, 2048, 256>}, {transform_indices = @transform_1, window_bounds = array<i64: 1, 1, 2048>}, {pipeline_mode = #tpu.pipeline_mode<synchronous>, transform_indices = @transform_2, window_bounds = array<i64: 256, 256>}, {pipeline_mode = #tpu.pipeline_mode<synchronous>, transform_indices = @transform_3, window_bounds = array<i64: 1, 1, 256>}, {pipeline_mode = #tpu.pipeline_mode<synchronous>, transform_indices = @transform_4, window_bounds = array<i64: 256, 256>}, {pipeline_mode = #tpu.pipeline_mode<synchronous>, transform_indices = @transform_5, window_bounds = array<i64: 1, 1, 256>}, {transform_indices = @transform_6, window_bounds = array<i64: 1, 2048, 256>}, {transform_indices = @transform_7, window_bounds = array<i64: 1, 1, 2048>}, {transform_indices = @transform_8, window_bounds = array<i64: 1, 1, 2048>}]} {
    %get3A = arith.constant 0 : index
    %get3A_0 = arith.constant 0 : index
    %get3A_1 = arith.constant 0 : index
    %get3A_2 = vector.load %arg1[%get3A, %get3A_0, %get3A_1] : memref<1x2048x256xf32, #tpu.memory_space<vmem>>, vector<1x2048x256xf32>
    %get3A_3 = vector.shape_cast %get3A_2 : vector<1x2048x256xf32> to vector<2048x256xf32>
    %get3A_4 = arith.constant 0 : index
    %get3A_5 = arith.constant 0 : index
    %get3A_6 = arith.constant 0 : index
    %get3A_7 = vector.load %arg2[%get3A_4, %get3A_5, %get3A_6] : memref<1x1x2048xf32, #tpu.memory_space<vmem>>, vector<1x1x2048xf32>
    %get3A_8 = vector.shape_cast %get3A_7 : vector<1x1x2048xf32> to vector<1x2048xf32>
    %gt3A = arith.constant 5.000000e-01 : f32
    %gt3A_9 = vector.broadcast %gt3A : f32 to vector<1x2048xf32>
    %gt3A_10 = arith.cmpf ogt, %get3A_8, %gt3A_9 : vector<1x2048xf32>
    %mul3A = arith.mulf %get3A_3, %get3A_3 : vector<2048x256xf32>
    %reduce_sum3A = arith.constant dense<0.000000e+00> : vector<2048xf32>
    %reduce_sum3A_11 = vector.multi_reduction <add>, %mul3A, %reduce_sum3A [1] : vector<2048x256xf32> to vector<2048xf32>
    %broadcast_in_dim3A = vector.shape_cast %reduce_sum3A_11 : vector<2048xf32> to vector<2048x1xf32>
    %div3A = arith.constant 2.560000e+02 : f32
    %div3A_12 = vector.broadcast %div3A : f32 to vector<2048x1xf32>
    %div3A_13 = arith.divf %broadcast_in_dim3A, %div3A_12 : vector<2048x1xf32>
    %add3A = arith.constant 9.99999997E-7 : f32
    %add3A_14 = vector.broadcast %add3A : f32 to vector<2048x1xf32>
    %add3A_15 = arith.addf %div3A_13, %add3A_14 : vector<2048x1xf32>
    %rsqrt3A = math.rsqrt %add3A_15 : vector<2048x1xf32>
    %mul3A_16 = vector.broadcast %rsqrt3A : vector<2048x1xf32> to vector<2048x256xf32>
    %mul3A_17 = arith.mulf %get3A_3, %mul3A_16 : vector<2048x256xf32>
    %swap3A = arith.constant 0 : index
    %swap3A_18 = arith.constant 0 : index
    %swap3A_19 = arith.constant 0 : index
    %swap3A_20 = vector.load %arg7[%swap3A, %swap3A_18, %swap3A_19] : memref<1x2048x256xf32, #tpu.memory_space<vmem>>, vector<1x2048x256xf32>
    %swap3A_21 = vector.shape_cast %swap3A_20 : vector<1x2048x256xf32> to vector<2048x256xf32>
    %swap3A_22 = vector.shape_cast %mul3A_17 : vector<2048x256xf32> to vector<1x2048x256xf32>
    tpu.vector_store %arg7[%swap3A, %swap3A_18, %swap3A_19], %swap3A_22 {strides = array<i32>} : memref<1x2048x256xf32, #tpu.memory_space<vmem>>, vector<1x2048x256xf32>,
    %get3A_23 = arith.constant 0 : index
    %get3A_24 = arith.constant 0 : index
    %get3A_25 = vector.load %arg3[%get3A_23, %get3A_24] : memref<256x256xf32, #tpu.memory_space<vmem>>, vector<256x256xf32>
    %get3A_26 = arith.constant 0 : index
    %get3A_27 = arith.constant 0 : index
    %get3A_28 = arith.constant 0 : index
    %get3A_29 = vector.load %arg4[%get3A_26, %get3A_27, %get3A_28] : memref<1x1x256xf32, #tpu.memory_space<vmem>>, vector<1x1x256xf32>
    %get3A_30 = vector.shape_cast %get3A_29 : vector<1x1x256xf32> to vector<1x256xf32>
    %get3A_31 = arith.constant 0 : index
    %get3A_32 = arith.constant 0 : index
    %get3A_33 = vector.load %arg5[%get3A_31, %get3A_32] : memref<256x256xf32, #tpu.memory_space<vmem>>, vector<256x256xf32>
    %get3A_34 = arith.constant 0 : index
    %get3A_35 = arith.constant 0 : index
    %get3A_36 = arith.constant 0 : index
    %get3A_37 = vector.load %arg6[%get3A_34, %get3A_35, %get3A_36] : memref<1x1x256xf32, #tpu.memory_space<vmem>>, vector<1x1x256xf32>
    %get3A_38 = vector.shape_cast %get3A_37 : vector<1x1x256xf32> to vector<1x256xf32>
    %dot_general3A = arith.constant dense<0.000000e+00> : vector<2048x256xf32>
    %dot_general3A_39 = tpu.matmul %mul3A_17, %get3A_25, %dot_general3A {dimension_numbers = #tpu.dot_dimension_numbers<[1], [1], [0], [0], [0, 0, 1, 0], [], []>, transpose_lhs_hint = false} : vector<2048x256xf32>, vector<256x256xf32>, vector<2048x256xf32> -> vector<2048x256xf32>
    %add3A_40 = vector.broadcast %get3A_30 : vector<1x256xf32> to vector<2048x256xf32>
    %add3A_41 = arith.addf %dot_general3A_39, %add3A_40 : vector<2048x256xf32>
    %dot_general3A_42 = arith.constant dense<0.000000e+00> : vector<2048x256xf32>
    %dot_general3A_43 = tpu.matmul %mul3A_17, %get3A_33, %dot_general3A_42 {dimension_numbers = #tpu.dot_dimension_numbers<[1], [1], [0], [0], [0, 0, 1, 0], [], []>, transpose_lhs_hint = false} : vector<2048x256xf32>, vector<256x256xf32>, vector<2048x256xf32> -> vector<2048x256xf32>
    %add3A_44 = vector.broadcast %get3A_38 : vector<1x256xf32> to vector<2048x256xf32>
    %add3A_45 = arith.addf %dot_general3A_43, %add3A_44 : vector<2048x256xf32>
    %slice3A = vector.extract_strided_slice %add3A_45 {offsets = [1, 0], sizes = [2047, 256], strides = [1, 1]} : vector<2048x256xf32> to vector<2047x256xf32>
    %broadcast_in_dim3A_46 = arith.constant 0.000000e+00 : f32
    %broadcast_in_dim3A_47 = vector.broadcast %broadcast_in_dim3A_46 : f32 to vector<1x256xf32>
    %concatenate3A = tpu.concatenate %slice3A, %broadcast_in_dim3A_47 in 0 : vector<2047x256xf32>, vector<1x256xf32> -> vector<2048x256xf32>
    %mul3A_48 = arith.mulf %add3A_41, %add3A_41 : vector<2048x256xf32>
    %reduce_sum3A_49 = arith.constant dense<0.000000e+00> : vector<2048xf32>
    %reduce_sum3A_50 = vector.multi_reduction <add>, %mul3A_48, %reduce_sum3A_49 [1] : vector<2048x256xf32> to vector<2048xf32>
    %broadcast_in_dim3A_51 = vector.shape_cast %reduce_sum3A_50 : vector<2048xf32> to vector<2048x1xf32>
    %sqrt3A = math.sqrt %broadcast_in_dim3A_51 : vector<2048x1xf32>
    %mul3A_52 = arith.mulf %concatenate3A, %concatenate3A : vector<2048x256xf32>
    %reduce_sum3A_53 = arith.constant dense<0.000000e+00> : vector<2048xf32>
    %reduce_sum3A_54 = vector.multi_reduction <add>, %mul3A_52, %reduce_sum3A_53 [1] : vector<2048x256xf32> to vector<2048xf32>
    %broadcast_in_dim3A_55 = vector.shape_cast %reduce_sum3A_54 : vector<2048xf32> to vector<2048x1xf32>
    %sqrt3A_56 = math.sqrt %broadcast_in_dim3A_55 : vector<2048x1xf32>
    %max3A = arith.constant 9.99999996E-13 : f32
    %max3A_57 = vector.broadcast %max3A : f32 to vector<2048x1xf32>
    %max3A_58 = arith.maximumf %sqrt3A, %max3A_57 : vector<2048x1xf32>
    %div3A_59 = vector.broadcast %max3A_58 : vector<2048x1xf32> to vector<2048x256xf32>
    %div3A_60 = arith.divf %add3A_41, %div3A_59 : vector<2048x256xf32>
    %max3A_61 = arith.constant 9.99999996E-13 : f32
    %max3A_62 = vector.broadcast %max3A_61 : f32 to vector<2048x1xf32>
    %max3A_63 = arith.maximumf %sqrt3A_56, %max3A_62 : vector<2048x1xf32>
    %div3A_64 = vector.broadcast %max3A_63 : vector<2048x1xf32> to vector<2048x256xf32>
    %div3A_65 = arith.divf %concatenate3A, %div3A_64 : vector<2048x256xf32>
    %mul3A_66 = arith.mulf %div3A_60, %div3A_65 : vector<2048x256xf32>
    %reduce_sum3A_67 = arith.constant dense<0.000000e+00> : vector<2048xf32>
    %reduce_sum3A_68 = vector.multi_reduction <add>, %mul3A_66, %reduce_sum3A_67 [1] : vector<2048x256xf32> to vector<2048xf32>
    %broadcast_in_dim3A_69 = vector.shape_cast %reduce_sum3A_68 : vector<2048xf32> to vector<2048x1xf32>
    %sub3A = arith.constant 1.000000e+00 : f32
    %sub3A_70 = vector.broadcast %sub3A : f32 to vector<2048x1xf32>
    %sub3A_71 = arith.subf %sub3A_70, %broadcast_in_dim3A_69 : vector<2048x1xf32>
    %mul3A_72 = arith.constant 5.000000e-01 : f32
    %mul3A_73 = vector.broadcast %mul3A_72 : f32 to vector<2048x1xf32>
    %mul3A_74 = arith.mulf %mul3A_73, %sub3A_71 : vector<2048x1xf32>
    %jit3A = arith.constant 0.000000e+00 : f32
    %jit3A_75 = arith.constant 1.000000e+00 : f32
    %max3A_76 = vector.broadcast %jit3A : f32 to vector<2048x1xf32>
    %max3A_77 = arith.maximumf %max3A_76, %mul3A_74 : vector<2048x1xf32>
    %min3A = vector.broadcast %jit3A_75 : f32 to vector<2048x1xf32>
    %min3A_78 = arith.minimumf %min3A, %max3A_77 : vector<2048x1xf32>
    %broadcast_in_dim3A_79 = arith.constant 1.000000e+00 : f32
    %broadcast_in_dim3A_80 = vector.broadcast %broadcast_in_dim3A_79 : f32 to vector<1x1xf32>
    %slice3A_81 = vector.extract_strided_slice %min3A_78 {offsets = [0, 0], sizes = [2047, 1], strides = [1, 1]} : vector<2048x1xf32> to vector<2047x1xf32>
    %concatenate3A_82 = tpu.concatenate %broadcast_in_dim3A_80, %slice3A_81 in 0 : vector<1x1xf32>, vector<2047x1xf32> -> vector<2048x1xf32>
    %iota3A = tpu.iota {dimensions = array<i32: 0>} : vector<256x256xi32>
    %iota3A_83 = tpu.iota {dimensions = array<i32: 1>} : vector<256x256xi32>
    %eq3A = arith.cmpi eq, %iota3A, %iota3A_83 : vector<256x256xi32>
    %slice3A_84 = vector.extract_strided_slice %concatenate3A_82 {offsets = [0, 0], sizes = [256, 1], strides = [1, 1]} : vector<2048x1xf32> to vector<256x1xf32>
    %broadcast_in_dim3A_85 = vector.shape_cast %slice3A_84 : vector<256x1xf32> to vector<256x1xf32>
    %broadcast_in_dim3A_86 = vector.broadcast %broadcast_in_dim3A_85 : vector<256x1xf32> to vector<256x256xf32>
    %jit3A_87 = arith.constant 0.000000e+00 : f32
    %broadcast_in_dim3A_88 = vector.broadcast %jit3A_87 : f32 to vector<256x256xf32>
    %select_n3A = arith.select %eq3A, %broadcast_in_dim3A_86, %broadcast_in_dim3A_88 : vector<256x256xi1>, vector<256x256xf32>
    %reduce_sum3A_89 = arith.constant dense<0.000000e+00> : vector<256xf32>
    %reduce_sum3A_90 = vector.multi_reduction <add>, %select_n3A, %reduce_sum3A_89 [0] : vector<256x256xf32> to vector<256xf32>
    %broadcast_in_dim3A_91 = vector.shape_cast %reduce_sum3A_90 : vector<256xf32> to vector<1x256xf32>
    %slice3A_92 = vector.extract_strided_slice %concatenate3A_82 {offsets = [256, 0], sizes = [256, 1], strides = [1, 1]} : vector<2048x1xf32> to vector<256x1xf32>
    %broadcast_in_dim3A_93 = vector.shape_cast %slice3A_92 : vector<256x1xf32> to vector<256x1xf32>
    %broadcast_in_dim3A_94 = vector.broadcast %broadcast_in_dim3A_93 : vector<256x1xf32> to vector<256x256xf32>
    %jit3A_95 = arith.constant 0.000000e+00 : f32
    %broadcast_in_dim3A_96 = vector.broadcast %jit3A_95 : f32 to vector<256x256xf32>
    %select_n3A_97 = arith.select %eq3A, %broadcast_in_dim3A_94, %broadcast_in_dim3A_96 : vector<256x256xi1>, vector<256x256xf32>
    %reduce_sum3A_98 = arith.constant dense<0.000000e+00> : vector<256xf32>
    %reduce_sum3A_99 = vector.multi_reduction <add>, %select_n3A_97, %reduce_sum3A_98 [0] : vector<256x256xf32> to vector<256xf32>
    %broadcast_in_dim3A_100 = vector.shape_cast %reduce_sum3A_99 : vector<256xf32> to vector<1x256xf32>
    %slice3A_101 = vector.extract_strided_slice %concatenate3A_82 {offsets = [512, 0], sizes = [256, 1], strides = [1, 1]} : vector<2048x1xf32> to vector<256x1xf32>
    %broadcast_in_dim3A_102 = vector.shape_cast %slice3A_101 : vector<256x1xf32> to vector<256x1xf32>
    %broadcast_in_dim3A_103 = vector.broadcast %broadcast_in_dim3A_102 : vector<256x1xf32> to vector<256x256xf32>
    %jit3A_104 = arith.constant 0.000000e+00 : f32
    %broadcast_in_dim3A_105 = vector.broadcast %jit3A_104 : f32 to vector<256x256xf32>
    %select_n3A_106 = arith.select %eq3A, %broadcast_in_dim3A_103, %broadcast_in_dim3A_105 : vector<256x256xi1>, vector<256x256xf32>
    %reduce_sum3A_107 = arith.constant dense<0.000000e+00> : vector<256xf32>
    %reduce_sum3A_108 = vector.multi_reduction <add>, %select_n3A_106, %reduce_sum3A_107 [0] : vector<256x256xf32> to vector<256xf32>
    %broadcast_in_dim3A_109 = vector.shape_cast %reduce_sum3A_108 : vector<256xf32> to vector<1x256xf32>
    %slice3A_110 = vector.extract_strided_slice %concatenate3A_82 {offsets = [768, 0], sizes = [256, 1], strides = [1, 1]} : vector<2048x1xf32> to vector<256x1xf32>
    %broadcast_in_dim3A_111 = vector.shape_cast %slice3A_110 : vector<256x1xf32> to vector<256x1xf32>
    %broadcast_in_dim3A_112 = vector.broadcast %broadcast_in_dim3A_111 : vector<256x1xf32> to vector<256x256xf32>
    %jit3A_113 = arith.constant 0.000000e+00 : f32
    %broadcast_in_dim3A_114 = vector.broadcast %jit3A_113 : f32 to vector<256x256xf32>
    %select_n3A_115 = arith.select %eq3A, %broadcast_in_dim3A_112, %broadcast_in_dim3A_114 : vector<256x256xi1>, vector<256x256xf32>
    %reduce_sum3A_116 = arith.constant dense<0.000000e+00> : vector<256xf32>
    %reduce_sum3A_117 = vector.multi_reduction <add>, %select_n3A_115, %reduce_sum3A_116 [0] : vector<256x256xf32> to vector<256xf32>
    %broadcast_in_dim3A_118 = vector.shape_cast %reduce_sum3A_117 : vector<256xf32> to vector<1x256xf32>
    %slice3A_119 = vector.extract_strided_slice %concatenate3A_82 {offsets = [1024, 0], sizes = [256, 1], strides = [1, 1]} : vector<2048x1xf32> to vector<256x1xf32>
    %broadcast_in_dim3A_120 = vector.shape_cast %slice3A_119 : vector<256x1xf32> to vector<256x1xf32>
    %broadcast_in_dim3A_121 = vector.broadcast %broadcast_in_dim3A_120 : vector<256x1xf32> to vector<256x256xf32>
    %jit3A_122 = arith.constant 0.000000e+00 : f32
    %broadcast_in_dim3A_123 = vector.broadcast %jit3A_122 : f32 to vector<256x256xf32>
    %select_n3A_124 = arith.select %eq3A, %broadcast_in_dim3A_121, %broadcast_in_dim3A_123 : vector<256x256xi1>, vector<256x256xf32>
    %reduce_sum3A_125 = arith.constant dense<0.000000e+00> : vector<256xf32>
    %reduce_sum3A_126 = vector.multi_reduction <add>, %select_n3A_124, %reduce_sum3A_125 [0] : vector<256x256xf32> to vector<256xf32>
    %broadcast_in_dim3A_127 = vector.shape_cast %reduce_sum3A_126 : vector<256xf32> to vector<1x256xf32>
    %slice3A_128 = vector.extract_strided_slice %concatenate3A_82 {offsets = [1280, 0], sizes = [256, 1], strides = [1, 1]} : vector<2048x1xf32> to vector<256x1xf32>
    %broadcast_in_dim3A_129 = vector.shape_cast %slice3A_128 : vector<256x1xf32> to vector<256x1xf32>
    %broadcast_in_dim3A_130 = vector.broadcast %broadcast_in_dim3A_129 : vector<256x1xf32> to vector<256x256xf32>
    %jit3A_131 = arith.constant 0.000000e+00 : f32
    %broadcast_in_dim3A_132 = vector.broadcast %jit3A_131 : f32 to vector<256x256xf32>
    %select_n3A_133 = arith.select %eq3A, %broadcast_in_dim3A_130, %broadcast_in_dim3A_132 : vector<256x256xi1>, vector<256x256xf32>
    %reduce_sum3A_134 = arith.constant dense<0.000000e+00> : vector<256xf32>
    %reduce_sum3A_135 = vector.multi_reduction <add>, %select_n3A_133, %reduce_sum3A_134 [0] : vector<256x256xf32> to vector<256xf32>
    %broadcast_in_dim3A_136 = vector.shape_cast %reduce_sum3A_135 : vector<256xf32> to vector<1x256xf32>
    %slice3A_137 = vector.extract_strided_slice %concatenate3A_82 {offsets = [1536, 0], sizes = [256, 1], strides = [1, 1]} : vector<2048x1xf32> to vector<256x1xf32>
    %broadcast_in_dim3A_138 = vector.shape_cast %slice3A_137 : vector<256x1xf32> to vector<256x1xf32>
    %broadcast_in_dim3A_139 = vector.broadcast %broadcast_in_dim3A_138 : vector<256x1xf32> to vector<256x256xf32>
    %jit3A_140 = arith.constant 0.000000e+00 : f32
    %broadcast_in_dim3A_141 = vector.broadcast %jit3A_140 : f32 to vector<256x256xf32>
    %select_n3A_142 = arith.select %eq3A, %broadcast_in_dim3A_139, %broadcast_in_dim3A_141 : vector<256x256xi1>, vector<256x256xf32>
    %reduce_sum3A_143 = arith.constant dense<0.000000e+00> : vector<256xf32>
    %reduce_sum3A_144 = vector.multi_reduction <add>, %select_n3A_142, %reduce_sum3A_143 [0] : vector<256x256xf32> to vector<256xf32>
    %broadcast_in_dim3A_145 = vector.shape_cast %reduce_sum3A_144 : vector<256xf32> to vector<1x256xf32>
    %slice3A_146 = vector.extract_strided_slice %concatenate3A_82 {offsets = [1792, 0], sizes = [256, 1], strides = [1, 1]} : vector<2048x1xf32> to vector<256x1xf32>
    %broadcast_in_dim3A_147 = vector.shape_cast %slice3A_146 : vector<256x1xf32> to vector<256x1xf32>
    %broadcast_in_dim3A_148 = vector.broadcast %broadcast_in_dim3A_147 : vector<256x1xf32> to vector<256x256xf32>
    %jit3A_149 = arith.constant 0.000000e+00 : f32
    %broadcast_in_dim3A_150 = vector.broadcast %jit3A_149 : f32 to vector<256x256xf32>
    %select_n3A_151 = arith.select %eq3A, %broadcast_in_dim3A_148, %broadcast_in_dim3A_150 : vector<256x256xi1>, vector<256x256xf32>
    %reduce_sum3A_152 = arith.constant dense<0.000000e+00> : vector<256xf32>
    %reduce_sum3A_153 = vector.multi_reduction <add>, %select_n3A_151, %reduce_sum3A_152 [0] : vector<256x256xf32> to vector<256xf32>
    %broadcast_in_dim3A_154 = vector.shape_cast %reduce_sum3A_153 : vector<256xf32> to vector<1x256xf32>
    %concatenate3A_155 = tpu.concatenate %broadcast_in_dim3A_91, %broadcast_in_dim3A_100, %broadcast_in_dim3A_109, %broadcast_in_dim3A_118, %broadcast_in_dim3A_127, %broadcast_in_dim3A_136, %broadcast_in_dim3A_145, %broadcast_in_dim3A_154 in 1 : vector<1x256xf32>, vector<1x256xf32>, vector<1x256xf32>, vector<1x256xf32>, vector<1x256xf32>, vector<1x256xf32>, vector<1x256xf32>, vector<1x256xf32> -> vector<1x2048xf32>
    %gt3A_156 = arith.constant 5.000000e-01 : f32
    %gt3A_157 = vector.broadcast %gt3A_156 : f32 to vector<1x2048xf32>
    %gt3A_158 = arith.cmpf ogt, %concatenate3A_155, %gt3A_157 : vector<1x2048xf32>
    %and3A = arith.andi %gt3A_158, %gt3A_10 : vector<1x2048xi1>
    %convert_element_type3A = arith.extui %and3A : vector<1x2048xi1> to vector<1x2048xi32>
    %convert_element_type3A_159 = arith.sitofp %convert_element_type3A : vector<1x2048xi32> to vector<1x2048xf32>
    %broadcast_in_dim3A_160 = arith.constant 0.000000e+00 : f32
    %broadcast_in_dim3A_161 = vector.broadcast %broadcast_in_dim3A_160 : f32 to vector<1x1xf32>
    %slice3A_162 = vector.extract_strided_slice %convert_element_type3A_159 {offsets = [0, 0], sizes = [1, 2047], strides = [1, 1]} : vector<1x2048xf32> to vector<1x2047xf32>
    %concatenate3A_163 = tpu.concatenate %broadcast_in_dim3A_161, %slice3A_162 in 1 : vector<1x1xf32>, vector<1x2047xf32> -> vector<1x2048xf32>
    %add3A_164 = arith.addf %convert_element_type3A_159, %concatenate3A_163 : vector<1x2048xf32>
    %broadcast_in_dim3A_165 = arith.constant 0.000000e+00 : f32
    %broadcast_in_dim3A_166 = vector.broadcast %broadcast_in_dim3A_165 : f32 to vector<1x2xf32>
    %slice3A_167 = vector.extract_strided_slice %add3A_164 {offsets = [0, 0], sizes = [1, 2046], strides = [1, 1]} : vector<1x2048xf32> to vector<1x2046xf32>
    %concatenate3A_168 = tpu.concatenate %broadcast_in_dim3A_166, %slice3A_167 in 1 : vector<1x2xf32>, vector<1x2046xf32> -> vector<1x2048xf32>
    %add3A_169 = arith.addf %add3A_164, %concatenate3A_168 : vector<1x2048xf32>
    %broadcast_in_dim3A_170 = arith.constant 0.000000e+00 : f32
    %broadcast_in_dim3A_171 = vector.broadcast %broadcast_in_dim3A_170 : f32 to vector<1x4xf32>
    %slice3A_172 = vector.extract_strided_slice %add3A_169 {offsets = [0, 0], sizes = [1, 2044], strides = [1, 1]} : vector<1x2048xf32> to vector<1x2044xf32>
    %concatenate3A_173 = tpu.concatenate %broadcast_in_dim3A_171, %slice3A_172 in 1 : vector<1x4xf32>, vector<1x2044xf32> -> vector<1x2048xf32>
    %add3A_174 = arith.addf %add3A_169, %concatenate3A_173 : vector<1x2048xf32>
    %broadcast_in_dim3A_175 = arith.constant 0.000000e+00 : f32
    %broadcast_in_dim3A_176 = vector.broadcast %broadcast_in_dim3A_175 : f32 to vector<1x8xf32>
    %slice3A_177 = vector.extract_strided_slice %add3A_174 {offsets = [0, 0], sizes = [1, 2040], strides = [1, 1]} : vector<1x2048xf32> to vector<1x2040xf32>
    %concatenate3A_178 = tpu.concatenate %broadcast_in_dim3A_176, %slice3A_177 in 1 : vector<1x8xf32>, vector<1x2040xf32> -> vector<1x2048xf32>
    %add3A_179 = arith.addf %add3A_174, %concatenate3A_178 : vector<1x2048xf32>
    %broadcast_in_dim3A_180 = arith.constant 0.000000e+00 : f32
    %broadcast_in_dim3A_181 = vector.broadcast %broadcast_in_dim3A_180 : f32 to vector<1x16xf32>
    %slice3A_182 = vector.extract_strided_slice %add3A_179 {offsets = [0, 0], sizes = [1, 2032], strides = [1, 1]} : vector<1x2048xf32> to vector<1x2032xf32>
    %concatenate3A_183 = tpu.concatenate %broadcast_in_dim3A_181, %slice3A_182 in 1 : vector<1x16xf32>, vector<1x2032xf32> -> vector<1x2048xf32>
    %add3A_184 = arith.addf %add3A_179, %concatenate3A_183 : vector<1x2048xf32>
    %broadcast_in_dim3A_185 = arith.constant 0.000000e+00 : f32
    %broadcast_in_dim3A_186 = vector.broadcast %broadcast_in_dim3A_185 : f32 to vector<1x32xf32>
    %slice3A_187 = vector.extract_strided_slice %add3A_184 {offsets = [0, 0], sizes = [1, 2016], strides = [1, 1]} : vector<1x2048xf32> to vector<1x2016xf32>
    %concatenate3A_188 = tpu.concatenate %broadcast_in_dim3A_186, %slice3A_187 in 1 : vector<1x32xf32>, vector<1x2016xf32> -> vector<1x2048xf32>
    %add3A_189 = arith.addf %add3A_184, %concatenate3A_188 : vector<1x2048xf32>
    %broadcast_in_dim3A_190 = arith.constant 0.000000e+00 : f32
    %broadcast_in_dim3A_191 = vector.broadcast %broadcast_in_dim3A_190 : f32 to vector<1x64xf32>
    %slice3A_192 = vector.extract_strided_slice %add3A_189 {offsets = [0, 0], sizes = [1, 1984], strides = [1, 1]} : vector<1x2048xf32> to vector<1x1984xf32>
    %concatenate3A_193 = tpu.concatenate %broadcast_in_dim3A_191, %slice3A_192 in 1 : vector<1x64xf32>, vector<1x1984xf32> -> vector<1x2048xf32>
    %add3A_194 = arith.addf %add3A_189, %concatenate3A_193 : vector<1x2048xf32>
    %broadcast_in_dim3A_195 = arith.constant 0.000000e+00 : f32
    %broadcast_in_dim3A_196 = vector.broadcast %broadcast_in_dim3A_195 : f32 to vector<1x128xf32>
    %slice3A_197 = vector.extract_strided_slice %add3A_194 {offsets = [0, 0], sizes = [1, 1920], strides = [1, 1]} : vector<1x2048xf32> to vector<1x1920xf32>
    %concatenate3A_198 = tpu.concatenate %broadcast_in_dim3A_196, %slice3A_197 in 1 : vector<1x128xf32>, vector<1x1920xf32> -> vector<1x2048xf32>
    %add3A_199 = arith.addf %add3A_194, %concatenate3A_198 : vector<1x2048xf32>
    %broadcast_in_dim3A_200 = arith.constant 0.000000e+00 : f32
    %broadcast_in_dim3A_201 = vector.broadcast %broadcast_in_dim3A_200 : f32 to vector<1x256xf32>
    %slice3A_202 = vector.extract_strided_slice %add3A_199 {offsets = [0, 0], sizes = [1, 1792], strides = [1, 1]} : vector<1x2048xf32> to vector<1x1792xf32>
    %concatenate3A_203 = tpu.concatenate %broadcast_in_dim3A_201, %slice3A_202 in 1 : vector<1x256xf32>, vector<1x1792xf32> -> vector<1x2048xf32>
    %add3A_204 = arith.addf %add3A_199, %concatenate3A_203 : vector<1x2048xf32>
    %broadcast_in_dim3A_205 = arith.constant 0.000000e+00 : f32
    %broadcast_in_dim3A_206 = vector.broadcast %broadcast_in_dim3A_205 : f32 to vector<1x512xf32>
    %slice3A_207 = vector.extract_strided_slice %add3A_204 {offsets = [0, 0], sizes = [1, 1536], strides = [1, 1]} : vector<1x2048xf32> to vector<1x1536xf32>
    %concatenate3A_208 = tpu.concatenate %broadcast_in_dim3A_206, %slice3A_207 in 1 : vector<1x512xf32>, vector<1x1536xf32> -> vector<1x2048xf32>
    %add3A_209 = arith.addf %add3A_204, %concatenate3A_208 : vector<1x2048xf32>
    %broadcast_in_dim3A_210 = arith.constant 0.000000e+00 : f32
    %broadcast_in_dim3A_211 = vector.broadcast %broadcast_in_dim3A_210 : f32 to vector<1x1024xf32>
    %slice3A_212 = vector.extract_strided_slice %add3A_209 {offsets = [0, 0], sizes = [1, 1024], strides = [1, 1]} : vector<1x2048xf32> to vector<1x1024xf32>
    %concatenate3A_213 = tpu.concatenate %broadcast_in_dim3A_211, %slice3A_212 in 1 : vector<1x1024xf32>, vector<1x1024xf32> -> vector<1x2048xf32>
    %add3A_214 = arith.addf %add3A_209, %concatenate3A_213 : vector<1x2048xf32>
    %slice3A_215 = vector.extract_strided_slice %add3A_214 {offsets = [0, 2047], sizes = [1, 1], strides = [1, 1]} : vector<1x2048xf32> to vector<1x1xf32>
    %iota3A_216 = tpu.iota {dimensions = array<i32: 1>} : vector<1x2048xi32>
    %convert_element_type3A_217 = arith.sitofp %iota3A_216 : vector<1x2048xi32> to vector<1x2048xf32>
    %sub3A_218 = arith.constant 1.000000e+00 : f32
    %sub3A_219 = vector.broadcast %sub3A_218 : f32 to vector<1x2048xf32>
    %sub3A_220 = arith.subf %add3A_214, %sub3A_219 : vector<1x2048xf32>
    %add3A_221 = vector.broadcast %slice3A_215 : vector<1x1xf32> to vector<1x2048xf32>
    %add3A_222 = arith.addf %add3A_221, %convert_element_type3A_217 : vector<1x2048xf32>
    %sub3A_223 = arith.subf %add3A_222, %add3A_214 : vector<1x2048xf32>
    %select_n3A_224 = arith.select %and3A, %sub3A_220, %sub3A_223 : vector<1x2048xi1>, vector<1x2048xf32>
    %iota3A_225 = tpu.iota {dimensions = array<i32: 0>} : vector<256x1xi32>
    %convert_element_type3A_226 = arith.sitofp %iota3A_225 : vector<256x1xi32> to vector<256x1xf32>
    %add3A_227 = arith.constant 0.000000e+00 : f32
    %add3A_228 = vector.broadcast %add3A_227 : f32 to vector<256x1xf32>
    %add3A_229 = arith.addf %convert_element_type3A_226, %add3A_228 : vector<256x1xf32>
    %eq3A_230 = vector.broadcast %add3A_229 : vector<256x1xf32> to vector<256x2048xf32>
    %eq3A_231 = vector.broadcast %select_n3A_224 : vector<1x2048xf32> to vector<256x2048xf32>
    %eq3A_232 = arith.cmpf oeq, %eq3A_230, %eq3A_231 : vector<256x2048xf32>
    %jit3A_233 = arith.constant 1.000000e+00 : f32
    %jit3A_234 = arith.constant 0.000000e+00 : f32
    %broadcast_in_dim3A_235 = vector.broadcast %jit3A_233 : f32 to vector<256x2048xf32>
    %broadcast_in_dim3A_236 = vector.broadcast %jit3A_234 : f32 to vector<256x2048xf32>
    %select_n3A_237 = arith.select %eq3A_232, %broadcast_in_dim3A_235, %broadcast_in_dim3A_236 : vector<256x2048xi1>, vector<256x2048xf32>
    %dot_general3A_238 = arith.constant dense<0.000000e+00> : vector<256x1xf32>
    %dot_general3A_239 = tpu.matmul %select_n3A_237, %convert_element_type3A_217, %dot_general3A_238 {dimension_numbers = #tpu.dot_dimension_numbers<[1], [1], [0], [0], [0, 0, 1, 0], [], []>, transpose_lhs_hint = false} : vector<256x2048xf32>, vector<1x2048xf32>, vector<256x1xf32> -> vector<256x1xf32>
    %iota3A_240 = tpu.iota {dimensions = array<i32: 0>} : vector<256x256xi32>
    %iota3A_241 = tpu.iota {dimensions = array<i32: 1>} : vector<256x256xi32>
    %eq3A_242 = arith.cmpi eq, %iota3A_240, %iota3A_241 : vector<256x256xi32>
    %broadcast_in_dim3A_243 = vector.shape_cast %dot_general3A_239 : vector<256x1xf32> to vector<256x1xf32>
    %broadcast_in_dim3A_244 = vector.broadcast %broadcast_in_dim3A_243 : vector<256x1xf32> to vector<256x256xf32>
    %jit3A_245 = arith.constant 0.000000e+00 : f32
    %broadcast_in_dim3A_246 = vector.broadcast %jit3A_245 : f32 to vector<256x256xf32>
    %select_n3A_247 = arith.select %eq3A_242, %broadcast_in_dim3A_244, %broadcast_in_dim3A_246 : vector<256x256xi1>, vector<256x256xf32>
    %reduce_sum3A_248 = arith.constant dense<0.000000e+00> : vector<256xf32>
    %reduce_sum3A_249 = vector.multi_reduction <add>, %select_n3A_247, %reduce_sum3A_248 [0] : vector<256x256xf32> to vector<256xf32>
    %broadcast_in_dim3A_250 = vector.shape_cast %reduce_sum3A_249 : vector<256xf32> to vector<1x256xf32>
    %iota3A_251 = tpu.iota {dimensions = array<i32: 0>} : vector<256x1xi32>
    %convert_element_type3A_252 = arith.sitofp %iota3A_251 : vector<256x1xi32> to vector<256x1xf32>
    %add3A_253 = arith.constant 2.560000e+02 : f32
    %add3A_254 = vector.broadcast %add3A_253 : f32 to vector<256x1xf32>
    %add3A_255 = arith.addf %convert_element_type3A_252, %add3A_254 : vector<256x1xf32>
    %eq3A_256 = vector.broadcast %add3A_255 : vector<256x1xf32> to vector<256x2048xf32>
    %eq3A_257 = vector.broadcast %select_n3A_224 : vector<1x2048xf32> to vector<256x2048xf32>
    %eq3A_258 = arith.cmpf oeq, %eq3A_256, %eq3A_257 : vector<256x2048xf32>
    %jit3A_259 = arith.constant 1.000000e+00 : f32
    %jit3A_260 = arith.constant 0.000000e+00 : f32
    %broadcast_in_dim3A_261 = vector.broadcast %jit3A_259 : f32 to vector<256x2048xf32>
    %broadcast_in_dim3A_262 = vector.broadcast %jit3A_260 : f32 to vector<256x2048xf32>
    %select_n3A_263 = arith.select %eq3A_258, %broadcast_in_dim3A_261, %broadcast_in_dim3A_262 : vector<256x2048xi1>, vector<256x2048xf32>
    %dot_general3A_264 = arith.constant dense<0.000000e+00> : vector<256x1xf32>
    %dot_general3A_265 = tpu.matmul %select_n3A_263, %convert_element_type3A_217, %dot_general3A_264 {dimension_numbers = #tpu.dot_dimension_numbers<[1], [1], [0], [0], [0, 0, 1, 0], [], []>, transpose_lhs_hint = false} : vector<256x2048xf32>, vector<1x2048xf32>, vector<256x1xf32> -> vector<256x1xf32>
    %iota3A_266 = tpu.iota {dimensions = array<i32: 0>} : vector<256x256xi32>
    %iota3A_267 = tpu.iota {dimensions = array<i32: 1>} : vector<256x256xi32>
    %eq3A_268 = arith.cmpi eq, %iota3A_266, %iota3A_267 : vector<256x256xi32>
    %broadcast_in_dim3A_269 = vector.shape_cast %dot_general3A_265 : vector<256x1xf32> to vector<256x1xf32>
    %broadcast_in_dim3A_270 = vector.broadcast %broadcast_in_dim3A_269 : vector<256x1xf32> to vector<256x256xf32>
    %jit3A_271 = arith.constant 0.000000e+00 : f32
    %broadcast_in_dim3A_272 = vector.broadcast %jit3A_271 : f32 to vector<256x256xf32>
    %select_n3A_273 = arith.select %eq3A_268, %broadcast_in_dim3A_270, %broadcast_in_dim3A_272 : vector<256x256xi1>, vector<256x256xf32>
    %reduce_sum3A_274 = arith.constant dense<0.000000e+00> : vector<256xf32>
    %reduce_sum3A_275 = vector.multi_reduction <add>, %select_n3A_273, %reduce_sum3A_274 [0] : vector<256x256xf32> to vector<256xf32>
    %broadcast_in_dim3A_276 = vector.shape_cast %reduce_sum3A_275 : vector<256xf32> to vector<1x256xf32>
    %iota3A_277 = tpu.iota {dimensions = array<i32: 0>} : vector<256x1xi32>
    %convert_element_type3A_278 = arith.sitofp %iota3A_277 : vector<256x1xi32> to vector<256x1xf32>
    %add3A_279 = arith.constant 5.120000e+02 : f32
    %add3A_280 = vector.broadcast %add3A_279 : f32 to vector<256x1xf32>
    %add3A_281 = arith.addf %convert_element_type3A_278, %add3A_280 : vector<256x1xf32>
    %eq3A_282 = vector.broadcast %add3A_281 : vector<256x1xf32> to vector<256x2048xf32>
    %eq3A_283 = vector.broadcast %select_n3A_224 : vector<1x2048xf32> to vector<256x2048xf32>
    %eq3A_284 = arith.cmpf oeq, %eq3A_282, %eq3A_283 : vector<256x2048xf32>
    %jit3A_285 = arith.constant 1.000000e+00 : f32
    %jit3A_286 = arith.constant 0.000000e+00 : f32
    %broadcast_in_dim3A_287 = vector.broadcast %jit3A_285 : f32 to vector<256x2048xf32>
    %broadcast_in_dim3A_288 = vector.broadcast %jit3A_286 : f32 to vector<256x2048xf32>
    %select_n3A_289 = arith.select %eq3A_284, %broadcast_in_dim3A_287, %broadcast_in_dim3A_288 : vector<256x2048xi1>, vector<256x2048xf32>
    %dot_general3A_290 = arith.constant dense<0.000000e+00> : vector<256x1xf32>
    %dot_general3A_291 = tpu.matmul %select_n3A_289, %convert_element_type3A_217, %dot_general3A_290 {dimension_numbers = #tpu.dot_dimension_numbers<[1], [1], [0], [0], [0, 0, 1, 0], [], []>, transpose_lhs_hint = false} : vector<256x2048xf32>, vector<1x2048xf32>, vector<256x1xf32> -> vector<256x1xf32>
    %iota3A_292 = tpu.iota {dimensions = array<i32: 0>} : vector<256x256xi32>
    %iota3A_293 = tpu.iota {dimensions = array<i32: 1>} : vector<256x256xi32>
    %eq3A_294 = arith.cmpi eq, %iota3A_292, %iota3A_293 : vector<256x256xi32>
    %broadcast_in_dim3A_295 = vector.shape_cast %dot_general3A_291 : vector<256x1xf32> to vector<256x1xf32>
    %broadcast_in_dim3A_296 = vector.broadcast %broadcast_in_dim3A_295 : vector<256x1xf32> to vector<256x256xf32>
    %jit3A_297 = arith.constant 0.000000e+00 : f32
    %broadcast_in_dim3A_298 = vector.broadcast %jit3A_297 : f32 to vector<256x256xf32>
    %select_n3A_299 = arith.select %eq3A_294, %broadcast_in_dim3A_296, %broadcast_in_dim3A_298 : vector<256x256xi1>, vector<256x256xf32>
    %reduce_sum3A_300 = arith.constant dense<0.000000e+00> : vector<256xf32>
    %reduce_sum3A_301 = vector.multi_reduction <add>, %select_n3A_299, %reduce_sum3A_300 [0] : vector<256x256xf32> to vector<256xf32>
    %broadcast_in_dim3A_302 = vector.shape_cast %reduce_sum3A_301 : vector<256xf32> to vector<1x256xf32>
    %iota3A_303 = tpu.iota {dimensions = array<i32: 0>} : vector<256x1xi32>
    %convert_element_type3A_304 = arith.sitofp %iota3A_303 : vector<256x1xi32> to vector<256x1xf32>
    %add3A_305 = arith.constant 7.680000e+02 : f32
    %add3A_306 = vector.broadcast %add3A_305 : f32 to vector<256x1xf32>
    %add3A_307 = arith.addf %convert_element_type3A_304, %add3A_306 : vector<256x1xf32>
    %eq3A_308 = vector.broadcast %add3A_307 : vector<256x1xf32> to vector<256x2048xf32>
    %eq3A_309 = vector.broadcast %select_n3A_224 : vector<1x2048xf32> to vector<256x2048xf32>
    %eq3A_310 = arith.cmpf oeq, %eq3A_308, %eq3A_309 : vector<256x2048xf32>
    %jit3A_311 = arith.constant 1.000000e+00 : f32
    %jit3A_312 = arith.constant 0.000000e+00 : f32
    %broadcast_in_dim3A_313 = vector.broadcast %jit3A_311 : f32 to vector<256x2048xf32>
    %broadcast_in_dim3A_314 = vector.broadcast %jit3A_312 : f32 to vector<256x2048xf32>
    %select_n3A_315 = arith.select %eq3A_310, %broadcast_in_dim3A_313, %broadcast_in_dim3A_314 : vector<256x2048xi1>, vector<256x2048xf32>
    %dot_general3A_316 = arith.constant dense<0.000000e+00> : vector<256x1xf32>
    %dot_general3A_317 = tpu.matmul %select_n3A_315, %convert_element_type3A_217, %dot_general3A_316 {dimension_numbers = #tpu.dot_dimension_numbers<[1], [1], [0], [0], [0, 0, 1, 0], [], []>, transpose_lhs_hint = false} : vector<256x2048xf32>, vector<1x2048xf32>, vector<256x1xf32> -> vector<256x1xf32>
    %iota3A_318 = tpu.iota {dimensions = array<i32: 0>} : vector<256x256xi32>
    %iota3A_319 = tpu.iota {dimensions = array<i32: 1>} : vector<256x256xi32>
    %eq3A_320 = arith.cmpi eq, %iota3A_318, %iota3A_319 : vector<256x256xi32>
    %broadcast_in_dim3A_321 = vector.shape_cast %dot_general3A_317 : vector<256x1xf32> to vector<256x1xf32>
    %broadcast_in_dim3A_322 = vector.broadcast %broadcast_in_dim3A_321 : vector<256x1xf32> to vector<256x256xf32>
    %jit3A_323 = arith.constant 0.000000e+00 : f32
    %broadcast_in_dim3A_324 = vector.broadcast %jit3A_323 : f32 to vector<256x256xf32>
    %select_n3A_325 = arith.select %eq3A_320, %broadcast_in_dim3A_322, %broadcast_in_dim3A_324 : vector<256x256xi1>, vector<256x256xf32>
    %reduce_sum3A_326 = arith.constant dense<0.000000e+00> : vector<256xf32>
    %reduce_sum3A_327 = vector.multi_reduction <add>, %select_n3A_325, %reduce_sum3A_326 [0] : vector<256x256xf32> to vector<256xf32>
    %broadcast_in_dim3A_328 = vector.shape_cast %reduce_sum3A_327 : vector<256xf32> to vector<1x256xf32>
    %iota3A_329 = tpu.iota {dimensions = array<i32: 0>} : vector<256x1xi32>
    %convert_element_type3A_330 = arith.sitofp %iota3A_329 : vector<256x1xi32> to vector<256x1xf32>
    %add3A_331 = arith.constant 1.024000e+03 : f32
    %add3A_332 = vector.broadcast %add3A_331 : f32 to vector<256x1xf32>
    %add3A_333 = arith.addf %convert_element_type3A_330, %add3A_332 : vector<256x1xf32>
    %eq3A_334 = vector.broadcast %add3A_333 : vector<256x1xf32> to vector<256x2048xf32>
    %eq3A_335 = vector.broadcast %select_n3A_224 : vector<1x2048xf32> to vector<256x2048xf32>
    %eq3A_336 = arith.cmpf oeq, %eq3A_334, %eq3A_335 : vector<256x2048xf32>
    %jit3A_337 = arith.constant 1.000000e+00 : f32
    %jit3A_338 = arith.constant 0.000000e+00 : f32
    %broadcast_in_dim3A_339 = vector.broadcast %jit3A_337 : f32 to vector<256x2048xf32>
    %broadcast_in_dim3A_340 = vector.broadcast %jit3A_338 : f32 to vector<256x2048xf32>
    %select_n3A_341 = arith.select %eq3A_336, %broadcast_in_dim3A_339, %broadcast_in_dim3A_340 : vector<256x2048xi1>, vector<256x2048xf32>
    %dot_general3A_342 = arith.constant dense<0.000000e+00> : vector<256x1xf32>
    %dot_general3A_343 = tpu.matmul %select_n3A_341, %convert_element_type3A_217, %dot_general3A_342 {dimension_numbers = #tpu.dot_dimension_numbers<[1], [1], [0], [0], [0, 0, 1, 0], [], []>, transpose_lhs_hint = false} : vector<256x2048xf32>, vector<1x2048xf32>, vector<256x1xf32> -> vector<256x1xf32>
    %iota3A_344 = tpu.iota {dimensions = array<i32: 0>} : vector<256x256xi32>
    %iota3A_345 = tpu.iota {dimensions = array<i32: 1>} : vector<256x256xi32>
    %eq3A_346 = arith.cmpi eq, %iota3A_344, %iota3A_345 : vector<256x256xi32>
    %broadcast_in_dim3A_347 = vector.shape_cast %dot_general3A_343 : vector<256x1xf32> to vector<256x1xf32>
    %broadcast_in_dim3A_348 = vector.broadcast %broadcast_in_dim3A_347 : vector<256x1xf32> to vector<256x256xf32>
    %jit3A_349 = arith.constant 0.000000e+00 : f32
    %broadcast_in_dim3A_350 = vector.broadcast %jit3A_349 : f32 to vector<256x256xf32>
    %select_n3A_351 = arith.select %eq3A_346, %broadcast_in_dim3A_348, %broadcast_in_dim3A_350 : vector<256x256xi1>, vector<256x256xf32>
    %reduce_sum3A_352 = arith.constant dense<0.000000e+00> : vector<256xf32>
    %reduce_sum3A_353 = vector.multi_reduction <add>, %select_n3A_351, %reduce_sum3A_352 [0] : vector<256x256xf32> to vector<256xf32>
    %broadcast_in_dim3A_354 = vector.shape_cast %reduce_sum3A_353 : vector<256xf32> to vector<1x256xf32>
    %iota3A_355 = tpu.iota {dimensions = array<i32: 0>} : vector<256x1xi32>
    %convert_element_type3A_356 = arith.sitofp %iota3A_355 : vector<256x1xi32> to vector<256x1xf32>
    %add3A_357 = arith.constant 1.280000e+03 : f32
    %add3A_358 = vector.broadcast %add3A_357 : f32 to vector<256x1xf32>
    %add3A_359 = arith.addf %convert_element_type3A_356, %add3A_358 : vector<256x1xf32>
    %eq3A_360 = vector.broadcast %add3A_359 : vector<256x1xf32> to vector<256x2048xf32>
    %eq3A_361 = vector.broadcast %select_n3A_224 : vector<1x2048xf32> to vector<256x2048xf32>
    %eq3A_362 = arith.cmpf oeq, %eq3A_360, %eq3A_361 : vector<256x2048xf32>
    %jit3A_363 = arith.constant 1.000000e+00 : f32
    %jit3A_364 = arith.constant 0.000000e+00 : f32
    %broadcast_in_dim3A_365 = vector.broadcast %jit3A_363 : f32 to vector<256x2048xf32>
    %broadcast_in_dim3A_366 = vector.broadcast %jit3A_364 : f32 to vector<256x2048xf32>
    %select_n3A_367 = arith.select %eq3A_362, %broadcast_in_dim3A_365, %broadcast_in_dim3A_366 : vector<256x2048xi1>, vector<256x2048xf32>
    %dot_general3A_368 = arith.constant dense<0.000000e+00> : vector<256x1xf32>
    %dot_general3A_369 = tpu.matmul %select_n3A_367, %convert_element_type3A_217, %dot_general3A_368 {dimension_numbers = #tpu.dot_dimension_numbers<[1], [1], [0], [0], [0, 0, 1, 0], [], []>, transpose_lhs_hint = false} : vector<256x2048xf32>, vector<1x2048xf32>, vector<256x1xf32> -> vector<256x1xf32>
    %iota3A_370 = tpu.iota {dimensions = array<i32: 0>} : vector<256x256xi32>
    %iota3A_371 = tpu.iota {dimensions = array<i32: 1>} : vector<256x256xi32>
    %eq3A_372 = arith.cmpi eq, %iota3A_370, %iota3A_371 : vector<256x256xi32>
    %broadcast_in_dim3A_373 = vector.shape_cast %dot_general3A_369 : vector<256x1xf32> to vector<256x1xf32>
    %broadcast_in_dim3A_374 = vector.broadcast %broadcast_in_dim3A_373 : vector<256x1xf32> to vector<256x256xf32>
    %jit3A_375 = arith.constant 0.000000e+00 : f32
    %broadcast_in_dim3A_376 = vector.broadcast %jit3A_375 : f32 to vector<256x256xf32>
    %select_n3A_377 = arith.select %eq3A_372, %broadcast_in_dim3A_374, %broadcast_in_dim3A_376 : vector<256x256xi1>, vector<256x256xf32>
    %reduce_sum3A_378 = arith.constant dense<0.000000e+00> : vector<256xf32>
    %reduce_sum3A_379 = vector.multi_reduction <add>, %select_n3A_377, %reduce_sum3A_378 [0] : vector<256x256xf32> to vector<256xf32>
    %broadcast_in_dim3A_380 = vector.shape_cast %reduce_sum3A_379 : vector<256xf32> to vector<1x256xf32>
    %iota3A_381 = tpu.iota {dimensions = array<i32: 0>} : vector<256x1xi32>
    %convert_element_type3A_382 = arith.sitofp %iota3A_381 : vector<256x1xi32> to vector<256x1xf32>
    %add3A_383 = arith.constant 1.536000e+03 : f32
    %add3A_384 = vector.broadcast %add3A_383 : f32 to vector<256x1xf32>
    %add3A_385 = arith.addf %convert_element_type3A_382, %add3A_384 : vector<256x1xf32>
    %eq3A_386 = vector.broadcast %add3A_385 : vector<256x1xf32> to vector<256x2048xf32>
    %eq3A_387 = vector.broadcast %select_n3A_224 : vector<1x2048xf32> to vector<256x2048xf32>
    %eq3A_388 = arith.cmpf oeq, %eq3A_386, %eq3A_387 : vector<256x2048xf32>
    %jit3A_389 = arith.constant 1.000000e+00 : f32
    %jit3A_390 = arith.constant 0.000000e+00 : f32
    %broadcast_in_dim3A_391 = vector.broadcast %jit3A_389 : f32 to vector<256x2048xf32>
    %broadcast_in_dim3A_392 = vector.broadcast %jit3A_390 : f32 to vector<256x2048xf32>
    %select_n3A_393 = arith.select %eq3A_388, %broadcast_in_dim3A_391, %broadcast_in_dim3A_392 : vector<256x2048xi1>, vector<256x2048xf32>
    %dot_general3A_394 = arith.constant dense<0.000000e+00> : vector<256x1xf32>
    %dot_general3A_395 = tpu.matmul %select_n3A_393, %convert_element_type3A_217, %dot_general3A_394 {dimension_numbers = #tpu.dot_dimension_numbers<[1], [1], [0], [0], [0, 0, 1, 0], [], []>, transpose_lhs_hint = false} : vector<256x2048xf32>, vector<1x2048xf32>, vector<256x1xf32> -> vector<256x1xf32>
    %iota3A_396 = tpu.iota {dimensions = array<i32: 0>} : vector<256x256xi32>
    %iota3A_397 = tpu.iota {dimensions = array<i32: 1>} : vector<256x256xi32>
    %eq3A_398 = arith.cmpi eq, %iota3A_396, %iota3A_397 : vector<256x256xi32>
    %broadcast_in_dim3A_399 = vector.shape_cast %dot_general3A_395 : vector<256x1xf32> to vector<256x1xf32>
    %broadcast_in_dim3A_400 = vector.broadcast %broadcast_in_dim3A_399 : vector<256x1xf32> to vector<256x256xf32>
    %jit3A_401 = arith.constant 0.000000e+00 : f32
    %broadcast_in_dim3A_402 = vector.broadcast %jit3A_401 : f32 to vector<256x256xf32>
    %select_n3A_403 = arith.select %eq3A_398, %broadcast_in_dim3A_400, %broadcast_in_dim3A_402 : vector<256x256xi1>, vector<256x256xf32>
    %reduce_sum3A_404 = arith.constant dense<0.000000e+00> : vector<256xf32>
    %reduce_sum3A_405 = vector.multi_reduction <add>, %select_n3A_403, %reduce_sum3A_404 [0] : vector<256x256xf32> to vector<256xf32>
    %broadcast_in_dim3A_406 = vector.shape_cast %reduce_sum3A_405 : vector<256xf32> to vector<1x256xf32>
    %iota3A_407 = tpu.iota {dimensions = array<i32: 0>} : vector<256x1xi32>
    %convert_element_type3A_408 = arith.sitofp %iota3A_407 : vector<256x1xi32> to vector<256x1xf32>
    %add3A_409 = arith.constant 1.792000e+03 : f32
    %add3A_410 = vector.broadcast %add3A_409 : f32 to vector<256x1xf32>
    %add3A_411 = arith.addf %convert_element_type3A_408, %add3A_410 : vector<256x1xf32>
    %eq3A_412 = vector.broadcast %add3A_411 : vector<256x1xf32> to vector<256x2048xf32>
    %eq3A_413 = vector.broadcast %select_n3A_224 : vector<1x2048xf32> to vector<256x2048xf32>
    %eq3A_414 = arith.cmpf oeq, %eq3A_412, %eq3A_413 : vector<256x2048xf32>
    %jit3A_415 = arith.constant 1.000000e+00 : f32
    %jit3A_416 = arith.constant 0.000000e+00 : f32
    %broadcast_in_dim3A_417 = vector.broadcast %jit3A_415 : f32 to vector<256x2048xf32>
    %broadcast_in_dim3A_418 = vector.broadcast %jit3A_416 : f32 to vector<256x2048xf32>
    %select_n3A_419 = arith.select %eq3A_414, %broadcast_in_dim3A_417, %broadcast_in_dim3A_418 : vector<256x2048xi1>, vector<256x2048xf32>
    %dot_general3A_420 = arith.constant dense<0.000000e+00> : vector<256x1xf32>
    %dot_general3A_421 = tpu.matmul %select_n3A_419, %convert_element_type3A_217, %dot_general3A_420 {dimension_numbers = #tpu.dot_dimension_numbers<[1], [1], [0], [0], [0, 0, 1, 0], [], []>, transpose_lhs_hint = false} : vector<256x2048xf32>, vector<1x2048xf32>, vector<256x1xf32> -> vector<256x1xf32>
    %iota3A_422 = tpu.iota {dimensions = array<i32: 0>} : vector<256x256xi32>
    %iota3A_423 = tpu.iota {dimensions = array<i32: 1>} : vector<256x256xi32>
    %eq3A_424 = arith.cmpi eq, %iota3A_422, %iota3A_423 : vector<256x256xi32>
    %broadcast_in_dim3A_425 = vector.shape_cast %dot_general3A_421 : vector<256x1xf32> to vector<256x1xf32>
    %broadcast_in_dim3A_426 = vector.broadcast %broadcast_in_dim3A_425 : vector<256x1xf32> to vector<256x256xf32>
    %jit3A_427 = arith.constant 0.000000e+00 : f32
    %broadcast_in_dim3A_428 = vector.broadcast %jit3A_427 : f32 to vector<256x256xf32>
    %select_n3A_429 = arith.select %eq3A_424, %broadcast_in_dim3A_426, %broadcast_in_dim3A_428 : vector<256x256xi1>, vector<256x256xf32>
    %reduce_sum3A_430 = arith.constant dense<0.000000e+00> : vector<256xf32>
    %reduce_sum3A_431 = vector.multi_reduction <add>, %select_n3A_429, %reduce_sum3A_430 [0] : vector<256x256xf32> to vector<256xf32>
    %broadcast_in_dim3A_432 = vector.shape_cast %reduce_sum3A_431 : vector<256xf32> to vector<1x256xf32>
    %concatenate3A_433 = tpu.concatenate %broadcast_in_dim3A_250, %broadcast_in_dim3A_276, %broadcast_in_dim3A_302, %broadcast_in_dim3A_328, %broadcast_in_dim3A_354, %broadcast_in_dim3A_380, %broadcast_in_dim3A_406, %broadcast_in_dim3A_432 in 1 : vector<1x256xf32>, vector<1x256xf32>, vector<1x256xf32>, vector<1x256xf32>, vector<1x256xf32>, vector<1x256xf32>, vector<1x256xf32>, vector<1x256xf32> -> vector<1x2048xf32>
    %convert_element_type3A_434 = arith.fptosi %concatenate3A_433 : vector<1x2048xf32> to vector<1x2048xi32>
    %swap3A_435 = arith.constant 0 : index
    %swap3A_436 = arith.constant 0 : index
    %swap3A_437 = arith.constant 0 : index
    %swap3A_438 = vector.load %arg8[%swap3A_435, %swap3A_436, %swap3A_437] : memref<1x1x2048xi32, #tpu.memory_space<vmem>>, vector<1x1x2048xi32>
    %swap3A_439 = vector.shape_cast %swap3A_438 : vector<1x1x2048xi32> to vector<1x2048xi32>
    %swap3A_440 = vector.shape_cast %convert_element_type3A_434 : vector<1x2048xi32> to vector<1x1x2048xi32>
    tpu.vector_store %arg8[%swap3A_435, %swap3A_436, %swap3A_437], %swap3A_440 {strides = array<i32>} : memref<1x1x2048xi32, #tpu.memory_space<vmem>>, vector<1x1x2048xi32>,
    %lt3A = vector.broadcast %slice3A_215 : vector<1x1xf32> to vector<1x2048xf32>
    %lt3A_441 = arith.cmpf olt, %convert_element_type3A_217, %lt3A : vector<1x2048xf32>
    %convert_element_type3A_442 = arith.extui %lt3A_441 : vector<1x2048xi1> to vector<1x2048xi32>
    %convert_element_type3A_443 = arith.sitofp %convert_element_type3A_442 : vector<1x2048xi32> to vector<1x2048xf32>
    %swap3A_444 = arith.constant 0 : index
    %swap3A_445 = arith.constant 0 : index
    %swap3A_446 = arith.constant 0 : index
    %swap3A_447 = vector.load %arg9[%swap3A_444, %swap3A_445, %swap3A_446] : memref<1x1x2048xf32, #tpu.memory_space<vmem>>, vector<1x1x2048xf32>
    %swap3A_448 = vector.shape_cast %swap3A_447 : vector<1x1x2048xf32> to vector<1x2048xf32>
    %swap3A_449 = vector.shape_cast %convert_element_type3A_443 : vector<1x2048xf32> to vector<1x1x2048xf32>
    tpu.vector_store %arg9[%swap3A_444, %swap3A_445, %swap3A_446], %swap3A_449 {strides = array<i32>} : memref<1x1x2048xf32, #tpu.memory_space<vmem>>, vector<1x1x2048xf32>,
    return
  }
  func.func @transform_0(%arg0: i32) -> (i32, i32, i32) {
    %c0_i32 = arith.constant 0 : i32
    %c0_i32_0 = arith.constant 0 : i32
    %c0_i32_1 = arith.constant 0 : i32
    return %arg0, %c0_i32, %c0_i32_0 : i32, i32, i32
  }
  func.func @transform_1(%arg0: i32) -> (i32, i32, i32) {
    %c0_i32 = arith.constant 0 : i32
    %c0_i32_0 = arith.constant 0 : i32
    %c0_i32_1 = arith.constant 0 : i32
    return %arg0, %c0_i32, %c0_i32_0 : i32, i32, i32
  }
  func.func @transform_2(%arg0: i32) -> (i32, i32) {
    %c0_i32 = arith.constant 0 : i32
    %c0_i32_0 = arith.constant 0 : i32
    %c0_i32_1 = arith.constant 0 : i32
    return %c0_i32, %c0_i32_0 : i32, i32
  }
  func.func @transform_3(%arg0: i32) -> (i32, i32, i32) {
    %c0_i32 = arith.constant 0 : i32
    %c0_i32_0 = arith.constant 0 : i32
    %c0_i32_1 = arith.constant 0 : i32
    %c0_i32_2 = arith.constant 0 : i32
    return %c0_i32, %c0_i32_0, %c0_i32_1 : i32, i32, i32
  }
  func.func @transform_4(%arg0: i32) -> (i32, i32) {
    %c0_i32 = arith.constant 0 : i32
    %c0_i32_0 = arith.constant 0 : i32
    %c0_i32_1 = arith.constant 0 : i32
    return %c0_i32, %c0_i32_0 : i32, i32
  }
  func.func @transform_5(%arg0: i32) -> (i32, i32, i32) {
    %c0_i32 = arith.constant 0 : i32
    %c0_i32_0 = arith.constant 0 : i32
    %c0_i32_1 = arith.constant 0 : i32
    %c0_i32_2 = arith.constant 0 : i32
    return %c0_i32, %c0_i32_0, %c0_i32_1 : i32, i32, i32
  }
  func.func @transform_6(%arg0: i32) -> (i32, i32, i32) {
    %c0_i32 = arith.constant 0 : i32
    %c0_i32_0 = arith.constant 0 : i32
    %c0_i32_1 = arith.constant 0 : i32
    return %arg0, %c0_i32, %c0_i32_0 : i32, i32, i32
  }
  func.func @transform_7(%arg0: i32) -> (i32, i32, i32) {
    %c0_i32 = arith.constant 0 : i32
    %c0_i32_0 = arith.constant 0 : i32
    %c0_i32_1 = arith.constant 0 : i32
    return %arg0, %c0_i32, %c0_i32_0 : i32, i32, i32
  }
  func.func @transform_8(%arg0: i32) -> (i32, i32, i32) {
    %c0_i32 = arith.constant 0 : i32
    %c0_i32_0 = arith.constant 0 : i32
    %c0_i32_1 = arith.constant 0 : i32
    return %arg0, %c0_i32, %c0_i32_0 : i32, i32, i32
  }
}

module attributes {stable_mosaic.version = 14 : i64} {
  func.func @_dec_body(%arg0: i32, %arg1: memref<1x2048x256xf32, #tpu.memory_space<vmem>>, %arg2: memref<1x1x2048xf32, #tpu.memory_space<vmem>>, %arg3: memref<1x2048x256xf32, #tpu.memory_space<vmem>>, %arg4: memref<1x2048x256xf32, #tpu.memory_space<vmem>>, %arg5: memref<2x256x256xf32, #tpu.memory_space<vmem>>, %arg6: memref<2x1x256xf32, #tpu.memory_space<vmem>>, %arg7: memref<2x256x256xf32, #tpu.memory_space<vmem>>, %arg8: memref<2x1x256xf32, #tpu.memory_space<vmem>>, %arg9: memref<1x1x2xf32, #tpu.memory_space<vmem>>, %arg10: memref<1x2048x256xf32, #tpu.memory_space<vmem>>, %arg11: memref<2048x512xf32, #tpu.memory_space<vmem>>, %arg12: memref<1x2048xf32, #tpu.memory_space<vmem>>) attributes {dimension_semantics = [#tpu.dimension_semantics<arbitrary>], iteration_bounds = array<i64: 4>, scalar_prefetch = 0 : i64, scratch_operands = 2 : i64, tpu.core_type = #tpu.core_type<tc>, window_params = [{transform_indices = @transform_0, window_bounds = array<i64: 1, 2048, 256>}, {transform_indices = @transform_1, window_bounds = array<i64: 1, 1, 2048>}, {transform_indices = @transform_2, window_bounds = array<i64: 1, 2048, 256>}, {transform_indices = @transform_3, window_bounds = array<i64: 1, 2048, 256>}, {pipeline_mode = #tpu.pipeline_mode<synchronous>, transform_indices = @transform_4, window_bounds = array<i64: 2, 256, 256>}, {pipeline_mode = #tpu.pipeline_mode<synchronous>, transform_indices = @transform_5, window_bounds = array<i64: 2, 1, 256>}, {pipeline_mode = #tpu.pipeline_mode<synchronous>, transform_indices = @transform_6, window_bounds = array<i64: 2, 256, 256>}, {pipeline_mode = #tpu.pipeline_mode<synchronous>, transform_indices = @transform_7, window_bounds = array<i64: 2, 1, 256>}, {pipeline_mode = #tpu.pipeline_mode<synchronous>, transform_indices = @transform_8, window_bounds = array<i64: 1, 1, 2>}, {transform_indices = @transform_9, window_bounds = array<i64: 1, 2048, 256>}]} {
    %get3A = arith.constant 0 : index
    %get3A_0 = arith.constant 0 : index
    %get3A_1 = arith.constant 0 : index
    %get3A_2 = vector.load %arg2[%get3A, %get3A_0, %get3A_1] : memref<1x1x2048xf32, #tpu.memory_space<vmem>>, vector<1x1x2048xf32>
    %get3A_3 = vector.shape_cast %get3A_2 : vector<1x1x2048xf32> to vector<1x2048xf32>
    %gt3A = arith.constant 5.000000e-01 : f32
    %gt3A_4 = vector.broadcast %gt3A : f32 to vector<1x2048xf32>
    %gt3A_5 = arith.cmpf ogt, %get3A_3, %gt3A_4 : vector<1x2048xf32>
    %get3A_6 = arith.constant 0 : index
    %get3A_7 = arith.constant 0 : index
    %get3A_8 = arith.constant 0 : index
    %get3A_9 = vector.load %arg9[%get3A_6, %get3A_7, %get3A_8] : memref<1x1x2xf32, #tpu.memory_space<vmem>>, vector<1x1x2xf32>
    %get3A_10 = vector.shape_cast %get3A_9 : vector<1x1x2xf32> to vector<1x2xf32>
    %get3A_11 = arith.constant 0 : index
    %get3A_12 = arith.constant 0 : index
    %get3A_13 = arith.constant 0 : index
    %get3A_14 = vector.load %arg1[%get3A_11, %get3A_12, %get3A_13] : memref<1x2048x256xf32, #tpu.memory_space<vmem>>, vector<1x2048x256xf32>
    %get3A_15 = vector.shape_cast %get3A_14 : vector<1x2048x256xf32> to vector<2048x256xf32>
    %mul3A = arith.mulf %get3A_15, %get3A_15 : vector<2048x256xf32>
    %reduce_sum3A = arith.constant dense<0.000000e+00> : vector<2048xf32>
    %reduce_sum3A_16 = vector.multi_reduction <add>, %mul3A, %reduce_sum3A [1] : vector<2048x256xf32> to vector<2048xf32>
    %broadcast_in_dim3A = vector.shape_cast %reduce_sum3A_16 : vector<2048xf32> to vector<2048x1xf32>
    %div3A = arith.constant 2.560000e+02 : f32
    %div3A_17 = vector.broadcast %div3A : f32 to vector<2048x1xf32>
    %div3A_18 = arith.divf %broadcast_in_dim3A, %div3A_17 : vector<2048x1xf32>
    %add3A = arith.constant 9.99999997E-7 : f32
    %add3A_19 = vector.broadcast %add3A : f32 to vector<2048x1xf32>
    %add3A_20 = arith.addf %div3A_18, %add3A_19 : vector<2048x1xf32>
    %rsqrt3A = math.rsqrt %add3A_20 : vector<2048x1xf32>
    %mul3A_21 = vector.broadcast %rsqrt3A : vector<2048x1xf32> to vector<2048x256xf32>
    %mul3A_22 = arith.mulf %get3A_15, %mul3A_21 : vector<2048x256xf32>
    %get3A_23 = arith.constant 0 : index
    %get3A_24 = arith.constant 0 : index
    %get3A_25 = arith.constant 0 : index
    %get3A_26 = vector.load %arg5[%get3A_23, %get3A_24, %get3A_25] : memref<2x256x256xf32, #tpu.memory_space<vmem>>, vector<1x256x256xf32>
    %get3A_27 = vector.shape_cast %get3A_26 : vector<1x256x256xf32> to vector<256x256xf32>
    %get3A_28 = arith.constant 0 : index
    %get3A_29 = arith.constant 0 : index
    %get3A_30 = arith.constant 0 : index
    %get3A_31 = vector.load %arg6[%get3A_28, %get3A_29, %get3A_30] : memref<2x1x256xf32, #tpu.memory_space<vmem>>, vector<1x1x256xf32>
    %get3A_32 = vector.shape_cast %get3A_31 : vector<1x1x256xf32> to vector<1x256xf32>
    %get3A_33 = arith.constant 0 : index
    %get3A_34 = arith.constant 0 : index
    %get3A_35 = arith.constant 0 : index
    %get3A_36 = vector.load %arg7[%get3A_33, %get3A_34, %get3A_35] : memref<2x256x256xf32, #tpu.memory_space<vmem>>, vector<1x256x256xf32>
    %get3A_37 = vector.shape_cast %get3A_36 : vector<1x256x256xf32> to vector<256x256xf32>
    %get3A_38 = arith.constant 0 : index
    %get3A_39 = arith.constant 0 : index
    %get3A_40 = arith.constant 0 : index
    %get3A_41 = vector.load %arg8[%get3A_38, %get3A_39, %get3A_40] : memref<2x1x256xf32, #tpu.memory_space<vmem>>, vector<1x1x256xf32>
    %get3A_42 = vector.shape_cast %get3A_41 : vector<1x1x256xf32> to vector<1x256xf32>
    %dot_general3A = arith.constant dense<0.000000e+00> : vector<2048x256xf32>
    %dot_general3A_43 = tpu.matmul %mul3A_22, %get3A_27, %dot_general3A {dimension_numbers = #tpu.dot_dimension_numbers<[1], [1], [0], [0], [0, 0, 1, 0], [], []>, transpose_lhs_hint = false} : vector<2048x256xf32>, vector<256x256xf32>, vector<2048x256xf32> -> vector<2048x256xf32>
    %add3A_44 = vector.broadcast %get3A_32 : vector<1x256xf32> to vector<2048x256xf32>
    %add3A_45 = arith.addf %dot_general3A_43, %add3A_44 : vector<2048x256xf32>
    %dot_general3A_46 = arith.constant dense<0.000000e+00> : vector<2048x256xf32>
    %dot_general3A_47 = tpu.matmul %mul3A_22, %get3A_37, %dot_general3A_46 {dimension_numbers = #tpu.dot_dimension_numbers<[1], [1], [0], [0], [0, 0, 1, 0], [], []>, transpose_lhs_hint = false} : vector<2048x256xf32>, vector<256x256xf32>, vector<2048x256xf32> -> vector<2048x256xf32>
    %add3A_48 = vector.broadcast %get3A_42 : vector<1x256xf32> to vector<2048x256xf32>
    %add3A_49 = arith.addf %dot_general3A_47, %add3A_48 : vector<2048x256xf32>
    %slice3A = vector.extract_strided_slice %add3A_49 {offsets = [1, 0], sizes = [2047, 256], strides = [1, 1]} : vector<2048x256xf32> to vector<2047x256xf32>
    %broadcast_in_dim3A_50 = arith.constant 0.000000e+00 : f32
    %broadcast_in_dim3A_51 = vector.broadcast %broadcast_in_dim3A_50 : f32 to vector<1x256xf32>
    %concatenate3A = tpu.concatenate %slice3A, %broadcast_in_dim3A_51 in 0 : vector<2047x256xf32>, vector<1x256xf32> -> vector<2048x256xf32>
    %mul3A_52 = arith.mulf %add3A_45, %add3A_45 : vector<2048x256xf32>
    %reduce_sum3A_53 = arith.constant dense<0.000000e+00> : vector<2048xf32>
    %reduce_sum3A_54 = vector.multi_reduction <add>, %mul3A_52, %reduce_sum3A_53 [1] : vector<2048x256xf32> to vector<2048xf32>
    %broadcast_in_dim3A_55 = vector.shape_cast %reduce_sum3A_54 : vector<2048xf32> to vector<2048x1xf32>
    %sqrt3A = math.sqrt %broadcast_in_dim3A_55 : vector<2048x1xf32>
    %mul3A_56 = arith.mulf %concatenate3A, %concatenate3A : vector<2048x256xf32>
    %reduce_sum3A_57 = arith.constant dense<0.000000e+00> : vector<2048xf32>
    %reduce_sum3A_58 = vector.multi_reduction <add>, %mul3A_56, %reduce_sum3A_57 [1] : vector<2048x256xf32> to vector<2048xf32>
    %broadcast_in_dim3A_59 = vector.shape_cast %reduce_sum3A_58 : vector<2048xf32> to vector<2048x1xf32>
    %sqrt3A_60 = math.sqrt %broadcast_in_dim3A_59 : vector<2048x1xf32>
    %max3A = arith.constant 9.99999996E-13 : f32
    %max3A_61 = vector.broadcast %max3A : f32 to vector<2048x1xf32>
    %max3A_62 = arith.maximumf %sqrt3A, %max3A_61 : vector<2048x1xf32>
    %div3A_63 = vector.broadcast %max3A_62 : vector<2048x1xf32> to vector<2048x256xf32>
    %div3A_64 = arith.divf %add3A_45, %div3A_63 : vector<2048x256xf32>
    %max3A_65 = arith.constant 9.99999996E-13 : f32
    %max3A_66 = vector.broadcast %max3A_65 : f32 to vector<2048x1xf32>
    %max3A_67 = arith.maximumf %sqrt3A_60, %max3A_66 : vector<2048x1xf32>
    %div3A_68 = vector.broadcast %max3A_67 : vector<2048x1xf32> to vector<2048x256xf32>
    %div3A_69 = arith.divf %concatenate3A, %div3A_68 : vector<2048x256xf32>
    %mul3A_70 = arith.mulf %div3A_64, %div3A_69 : vector<2048x256xf32>
    %reduce_sum3A_71 = arith.constant dense<0.000000e+00> : vector<2048xf32>
    %reduce_sum3A_72 = vector.multi_reduction <add>, %mul3A_70, %reduce_sum3A_71 [1] : vector<2048x256xf32> to vector<2048xf32>
    %broadcast_in_dim3A_73 = vector.shape_cast %reduce_sum3A_72 : vector<2048xf32> to vector<2048x1xf32>
    %sub3A = arith.constant 1.000000e+00 : f32
    %sub3A_74 = vector.broadcast %sub3A : f32 to vector<2048x1xf32>
    %sub3A_75 = arith.subf %sub3A_74, %broadcast_in_dim3A_73 : vector<2048x1xf32>
    %mul3A_76 = arith.constant 5.000000e-01 : f32
    %mul3A_77 = vector.broadcast %mul3A_76 : f32 to vector<2048x1xf32>
    %mul3A_78 = arith.mulf %mul3A_77, %sub3A_75 : vector<2048x1xf32>
    %jit3A = arith.constant 0.000000e+00 : f32
    %jit3A_79 = arith.constant 1.000000e+00 : f32
    %max3A_80 = vector.broadcast %jit3A : f32 to vector<2048x1xf32>
    %max3A_81 = arith.maximumf %max3A_80, %mul3A_78 : vector<2048x1xf32>
    %min3A = vector.broadcast %jit3A_79 : f32 to vector<2048x1xf32>
    %min3A_82 = arith.minimumf %min3A, %max3A_81 : vector<2048x1xf32>
    %broadcast_in_dim3A_83 = arith.constant 1.000000e+00 : f32
    %broadcast_in_dim3A_84 = vector.broadcast %broadcast_in_dim3A_83 : f32 to vector<1x1xf32>
    %slice3A_85 = vector.extract_strided_slice %min3A_82 {offsets = [0, 0], sizes = [2047, 1], strides = [1, 1]} : vector<2048x1xf32> to vector<2047x1xf32>
    %concatenate3A_86 = tpu.concatenate %broadcast_in_dim3A_84, %slice3A_85 in 0 : vector<1x1xf32>, vector<2047x1xf32> -> vector<2048x1xf32>
    %iota3A = tpu.iota {dimensions = array<i32: 0>} : vector<256x256xi32>
    %iota3A_87 = tpu.iota {dimensions = array<i32: 1>} : vector<256x256xi32>
    %eq3A = arith.cmpi eq, %iota3A, %iota3A_87 : vector<256x256xi32>
    %slice3A_88 = vector.extract_strided_slice %concatenate3A_86 {offsets = [0, 0], sizes = [256, 1], strides = [1, 1]} : vector<2048x1xf32> to vector<256x1xf32>
    %broadcast_in_dim3A_89 = vector.shape_cast %slice3A_88 : vector<256x1xf32> to vector<256x1xf32>
    %broadcast_in_dim3A_90 = vector.broadcast %broadcast_in_dim3A_89 : vector<256x1xf32> to vector<256x256xf32>
    %jit3A_91 = arith.constant 0.000000e+00 : f32
    %broadcast_in_dim3A_92 = vector.broadcast %jit3A_91 : f32 to vector<256x256xf32>
    %select_n3A = arith.select %eq3A, %broadcast_in_dim3A_90, %broadcast_in_dim3A_92 : vector<256x256xi1>, vector<256x256xf32>
    %reduce_sum3A_93 = arith.constant dense<0.000000e+00> : vector<256xf32>
    %reduce_sum3A_94 = vector.multi_reduction <add>, %select_n3A, %reduce_sum3A_93 [0] : vector<256x256xf32> to vector<256xf32>
    %broadcast_in_dim3A_95 = vector.shape_cast %reduce_sum3A_94 : vector<256xf32> to vector<1x256xf32>
    %slice3A_96 = vector.extract_strided_slice %concatenate3A_86 {offsets = [256, 0], sizes = [256, 1], strides = [1, 1]} : vector<2048x1xf32> to vector<256x1xf32>
    %broadcast_in_dim3A_97 = vector.shape_cast %slice3A_96 : vector<256x1xf32> to vector<256x1xf32>
    %broadcast_in_dim3A_98 = vector.broadcast %broadcast_in_dim3A_97 : vector<256x1xf32> to vector<256x256xf32>
    %jit3A_99 = arith.constant 0.000000e+00 : f32
    %broadcast_in_dim3A_100 = vector.broadcast %jit3A_99 : f32 to vector<256x256xf32>
    %select_n3A_101 = arith.select %eq3A, %broadcast_in_dim3A_98, %broadcast_in_dim3A_100 : vector<256x256xi1>, vector<256x256xf32>
    %reduce_sum3A_102 = arith.constant dense<0.000000e+00> : vector<256xf32>
    %reduce_sum3A_103 = vector.multi_reduction <add>, %select_n3A_101, %reduce_sum3A_102 [0] : vector<256x256xf32> to vector<256xf32>
    %broadcast_in_dim3A_104 = vector.shape_cast %reduce_sum3A_103 : vector<256xf32> to vector<1x256xf32>
    %slice3A_105 = vector.extract_strided_slice %concatenate3A_86 {offsets = [512, 0], sizes = [256, 1], strides = [1, 1]} : vector<2048x1xf32> to vector<256x1xf32>
    %broadcast_in_dim3A_106 = vector.shape_cast %slice3A_105 : vector<256x1xf32> to vector<256x1xf32>
    %broadcast_in_dim3A_107 = vector.broadcast %broadcast_in_dim3A_106 : vector<256x1xf32> to vector<256x256xf32>
    %jit3A_108 = arith.constant 0.000000e+00 : f32
    %broadcast_in_dim3A_109 = vector.broadcast %jit3A_108 : f32 to vector<256x256xf32>
    %select_n3A_110 = arith.select %eq3A, %broadcast_in_dim3A_107, %broadcast_in_dim3A_109 : vector<256x256xi1>, vector<256x256xf32>
    %reduce_sum3A_111 = arith.constant dense<0.000000e+00> : vector<256xf32>
    %reduce_sum3A_112 = vector.multi_reduction <add>, %select_n3A_110, %reduce_sum3A_111 [0] : vector<256x256xf32> to vector<256xf32>
    %broadcast_in_dim3A_113 = vector.shape_cast %reduce_sum3A_112 : vector<256xf32> to vector<1x256xf32>
    %slice3A_114 = vector.extract_strided_slice %concatenate3A_86 {offsets = [768, 0], sizes = [256, 1], strides = [1, 1]} : vector<2048x1xf32> to vector<256x1xf32>
    %broadcast_in_dim3A_115 = vector.shape_cast %slice3A_114 : vector<256x1xf32> to vector<256x1xf32>
    %broadcast_in_dim3A_116 = vector.broadcast %broadcast_in_dim3A_115 : vector<256x1xf32> to vector<256x256xf32>
    %jit3A_117 = arith.constant 0.000000e+00 : f32
    %broadcast_in_dim3A_118 = vector.broadcast %jit3A_117 : f32 to vector<256x256xf32>
    %select_n3A_119 = arith.select %eq3A, %broadcast_in_dim3A_116, %broadcast_in_dim3A_118 : vector<256x256xi1>, vector<256x256xf32>
    %reduce_sum3A_120 = arith.constant dense<0.000000e+00> : vector<256xf32>
    %reduce_sum3A_121 = vector.multi_reduction <add>, %select_n3A_119, %reduce_sum3A_120 [0] : vector<256x256xf32> to vector<256xf32>
    %broadcast_in_dim3A_122 = vector.shape_cast %reduce_sum3A_121 : vector<256xf32> to vector<1x256xf32>
    %slice3A_123 = vector.extract_strided_slice %concatenate3A_86 {offsets = [1024, 0], sizes = [256, 1], strides = [1, 1]} : vector<2048x1xf32> to vector<256x1xf32>
    %broadcast_in_dim3A_124 = vector.shape_cast %slice3A_123 : vector<256x1xf32> to vector<256x1xf32>
    %broadcast_in_dim3A_125 = vector.broadcast %broadcast_in_dim3A_124 : vector<256x1xf32> to vector<256x256xf32>
    %jit3A_126 = arith.constant 0.000000e+00 : f32
    %broadcast_in_dim3A_127 = vector.broadcast %jit3A_126 : f32 to vector<256x256xf32>
    %select_n3A_128 = arith.select %eq3A, %broadcast_in_dim3A_125, %broadcast_in_dim3A_127 : vector<256x256xi1>, vector<256x256xf32>
    %reduce_sum3A_129 = arith.constant dense<0.000000e+00> : vector<256xf32>
    %reduce_sum3A_130 = vector.multi_reduction <add>, %select_n3A_128, %reduce_sum3A_129 [0] : vector<256x256xf32> to vector<256xf32>
    %broadcast_in_dim3A_131 = vector.shape_cast %reduce_sum3A_130 : vector<256xf32> to vector<1x256xf32>
    %slice3A_132 = vector.extract_strided_slice %concatenate3A_86 {offsets = [1280, 0], sizes = [256, 1], strides = [1, 1]} : vector<2048x1xf32> to vector<256x1xf32>
    %broadcast_in_dim3A_133 = vector.shape_cast %slice3A_132 : vector<256x1xf32> to vector<256x1xf32>
    %broadcast_in_dim3A_134 = vector.broadcast %broadcast_in_dim3A_133 : vector<256x1xf32> to vector<256x256xf32>
    %jit3A_135 = arith.constant 0.000000e+00 : f32
    %broadcast_in_dim3A_136 = vector.broadcast %jit3A_135 : f32 to vector<256x256xf32>
    %select_n3A_137 = arith.select %eq3A, %broadcast_in_dim3A_134, %broadcast_in_dim3A_136 : vector<256x256xi1>, vector<256x256xf32>
    %reduce_sum3A_138 = arith.constant dense<0.000000e+00> : vector<256xf32>
    %reduce_sum3A_139 = vector.multi_reduction <add>, %select_n3A_137, %reduce_sum3A_138 [0] : vector<256x256xf32> to vector<256xf32>
    %broadcast_in_dim3A_140 = vector.shape_cast %reduce_sum3A_139 : vector<256xf32> to vector<1x256xf32>
    %slice3A_141 = vector.extract_strided_slice %concatenate3A_86 {offsets = [1536, 0], sizes = [256, 1], strides = [1, 1]} : vector<2048x1xf32> to vector<256x1xf32>
    %broadcast_in_dim3A_142 = vector.shape_cast %slice3A_141 : vector<256x1xf32> to vector<256x1xf32>
    %broadcast_in_dim3A_143 = vector.broadcast %broadcast_in_dim3A_142 : vector<256x1xf32> to vector<256x256xf32>
    %jit3A_144 = arith.constant 0.000000e+00 : f32
    %broadcast_in_dim3A_145 = vector.broadcast %jit3A_144 : f32 to vector<256x256xf32>
    %select_n3A_146 = arith.select %eq3A, %broadcast_in_dim3A_143, %broadcast_in_dim3A_145 : vector<256x256xi1>, vector<256x256xf32>
    %reduce_sum3A_147 = arith.constant dense<0.000000e+00> : vector<256xf32>
    %reduce_sum3A_148 = vector.multi_reduction <add>, %select_n3A_146, %reduce_sum3A_147 [0] : vector<256x256xf32> to vector<256xf32>
    %broadcast_in_dim3A_149 = vector.shape_cast %reduce_sum3A_148 : vector<256xf32> to vector<1x256xf32>
    %slice3A_150 = vector.extract_strided_slice %concatenate3A_86 {offsets = [1792, 0], sizes = [256, 1], strides = [1, 1]} : vector<2048x1xf32> to vector<256x1xf32>
    %broadcast_in_dim3A_151 = vector.shape_cast %slice3A_150 : vector<256x1xf32> to vector<256x1xf32>
    %broadcast_in_dim3A_152 = vector.broadcast %broadcast_in_dim3A_151 : vector<256x1xf32> to vector<256x256xf32>
    %jit3A_153 = arith.constant 0.000000e+00 : f32
    %broadcast_in_dim3A_154 = vector.broadcast %jit3A_153 : f32 to vector<256x256xf32>
    %select_n3A_155 = arith.select %eq3A, %broadcast_in_dim3A_152, %broadcast_in_dim3A_154 : vector<256x256xi1>, vector<256x256xf32>
    %reduce_sum3A_156 = arith.constant dense<0.000000e+00> : vector<256xf32>
    %reduce_sum3A_157 = vector.multi_reduction <add>, %select_n3A_155, %reduce_sum3A_156 [0] : vector<256x256xf32> to vector<256xf32>
    %broadcast_in_dim3A_158 = vector.shape_cast %reduce_sum3A_157 : vector<256xf32> to vector<1x256xf32>
    %concatenate3A_159 = tpu.concatenate %broadcast_in_dim3A_95, %broadcast_in_dim3A_104, %broadcast_in_dim3A_113, %broadcast_in_dim3A_122, %broadcast_in_dim3A_131, %broadcast_in_dim3A_140, %broadcast_in_dim3A_149, %broadcast_in_dim3A_158 in 1 : vector<1x256xf32>, vector<1x256xf32>, vector<1x256xf32>, vector<1x256xf32>, vector<1x256xf32>, vector<1x256xf32>, vector<1x256xf32>, vector<1x256xf32> -> vector<1x2048xf32>
    %gt3A_160 = arith.constant 5.000000e-01 : f32
    %gt3A_161 = vector.broadcast %gt3A_160 : f32 to vector<1x2048xf32>
    %gt3A_162 = arith.cmpf ogt, %concatenate3A_159, %gt3A_161 : vector<1x2048xf32>
    %and3A = arith.andi %gt3A_162, %gt3A_5 : vector<1x2048xi1>
    %get3A_163 = arith.constant 0 : index
    %get3A_164 = arith.constant 0 : index
    %get3A_165 = arith.constant 0 : index
    %get3A_166 = vector.load %arg3[%get3A_163, %get3A_164, %get3A_165] : memref<1x2048x256xf32, #tpu.memory_space<vmem>>, vector<1x2048x256xf32>
    %get3A_167 = vector.shape_cast %get3A_166 : vector<1x2048x256xf32> to vector<2048x256xf32>
    %swap3A = arith.constant 0 : index
    %swap3A_168 = arith.constant 0 : index
    %swap3A_169 = vector.load %arg11[%swap3A, %swap3A_168] : memref<2048x512xf32, #tpu.memory_space<vmem>>, vector<2048x256xf32>
    tpu.vector_store %arg11[%swap3A, %swap3A_168], %mul3A_22 {strides = array<i32>} : memref<2048x512xf32, #tpu.memory_space<vmem>>, vector<2048x256xf32>,
    %swap3A_170 = arith.constant 0 : index
    %swap3A_171 = arith.constant 256 : index
    %swap3A_172 = vector.load %arg11[%swap3A_170, %swap3A_171] : memref<2048x512xf32, #tpu.memory_space<vmem>>, vector<2048x256xf32>
    tpu.vector_store %arg11[%swap3A_170, %swap3A_171], %get3A_167 {strides = array<i32>} : memref<2048x512xf32, #tpu.memory_space<vmem>>, vector<2048x256xf32>,
    %jit3A_173 = arith.constant 9.99999974E-5 : f32
    %jit3A_174 = arith.constant 0.999899983 : f32
    %max3A_175 = vector.broadcast %jit3A_173 : f32 to vector<1x2048xf32>
    %max3A_176 = arith.maximumf %max3A_175, %concatenate3A_159 : vector<1x2048xf32>
    %min3A_177 = vector.broadcast %jit3A_174 : f32 to vector<1x2048xf32>
    %min3A_178 = arith.minimumf %min3A_177, %max3A_176 : vector<1x2048xf32>
    %convert_element_type3A = arith.extui %and3A : vector<1x2048xi1> to vector<1x2048xi32>
    %convert_element_type3A_179 = arith.sitofp %convert_element_type3A : vector<1x2048xi32> to vector<1x2048xf32>
    %broadcast_in_dim3A_180 = arith.constant 0.000000e+00 : f32
    %broadcast_in_dim3A_181 = vector.broadcast %broadcast_in_dim3A_180 : f32 to vector<1x1xf32>
    %slice3A_182 = vector.extract_strided_slice %convert_element_type3A_179 {offsets = [0, 0], sizes = [1, 2047], strides = [1, 1]} : vector<1x2048xf32> to vector<1x2047xf32>
    %concatenate3A_183 = tpu.concatenate %broadcast_in_dim3A_181, %slice3A_182 in 1 : vector<1x1xf32>, vector<1x2047xf32> -> vector<1x2048xf32>
    %add3A_184 = arith.addf %convert_element_type3A_179, %concatenate3A_183 : vector<1x2048xf32>
    %broadcast_in_dim3A_185 = arith.constant 0.000000e+00 : f32
    %broadcast_in_dim3A_186 = vector.broadcast %broadcast_in_dim3A_185 : f32 to vector<1x2xf32>
    %slice3A_187 = vector.extract_strided_slice %add3A_184 {offsets = [0, 0], sizes = [1, 2046], strides = [1, 1]} : vector<1x2048xf32> to vector<1x2046xf32>
    %concatenate3A_188 = tpu.concatenate %broadcast_in_dim3A_186, %slice3A_187 in 1 : vector<1x2xf32>, vector<1x2046xf32> -> vector<1x2048xf32>
    %add3A_189 = arith.addf %add3A_184, %concatenate3A_188 : vector<1x2048xf32>
    %broadcast_in_dim3A_190 = arith.constant 0.000000e+00 : f32
    %broadcast_in_dim3A_191 = vector.broadcast %broadcast_in_dim3A_190 : f32 to vector<1x4xf32>
    %slice3A_192 = vector.extract_strided_slice %add3A_189 {offsets = [0, 0], sizes = [1, 2044], strides = [1, 1]} : vector<1x2048xf32> to vector<1x2044xf32>
    %concatenate3A_193 = tpu.concatenate %broadcast_in_dim3A_191, %slice3A_192 in 1 : vector<1x4xf32>, vector<1x2044xf32> -> vector<1x2048xf32>
    %add3A_194 = arith.addf %add3A_189, %concatenate3A_193 : vector<1x2048xf32>
    %broadcast_in_dim3A_195 = arith.constant 0.000000e+00 : f32
    %broadcast_in_dim3A_196 = vector.broadcast %broadcast_in_dim3A_195 : f32 to vector<1x8xf32>
    %slice3A_197 = vector.extract_strided_slice %add3A_194 {offsets = [0, 0], sizes = [1, 2040], strides = [1, 1]} : vector<1x2048xf32> to vector<1x2040xf32>
    %concatenate3A_198 = tpu.concatenate %broadcast_in_dim3A_196, %slice3A_197 in 1 : vector<1x8xf32>, vector<1x2040xf32> -> vector<1x2048xf32>
    %add3A_199 = arith.addf %add3A_194, %concatenate3A_198 : vector<1x2048xf32>
    %broadcast_in_dim3A_200 = arith.constant 0.000000e+00 : f32
    %broadcast_in_dim3A_201 = vector.broadcast %broadcast_in_dim3A_200 : f32 to vector<1x16xf32>
    %slice3A_202 = vector.extract_strided_slice %add3A_199 {offsets = [0, 0], sizes = [1, 2032], strides = [1, 1]} : vector<1x2048xf32> to vector<1x2032xf32>
    %concatenate3A_203 = tpu.concatenate %broadcast_in_dim3A_201, %slice3A_202 in 1 : vector<1x16xf32>, vector<1x2032xf32> -> vector<1x2048xf32>
    %add3A_204 = arith.addf %add3A_199, %concatenate3A_203 : vector<1x2048xf32>
    %broadcast_in_dim3A_205 = arith.constant 0.000000e+00 : f32
    %broadcast_in_dim3A_206 = vector.broadcast %broadcast_in_dim3A_205 : f32 to vector<1x32xf32>
    %slice3A_207 = vector.extract_strided_slice %add3A_204 {offsets = [0, 0], sizes = [1, 2016], strides = [1, 1]} : vector<1x2048xf32> to vector<1x2016xf32>
    %concatenate3A_208 = tpu.concatenate %broadcast_in_dim3A_206, %slice3A_207 in 1 : vector<1x32xf32>, vector<1x2016xf32> -> vector<1x2048xf32>
    %add3A_209 = arith.addf %add3A_204, %concatenate3A_208 : vector<1x2048xf32>
    %broadcast_in_dim3A_210 = arith.constant 0.000000e+00 : f32
    %broadcast_in_dim3A_211 = vector.broadcast %broadcast_in_dim3A_210 : f32 to vector<1x64xf32>
    %slice3A_212 = vector.extract_strided_slice %add3A_209 {offsets = [0, 0], sizes = [1, 1984], strides = [1, 1]} : vector<1x2048xf32> to vector<1x1984xf32>
    %concatenate3A_213 = tpu.concatenate %broadcast_in_dim3A_211, %slice3A_212 in 1 : vector<1x64xf32>, vector<1x1984xf32> -> vector<1x2048xf32>
    %add3A_214 = arith.addf %add3A_209, %concatenate3A_213 : vector<1x2048xf32>
    %broadcast_in_dim3A_215 = arith.constant 0.000000e+00 : f32
    %broadcast_in_dim3A_216 = vector.broadcast %broadcast_in_dim3A_215 : f32 to vector<1x128xf32>
    %slice3A_217 = vector.extract_strided_slice %add3A_214 {offsets = [0, 0], sizes = [1, 1920], strides = [1, 1]} : vector<1x2048xf32> to vector<1x1920xf32>
    %concatenate3A_218 = tpu.concatenate %broadcast_in_dim3A_216, %slice3A_217 in 1 : vector<1x128xf32>, vector<1x1920xf32> -> vector<1x2048xf32>
    %add3A_219 = arith.addf %add3A_214, %concatenate3A_218 : vector<1x2048xf32>
    %broadcast_in_dim3A_220 = arith.constant 0.000000e+00 : f32
    %broadcast_in_dim3A_221 = vector.broadcast %broadcast_in_dim3A_220 : f32 to vector<1x256xf32>
    %slice3A_222 = vector.extract_strided_slice %add3A_219 {offsets = [0, 0], sizes = [1, 1792], strides = [1, 1]} : vector<1x2048xf32> to vector<1x1792xf32>
    %concatenate3A_223 = tpu.concatenate %broadcast_in_dim3A_221, %slice3A_222 in 1 : vector<1x256xf32>, vector<1x1792xf32> -> vector<1x2048xf32>
    %add3A_224 = arith.addf %add3A_219, %concatenate3A_223 : vector<1x2048xf32>
    %broadcast_in_dim3A_225 = arith.constant 0.000000e+00 : f32
    %broadcast_in_dim3A_226 = vector.broadcast %broadcast_in_dim3A_225 : f32 to vector<1x512xf32>
    %slice3A_227 = vector.extract_strided_slice %add3A_224 {offsets = [0, 0], sizes = [1, 1536], strides = [1, 1]} : vector<1x2048xf32> to vector<1x1536xf32>
    %concatenate3A_228 = tpu.concatenate %broadcast_in_dim3A_226, %slice3A_227 in 1 : vector<1x512xf32>, vector<1x1536xf32> -> vector<1x2048xf32>
    %add3A_229 = arith.addf %add3A_224, %concatenate3A_228 : vector<1x2048xf32>
    %broadcast_in_dim3A_230 = arith.constant 0.000000e+00 : f32
    %broadcast_in_dim3A_231 = vector.broadcast %broadcast_in_dim3A_230 : f32 to vector<1x1024xf32>
    %slice3A_232 = vector.extract_strided_slice %add3A_229 {offsets = [0, 0], sizes = [1, 1024], strides = [1, 1]} : vector<1x2048xf32> to vector<1x1024xf32>
    %concatenate3A_233 = tpu.concatenate %broadcast_in_dim3A_231, %slice3A_232 in 1 : vector<1x1024xf32>, vector<1x1024xf32> -> vector<1x2048xf32>
    %add3A_234 = arith.addf %add3A_229, %concatenate3A_233 : vector<1x2048xf32>
    %sub3A_235 = arith.constant 1.000000e+00 : f32
    %sub3A_236 = vector.broadcast %sub3A_235 : f32 to vector<1x2048xf32>
    %sub3A_237 = arith.subf %add3A_234, %sub3A_236 : vector<1x2048xf32>
    %max3A_238 = arith.constant 0.000000e+00 : f32
    %max3A_239 = vector.broadcast %max3A_238 : f32 to vector<1x2048xf32>
    %max3A_240 = arith.maximumf %sub3A_237, %max3A_239 : vector<1x2048xf32>
    %swap3A_241 = arith.constant 0 : index
    %swap3A_242 = arith.constant 0 : index
    %swap3A_243 = vector.load %arg12[%swap3A_241, %swap3A_242] : memref<1x2048xf32, #tpu.memory_space<vmem>>, vector<1x2048xf32>
    tpu.vector_store %arg12[%swap3A_241, %swap3A_242], %max3A_240 {strides = array<i32>} : memref<1x2048xf32, #tpu.memory_space<vmem>>, vector<1x2048xf32>,
    %sub3A_244 = arith.constant 1.000000e+00 : f32
    %sub3A_245 = vector.broadcast %sub3A_244 : f32 to vector<1x2048xf32>
    %sub3A_246 = arith.subf %sub3A_245, %min3A_178 : vector<1x2048xf32>
    %log3A = math.log %sub3A_246 : vector<1x2048xf32>
    %broadcast_in_dim3A_247 = arith.constant 0.000000e+00 : f32
    %broadcast_in_dim3A_248 = vector.broadcast %broadcast_in_dim3A_247 : f32 to vector<1x1xf32>
    %slice3A_249 = vector.extract_strided_slice %log3A {offsets = [0, 0], sizes = [1, 2047], strides = [1, 1]} : vector<1x2048xf32> to vector<1x2047xf32>
    %concatenate3A_250 = tpu.concatenate %broadcast_in_dim3A_248, %slice3A_249 in 1 : vector<1x1xf32>, vector<1x2047xf32> -> vector<1x2048xf32>
    %add3A_251 = arith.addf %log3A, %concatenate3A_250 : vector<1x2048xf32>
    %broadcast_in_dim3A_252 = arith.constant 0.000000e+00 : f32
    %broadcast_in_dim3A_253 = vector.broadcast %broadcast_in_dim3A_252 : f32 to vector<1x2xf32>
    %slice3A_254 = vector.extract_strided_slice %add3A_251 {offsets = [0, 0], sizes = [1, 2046], strides = [1, 1]} : vector<1x2048xf32> to vector<1x2046xf32>
    %concatenate3A_255 = tpu.concatenate %broadcast_in_dim3A_253, %slice3A_254 in 1 : vector<1x2xf32>, vector<1x2046xf32> -> vector<1x2048xf32>
    %add3A_256 = arith.addf %add3A_251, %concatenate3A_255 : vector<1x2048xf32>
    %broadcast_in_dim3A_257 = arith.constant 0.000000e+00 : f32
    %broadcast_in_dim3A_258 = vector.broadcast %broadcast_in_dim3A_257 : f32 to vector<1x4xf32>
    %slice3A_259 = vector.extract_strided_slice %add3A_256 {offsets = [0, 0], sizes = [1, 2044], strides = [1, 1]} : vector<1x2048xf32> to vector<1x2044xf32>
    %concatenate3A_260 = tpu.concatenate %broadcast_in_dim3A_258, %slice3A_259 in 1 : vector<1x4xf32>, vector<1x2044xf32> -> vector<1x2048xf32>
    %add3A_261 = arith.addf %add3A_256, %concatenate3A_260 : vector<1x2048xf32>
    %broadcast_in_dim3A_262 = arith.constant 0.000000e+00 : f32
    %broadcast_in_dim3A_263 = vector.broadcast %broadcast_in_dim3A_262 : f32 to vector<1x8xf32>
    %slice3A_264 = vector.extract_strided_slice %add3A_261 {offsets = [0, 0], sizes = [1, 2040], strides = [1, 1]} : vector<1x2048xf32> to vector<1x2040xf32>
    %concatenate3A_265 = tpu.concatenate %broadcast_in_dim3A_263, %slice3A_264 in 1 : vector<1x8xf32>, vector<1x2040xf32> -> vector<1x2048xf32>
    %add3A_266 = arith.addf %add3A_261, %concatenate3A_265 : vector<1x2048xf32>
    %broadcast_in_dim3A_267 = arith.constant 0.000000e+00 : f32
    %broadcast_in_dim3A_268 = vector.broadcast %broadcast_in_dim3A_267 : f32 to vector<1x16xf32>
    %slice3A_269 = vector.extract_strided_slice %add3A_266 {offsets = [0, 0], sizes = [1, 2032], strides = [1, 1]} : vector<1x2048xf32> to vector<1x2032xf32>
    %concatenate3A_270 = tpu.concatenate %broadcast_in_dim3A_268, %slice3A_269 in 1 : vector<1x16xf32>, vector<1x2032xf32> -> vector<1x2048xf32>
    %add3A_271 = arith.addf %add3A_266, %concatenate3A_270 : vector<1x2048xf32>
    %broadcast_in_dim3A_272 = arith.constant 0.000000e+00 : f32
    %broadcast_in_dim3A_273 = vector.broadcast %broadcast_in_dim3A_272 : f32 to vector<1x32xf32>
    %slice3A_274 = vector.extract_strided_slice %add3A_271 {offsets = [0, 0], sizes = [1, 2016], strides = [1, 1]} : vector<1x2048xf32> to vector<1x2016xf32>
    %concatenate3A_275 = tpu.concatenate %broadcast_in_dim3A_273, %slice3A_274 in 1 : vector<1x32xf32>, vector<1x2016xf32> -> vector<1x2048xf32>
    %add3A_276 = arith.addf %add3A_271, %concatenate3A_275 : vector<1x2048xf32>
    %broadcast_in_dim3A_277 = arith.constant 0.000000e+00 : f32
    %broadcast_in_dim3A_278 = vector.broadcast %broadcast_in_dim3A_277 : f32 to vector<1x64xf32>
    %slice3A_279 = vector.extract_strided_slice %add3A_276 {offsets = [0, 0], sizes = [1, 1984], strides = [1, 1]} : vector<1x2048xf32> to vector<1x1984xf32>
    %concatenate3A_280 = tpu.concatenate %broadcast_in_dim3A_278, %slice3A_279 in 1 : vector<1x64xf32>, vector<1x1984xf32> -> vector<1x2048xf32>
    %add3A_281 = arith.addf %add3A_276, %concatenate3A_280 : vector<1x2048xf32>
    %broadcast_in_dim3A_282 = arith.constant 0.000000e+00 : f32
    %broadcast_in_dim3A_283 = vector.broadcast %broadcast_in_dim3A_282 : f32 to vector<1x128xf32>
    %slice3A_284 = vector.extract_strided_slice %add3A_281 {offsets = [0, 0], sizes = [1, 1920], strides = [1, 1]} : vector<1x2048xf32> to vector<1x1920xf32>
    %concatenate3A_285 = tpu.concatenate %broadcast_in_dim3A_283, %slice3A_284 in 1 : vector<1x128xf32>, vector<1x1920xf32> -> vector<1x2048xf32>
    %add3A_286 = arith.addf %add3A_281, %concatenate3A_285 : vector<1x2048xf32>
    %broadcast_in_dim3A_287 = arith.constant 0.000000e+00 : f32
    %broadcast_in_dim3A_288 = vector.broadcast %broadcast_in_dim3A_287 : f32 to vector<1x256xf32>
    %slice3A_289 = vector.extract_strided_slice %add3A_286 {offsets = [0, 0], sizes = [1, 1792], strides = [1, 1]} : vector<1x2048xf32> to vector<1x1792xf32>
    %concatenate3A_290 = tpu.concatenate %broadcast_in_dim3A_288, %slice3A_289 in 1 : vector<1x256xf32>, vector<1x1792xf32> -> vector<1x2048xf32>
    %add3A_291 = arith.addf %add3A_286, %concatenate3A_290 : vector<1x2048xf32>
    %broadcast_in_dim3A_292 = arith.constant 0.000000e+00 : f32
    %broadcast_in_dim3A_293 = vector.broadcast %broadcast_in_dim3A_292 : f32 to vector<1x512xf32>
    %slice3A_294 = vector.extract_strided_slice %add3A_291 {offsets = [0, 0], sizes = [1, 1536], strides = [1, 1]} : vector<1x2048xf32> to vector<1x1536xf32>
    %concatenate3A_295 = tpu.concatenate %broadcast_in_dim3A_293, %slice3A_294 in 1 : vector<1x512xf32>, vector<1x1536xf32> -> vector<1x2048xf32>
    %add3A_296 = arith.addf %add3A_291, %concatenate3A_295 : vector<1x2048xf32>
    %broadcast_in_dim3A_297 = arith.constant 0.000000e+00 : f32
    %broadcast_in_dim3A_298 = vector.broadcast %broadcast_in_dim3A_297 : f32 to vector<1x1024xf32>
    %slice3A_299 = vector.extract_strided_slice %add3A_296 {offsets = [0, 0], sizes = [1, 1024], strides = [1, 1]} : vector<1x2048xf32> to vector<1x1024xf32>
    %concatenate3A_300 = tpu.concatenate %broadcast_in_dim3A_298, %slice3A_299 in 1 : vector<1x1024xf32>, vector<1x1024xf32> -> vector<1x2048xf32>
    %add3A_301 = arith.addf %add3A_296, %concatenate3A_300 : vector<1x2048xf32>
    %broadcast_in_dim3A_302 = arith.constant 0.000000e+00 : f32
    %broadcast_in_dim3A_303 = vector.broadcast %broadcast_in_dim3A_302 : f32 to vector<1x1xf32>
    %slice3A_304 = vector.extract_strided_slice %add3A_301 {offsets = [0, 0], sizes = [1, 2047], strides = [1, 1]} : vector<1x2048xf32> to vector<1x2047xf32>
    %concatenate3A_305 = tpu.concatenate %broadcast_in_dim3A_303, %slice3A_304 in 1 : vector<1x1xf32>, vector<1x2047xf32> -> vector<1x2048xf32>
    %iota3A_306 = tpu.iota {dimensions = array<i32: 0>} : vector<256x256xi32>
    %iota3A_307 = tpu.iota {dimensions = array<i32: 1>} : vector<256x256xi32>
    %ge3A = arith.cmpi sge, %iota3A_306, %iota3A_307 : vector<256x256xi32>
    %iota3A_308 = tpu.iota {dimensions = array<i32: 1>} : vector<1x384xi32>
    %convert_element_type3A_309 = arith.sitofp %iota3A_308 : vector<1x384xi32> to vector<1x384xf32>
    %broadcast_in_dim3A_310 = arith.constant 0.000000e+00 : f32
    %broadcast_in_dim3A_311 = vector.broadcast %broadcast_in_dim3A_310 : f32 to vector<1x512xf32>
    %slice3A_312 = vector.extract_strided_slice %concatenate3A_305 {offsets = [0, 0], sizes = [1, 256], strides = [1, 1]} : vector<1x2048xf32> to vector<1x256xf32>
    %slice3A_313 = vector.extract_strided_slice %min3A_178 {offsets = [0, 0], sizes = [1, 256], strides = [1, 1]} : vector<1x2048xf32> to vector<1x256xf32>
    %slice3A_314 = vector.extract_strided_slice %max3A_240 {offsets = [0, 0], sizes = [1, 256], strides = [1, 1]} : vector<1x2048xf32> to vector<1x256xf32>
    %iota3A_315 = tpu.iota {dimensions = array<i32: 0>} : vector<256x256xi32>
    %iota3A_316 = tpu.iota {dimensions = array<i32: 1>} : vector<256x256xi32>
    %eq3A_317 = arith.cmpi eq, %iota3A_315, %iota3A_316 : vector<256x256xi32>
    %broadcast_in_dim3A_318 = vector.shape_cast %slice3A_314 : vector<1x256xf32> to vector<1x256xf32>
    %broadcast_in_dim3A_319 = vector.broadcast %broadcast_in_dim3A_318 : vector<1x256xf32> to vector<256x256xf32>
    %jit3A_320 = arith.constant 0.000000e+00 : f32
    %broadcast_in_dim3A_321 = vector.broadcast %jit3A_320 : f32 to vector<256x256xf32>
    %select_n3A_322 = arith.select %eq3A_317, %broadcast_in_dim3A_319, %broadcast_in_dim3A_321 : vector<256x256xi1>, vector<256x256xf32>
    %reduce_sum3A_323 = arith.constant dense<0.000000e+00> : vector<256xf32>
    %reduce_sum3A_324 = vector.multi_reduction <add>, %select_n3A_322, %reduce_sum3A_323 [1] : vector<256x256xf32> to vector<256xf32>
    %broadcast_in_dim3A_325 = vector.shape_cast %reduce_sum3A_324 : vector<256xf32> to vector<256x1xf32>
    %iota3A_326 = tpu.iota {dimensions = array<i32: 0>} : vector<256x256xi32>
    %iota3A_327 = tpu.iota {dimensions = array<i32: 1>} : vector<256x256xi32>
    %eq3A_328 = arith.cmpi eq, %iota3A_326, %iota3A_327 : vector<256x256xi32>
    %broadcast_in_dim3A_329 = vector.shape_cast %slice3A_312 : vector<1x256xf32> to vector<1x256xf32>
    %broadcast_in_dim3A_330 = vector.broadcast %broadcast_in_dim3A_329 : vector<1x256xf32> to vector<256x256xf32>
    %jit3A_331 = arith.constant 0.000000e+00 : f32
    %broadcast_in_dim3A_332 = vector.broadcast %jit3A_331 : f32 to vector<256x256xf32>
    %select_n3A_333 = arith.select %eq3A_328, %broadcast_in_dim3A_330, %broadcast_in_dim3A_332 : vector<256x256xi1>, vector<256x256xf32>
    %reduce_sum3A_334 = arith.constant dense<0.000000e+00> : vector<256xf32>
    %reduce_sum3A_335 = vector.multi_reduction <add>, %select_n3A_333, %reduce_sum3A_334 [1] : vector<256x256xf32> to vector<256xf32>
    %broadcast_in_dim3A_336 = vector.shape_cast %reduce_sum3A_335 : vector<256xf32> to vector<256x1xf32>
    %get3A_337 = arith.constant 0 : index
    %get3A_338 = arith.constant 0 : index
    %get3A_339 = vector.load %arg12[%get3A_337, %get3A_338] : memref<1x2048xf32, #tpu.memory_space<vmem>>, vector<1x1xf32>
    %get3A_340 = vector.extract %get3A_339[0, 0] : f32 from vector<1x1xf32>
    %convert_element_type3A_341 = arith.fptosi %get3A_340 : f32 to i32
    %jit3A_342 = arith.constant 128 : i32
    %div3A_343 = arith.divsi %convert_element_type3A_341, %jit3A_342 : i32
    %sign3A = arith.constant 0 : i32
    %sign3A_344 = arith.cmpi sgt, %convert_element_type3A_341, %sign3A : i32
    %sign3A_345 = arith.extui %sign3A_344 : i1 to i32
    %sign3A_346 = arith.constant 0 : i32
    %sign3A_347 = arith.cmpi slt, %convert_element_type3A_341, %sign3A_346 : i32
    %sign3A_348 = arith.extui %sign3A_347 : i1 to i32
    %sign3A_349 = arith.subi %sign3A_345, %sign3A_348 : i32
    %sign3A_350 = arith.constant 0 : i32
    %sign3A_351 = arith.cmpi sgt, %jit3A_342, %sign3A_350 : i32
    %sign3A_352 = arith.extui %sign3A_351 : i1 to i32
    %sign3A_353 = arith.constant 0 : i32
    %sign3A_354 = arith.cmpi slt, %jit3A_342, %sign3A_353 : i32
    %sign3A_355 = arith.extui %sign3A_354 : i1 to i32
    %sign3A_356 = arith.subi %sign3A_352, %sign3A_355 : i32
    %ne3A = arith.cmpi ne, %sign3A_349, %sign3A_356 : i32
    %rem3A = arith.remsi %convert_element_type3A_341, %jit3A_342 : i32
    %ne3A_357 = arith.constant 0 : i32
    %ne3A_358 = arith.cmpi ne, %rem3A, %ne3A_357 : i32
    %and3A_359 = arith.andi %ne3A, %ne3A_358 : i1
    %sub3A_360 = arith.constant 1 : i32
    %sub3A_361 = arith.subi %div3A_343, %sub3A_360 : i32
    %select_n3A_362 = arith.select %and3A_359, %sub3A_361, %div3A_343 : i32
    %mul3A_363 = arith.constant 128 : i32
    %mul3A_364 = arith.muli %select_n3A_362, %mul3A_363 : i32
    %min3A_365 = arith.constant 1664 : i32
    %min3A_366 = arith.minsi %mul3A_364, %min3A_365 : i32
    %get3A_367 = arith.index_cast %min3A_366 : i32 to index
    %get3A_368 = arith.constant 0 : index
    %get3A_369 = vector.load %arg11[%get3A_367, %get3A_368] : memref<2048x512xf32, #tpu.memory_space<vmem>>, vector<384x512xf32>
    %convert_element_type3A_370 = arith.sitofp %min3A_366 : i32 to f32
    %sub3A_371 = vector.broadcast %convert_element_type3A_370 : f32 to vector<256x1xf32>
    %sub3A_372 = arith.subf %broadcast_in_dim3A_325, %sub3A_371 : vector<256x1xf32>
    %eq3A_373 = vector.broadcast %sub3A_372 : vector<256x1xf32> to vector<256x384xf32>
    %eq3A_374 = vector.broadcast %convert_element_type3A_309 : vector<1x384xf32> to vector<256x384xf32>
    %eq3A_375 = arith.cmpf oeq, %eq3A_373, %eq3A_374 : vector<256x384xf32>
    %jit3A_376 = arith.constant 1.000000e+00 : f32
    %jit3A_377 = arith.constant 0.000000e+00 : f32
    %broadcast_in_dim3A_378 = vector.broadcast %jit3A_376 : f32 to vector<256x384xf32>
    %broadcast_in_dim3A_379 = vector.broadcast %jit3A_377 : f32 to vector<256x384xf32>
    %select_n3A_380 = arith.select %eq3A_375, %broadcast_in_dim3A_378, %broadcast_in_dim3A_379 : vector<256x384xi1>, vector<256x384xf32>
    %dot_general3A_381 = arith.constant dense<0.000000e+00> : vector<256x512xf32>
    %dot_general3A_382 = tpu.matmul %select_n3A_380, %get3A_369, %dot_general3A_381 {dimension_numbers = #tpu.dot_dimension_numbers<[1], [0], [0], [1], [0, 0, 1, 1], [], []>, transpose_lhs_hint = false} : vector<256x384xf32>, vector<384x512xf32>, vector<256x512xf32> -> vector<256x512xf32>
    %sub3A_383 = vector.broadcast %broadcast_in_dim3A_336 : vector<256x1xf32> to vector<256x256xf32>
    %sub3A_384 = vector.broadcast %slice3A_312 : vector<1x256xf32> to vector<256x256xf32>
    %sub3A_385 = arith.subf %sub3A_383, %sub3A_384 : vector<256x256xf32>
    %exp3A = math.exp %sub3A_385 : vector<256x256xf32>
    %mul3A_386 = vector.broadcast %slice3A_313 : vector<1x256xf32> to vector<256x256xf32>
    %mul3A_387 = arith.mulf %mul3A_386, %exp3A : vector<256x256xf32>
    %jit3A_388 = arith.constant 0.000000e+00 : f32
    %broadcast_in_dim3A_389 = vector.broadcast %jit3A_388 : f32 to vector<256x256xf32>
    %select_n3A_390 = arith.select %ge3A, %mul3A_387, %broadcast_in_dim3A_389 : vector<256x256xi1>, vector<256x256xf32>
    %dot_general3A_391 = arith.constant dense<0.000000e+00> : vector<256x512xf32>
    %dot_general3A_392 = tpu.matmul %select_n3A_390, %dot_general3A_382, %dot_general3A_391 {dimension_numbers = #tpu.dot_dimension_numbers<[1], [0], [0], [1], [0, 0, 1, 1], [], []>, transpose_lhs_hint = false} : vector<256x256xf32>, vector<256x512xf32>, vector<256x512xf32> -> vector<256x512xf32>
    %slice3A_393 = vector.extract_strided_slice %slice3A_312 {offsets = [0, 0], sizes = [1, 1], strides = [1, 1]} : vector<1x256xf32> to vector<1x1xf32>
    %sub3A_394 = vector.broadcast %slice3A_393 : vector<1x1xf32> to vector<256x1xf32>
    %sub3A_395 = arith.subf %broadcast_in_dim3A_336, %sub3A_394 : vector<256x1xf32>
    %exp3A_396 = math.exp %sub3A_395 : vector<256x1xf32>
    %mul3A_397 = vector.broadcast %exp3A_396 : vector<256x1xf32> to vector<256x512xf32>
    %mul3A_398 = vector.broadcast %broadcast_in_dim3A_311 : vector<1x512xf32> to vector<256x512xf32>
    %mul3A_399 = arith.mulf %mul3A_397, %mul3A_398 : vector<256x512xf32>
    %add3A_400 = arith.addf %dot_general3A_392, %mul3A_399 : vector<256x512xf32>
    %slice3A_401 = vector.extract_strided_slice %slice3A_313 {offsets = [0, 255], sizes = [1, 1], strides = [1, 1]} : vector<1x256xf32> to vector<1x1xf32>
    %slice3A_402 = vector.extract_strided_slice %add3A_400 {offsets = [255, 0], sizes = [1, 512], strides = [1, 1]} : vector<256x512xf32> to vector<1x512xf32>
    %sub3A_403 = arith.constant 1.000000e+00 : f32
    %sub3A_404 = vector.broadcast %sub3A_403 : f32 to vector<1x1xf32>
    %sub3A_405 = arith.subf %sub3A_404, %slice3A_401 : vector<1x1xf32>
    %mul3A_406 = vector.broadcast %sub3A_405 : vector<1x1xf32> to vector<1x512xf32>
    %mul3A_407 = arith.mulf %mul3A_406, %slice3A_402 : vector<1x512xf32>
    %slice3A_408 = vector.extract_strided_slice %concatenate3A_305 {offsets = [0, 256], sizes = [1, 256], strides = [1, 1]} : vector<1x2048xf32> to vector<1x256xf32>
    %slice3A_409 = vector.extract_strided_slice %min3A_178 {offsets = [0, 256], sizes = [1, 256], strides = [1, 1]} : vector<1x2048xf32> to vector<1x256xf32>
    %slice3A_410 = vector.extract_strided_slice %max3A_240 {offsets = [0, 256], sizes = [1, 256], strides = [1, 1]} : vector<1x2048xf32> to vector<1x256xf32>
    %iota3A_411 = tpu.iota {dimensions = array<i32: 0>} : vector<256x256xi32>
    %iota3A_412 = tpu.iota {dimensions = array<i32: 1>} : vector<256x256xi32>
    %eq3A_413 = arith.cmpi eq, %iota3A_411, %iota3A_412 : vector<256x256xi32>
    %broadcast_in_dim3A_414 = vector.shape_cast %slice3A_410 : vector<1x256xf32> to vector<1x256xf32>
    %broadcast_in_dim3A_415 = vector.broadcast %broadcast_in_dim3A_414 : vector<1x256xf32> to vector<256x256xf32>
    %jit3A_416 = arith.constant 0.000000e+00 : f32
    %broadcast_in_dim3A_417 = vector.broadcast %jit3A_416 : f32 to vector<256x256xf32>
    %select_n3A_418 = arith.select %eq3A_413, %broadcast_in_dim3A_415, %broadcast_in_dim3A_417 : vector<256x256xi1>, vector<256x256xf32>
    %reduce_sum3A_419 = arith.constant dense<0.000000e+00> : vector<256xf32>
    %reduce_sum3A_420 = vector.multi_reduction <add>, %select_n3A_418, %reduce_sum3A_419 [1] : vector<256x256xf32> to vector<256xf32>
    %broadcast_in_dim3A_421 = vector.shape_cast %reduce_sum3A_420 : vector<256xf32> to vector<256x1xf32>
    %iota3A_422 = tpu.iota {dimensions = array<i32: 0>} : vector<256x256xi32>
    %iota3A_423 = tpu.iota {dimensions = array<i32: 1>} : vector<256x256xi32>
    %eq3A_424 = arith.cmpi eq, %iota3A_422, %iota3A_423 : vector<256x256xi32>
    %broadcast_in_dim3A_425 = vector.shape_cast %slice3A_408 : vector<1x256xf32> to vector<1x256xf32>
    %broadcast_in_dim3A_426 = vector.broadcast %broadcast_in_dim3A_425 : vector<1x256xf32> to vector<256x256xf32>
    %jit3A_427 = arith.constant 0.000000e+00 : f32
    %broadcast_in_dim3A_428 = vector.broadcast %jit3A_427 : f32 to vector<256x256xf32>
    %select_n3A_429 = arith.select %eq3A_424, %broadcast_in_dim3A_426, %broadcast_in_dim3A_428 : vector<256x256xi1>, vector<256x256xf32>
    %reduce_sum3A_430 = arith.constant dense<0.000000e+00> : vector<256xf32>
    %reduce_sum3A_431 = vector.multi_reduction <add>, %select_n3A_429, %reduce_sum3A_430 [1] : vector<256x256xf32> to vector<256xf32>
    %broadcast_in_dim3A_432 = vector.shape_cast %reduce_sum3A_431 : vector<256xf32> to vector<256x1xf32>
    %get3A_433 = arith.constant 0 : index
    %get3A_434 = arith.constant 256 : index
    %get3A_435 = vector.load %arg12[%get3A_433, %get3A_434] : memref<1x2048xf32, #tpu.memory_space<vmem>>, vector<1x1xf32>
    %get3A_436 = vector.extract %get3A_435[0, 0] : f32 from vector<1x1xf32>
    %convert_element_type3A_437 = arith.fptosi %get3A_436 : f32 to i32
    %jit3A_438 = arith.constant 128 : i32
    %div3A_439 = arith.divsi %convert_element_type3A_437, %jit3A_438 : i32
    %sign3A_440 = arith.constant 0 : i32
    %sign3A_441 = arith.cmpi sgt, %convert_element_type3A_437, %sign3A_440 : i32
    %sign3A_442 = arith.extui %sign3A_441 : i1 to i32
    %sign3A_443 = arith.constant 0 : i32
    %sign3A_444 = arith.cmpi slt, %convert_element_type3A_437, %sign3A_443 : i32
    %sign3A_445 = arith.extui %sign3A_444 : i1 to i32
    %sign3A_446 = arith.subi %sign3A_442, %sign3A_445 : i32
    %sign3A_447 = arith.constant 0 : i32
    %sign3A_448 = arith.cmpi sgt, %jit3A_438, %sign3A_447 : i32
    %sign3A_449 = arith.extui %sign3A_448 : i1 to i32
    %sign3A_450 = arith.constant 0 : i32
    %sign3A_451 = arith.cmpi slt, %jit3A_438, %sign3A_450 : i32
    %sign3A_452 = arith.extui %sign3A_451 : i1 to i32
    %sign3A_453 = arith.subi %sign3A_449, %sign3A_452 : i32
    %ne3A_454 = arith.cmpi ne, %sign3A_446, %sign3A_453 : i32
    %rem3A_455 = arith.remsi %convert_element_type3A_437, %jit3A_438 : i32
    %ne3A_456 = arith.constant 0 : i32
    %ne3A_457 = arith.cmpi ne, %rem3A_455, %ne3A_456 : i32
    %and3A_458 = arith.andi %ne3A_454, %ne3A_457 : i1
    %sub3A_459 = arith.constant 1 : i32
    %sub3A_460 = arith.subi %div3A_439, %sub3A_459 : i32
    %select_n3A_461 = arith.select %and3A_458, %sub3A_460, %div3A_439 : i32
    %mul3A_462 = arith.constant 128 : i32
    %mul3A_463 = arith.muli %select_n3A_461, %mul3A_462 : i32
    %min3A_464 = arith.constant 1664 : i32
    %min3A_465 = arith.minsi %mul3A_463, %min3A_464 : i32
    %get3A_466 = arith.index_cast %min3A_465 : i32 to index
    %get3A_467 = arith.constant 0 : index
    %get3A_468 = vector.load %arg11[%get3A_466, %get3A_467] : memref<2048x512xf32, #tpu.memory_space<vmem>>, vector<384x512xf32>
    %convert_element_type3A_469 = arith.sitofp %min3A_465 : i32 to f32
    %sub3A_470 = vector.broadcast %convert_element_type3A_469 : f32 to vector<256x1xf32>
    %sub3A_471 = arith.subf %broadcast_in_dim3A_421, %sub3A_470 : vector<256x1xf32>
    %eq3A_472 = vector.broadcast %sub3A_471 : vector<256x1xf32> to vector<256x384xf32>
    %eq3A_473 = vector.broadcast %convert_element_type3A_309 : vector<1x384xf32> to vector<256x384xf32>
    %eq3A_474 = arith.cmpf oeq, %eq3A_472, %eq3A_473 : vector<256x384xf32>
    %jit3A_475 = arith.constant 1.000000e+00 : f32
    %jit3A_476 = arith.constant 0.000000e+00 : f32
    %broadcast_in_dim3A_477 = vector.broadcast %jit3A_475 : f32 to vector<256x384xf32>
    %broadcast_in_dim3A_478 = vector.broadcast %jit3A_476 : f32 to vector<256x384xf32>
    %select_n3A_479 = arith.select %eq3A_474, %broadcast_in_dim3A_477, %broadcast_in_dim3A_478 : vector<256x384xi1>, vector<256x384xf32>
    %dot_general3A_480 = arith.constant dense<0.000000e+00> : vector<256x512xf32>
    %dot_general3A_481 = tpu.matmul %select_n3A_479, %get3A_468, %dot_general3A_480 {dimension_numbers = #tpu.dot_dimension_numbers<[1], [0], [0], [1], [0, 0, 1, 1], [], []>, transpose_lhs_hint = false} : vector<256x384xf32>, vector<384x512xf32>, vector<256x512xf32> -> vector<256x512xf32>
    %sub3A_482 = vector.broadcast %broadcast_in_dim3A_432 : vector<256x1xf32> to vector<256x256xf32>
    %sub3A_483 = vector.broadcast %slice3A_408 : vector<1x256xf32> to vector<256x256xf32>
    %sub3A_484 = arith.subf %sub3A_482, %sub3A_483 : vector<256x256xf32>
    %exp3A_485 = math.exp %sub3A_484 : vector<256x256xf32>
    %mul3A_486 = vector.broadcast %slice3A_409 : vector<1x256xf32> to vector<256x256xf32>
    %mul3A_487 = arith.mulf %mul3A_486, %exp3A_485 : vector<256x256xf32>
    %jit3A_488 = arith.constant 0.000000e+00 : f32
    %broadcast_in_dim3A_489 = vector.broadcast %jit3A_488 : f32 to vector<256x256xf32>
    %select_n3A_490 = arith.select %ge3A, %mul3A_487, %broadcast_in_dim3A_489 : vector<256x256xi1>, vector<256x256xf32>
    %dot_general3A_491 = arith.constant dense<0.000000e+00> : vector<256x512xf32>
    %dot_general3A_492 = tpu.matmul %select_n3A_490, %dot_general3A_481, %dot_general3A_491 {dimension_numbers = #tpu.dot_dimension_numbers<[1], [0], [0], [1], [0, 0, 1, 1], [], []>, transpose_lhs_hint = false} : vector<256x256xf32>, vector<256x512xf32>, vector<256x512xf32> -> vector<256x512xf32>
    %slice3A_493 = vector.extract_strided_slice %slice3A_408 {offsets = [0, 0], sizes = [1, 1], strides = [1, 1]} : vector<1x256xf32> to vector<1x1xf32>
    %sub3A_494 = vector.broadcast %slice3A_493 : vector<1x1xf32> to vector<256x1xf32>
    %sub3A_495 = arith.subf %broadcast_in_dim3A_432, %sub3A_494 : vector<256x1xf32>
    %exp3A_496 = math.exp %sub3A_495 : vector<256x1xf32>
    %mul3A_497 = vector.broadcast %exp3A_496 : vector<256x1xf32> to vector<256x512xf32>
    %mul3A_498 = vector.broadcast %mul3A_407 : vector<1x512xf32> to vector<256x512xf32>
    %mul3A_499 = arith.mulf %mul3A_497, %mul3A_498 : vector<256x512xf32>
    %add3A_500 = arith.addf %dot_general3A_492, %mul3A_499 : vector<256x512xf32>
    %slice3A_501 = vector.extract_strided_slice %slice3A_409 {offsets = [0, 255], sizes = [1, 1], strides = [1, 1]} : vector<1x256xf32> to vector<1x1xf32>
    %slice3A_502 = vector.extract_strided_slice %add3A_500 {offsets = [255, 0], sizes = [1, 512], strides = [1, 1]} : vector<256x512xf32> to vector<1x512xf32>
    %sub3A_503 = arith.constant 1.000000e+00 : f32
    %sub3A_504 = vector.broadcast %sub3A_503 : f32 to vector<1x1xf32>
    %sub3A_505 = arith.subf %sub3A_504, %slice3A_501 : vector<1x1xf32>
    %mul3A_506 = vector.broadcast %sub3A_505 : vector<1x1xf32> to vector<1x512xf32>
    %mul3A_507 = arith.mulf %mul3A_506, %slice3A_502 : vector<1x512xf32>
    %slice3A_508 = vector.extract_strided_slice %concatenate3A_305 {offsets = [0, 512], sizes = [1, 256], strides = [1, 1]} : vector<1x2048xf32> to vector<1x256xf32>
    %slice3A_509 = vector.extract_strided_slice %min3A_178 {offsets = [0, 512], sizes = [1, 256], strides = [1, 1]} : vector<1x2048xf32> to vector<1x256xf32>
    %slice3A_510 = vector.extract_strided_slice %max3A_240 {offsets = [0, 512], sizes = [1, 256], strides = [1, 1]} : vector<1x2048xf32> to vector<1x256xf32>
    %iota3A_511 = tpu.iota {dimensions = array<i32: 0>} : vector<256x256xi32>
    %iota3A_512 = tpu.iota {dimensions = array<i32: 1>} : vector<256x256xi32>
    %eq3A_513 = arith.cmpi eq, %iota3A_511, %iota3A_512 : vector<256x256xi32>
    %broadcast_in_dim3A_514 = vector.shape_cast %slice3A_510 : vector<1x256xf32> to vector<1x256xf32>
    %broadcast_in_dim3A_515 = vector.broadcast %broadcast_in_dim3A_514 : vector<1x256xf32> to vector<256x256xf32>
    %jit3A_516 = arith.constant 0.000000e+00 : f32
    %broadcast_in_dim3A_517 = vector.broadcast %jit3A_516 : f32 to vector<256x256xf32>
    %select_n3A_518 = arith.select %eq3A_513, %broadcast_in_dim3A_515, %broadcast_in_dim3A_517 : vector<256x256xi1>, vector<256x256xf32>
    %reduce_sum3A_519 = arith.constant dense<0.000000e+00> : vector<256xf32>
    %reduce_sum3A_520 = vector.multi_reduction <add>, %select_n3A_518, %reduce_sum3A_519 [1] : vector<256x256xf32> to vector<256xf32>
    %broadcast_in_dim3A_521 = vector.shape_cast %reduce_sum3A_520 : vector<256xf32> to vector<256x1xf32>
    %iota3A_522 = tpu.iota {dimensions = array<i32: 0>} : vector<256x256xi32>
    %iota3A_523 = tpu.iota {dimensions = array<i32: 1>} : vector<256x256xi32>
    %eq3A_524 = arith.cmpi eq, %iota3A_522, %iota3A_523 : vector<256x256xi32>
    %broadcast_in_dim3A_525 = vector.shape_cast %slice3A_508 : vector<1x256xf32> to vector<1x256xf32>
    %broadcast_in_dim3A_526 = vector.broadcast %broadcast_in_dim3A_525 : vector<1x256xf32> to vector<256x256xf32>
    %jit3A_527 = arith.constant 0.000000e+00 : f32
    %broadcast_in_dim3A_528 = vector.broadcast %jit3A_527 : f32 to vector<256x256xf32>
    %select_n3A_529 = arith.select %eq3A_524, %broadcast_in_dim3A_526, %broadcast_in_dim3A_528 : vector<256x256xi1>, vector<256x256xf32>
    %reduce_sum3A_530 = arith.constant dense<0.000000e+00> : vector<256xf32>
    %reduce_sum3A_531 = vector.multi_reduction <add>, %select_n3A_529, %reduce_sum3A_530 [1] : vector<256x256xf32> to vector<256xf32>
    %broadcast_in_dim3A_532 = vector.shape_cast %reduce_sum3A_531 : vector<256xf32> to vector<256x1xf32>
    %get3A_533 = arith.constant 0 : index
    %get3A_534 = arith.constant 512 : index
    %get3A_535 = vector.load %arg12[%get3A_533, %get3A_534] : memref<1x2048xf32, #tpu.memory_space<vmem>>, vector<1x1xf32>
    %get3A_536 = vector.extract %get3A_535[0, 0] : f32 from vector<1x1xf32>
    %convert_element_type3A_537 = arith.fptosi %get3A_536 : f32 to i32
    %jit3A_538 = arith.constant 128 : i32
    %div3A_539 = arith.divsi %convert_element_type3A_537, %jit3A_538 : i32
    %sign3A_540 = arith.constant 0 : i32
    %sign3A_541 = arith.cmpi sgt, %convert_element_type3A_537, %sign3A_540 : i32
    %sign3A_542 = arith.extui %sign3A_541 : i1 to i32
    %sign3A_543 = arith.constant 0 : i32
    %sign3A_544 = arith.cmpi slt, %convert_element_type3A_537, %sign3A_543 : i32
    %sign3A_545 = arith.extui %sign3A_544 : i1 to i32
    %sign3A_546 = arith.subi %sign3A_542, %sign3A_545 : i32
    %sign3A_547 = arith.constant 0 : i32
    %sign3A_548 = arith.cmpi sgt, %jit3A_538, %sign3A_547 : i32
    %sign3A_549 = arith.extui %sign3A_548 : i1 to i32
    %sign3A_550 = arith.constant 0 : i32
    %sign3A_551 = arith.cmpi slt, %jit3A_538, %sign3A_550 : i32
    %sign3A_552 = arith.extui %sign3A_551 : i1 to i32
    %sign3A_553 = arith.subi %sign3A_549, %sign3A_552 : i32
    %ne3A_554 = arith.cmpi ne, %sign3A_546, %sign3A_553 : i32
    %rem3A_555 = arith.remsi %convert_element_type3A_537, %jit3A_538 : i32
    %ne3A_556 = arith.constant 0 : i32
    %ne3A_557 = arith.cmpi ne, %rem3A_555, %ne3A_556 : i32
    %and3A_558 = arith.andi %ne3A_554, %ne3A_557 : i1
    %sub3A_559 = arith.constant 1 : i32
    %sub3A_560 = arith.subi %div3A_539, %sub3A_559 : i32
    %select_n3A_561 = arith.select %and3A_558, %sub3A_560, %div3A_539 : i32
    %mul3A_562 = arith.constant 128 : i32
    %mul3A_563 = arith.muli %select_n3A_561, %mul3A_562 : i32
    %min3A_564 = arith.constant 1664 : i32
    %min3A_565 = arith.minsi %mul3A_563, %min3A_564 : i32
    %get3A_566 = arith.index_cast %min3A_565 : i32 to index
    %get3A_567 = arith.constant 0 : index
    %get3A_568 = vector.load %arg11[%get3A_566, %get3A_567] : memref<2048x512xf32, #tpu.memory_space<vmem>>, vector<384x512xf32>
    %convert_element_type3A_569 = arith.sitofp %min3A_565 : i32 to f32
    %sub3A_570 = vector.broadcast %convert_element_type3A_569 : f32 to vector<256x1xf32>
    %sub3A_571 = arith.subf %broadcast_in_dim3A_521, %sub3A_570 : vector<256x1xf32>
    %eq3A_572 = vector.broadcast %sub3A_571 : vector<256x1xf32> to vector<256x384xf32>
    %eq3A_573 = vector.broadcast %convert_element_type3A_309 : vector<1x384xf32> to vector<256x384xf32>
    %eq3A_574 = arith.cmpf oeq, %eq3A_572, %eq3A_573 : vector<256x384xf32>
    %jit3A_575 = arith.constant 1.000000e+00 : f32
    %jit3A_576 = arith.constant 0.000000e+00 : f32
    %broadcast_in_dim3A_577 = vector.broadcast %jit3A_575 : f32 to vector<256x384xf32>
    %broadcast_in_dim3A_578 = vector.broadcast %jit3A_576 : f32 to vector<256x384xf32>
    %select_n3A_579 = arith.select %eq3A_574, %broadcast_in_dim3A_577, %broadcast_in_dim3A_578 : vector<256x384xi1>, vector<256x384xf32>
    %dot_general3A_580 = arith.constant dense<0.000000e+00> : vector<256x512xf32>
    %dot_general3A_581 = tpu.matmul %select_n3A_579, %get3A_568, %dot_general3A_580 {dimension_numbers = #tpu.dot_dimension_numbers<[1], [0], [0], [1], [0, 0, 1, 1], [], []>, transpose_lhs_hint = false} : vector<256x384xf32>, vector<384x512xf32>, vector<256x512xf32> -> vector<256x512xf32>
    %sub3A_582 = vector.broadcast %broadcast_in_dim3A_532 : vector<256x1xf32> to vector<256x256xf32>
    %sub3A_583 = vector.broadcast %slice3A_508 : vector<1x256xf32> to vector<256x256xf32>
    %sub3A_584 = arith.subf %sub3A_582, %sub3A_583 : vector<256x256xf32>
    %exp3A_585 = math.exp %sub3A_584 : vector<256x256xf32>
    %mul3A_586 = vector.broadcast %slice3A_509 : vector<1x256xf32> to vector<256x256xf32>
    %mul3A_587 = arith.mulf %mul3A_586, %exp3A_585 : vector<256x256xf32>
    %jit3A_588 = arith.constant 0.000000e+00 : f32
    %broadcast_in_dim3A_589 = vector.broadcast %jit3A_588 : f32 to vector<256x256xf32>
    %select_n3A_590 = arith.select %ge3A, %mul3A_587, %broadcast_in_dim3A_589 : vector<256x256xi1>, vector<256x256xf32>
    %dot_general3A_591 = arith.constant dense<0.000000e+00> : vector<256x512xf32>
    %dot_general3A_592 = tpu.matmul %select_n3A_590, %dot_general3A_581, %dot_general3A_591 {dimension_numbers = #tpu.dot_dimension_numbers<[1], [0], [0], [1], [0, 0, 1, 1], [], []>, transpose_lhs_hint = false} : vector<256x256xf32>, vector<256x512xf32>, vector<256x512xf32> -> vector<256x512xf32>
    %slice3A_593 = vector.extract_strided_slice %slice3A_508 {offsets = [0, 0], sizes = [1, 1], strides = [1, 1]} : vector<1x256xf32> to vector<1x1xf32>
    %sub3A_594 = vector.broadcast %slice3A_593 : vector<1x1xf32> to vector<256x1xf32>
    %sub3A_595 = arith.subf %broadcast_in_dim3A_532, %sub3A_594 : vector<256x1xf32>
    %exp3A_596 = math.exp %sub3A_595 : vector<256x1xf32>
    %mul3A_597 = vector.broadcast %exp3A_596 : vector<256x1xf32> to vector<256x512xf32>
    %mul3A_598 = vector.broadcast %mul3A_507 : vector<1x512xf32> to vector<256x512xf32>
    %mul3A_599 = arith.mulf %mul3A_597, %mul3A_598 : vector<256x512xf32>
    %add3A_600 = arith.addf %dot_general3A_592, %mul3A_599 : vector<256x512xf32>
    %slice3A_601 = vector.extract_strided_slice %slice3A_509 {offsets = [0, 255], sizes = [1, 1], strides = [1, 1]} : vector<1x256xf32> to vector<1x1xf32>
    %slice3A_602 = vector.extract_strided_slice %add3A_600 {offsets = [255, 0], sizes = [1, 512], strides = [1, 1]} : vector<256x512xf32> to vector<1x512xf32>
    %sub3A_603 = arith.constant 1.000000e+00 : f32
    %sub3A_604 = vector.broadcast %sub3A_603 : f32 to vector<1x1xf32>
    %sub3A_605 = arith.subf %sub3A_604, %slice3A_601 : vector<1x1xf32>
    %mul3A_606 = vector.broadcast %sub3A_605 : vector<1x1xf32> to vector<1x512xf32>
    %mul3A_607 = arith.mulf %mul3A_606, %slice3A_602 : vector<1x512xf32>
    %slice3A_608 = vector.extract_strided_slice %concatenate3A_305 {offsets = [0, 768], sizes = [1, 256], strides = [1, 1]} : vector<1x2048xf32> to vector<1x256xf32>
    %slice3A_609 = vector.extract_strided_slice %min3A_178 {offsets = [0, 768], sizes = [1, 256], strides = [1, 1]} : vector<1x2048xf32> to vector<1x256xf32>
    %slice3A_610 = vector.extract_strided_slice %max3A_240 {offsets = [0, 768], sizes = [1, 256], strides = [1, 1]} : vector<1x2048xf32> to vector<1x256xf32>
    %iota3A_611 = tpu.iota {dimensions = array<i32: 0>} : vector<256x256xi32>
    %iota3A_612 = tpu.iota {dimensions = array<i32: 1>} : vector<256x256xi32>
    %eq3A_613 = arith.cmpi eq, %iota3A_611, %iota3A_612 : vector<256x256xi32>
    %broadcast_in_dim3A_614 = vector.shape_cast %slice3A_610 : vector<1x256xf32> to vector<1x256xf32>
    %broadcast_in_dim3A_615 = vector.broadcast %broadcast_in_dim3A_614 : vector<1x256xf32> to vector<256x256xf32>
    %jit3A_616 = arith.constant 0.000000e+00 : f32
    %broadcast_in_dim3A_617 = vector.broadcast %jit3A_616 : f32 to vector<256x256xf32>
    %select_n3A_618 = arith.select %eq3A_613, %broadcast_in_dim3A_615, %broadcast_in_dim3A_617 : vector<256x256xi1>, vector<256x256xf32>
    %reduce_sum3A_619 = arith.constant dense<0.000000e+00> : vector<256xf32>
    %reduce_sum3A_620 = vector.multi_reduction <add>, %select_n3A_618, %reduce_sum3A_619 [1] : vector<256x256xf32> to vector<256xf32>
    %broadcast_in_dim3A_621 = vector.shape_cast %reduce_sum3A_620 : vector<256xf32> to vector<256x1xf32>
    %iota3A_622 = tpu.iota {dimensions = array<i32: 0>} : vector<256x256xi32>
    %iota3A_623 = tpu.iota {dimensions = array<i32: 1>} : vector<256x256xi32>
    %eq3A_624 = arith.cmpi eq, %iota3A_622, %iota3A_623 : vector<256x256xi32>
    %broadcast_in_dim3A_625 = vector.shape_cast %slice3A_608 : vector<1x256xf32> to vector<1x256xf32>
    %broadcast_in_dim3A_626 = vector.broadcast %broadcast_in_dim3A_625 : vector<1x256xf32> to vector<256x256xf32>
    %jit3A_627 = arith.constant 0.000000e+00 : f32
    %broadcast_in_dim3A_628 = vector.broadcast %jit3A_627 : f32 to vector<256x256xf32>
    %select_n3A_629 = arith.select %eq3A_624, %broadcast_in_dim3A_626, %broadcast_in_dim3A_628 : vector<256x256xi1>, vector<256x256xf32>
    %reduce_sum3A_630 = arith.constant dense<0.000000e+00> : vector<256xf32>
    %reduce_sum3A_631 = vector.multi_reduction <add>, %select_n3A_629, %reduce_sum3A_630 [1] : vector<256x256xf32> to vector<256xf32>
    %broadcast_in_dim3A_632 = vector.shape_cast %reduce_sum3A_631 : vector<256xf32> to vector<256x1xf32>
    %get3A_633 = arith.constant 0 : index
    %get3A_634 = arith.constant 768 : index
    %get3A_635 = vector.load %arg12[%get3A_633, %get3A_634] : memref<1x2048xf32, #tpu.memory_space<vmem>>, vector<1x1xf32>
    %get3A_636 = vector.extract %get3A_635[0, 0] : f32 from vector<1x1xf32>
    %convert_element_type3A_637 = arith.fptosi %get3A_636 : f32 to i32
    %jit3A_638 = arith.constant 128 : i32
    %div3A_639 = arith.divsi %convert_element_type3A_637, %jit3A_638 : i32
    %sign3A_640 = arith.constant 0 : i32
    %sign3A_641 = arith.cmpi sgt, %convert_element_type3A_637, %sign3A_640 : i32
    %sign3A_642 = arith.extui %sign3A_641 : i1 to i32
    %sign3A_643 = arith.constant 0 : i32
    %sign3A_644 = arith.cmpi slt, %convert_element_type3A_637, %sign3A_643 : i32
    %sign3A_645 = arith.extui %sign3A_644 : i1 to i32
    %sign3A_646 = arith.subi %sign3A_642, %sign3A_645 : i32
    %sign3A_647 = arith.constant 0 : i32
    %sign3A_648 = arith.cmpi sgt, %jit3A_638, %sign3A_647 : i32
    %sign3A_649 = arith.extui %sign3A_648 : i1 to i32
    %sign3A_650 = arith.constant 0 : i32
    %sign3A_651 = arith.cmpi slt, %jit3A_638, %sign3A_650 : i32
    %sign3A_652 = arith.extui %sign3A_651 : i1 to i32
    %sign3A_653 = arith.subi %sign3A_649, %sign3A_652 : i32
    %ne3A_654 = arith.cmpi ne, %sign3A_646, %sign3A_653 : i32
    %rem3A_655 = arith.remsi %convert_element_type3A_637, %jit3A_638 : i32
    %ne3A_656 = arith.constant 0 : i32
    %ne3A_657 = arith.cmpi ne, %rem3A_655, %ne3A_656 : i32
    %and3A_658 = arith.andi %ne3A_654, %ne3A_657 : i1
    %sub3A_659 = arith.constant 1 : i32
    %sub3A_660 = arith.subi %div3A_639, %sub3A_659 : i32
    %select_n3A_661 = arith.select %and3A_658, %sub3A_660, %div3A_639 : i32
    %mul3A_662 = arith.constant 128 : i32
    %mul3A_663 = arith.muli %select_n3A_661, %mul3A_662 : i32
    %min3A_664 = arith.constant 1664 : i32
    %min3A_665 = arith.minsi %mul3A_663, %min3A_664 : i32
    %get3A_666 = arith.index_cast %min3A_665 : i32 to index
    %get3A_667 = arith.constant 0 : index
    %get3A_668 = vector.load %arg11[%get3A_666, %get3A_667] : memref<2048x512xf32, #tpu.memory_space<vmem>>, vector<384x512xf32>
    %convert_element_type3A_669 = arith.sitofp %min3A_665 : i32 to f32
    %sub3A_670 = vector.broadcast %convert_element_type3A_669 : f32 to vector<256x1xf32>
    %sub3A_671 = arith.subf %broadcast_in_dim3A_621, %sub3A_670 : vector<256x1xf32>
    %eq3A_672 = vector.broadcast %sub3A_671 : vector<256x1xf32> to vector<256x384xf32>
    %eq3A_673 = vector.broadcast %convert_element_type3A_309 : vector<1x384xf32> to vector<256x384xf32>
    %eq3A_674 = arith.cmpf oeq, %eq3A_672, %eq3A_673 : vector<256x384xf32>
    %jit3A_675 = arith.constant 1.000000e+00 : f32
    %jit3A_676 = arith.constant 0.000000e+00 : f32
    %broadcast_in_dim3A_677 = vector.broadcast %jit3A_675 : f32 to vector<256x384xf32>
    %broadcast_in_dim3A_678 = vector.broadcast %jit3A_676 : f32 to vector<256x384xf32>
    %select_n3A_679 = arith.select %eq3A_674, %broadcast_in_dim3A_677, %broadcast_in_dim3A_678 : vector<256x384xi1>, vector<256x384xf32>
    %dot_general3A_680 = arith.constant dense<0.000000e+00> : vector<256x512xf32>
    %dot_general3A_681 = tpu.matmul %select_n3A_679, %get3A_668, %dot_general3A_680 {dimension_numbers = #tpu.dot_dimension_numbers<[1], [0], [0], [1], [0, 0, 1, 1], [], []>, transpose_lhs_hint = false} : vector<256x384xf32>, vector<384x512xf32>, vector<256x512xf32> -> vector<256x512xf32>
    %sub3A_682 = vector.broadcast %broadcast_in_dim3A_632 : vector<256x1xf32> to vector<256x256xf32>
    %sub3A_683 = vector.broadcast %slice3A_608 : vector<1x256xf32> to vector<256x256xf32>
    %sub3A_684 = arith.subf %sub3A_682, %sub3A_683 : vector<256x256xf32>
    %exp3A_685 = math.exp %sub3A_684 : vector<256x256xf32>
    %mul3A_686 = vector.broadcast %slice3A_609 : vector<1x256xf32> to vector<256x256xf32>
    %mul3A_687 = arith.mulf %mul3A_686, %exp3A_685 : vector<256x256xf32>
    %jit3A_688 = arith.constant 0.000000e+00 : f32
    %broadcast_in_dim3A_689 = vector.broadcast %jit3A_688 : f32 to vector<256x256xf32>
    %select_n3A_690 = arith.select %ge3A, %mul3A_687, %broadcast_in_dim3A_689 : vector<256x256xi1>, vector<256x256xf32>
    %dot_general3A_691 = arith.constant dense<0.000000e+00> : vector<256x512xf32>
    %dot_general3A_692 = tpu.matmul %select_n3A_690, %dot_general3A_681, %dot_general3A_691 {dimension_numbers = #tpu.dot_dimension_numbers<[1], [0], [0], [1], [0, 0, 1, 1], [], []>, transpose_lhs_hint = false} : vector<256x256xf32>, vector<256x512xf32>, vector<256x512xf32> -> vector<256x512xf32>
    %slice3A_693 = vector.extract_strided_slice %slice3A_608 {offsets = [0, 0], sizes = [1, 1], strides = [1, 1]} : vector<1x256xf32> to vector<1x1xf32>
    %sub3A_694 = vector.broadcast %slice3A_693 : vector<1x1xf32> to vector<256x1xf32>
    %sub3A_695 = arith.subf %broadcast_in_dim3A_632, %sub3A_694 : vector<256x1xf32>
    %exp3A_696 = math.exp %sub3A_695 : vector<256x1xf32>
    %mul3A_697 = vector.broadcast %exp3A_696 : vector<256x1xf32> to vector<256x512xf32>
    %mul3A_698 = vector.broadcast %mul3A_607 : vector<1x512xf32> to vector<256x512xf32>
    %mul3A_699 = arith.mulf %mul3A_697, %mul3A_698 : vector<256x512xf32>
    %add3A_700 = arith.addf %dot_general3A_692, %mul3A_699 : vector<256x512xf32>
    %slice3A_701 = vector.extract_strided_slice %slice3A_609 {offsets = [0, 255], sizes = [1, 1], strides = [1, 1]} : vector<1x256xf32> to vector<1x1xf32>
    %slice3A_702 = vector.extract_strided_slice %add3A_700 {offsets = [255, 0], sizes = [1, 512], strides = [1, 1]} : vector<256x512xf32> to vector<1x512xf32>
    %sub3A_703 = arith.constant 1.000000e+00 : f32
    %sub3A_704 = vector.broadcast %sub3A_703 : f32 to vector<1x1xf32>
    %sub3A_705 = arith.subf %sub3A_704, %slice3A_701 : vector<1x1xf32>
    %mul3A_706 = vector.broadcast %sub3A_705 : vector<1x1xf32> to vector<1x512xf32>
    %mul3A_707 = arith.mulf %mul3A_706, %slice3A_702 : vector<1x512xf32>
    %slice3A_708 = vector.extract_strided_slice %concatenate3A_305 {offsets = [0, 1024], sizes = [1, 256], strides = [1, 1]} : vector<1x2048xf32> to vector<1x256xf32>
    %slice3A_709 = vector.extract_strided_slice %min3A_178 {offsets = [0, 1024], sizes = [1, 256], strides = [1, 1]} : vector<1x2048xf32> to vector<1x256xf32>
    %slice3A_710 = vector.extract_strided_slice %max3A_240 {offsets = [0, 1024], sizes = [1, 256], strides = [1, 1]} : vector<1x2048xf32> to vector<1x256xf32>
    %iota3A_711 = tpu.iota {dimensions = array<i32: 0>} : vector<256x256xi32>
    %iota3A_712 = tpu.iota {dimensions = array<i32: 1>} : vector<256x256xi32>
    %eq3A_713 = arith.cmpi eq, %iota3A_711, %iota3A_712 : vector<256x256xi32>
    %broadcast_in_dim3A_714 = vector.shape_cast %slice3A_710 : vector<1x256xf32> to vector<1x256xf32>
    %broadcast_in_dim3A_715 = vector.broadcast %broadcast_in_dim3A_714 : vector<1x256xf32> to vector<256x256xf32>
    %jit3A_716 = arith.constant 0.000000e+00 : f32
    %broadcast_in_dim3A_717 = vector.broadcast %jit3A_716 : f32 to vector<256x256xf32>
    %select_n3A_718 = arith.select %eq3A_713, %broadcast_in_dim3A_715, %broadcast_in_dim3A_717 : vector<256x256xi1>, vector<256x256xf32>
    %reduce_sum3A_719 = arith.constant dense<0.000000e+00> : vector<256xf32>
    %reduce_sum3A_720 = vector.multi_reduction <add>, %select_n3A_718, %reduce_sum3A_719 [1] : vector<256x256xf32> to vector<256xf32>
    %broadcast_in_dim3A_721 = vector.shape_cast %reduce_sum3A_720 : vector<256xf32> to vector<256x1xf32>
    %iota3A_722 = tpu.iota {dimensions = array<i32: 0>} : vector<256x256xi32>
    %iota3A_723 = tpu.iota {dimensions = array<i32: 1>} : vector<256x256xi32>
    %eq3A_724 = arith.cmpi eq, %iota3A_722, %iota3A_723 : vector<256x256xi32>
    %broadcast_in_dim3A_725 = vector.shape_cast %slice3A_708 : vector<1x256xf32> to vector<1x256xf32>
    %broadcast_in_dim3A_726 = vector.broadcast %broadcast_in_dim3A_725 : vector<1x256xf32> to vector<256x256xf32>
    %jit3A_727 = arith.constant 0.000000e+00 : f32
    %broadcast_in_dim3A_728 = vector.broadcast %jit3A_727 : f32 to vector<256x256xf32>
    %select_n3A_729 = arith.select %eq3A_724, %broadcast_in_dim3A_726, %broadcast_in_dim3A_728 : vector<256x256xi1>, vector<256x256xf32>
    %reduce_sum3A_730 = arith.constant dense<0.000000e+00> : vector<256xf32>
    %reduce_sum3A_731 = vector.multi_reduction <add>, %select_n3A_729, %reduce_sum3A_730 [1] : vector<256x256xf32> to vector<256xf32>
    %broadcast_in_dim3A_732 = vector.shape_cast %reduce_sum3A_731 : vector<256xf32> to vector<256x1xf32>
    %get3A_733 = arith.constant 0 : index
    %get3A_734 = arith.constant 1024 : index
    %get3A_735 = vector.load %arg12[%get3A_733, %get3A_734] : memref<1x2048xf32, #tpu.memory_space<vmem>>, vector<1x1xf32>
    %get3A_736 = vector.extract %get3A_735[0, 0] : f32 from vector<1x1xf32>
    %convert_element_type3A_737 = arith.fptosi %get3A_736 : f32 to i32
    %jit3A_738 = arith.constant 128 : i32
    %div3A_739 = arith.divsi %convert_element_type3A_737, %jit3A_738 : i32
    %sign3A_740 = arith.constant 0 : i32
    %sign3A_741 = arith.cmpi sgt, %convert_element_type3A_737, %sign3A_740 : i32
    %sign3A_742 = arith.extui %sign3A_741 : i1 to i32
    %sign3A_743 = arith.constant 0 : i32
    %sign3A_744 = arith.cmpi slt, %convert_element_type3A_737, %sign3A_743 : i32
    %sign3A_745 = arith.extui %sign3A_744 : i1 to i32
    %sign3A_746 = arith.subi %sign3A_742, %sign3A_745 : i32
    %sign3A_747 = arith.constant 0 : i32
    %sign3A_748 = arith.cmpi sgt, %jit3A_738, %sign3A_747 : i32
    %sign3A_749 = arith.extui %sign3A_748 : i1 to i32
    %sign3A_750 = arith.constant 0 : i32
    %sign3A_751 = arith.cmpi slt, %jit3A_738, %sign3A_750 : i32
    %sign3A_752 = arith.extui %sign3A_751 : i1 to i32
    %sign3A_753 = arith.subi %sign3A_749, %sign3A_752 : i32
    %ne3A_754 = arith.cmpi ne, %sign3A_746, %sign3A_753 : i32
    %rem3A_755 = arith.remsi %convert_element_type3A_737, %jit3A_738 : i32
    %ne3A_756 = arith.constant 0 : i32
    %ne3A_757 = arith.cmpi ne, %rem3A_755, %ne3A_756 : i32
    %and3A_758 = arith.andi %ne3A_754, %ne3A_757 : i1
    %sub3A_759 = arith.constant 1 : i32
    %sub3A_760 = arith.subi %div3A_739, %sub3A_759 : i32
    %select_n3A_761 = arith.select %and3A_758, %sub3A_760, %div3A_739 : i32
    %mul3A_762 = arith.constant 128 : i32
    %mul3A_763 = arith.muli %select_n3A_761, %mul3A_762 : i32
    %min3A_764 = arith.constant 1664 : i32
    %min3A_765 = arith.minsi %mul3A_763, %min3A_764 : i32
    %get3A_766 = arith.index_cast %min3A_765 : i32 to index
    %get3A_767 = arith.constant 0 : index
    %get3A_768 = vector.load %arg11[%get3A_766, %get3A_767] : memref<2048x512xf32, #tpu.memory_space<vmem>>, vector<384x512xf32>
    %convert_element_type3A_769 = arith.sitofp %min3A_765 : i32 to f32
    %sub3A_770 = vector.broadcast %convert_element_type3A_769 : f32 to vector<256x1xf32>
    %sub3A_771 = arith.subf %broadcast_in_dim3A_721, %sub3A_770 : vector<256x1xf32>
    %eq3A_772 = vector.broadcast %sub3A_771 : vector<256x1xf32> to vector<256x384xf32>
    %eq3A_773 = vector.broadcast %convert_element_type3A_309 : vector<1x384xf32> to vector<256x384xf32>
    %eq3A_774 = arith.cmpf oeq, %eq3A_772, %eq3A_773 : vector<256x384xf32>
    %jit3A_775 = arith.constant 1.000000e+00 : f32
    %jit3A_776 = arith.constant 0.000000e+00 : f32
    %broadcast_in_dim3A_777 = vector.broadcast %jit3A_775 : f32 to vector<256x384xf32>
    %broadcast_in_dim3A_778 = vector.broadcast %jit3A_776 : f32 to vector<256x384xf32>
    %select_n3A_779 = arith.select %eq3A_774, %broadcast_in_dim3A_777, %broadcast_in_dim3A_778 : vector<256x384xi1>, vector<256x384xf32>
    %dot_general3A_780 = arith.constant dense<0.000000e+00> : vector<256x512xf32>
    %dot_general3A_781 = tpu.matmul %select_n3A_779, %get3A_768, %dot_general3A_780 {dimension_numbers = #tpu.dot_dimension_numbers<[1], [0], [0], [1], [0, 0, 1, 1], [], []>, transpose_lhs_hint = false} : vector<256x384xf32>, vector<384x512xf32>, vector<256x512xf32> -> vector<256x512xf32>
    %sub3A_782 = vector.broadcast %broadcast_in_dim3A_732 : vector<256x1xf32> to vector<256x256xf32>
    %sub3A_783 = vector.broadcast %slice3A_708 : vector<1x256xf32> to vector<256x256xf32>
    %sub3A_784 = arith.subf %sub3A_782, %sub3A_783 : vector<256x256xf32>
    %exp3A_785 = math.exp %sub3A_784 : vector<256x256xf32>
    %mul3A_786 = vector.broadcast %slice3A_709 : vector<1x256xf32> to vector<256x256xf32>
    %mul3A_787 = arith.mulf %mul3A_786, %exp3A_785 : vector<256x256xf32>
    %jit3A_788 = arith.constant 0.000000e+00 : f32
    %broadcast_in_dim3A_789 = vector.broadcast %jit3A_788 : f32 to vector<256x256xf32>
    %select_n3A_790 = arith.select %ge3A, %mul3A_787, %broadcast_in_dim3A_789 : vector<256x256xi1>, vector<256x256xf32>
    %dot_general3A_791 = arith.constant dense<0.000000e+00> : vector<256x512xf32>
    %dot_general3A_792 = tpu.matmul %select_n3A_790, %dot_general3A_781, %dot_general3A_791 {dimension_numbers = #tpu.dot_dimension_numbers<[1], [0], [0], [1], [0, 0, 1, 1], [], []>, transpose_lhs_hint = false} : vector<256x256xf32>, vector<256x512xf32>, vector<256x512xf32> -> vector<256x512xf32>
    %slice3A_793 = vector.extract_strided_slice %slice3A_708 {offsets = [0, 0], sizes = [1, 1], strides = [1, 1]} : vector<1x256xf32> to vector<1x1xf32>
    %sub3A_794 = vector.broadcast %slice3A_793 : vector<1x1xf32> to vector<256x1xf32>
    %sub3A_795 = arith.subf %broadcast_in_dim3A_732, %sub3A_794 : vector<256x1xf32>
    %exp3A_796 = math.exp %sub3A_795 : vector<256x1xf32>
    %mul3A_797 = vector.broadcast %exp3A_796 : vector<256x1xf32> to vector<256x512xf32>
    %mul3A_798 = vector.broadcast %mul3A_707 : vector<1x512xf32> to vector<256x512xf32>
    %mul3A_799 = arith.mulf %mul3A_797, %mul3A_798 : vector<256x512xf32>
    %add3A_800 = arith.addf %dot_general3A_792, %mul3A_799 : vector<256x512xf32>
    %slice3A_801 = vector.extract_strided_slice %slice3A_709 {offsets = [0, 255], sizes = [1, 1], strides = [1, 1]} : vector<1x256xf32> to vector<1x1xf32>
    %slice3A_802 = vector.extract_strided_slice %add3A_800 {offsets = [255, 0], sizes = [1, 512], strides = [1, 1]} : vector<256x512xf32> to vector<1x512xf32>
    %sub3A_803 = arith.constant 1.000000e+00 : f32
    %sub3A_804 = vector.broadcast %sub3A_803 : f32 to vector<1x1xf32>
    %sub3A_805 = arith.subf %sub3A_804, %slice3A_801 : vector<1x1xf32>
    %mul3A_806 = vector.broadcast %sub3A_805 : vector<1x1xf32> to vector<1x512xf32>
    %mul3A_807 = arith.mulf %mul3A_806, %slice3A_802 : vector<1x512xf32>
    %slice3A_808 = vector.extract_strided_slice %concatenate3A_305 {offsets = [0, 1280], sizes = [1, 256], strides = [1, 1]} : vector<1x2048xf32> to vector<1x256xf32>
    %slice3A_809 = vector.extract_strided_slice %min3A_178 {offsets = [0, 1280], sizes = [1, 256], strides = [1, 1]} : vector<1x2048xf32> to vector<1x256xf32>
    %slice3A_810 = vector.extract_strided_slice %max3A_240 {offsets = [0, 1280], sizes = [1, 256], strides = [1, 1]} : vector<1x2048xf32> to vector<1x256xf32>
    %iota3A_811 = tpu.iota {dimensions = array<i32: 0>} : vector<256x256xi32>
    %iota3A_812 = tpu.iota {dimensions = array<i32: 1>} : vector<256x256xi32>
    %eq3A_813 = arith.cmpi eq, %iota3A_811, %iota3A_812 : vector<256x256xi32>
    %broadcast_in_dim3A_814 = vector.shape_cast %slice3A_810 : vector<1x256xf32> to vector<1x256xf32>
    %broadcast_in_dim3A_815 = vector.broadcast %broadcast_in_dim3A_814 : vector<1x256xf32> to vector<256x256xf32>
    %jit3A_816 = arith.constant 0.000000e+00 : f32
    %broadcast_in_dim3A_817 = vector.broadcast %jit3A_816 : f32 to vector<256x256xf32>
    %select_n3A_818 = arith.select %eq3A_813, %broadcast_in_dim3A_815, %broadcast_in_dim3A_817 : vector<256x256xi1>, vector<256x256xf32>
    %reduce_sum3A_819 = arith.constant dense<0.000000e+00> : vector<256xf32>
    %reduce_sum3A_820 = vector.multi_reduction <add>, %select_n3A_818, %reduce_sum3A_819 [1] : vector<256x256xf32> to vector<256xf32>
    %broadcast_in_dim3A_821 = vector.shape_cast %reduce_sum3A_820 : vector<256xf32> to vector<256x1xf32>
    %iota3A_822 = tpu.iota {dimensions = array<i32: 0>} : vector<256x256xi32>
    %iota3A_823 = tpu.iota {dimensions = array<i32: 1>} : vector<256x256xi32>
    %eq3A_824 = arith.cmpi eq, %iota3A_822, %iota3A_823 : vector<256x256xi32>
    %broadcast_in_dim3A_825 = vector.shape_cast %slice3A_808 : vector<1x256xf32> to vector<1x256xf32>
    %broadcast_in_dim3A_826 = vector.broadcast %broadcast_in_dim3A_825 : vector<1x256xf32> to vector<256x256xf32>
    %jit3A_827 = arith.constant 0.000000e+00 : f32
    %broadcast_in_dim3A_828 = vector.broadcast %jit3A_827 : f32 to vector<256x256xf32>
    %select_n3A_829 = arith.select %eq3A_824, %broadcast_in_dim3A_826, %broadcast_in_dim3A_828 : vector<256x256xi1>, vector<256x256xf32>
    %reduce_sum3A_830 = arith.constant dense<0.000000e+00> : vector<256xf32>
    %reduce_sum3A_831 = vector.multi_reduction <add>, %select_n3A_829, %reduce_sum3A_830 [1] : vector<256x256xf32> to vector<256xf32>
    %broadcast_in_dim3A_832 = vector.shape_cast %reduce_sum3A_831 : vector<256xf32> to vector<256x1xf32>
    %get3A_833 = arith.constant 0 : index
    %get3A_834 = arith.constant 1280 : index
    %get3A_835 = vector.load %arg12[%get3A_833, %get3A_834] : memref<1x2048xf32, #tpu.memory_space<vmem>>, vector<1x1xf32>
    %get3A_836 = vector.extract %get3A_835[0, 0] : f32 from vector<1x1xf32>
    %convert_element_type3A_837 = arith.fptosi %get3A_836 : f32 to i32
    %jit3A_838 = arith.constant 128 : i32
    %div3A_839 = arith.divsi %convert_element_type3A_837, %jit3A_838 : i32
    %sign3A_840 = arith.constant 0 : i32
    %sign3A_841 = arith.cmpi sgt, %convert_element_type3A_837, %sign3A_840 : i32
    %sign3A_842 = arith.extui %sign3A_841 : i1 to i32
    %sign3A_843 = arith.constant 0 : i32
    %sign3A_844 = arith.cmpi slt, %convert_element_type3A_837, %sign3A_843 : i32
    %sign3A_845 = arith.extui %sign3A_844 : i1 to i32
    %sign3A_846 = arith.subi %sign3A_842, %sign3A_845 : i32
    %sign3A_847 = arith.constant 0 : i32
    %sign3A_848 = arith.cmpi sgt, %jit3A_838, %sign3A_847 : i32
    %sign3A_849 = arith.extui %sign3A_848 : i1 to i32
    %sign3A_850 = arith.constant 0 : i32
    %sign3A_851 = arith.cmpi slt, %jit3A_838, %sign3A_850 : i32
    %sign3A_852 = arith.extui %sign3A_851 : i1 to i32
    %sign3A_853 = arith.subi %sign3A_849, %sign3A_852 : i32
    %ne3A_854 = arith.cmpi ne, %sign3A_846, %sign3A_853 : i32
    %rem3A_855 = arith.remsi %convert_element_type3A_837, %jit3A_838 : i32
    %ne3A_856 = arith.constant 0 : i32
    %ne3A_857 = arith.cmpi ne, %rem3A_855, %ne3A_856 : i32
    %and3A_858 = arith.andi %ne3A_854, %ne3A_857 : i1
    %sub3A_859 = arith.constant 1 : i32
    %sub3A_860 = arith.subi %div3A_839, %sub3A_859 : i32
    %select_n3A_861 = arith.select %and3A_858, %sub3A_860, %div3A_839 : i32
    %mul3A_862 = arith.constant 128 : i32
    %mul3A_863 = arith.muli %select_n3A_861, %mul3A_862 : i32
    %min3A_864 = arith.constant 1664 : i32
    %min3A_865 = arith.minsi %mul3A_863, %min3A_864 : i32
    %get3A_866 = arith.index_cast %min3A_865 : i32 to index
    %get3A_867 = arith.constant 0 : index
    %get3A_868 = vector.load %arg11[%get3A_866, %get3A_867] : memref<2048x512xf32, #tpu.memory_space<vmem>>, vector<384x512xf32>
    %convert_element_type3A_869 = arith.sitofp %min3A_865 : i32 to f32
    %sub3A_870 = vector.broadcast %convert_element_type3A_869 : f32 to vector<256x1xf32>
    %sub3A_871 = arith.subf %broadcast_in_dim3A_821, %sub3A_870 : vector<256x1xf32>
    %eq3A_872 = vector.broadcast %sub3A_871 : vector<256x1xf32> to vector<256x384xf32>
    %eq3A_873 = vector.broadcast %convert_element_type3A_309 : vector<1x384xf32> to vector<256x384xf32>
    %eq3A_874 = arith.cmpf oeq, %eq3A_872, %eq3A_873 : vector<256x384xf32>
    %jit3A_875 = arith.constant 1.000000e+00 : f32
    %jit3A_876 = arith.constant 0.000000e+00 : f32
    %broadcast_in_dim3A_877 = vector.broadcast %jit3A_875 : f32 to vector<256x384xf32>
    %broadcast_in_dim3A_878 = vector.broadcast %jit3A_876 : f32 to vector<256x384xf32>
    %select_n3A_879 = arith.select %eq3A_874, %broadcast_in_dim3A_877, %broadcast_in_dim3A_878 : vector<256x384xi1>, vector<256x384xf32>
    %dot_general3A_880 = arith.constant dense<0.000000e+00> : vector<256x512xf32>
    %dot_general3A_881 = tpu.matmul %select_n3A_879, %get3A_868, %dot_general3A_880 {dimension_numbers = #tpu.dot_dimension_numbers<[1], [0], [0], [1], [0, 0, 1, 1], [], []>, transpose_lhs_hint = false} : vector<256x384xf32>, vector<384x512xf32>, vector<256x512xf32> -> vector<256x512xf32>
    %sub3A_882 = vector.broadcast %broadcast_in_dim3A_832 : vector<256x1xf32> to vector<256x256xf32>
    %sub3A_883 = vector.broadcast %slice3A_808 : vector<1x256xf32> to vector<256x256xf32>
    %sub3A_884 = arith.subf %sub3A_882, %sub3A_883 : vector<256x256xf32>
    %exp3A_885 = math.exp %sub3A_884 : vector<256x256xf32>
    %mul3A_886 = vector.broadcast %slice3A_809 : vector<1x256xf32> to vector<256x256xf32>
    %mul3A_887 = arith.mulf %mul3A_886, %exp3A_885 : vector<256x256xf32>
    %jit3A_888 = arith.constant 0.000000e+00 : f32
    %broadcast_in_dim3A_889 = vector.broadcast %jit3A_888 : f32 to vector<256x256xf32>
    %select_n3A_890 = arith.select %ge3A, %mul3A_887, %broadcast_in_dim3A_889 : vector<256x256xi1>, vector<256x256xf32>
    %dot_general3A_891 = arith.constant dense<0.000000e+00> : vector<256x512xf32>
    %dot_general3A_892 = tpu.matmul %select_n3A_890, %dot_general3A_881, %dot_general3A_891 {dimension_numbers = #tpu.dot_dimension_numbers<[1], [0], [0], [1], [0, 0, 1, 1], [], []>, transpose_lhs_hint = false} : vector<256x256xf32>, vector<256x512xf32>, vector<256x512xf32> -> vector<256x512xf32>
    %slice3A_893 = vector.extract_strided_slice %slice3A_808 {offsets = [0, 0], sizes = [1, 1], strides = [1, 1]} : vector<1x256xf32> to vector<1x1xf32>
    %sub3A_894 = vector.broadcast %slice3A_893 : vector<1x1xf32> to vector<256x1xf32>
    %sub3A_895 = arith.subf %broadcast_in_dim3A_832, %sub3A_894 : vector<256x1xf32>
    %exp3A_896 = math.exp %sub3A_895 : vector<256x1xf32>
    %mul3A_897 = vector.broadcast %exp3A_896 : vector<256x1xf32> to vector<256x512xf32>
    %mul3A_898 = vector.broadcast %mul3A_807 : vector<1x512xf32> to vector<256x512xf32>
    %mul3A_899 = arith.mulf %mul3A_897, %mul3A_898 : vector<256x512xf32>
    %add3A_900 = arith.addf %dot_general3A_892, %mul3A_899 : vector<256x512xf32>
    %slice3A_901 = vector.extract_strided_slice %slice3A_809 {offsets = [0, 255], sizes = [1, 1], strides = [1, 1]} : vector<1x256xf32> to vector<1x1xf32>
    %slice3A_902 = vector.extract_strided_slice %add3A_900 {offsets = [255, 0], sizes = [1, 512], strides = [1, 1]} : vector<256x512xf32> to vector<1x512xf32>
    %sub3A_903 = arith.constant 1.000000e+00 : f32
    %sub3A_904 = vector.broadcast %sub3A_903 : f32 to vector<1x1xf32>
    %sub3A_905 = arith.subf %sub3A_904, %slice3A_901 : vector<1x1xf32>
    %mul3A_906 = vector.broadcast %sub3A_905 : vector<1x1xf32> to vector<1x512xf32>
    %mul3A_907 = arith.mulf %mul3A_906, %slice3A_902 : vector<1x512xf32>
    %slice3A_908 = vector.extract_strided_slice %concatenate3A_305 {offsets = [0, 1536], sizes = [1, 256], strides = [1, 1]} : vector<1x2048xf32> to vector<1x256xf32>
    %slice3A_909 = vector.extract_strided_slice %min3A_178 {offsets = [0, 1536], sizes = [1, 256], strides = [1, 1]} : vector<1x2048xf32> to vector<1x256xf32>
    %slice3A_910 = vector.extract_strided_slice %max3A_240 {offsets = [0, 1536], sizes = [1, 256], strides = [1, 1]} : vector<1x2048xf32> to vector<1x256xf32>
    %iota3A_911 = tpu.iota {dimensions = array<i32: 0>} : vector<256x256xi32>
    %iota3A_912 = tpu.iota {dimensions = array<i32: 1>} : vector<256x256xi32>
    %eq3A_913 = arith.cmpi eq, %iota3A_911, %iota3A_912 : vector<256x256xi32>
    %broadcast_in_dim3A_914 = vector.shape_cast %slice3A_910 : vector<1x256xf32> to vector<1x256xf32>
    %broadcast_in_dim3A_915 = vector.broadcast %broadcast_in_dim3A_914 : vector<1x256xf32> to vector<256x256xf32>
    %jit3A_916 = arith.constant 0.000000e+00 : f32
    %broadcast_in_dim3A_917 = vector.broadcast %jit3A_916 : f32 to vector<256x256xf32>
    %select_n3A_918 = arith.select %eq3A_913, %broadcast_in_dim3A_915, %broadcast_in_dim3A_917 : vector<256x256xi1>, vector<256x256xf32>
    %reduce_sum3A_919 = arith.constant dense<0.000000e+00> : vector<256xf32>
    %reduce_sum3A_920 = vector.multi_reduction <add>, %select_n3A_918, %reduce_sum3A_919 [1] : vector<256x256xf32> to vector<256xf32>
    %broadcast_in_dim3A_921 = vector.shape_cast %reduce_sum3A_920 : vector<256xf32> to vector<256x1xf32>
    %iota3A_922 = tpu.iota {dimensions = array<i32: 0>} : vector<256x256xi32>
    %iota3A_923 = tpu.iota {dimensions = array<i32: 1>} : vector<256x256xi32>
    %eq3A_924 = arith.cmpi eq, %iota3A_922, %iota3A_923 : vector<256x256xi32>
    %broadcast_in_dim3A_925 = vector.shape_cast %slice3A_908 : vector<1x256xf32> to vector<1x256xf32>
    %broadcast_in_dim3A_926 = vector.broadcast %broadcast_in_dim3A_925 : vector<1x256xf32> to vector<256x256xf32>
    %jit3A_927 = arith.constant 0.000000e+00 : f32
    %broadcast_in_dim3A_928 = vector.broadcast %jit3A_927 : f32 to vector<256x256xf32>
    %select_n3A_929 = arith.select %eq3A_924, %broadcast_in_dim3A_926, %broadcast_in_dim3A_928 : vector<256x256xi1>, vector<256x256xf32>
    %reduce_sum3A_930 = arith.constant dense<0.000000e+00> : vector<256xf32>
    %reduce_sum3A_931 = vector.multi_reduction <add>, %select_n3A_929, %reduce_sum3A_930 [1] : vector<256x256xf32> to vector<256xf32>
    %broadcast_in_dim3A_932 = vector.shape_cast %reduce_sum3A_931 : vector<256xf32> to vector<256x1xf32>
    %get3A_933 = arith.constant 0 : index
    %get3A_934 = arith.constant 1536 : index
    %get3A_935 = vector.load %arg12[%get3A_933, %get3A_934] : memref<1x2048xf32, #tpu.memory_space<vmem>>, vector<1x1xf32>
    %get3A_936 = vector.extract %get3A_935[0, 0] : f32 from vector<1x1xf32>
    %convert_element_type3A_937 = arith.fptosi %get3A_936 : f32 to i32
    %jit3A_938 = arith.constant 128 : i32
    %div3A_939 = arith.divsi %convert_element_type3A_937, %jit3A_938 : i32
    %sign3A_940 = arith.constant 0 : i32
    %sign3A_941 = arith.cmpi sgt, %convert_element_type3A_937, %sign3A_940 : i32
    %sign3A_942 = arith.extui %sign3A_941 : i1 to i32
    %sign3A_943 = arith.constant 0 : i32
    %sign3A_944 = arith.cmpi slt, %convert_element_type3A_937, %sign3A_943 : i32
    %sign3A_945 = arith.extui %sign3A_944 : i1 to i32
    %sign3A_946 = arith.subi %sign3A_942, %sign3A_945 : i32
    %sign3A_947 = arith.constant 0 : i32
    %sign3A_948 = arith.cmpi sgt, %jit3A_938, %sign3A_947 : i32
    %sign3A_949 = arith.extui %sign3A_948 : i1 to i32
    %sign3A_950 = arith.constant 0 : i32
    %sign3A_951 = arith.cmpi slt, %jit3A_938, %sign3A_950 : i32
    %sign3A_952 = arith.extui %sign3A_951 : i1 to i32
    %sign3A_953 = arith.subi %sign3A_949, %sign3A_952 : i32
    %ne3A_954 = arith.cmpi ne, %sign3A_946, %sign3A_953 : i32
    %rem3A_955 = arith.remsi %convert_element_type3A_937, %jit3A_938 : i32
    %ne3A_956 = arith.constant 0 : i32
    %ne3A_957 = arith.cmpi ne, %rem3A_955, %ne3A_956 : i32
    %and3A_958 = arith.andi %ne3A_954, %ne3A_957 : i1
    %sub3A_959 = arith.constant 1 : i32
    %sub3A_960 = arith.subi %div3A_939, %sub3A_959 : i32
    %select_n3A_961 = arith.select %and3A_958, %sub3A_960, %div3A_939 : i32
    %mul3A_962 = arith.constant 128 : i32
    %mul3A_963 = arith.muli %select_n3A_961, %mul3A_962 : i32
    %min3A_964 = arith.constant 1664 : i32
    %min3A_965 = arith.minsi %mul3A_963, %min3A_964 : i32
    %get3A_966 = arith.index_cast %min3A_965 : i32 to index
    %get3A_967 = arith.constant 0 : index
    %get3A_968 = vector.load %arg11[%get3A_966, %get3A_967] : memref<2048x512xf32, #tpu.memory_space<vmem>>, vector<384x512xf32>
    %convert_element_type3A_969 = arith.sitofp %min3A_965 : i32 to f32
    %sub3A_970 = vector.broadcast %convert_element_type3A_969 : f32 to vector<256x1xf32>
    %sub3A_971 = arith.subf %broadcast_in_dim3A_921, %sub3A_970 : vector<256x1xf32>
    %eq3A_972 = vector.broadcast %sub3A_971 : vector<256x1xf32> to vector<256x384xf32>
    %eq3A_973 = vector.broadcast %convert_element_type3A_309 : vector<1x384xf32> to vector<256x384xf32>
    %eq3A_974 = arith.cmpf oeq, %eq3A_972, %eq3A_973 : vector<256x384xf32>
    %jit3A_975 = arith.constant 1.000000e+00 : f32
    %jit3A_976 = arith.constant 0.000000e+00 : f32
    %broadcast_in_dim3A_977 = vector.broadcast %jit3A_975 : f32 to vector<256x384xf32>
    %broadcast_in_dim3A_978 = vector.broadcast %jit3A_976 : f32 to vector<256x384xf32>
    %select_n3A_979 = arith.select %eq3A_974, %broadcast_in_dim3A_977, %broadcast_in_dim3A_978 : vector<256x384xi1>, vector<256x384xf32>
    %dot_general3A_980 = arith.constant dense<0.000000e+00> : vector<256x512xf32>
    %dot_general3A_981 = tpu.matmul %select_n3A_979, %get3A_968, %dot_general3A_980 {dimension_numbers = #tpu.dot_dimension_numbers<[1], [0], [0], [1], [0, 0, 1, 1], [], []>, transpose_lhs_hint = false} : vector<256x384xf32>, vector<384x512xf32>, vector<256x512xf32> -> vector<256x512xf32>
    %sub3A_982 = vector.broadcast %broadcast_in_dim3A_932 : vector<256x1xf32> to vector<256x256xf32>
    %sub3A_983 = vector.broadcast %slice3A_908 : vector<1x256xf32> to vector<256x256xf32>
    %sub3A_984 = arith.subf %sub3A_982, %sub3A_983 : vector<256x256xf32>
    %exp3A_985 = math.exp %sub3A_984 : vector<256x256xf32>
    %mul3A_986 = vector.broadcast %slice3A_909 : vector<1x256xf32> to vector<256x256xf32>
    %mul3A_987 = arith.mulf %mul3A_986, %exp3A_985 : vector<256x256xf32>
    %jit3A_988 = arith.constant 0.000000e+00 : f32
    %broadcast_in_dim3A_989 = vector.broadcast %jit3A_988 : f32 to vector<256x256xf32>
    %select_n3A_990 = arith.select %ge3A, %mul3A_987, %broadcast_in_dim3A_989 : vector<256x256xi1>, vector<256x256xf32>
    %dot_general3A_991 = arith.constant dense<0.000000e+00> : vector<256x512xf32>
    %dot_general3A_992 = tpu.matmul %select_n3A_990, %dot_general3A_981, %dot_general3A_991 {dimension_numbers = #tpu.dot_dimension_numbers<[1], [0], [0], [1], [0, 0, 1, 1], [], []>, transpose_lhs_hint = false} : vector<256x256xf32>, vector<256x512xf32>, vector<256x512xf32> -> vector<256x512xf32>
    %slice3A_993 = vector.extract_strided_slice %slice3A_908 {offsets = [0, 0], sizes = [1, 1], strides = [1, 1]} : vector<1x256xf32> to vector<1x1xf32>
    %sub3A_994 = vector.broadcast %slice3A_993 : vector<1x1xf32> to vector<256x1xf32>
    %sub3A_995 = arith.subf %broadcast_in_dim3A_932, %sub3A_994 : vector<256x1xf32>
    %exp3A_996 = math.exp %sub3A_995 : vector<256x1xf32>
    %mul3A_997 = vector.broadcast %exp3A_996 : vector<256x1xf32> to vector<256x512xf32>
    %mul3A_998 = vector.broadcast %mul3A_907 : vector<1x512xf32> to vector<256x512xf32>
    %mul3A_999 = arith.mulf %mul3A_997, %mul3A_998 : vector<256x512xf32>
    %add3A_1000 = arith.addf %dot_general3A_992, %mul3A_999 : vector<256x512xf32>
    %slice3A_1001 = vector.extract_strided_slice %slice3A_909 {offsets = [0, 255], sizes = [1, 1], strides = [1, 1]} : vector<1x256xf32> to vector<1x1xf32>
    %slice3A_1002 = vector.extract_strided_slice %add3A_1000 {offsets = [255, 0], sizes = [1, 512], strides = [1, 1]} : vector<256x512xf32> to vector<1x512xf32>
    %sub3A_1003 = arith.constant 1.000000e+00 : f32
    %sub3A_1004 = vector.broadcast %sub3A_1003 : f32 to vector<1x1xf32>
    %sub3A_1005 = arith.subf %sub3A_1004, %slice3A_1001 : vector<1x1xf32>
    %mul3A_1006 = vector.broadcast %sub3A_1005 : vector<1x1xf32> to vector<1x512xf32>
    %mul3A_1007 = arith.mulf %mul3A_1006, %slice3A_1002 : vector<1x512xf32>
    %slice3A_1008 = vector.extract_strided_slice %concatenate3A_305 {offsets = [0, 1792], sizes = [1, 256], strides = [1, 1]} : vector<1x2048xf32> to vector<1x256xf32>
    %slice3A_1009 = vector.extract_strided_slice %min3A_178 {offsets = [0, 1792], sizes = [1, 256], strides = [1, 1]} : vector<1x2048xf32> to vector<1x256xf32>
    %slice3A_1010 = vector.extract_strided_slice %max3A_240 {offsets = [0, 1792], sizes = [1, 256], strides = [1, 1]} : vector<1x2048xf32> to vector<1x256xf32>
    %iota3A_1011 = tpu.iota {dimensions = array<i32: 0>} : vector<256x256xi32>
    %iota3A_1012 = tpu.iota {dimensions = array<i32: 1>} : vector<256x256xi32>
    %eq3A_1013 = arith.cmpi eq, %iota3A_1011, %iota3A_1012 : vector<256x256xi32>
    %broadcast_in_dim3A_1014 = vector.shape_cast %slice3A_1010 : vector<1x256xf32> to vector<1x256xf32>
    %broadcast_in_dim3A_1015 = vector.broadcast %broadcast_in_dim3A_1014 : vector<1x256xf32> to vector<256x256xf32>
    %jit3A_1016 = arith.constant 0.000000e+00 : f32
    %broadcast_in_dim3A_1017 = vector.broadcast %jit3A_1016 : f32 to vector<256x256xf32>
    %select_n3A_1018 = arith.select %eq3A_1013, %broadcast_in_dim3A_1015, %broadcast_in_dim3A_1017 : vector<256x256xi1>, vector<256x256xf32>
    %reduce_sum3A_1019 = arith.constant dense<0.000000e+00> : vector<256xf32>
    %reduce_sum3A_1020 = vector.multi_reduction <add>, %select_n3A_1018, %reduce_sum3A_1019 [1] : vector<256x256xf32> to vector<256xf32>
    %broadcast_in_dim3A_1021 = vector.shape_cast %reduce_sum3A_1020 : vector<256xf32> to vector<256x1xf32>
    %iota3A_1022 = tpu.iota {dimensions = array<i32: 0>} : vector<256x256xi32>
    %iota3A_1023 = tpu.iota {dimensions = array<i32: 1>} : vector<256x256xi32>
    %eq3A_1024 = arith.cmpi eq, %iota3A_1022, %iota3A_1023 : vector<256x256xi32>
    %broadcast_in_dim3A_1025 = vector.shape_cast %slice3A_1008 : vector<1x256xf32> to vector<1x256xf32>
    %broadcast_in_dim3A_1026 = vector.broadcast %broadcast_in_dim3A_1025 : vector<1x256xf32> to vector<256x256xf32>
    %jit3A_1027 = arith.constant 0.000000e+00 : f32
    %broadcast_in_dim3A_1028 = vector.broadcast %jit3A_1027 : f32 to vector<256x256xf32>
    %select_n3A_1029 = arith.select %eq3A_1024, %broadcast_in_dim3A_1026, %broadcast_in_dim3A_1028 : vector<256x256xi1>, vector<256x256xf32>
    %reduce_sum3A_1030 = arith.constant dense<0.000000e+00> : vector<256xf32>
    %reduce_sum3A_1031 = vector.multi_reduction <add>, %select_n3A_1029, %reduce_sum3A_1030 [1] : vector<256x256xf32> to vector<256xf32>
    %broadcast_in_dim3A_1032 = vector.shape_cast %reduce_sum3A_1031 : vector<256xf32> to vector<256x1xf32>
    %get3A_1033 = arith.constant 0 : index
    %get3A_1034 = arith.constant 1792 : index
    %get3A_1035 = vector.load %arg12[%get3A_1033, %get3A_1034] : memref<1x2048xf32, #tpu.memory_space<vmem>>, vector<1x1xf32>
    %get3A_1036 = vector.extract %get3A_1035[0, 0] : f32 from vector<1x1xf32>
    %convert_element_type3A_1037 = arith.fptosi %get3A_1036 : f32 to i32
    %jit3A_1038 = arith.constant 128 : i32
    %div3A_1039 = arith.divsi %convert_element_type3A_1037, %jit3A_1038 : i32
    %sign3A_1040 = arith.constant 0 : i32
    %sign3A_1041 = arith.cmpi sgt, %convert_element_type3A_1037, %sign3A_1040 : i32
    %sign3A_1042 = arith.extui %sign3A_1041 : i1 to i32
    %sign3A_1043 = arith.constant 0 : i32
    %sign3A_1044 = arith.cmpi slt, %convert_element_type3A_1037, %sign3A_1043 : i32
    %sign3A_1045 = arith.extui %sign3A_1044 : i1 to i32
    %sign3A_1046 = arith.subi %sign3A_1042, %sign3A_1045 : i32
    %sign3A_1047 = arith.constant 0 : i32
    %sign3A_1048 = arith.cmpi sgt, %jit3A_1038, %sign3A_1047 : i32
    %sign3A_1049 = arith.extui %sign3A_1048 : i1 to i32
    %sign3A_1050 = arith.constant 0 : i32
    %sign3A_1051 = arith.cmpi slt, %jit3A_1038, %sign3A_1050 : i32
    %sign3A_1052 = arith.extui %sign3A_1051 : i1 to i32
    %sign3A_1053 = arith.subi %sign3A_1049, %sign3A_1052 : i32
    %ne3A_1054 = arith.cmpi ne, %sign3A_1046, %sign3A_1053 : i32
    %rem3A_1055 = arith.remsi %convert_element_type3A_1037, %jit3A_1038 : i32
    %ne3A_1056 = arith.constant 0 : i32
    %ne3A_1057 = arith.cmpi ne, %rem3A_1055, %ne3A_1056 : i32
    %and3A_1058 = arith.andi %ne3A_1054, %ne3A_1057 : i1
    %sub3A_1059 = arith.constant 1 : i32
    %sub3A_1060 = arith.subi %div3A_1039, %sub3A_1059 : i32
    %select_n3A_1061 = arith.select %and3A_1058, %sub3A_1060, %div3A_1039 : i32
    %mul3A_1062 = arith.constant 128 : i32
    %mul3A_1063 = arith.muli %select_n3A_1061, %mul3A_1062 : i32
    %min3A_1064 = arith.constant 1664 : i32
    %min3A_1065 = arith.minsi %mul3A_1063, %min3A_1064 : i32
    %get3A_1066 = arith.index_cast %min3A_1065 : i32 to index
    %get3A_1067 = arith.constant 0 : index
    %get3A_1068 = vector.load %arg11[%get3A_1066, %get3A_1067] : memref<2048x512xf32, #tpu.memory_space<vmem>>, vector<384x512xf32>
    %convert_element_type3A_1069 = arith.sitofp %min3A_1065 : i32 to f32
    %sub3A_1070 = vector.broadcast %convert_element_type3A_1069 : f32 to vector<256x1xf32>
    %sub3A_1071 = arith.subf %broadcast_in_dim3A_1021, %sub3A_1070 : vector<256x1xf32>
    %eq3A_1072 = vector.broadcast %sub3A_1071 : vector<256x1xf32> to vector<256x384xf32>
    %eq3A_1073 = vector.broadcast %convert_element_type3A_309 : vector<1x384xf32> to vector<256x384xf32>
    %eq3A_1074 = arith.cmpf oeq, %eq3A_1072, %eq3A_1073 : vector<256x384xf32>
    %jit3A_1075 = arith.constant 1.000000e+00 : f32
    %jit3A_1076 = arith.constant 0.000000e+00 : f32
    %broadcast_in_dim3A_1077 = vector.broadcast %jit3A_1075 : f32 to vector<256x384xf32>
    %broadcast_in_dim3A_1078 = vector.broadcast %jit3A_1076 : f32 to vector<256x384xf32>
    %select_n3A_1079 = arith.select %eq3A_1074, %broadcast_in_dim3A_1077, %broadcast_in_dim3A_1078 : vector<256x384xi1>, vector<256x384xf32>
    %dot_general3A_1080 = arith.constant dense<0.000000e+00> : vector<256x512xf32>
    %dot_general3A_1081 = tpu.matmul %select_n3A_1079, %get3A_1068, %dot_general3A_1080 {dimension_numbers = #tpu.dot_dimension_numbers<[1], [0], [0], [1], [0, 0, 1, 1], [], []>, transpose_lhs_hint = false} : vector<256x384xf32>, vector<384x512xf32>, vector<256x512xf32> -> vector<256x512xf32>
    %sub3A_1082 = vector.broadcast %broadcast_in_dim3A_1032 : vector<256x1xf32> to vector<256x256xf32>
    %sub3A_1083 = vector.broadcast %slice3A_1008 : vector<1x256xf32> to vector<256x256xf32>
    %sub3A_1084 = arith.subf %sub3A_1082, %sub3A_1083 : vector<256x256xf32>
    %exp3A_1085 = math.exp %sub3A_1084 : vector<256x256xf32>
    %mul3A_1086 = vector.broadcast %slice3A_1009 : vector<1x256xf32> to vector<256x256xf32>
    %mul3A_1087 = arith.mulf %mul3A_1086, %exp3A_1085 : vector<256x256xf32>
    %jit3A_1088 = arith.constant 0.000000e+00 : f32
    %broadcast_in_dim3A_1089 = vector.broadcast %jit3A_1088 : f32 to vector<256x256xf32>
    %select_n3A_1090 = arith.select %ge3A, %mul3A_1087, %broadcast_in_dim3A_1089 : vector<256x256xi1>, vector<256x256xf32>
    %dot_general3A_1091 = arith.constant dense<0.000000e+00> : vector<256x512xf32>
    %dot_general3A_1092 = tpu.matmul %select_n3A_1090, %dot_general3A_1081, %dot_general3A_1091 {dimension_numbers = #tpu.dot_dimension_numbers<[1], [0], [0], [1], [0, 0, 1, 1], [], []>, transpose_lhs_hint = false} : vector<256x256xf32>, vector<256x512xf32>, vector<256x512xf32> -> vector<256x512xf32>
    %slice3A_1093 = vector.extract_strided_slice %slice3A_1008 {offsets = [0, 0], sizes = [1, 1], strides = [1, 1]} : vector<1x256xf32> to vector<1x1xf32>
    %sub3A_1094 = vector.broadcast %slice3A_1093 : vector<1x1xf32> to vector<256x1xf32>
    %sub3A_1095 = arith.subf %broadcast_in_dim3A_1032, %sub3A_1094 : vector<256x1xf32>
    %exp3A_1096 = math.exp %sub3A_1095 : vector<256x1xf32>
    %mul3A_1097 = vector.broadcast %exp3A_1096 : vector<256x1xf32> to vector<256x512xf32>
    %mul3A_1098 = vector.broadcast %mul3A_1007 : vector<1x512xf32> to vector<256x512xf32>
    %mul3A_1099 = arith.mulf %mul3A_1097, %mul3A_1098 : vector<256x512xf32>
    %add3A_1100 = arith.addf %dot_general3A_1092, %mul3A_1099 : vector<256x512xf32>
    %concatenate3A_1101 = tpu.concatenate %add3A_400, %add3A_500, %add3A_600, %add3A_700, %add3A_800, %add3A_900, %add3A_1000, %add3A_1100 in 0 : vector<256x512xf32>, vector<256x512xf32>, vector<256x512xf32>, vector<256x512xf32>, vector<256x512xf32>, vector<256x512xf32>, vector<256x512xf32>, vector<256x512xf32> -> vector<2048x512xf32>
    %slice3A_1102 = vector.extract_strided_slice %concatenate3A_1101 {offsets = [0, 0], sizes = [2048, 256], strides = [1, 1]} : vector<2048x512xf32> to vector<2048x256xf32>
    %slice3A_1103 = vector.extract_strided_slice %get3A_10 {offsets = [0, 0], sizes = [1, 1], strides = [1, 1]} : vector<1x2xf32> to vector<1x1xf32>
    %slice3A_1104 = vector.extract_strided_slice %concatenate3A_1101 {offsets = [0, 256], sizes = [2048, 256], strides = [1, 1]} : vector<2048x512xf32> to vector<2048x256xf32>
    %mul3A_1105 = vector.broadcast %slice3A_1103 : vector<1x1xf32> to vector<2048x256xf32>
    %mul3A_1106 = arith.mulf %mul3A_1105, %slice3A_1104 : vector<2048x256xf32>
    %add3A_1107 = arith.addf %slice3A_1102, %mul3A_1106 : vector<2048x256xf32>
    %mul3A_1108 = arith.mulf %add3A_1107, %add3A_1107 : vector<2048x256xf32>
    %reduce_sum3A_1109 = arith.constant dense<0.000000e+00> : vector<2048xf32>
    %reduce_sum3A_1110 = vector.multi_reduction <add>, %mul3A_1108, %reduce_sum3A_1109 [1] : vector<2048x256xf32> to vector<2048xf32>
    %broadcast_in_dim3A_1111 = vector.shape_cast %reduce_sum3A_1110 : vector<2048xf32> to vector<2048x1xf32>
    %div3A_1112 = arith.constant 2.560000e+02 : f32
    %div3A_1113 = vector.broadcast %div3A_1112 : f32 to vector<2048x1xf32>
    %div3A_1114 = arith.divf %broadcast_in_dim3A_1111, %div3A_1113 : vector<2048x1xf32>
    %add3A_1115 = arith.constant 9.99999997E-7 : f32
    %add3A_1116 = vector.broadcast %add3A_1115 : f32 to vector<2048x1xf32>
    %add3A_1117 = arith.addf %div3A_1114, %add3A_1116 : vector<2048x1xf32>
    %rsqrt3A_1118 = math.rsqrt %add3A_1117 : vector<2048x1xf32>
    %mul3A_1119 = vector.broadcast %rsqrt3A_1118 : vector<2048x1xf32> to vector<2048x256xf32>
    %mul3A_1120 = arith.mulf %add3A_1107, %mul3A_1119 : vector<2048x256xf32>
    %get3A_1121 = arith.constant 1 : index
    %get3A_1122 = arith.constant 0 : index
    %get3A_1123 = arith.constant 0 : index
    %get3A_1124 = vector.load %arg5[%get3A_1121, %get3A_1122, %get3A_1123] : memref<2x256x256xf32, #tpu.memory_space<vmem>>, vector<1x256x256xf32>
    %get3A_1125 = vector.shape_cast %get3A_1124 : vector<1x256x256xf32> to vector<256x256xf32>
    %get3A_1126 = arith.constant 1 : index
    %get3A_1127 = arith.constant 0 : index
    %get3A_1128 = arith.constant 0 : index
    %get3A_1129 = vector.load %arg6[%get3A_1126, %get3A_1127, %get3A_1128] : memref<2x1x256xf32, #tpu.memory_space<vmem>>, vector<1x1x256xf32>
    %get3A_1130 = vector.shape_cast %get3A_1129 : vector<1x1x256xf32> to vector<1x256xf32>
    %get3A_1131 = arith.constant 1 : index
    %get3A_1132 = arith.constant 0 : index
    %get3A_1133 = arith.constant 0 : index
    %get3A_1134 = vector.load %arg7[%get3A_1131, %get3A_1132, %get3A_1133] : memref<2x256x256xf32, #tpu.memory_space<vmem>>, vector<1x256x256xf32>
    %get3A_1135 = vector.shape_cast %get3A_1134 : vector<1x256x256xf32> to vector<256x256xf32>
    %get3A_1136 = arith.constant 1 : index
    %get3A_1137 = arith.constant 0 : index
    %get3A_1138 = arith.constant 0 : index
    %get3A_1139 = vector.load %arg8[%get3A_1136, %get3A_1137, %get3A_1138] : memref<2x1x256xf32, #tpu.memory_space<vmem>>, vector<1x1x256xf32>
    %get3A_1140 = vector.shape_cast %get3A_1139 : vector<1x1x256xf32> to vector<1x256xf32>
    %dot_general3A_1141 = arith.constant dense<0.000000e+00> : vector<2048x256xf32>
    %dot_general3A_1142 = tpu.matmul %mul3A_1120, %get3A_1125, %dot_general3A_1141 {dimension_numbers = #tpu.dot_dimension_numbers<[1], [1], [0], [0], [0, 0, 1, 0], [], []>, transpose_lhs_hint = false} : vector<2048x256xf32>, vector<256x256xf32>, vector<2048x256xf32> -> vector<2048x256xf32>
    %add3A_1143 = vector.broadcast %get3A_1130 : vector<1x256xf32> to vector<2048x256xf32>
    %add3A_1144 = arith.addf %dot_general3A_1142, %add3A_1143 : vector<2048x256xf32>
    %dot_general3A_1145 = arith.constant dense<0.000000e+00> : vector<2048x256xf32>
    %dot_general3A_1146 = tpu.matmul %mul3A_1120, %get3A_1135, %dot_general3A_1145 {dimension_numbers = #tpu.dot_dimension_numbers<[1], [1], [0], [0], [0, 0, 1, 0], [], []>, transpose_lhs_hint = false} : vector<2048x256xf32>, vector<256x256xf32>, vector<2048x256xf32> -> vector<2048x256xf32>
    %add3A_1147 = vector.broadcast %get3A_1140 : vector<1x256xf32> to vector<2048x256xf32>
    %add3A_1148 = arith.addf %dot_general3A_1146, %add3A_1147 : vector<2048x256xf32>
    %slice3A_1149 = vector.extract_strided_slice %add3A_1148 {offsets = [1, 0], sizes = [2047, 256], strides = [1, 1]} : vector<2048x256xf32> to vector<2047x256xf32>
    %broadcast_in_dim3A_1150 = arith.constant 0.000000e+00 : f32
    %broadcast_in_dim3A_1151 = vector.broadcast %broadcast_in_dim3A_1150 : f32 to vector<1x256xf32>
    %concatenate3A_1152 = tpu.concatenate %slice3A_1149, %broadcast_in_dim3A_1151 in 0 : vector<2047x256xf32>, vector<1x256xf32> -> vector<2048x256xf32>
    %mul3A_1153 = arith.mulf %add3A_1144, %add3A_1144 : vector<2048x256xf32>
    %reduce_sum3A_1154 = arith.constant dense<0.000000e+00> : vector<2048xf32>
    %reduce_sum3A_1155 = vector.multi_reduction <add>, %mul3A_1153, %reduce_sum3A_1154 [1] : vector<2048x256xf32> to vector<2048xf32>
    %broadcast_in_dim3A_1156 = vector.shape_cast %reduce_sum3A_1155 : vector<2048xf32> to vector<2048x1xf32>
    %sqrt3A_1157 = math.sqrt %broadcast_in_dim3A_1156 : vector<2048x1xf32>
    %mul3A_1158 = arith.mulf %concatenate3A_1152, %concatenate3A_1152 : vector<2048x256xf32>
    %reduce_sum3A_1159 = arith.constant dense<0.000000e+00> : vector<2048xf32>
    %reduce_sum3A_1160 = vector.multi_reduction <add>, %mul3A_1158, %reduce_sum3A_1159 [1] : vector<2048x256xf32> to vector<2048xf32>
    %broadcast_in_dim3A_1161 = vector.shape_cast %reduce_sum3A_1160 : vector<2048xf32> to vector<2048x1xf32>
    %sqrt3A_1162 = math.sqrt %broadcast_in_dim3A_1161 : vector<2048x1xf32>
    %max3A_1163 = arith.constant 9.99999996E-13 : f32
    %max3A_1164 = vector.broadcast %max3A_1163 : f32 to vector<2048x1xf32>
    %max3A_1165 = arith.maximumf %sqrt3A_1157, %max3A_1164 : vector<2048x1xf32>
    %div3A_1166 = vector.broadcast %max3A_1165 : vector<2048x1xf32> to vector<2048x256xf32>
    %div3A_1167 = arith.divf %add3A_1144, %div3A_1166 : vector<2048x256xf32>
    %max3A_1168 = arith.constant 9.99999996E-13 : f32
    %max3A_1169 = vector.broadcast %max3A_1168 : f32 to vector<2048x1xf32>
    %max3A_1170 = arith.maximumf %sqrt3A_1162, %max3A_1169 : vector<2048x1xf32>
    %div3A_1171 = vector.broadcast %max3A_1170 : vector<2048x1xf32> to vector<2048x256xf32>
    %div3A_1172 = arith.divf %concatenate3A_1152, %div3A_1171 : vector<2048x256xf32>
    %mul3A_1173 = arith.mulf %div3A_1167, %div3A_1172 : vector<2048x256xf32>
    %reduce_sum3A_1174 = arith.constant dense<0.000000e+00> : vector<2048xf32>
    %reduce_sum3A_1175 = vector.multi_reduction <add>, %mul3A_1173, %reduce_sum3A_1174 [1] : vector<2048x256xf32> to vector<2048xf32>
    %broadcast_in_dim3A_1176 = vector.shape_cast %reduce_sum3A_1175 : vector<2048xf32> to vector<2048x1xf32>
    %sub3A_1177 = arith.constant 1.000000e+00 : f32
    %sub3A_1178 = vector.broadcast %sub3A_1177 : f32 to vector<2048x1xf32>
    %sub3A_1179 = arith.subf %sub3A_1178, %broadcast_in_dim3A_1176 : vector<2048x1xf32>
    %mul3A_1180 = arith.constant 5.000000e-01 : f32
    %mul3A_1181 = vector.broadcast %mul3A_1180 : f32 to vector<2048x1xf32>
    %mul3A_1182 = arith.mulf %mul3A_1181, %sub3A_1179 : vector<2048x1xf32>
    %jit3A_1183 = arith.constant 0.000000e+00 : f32
    %jit3A_1184 = arith.constant 1.000000e+00 : f32
    %max3A_1185 = vector.broadcast %jit3A_1183 : f32 to vector<2048x1xf32>
    %max3A_1186 = arith.maximumf %max3A_1185, %mul3A_1182 : vector<2048x1xf32>
    %min3A_1187 = vector.broadcast %jit3A_1184 : f32 to vector<2048x1xf32>
    %min3A_1188 = arith.minimumf %min3A_1187, %max3A_1186 : vector<2048x1xf32>
    %broadcast_in_dim3A_1189 = arith.constant 1.000000e+00 : f32
    %broadcast_in_dim3A_1190 = vector.broadcast %broadcast_in_dim3A_1189 : f32 to vector<1x1xf32>
    %slice3A_1191 = vector.extract_strided_slice %min3A_1188 {offsets = [0, 0], sizes = [2047, 1], strides = [1, 1]} : vector<2048x1xf32> to vector<2047x1xf32>
    %concatenate3A_1192 = tpu.concatenate %broadcast_in_dim3A_1190, %slice3A_1191 in 0 : vector<1x1xf32>, vector<2047x1xf32> -> vector<2048x1xf32>
    %iota3A_1193 = tpu.iota {dimensions = array<i32: 0>} : vector<256x256xi32>
    %iota3A_1194 = tpu.iota {dimensions = array<i32: 1>} : vector<256x256xi32>
    %eq3A_1195 = arith.cmpi eq, %iota3A_1193, %iota3A_1194 : vector<256x256xi32>
    %slice3A_1196 = vector.extract_strided_slice %concatenate3A_1192 {offsets = [0, 0], sizes = [256, 1], strides = [1, 1]} : vector<2048x1xf32> to vector<256x1xf32>
    %broadcast_in_dim3A_1197 = vector.shape_cast %slice3A_1196 : vector<256x1xf32> to vector<256x1xf32>
    %broadcast_in_dim3A_1198 = vector.broadcast %broadcast_in_dim3A_1197 : vector<256x1xf32> to vector<256x256xf32>
    %jit3A_1199 = arith.constant 0.000000e+00 : f32
    %broadcast_in_dim3A_1200 = vector.broadcast %jit3A_1199 : f32 to vector<256x256xf32>
    %select_n3A_1201 = arith.select %eq3A_1195, %broadcast_in_dim3A_1198, %broadcast_in_dim3A_1200 : vector<256x256xi1>, vector<256x256xf32>
    %reduce_sum3A_1202 = arith.constant dense<0.000000e+00> : vector<256xf32>
    %reduce_sum3A_1203 = vector.multi_reduction <add>, %select_n3A_1201, %reduce_sum3A_1202 [0] : vector<256x256xf32> to vector<256xf32>
    %broadcast_in_dim3A_1204 = vector.shape_cast %reduce_sum3A_1203 : vector<256xf32> to vector<1x256xf32>
    %slice3A_1205 = vector.extract_strided_slice %concatenate3A_1192 {offsets = [256, 0], sizes = [256, 1], strides = [1, 1]} : vector<2048x1xf32> to vector<256x1xf32>
    %broadcast_in_dim3A_1206 = vector.shape_cast %slice3A_1205 : vector<256x1xf32> to vector<256x1xf32>
    %broadcast_in_dim3A_1207 = vector.broadcast %broadcast_in_dim3A_1206 : vector<256x1xf32> to vector<256x256xf32>
    %jit3A_1208 = arith.constant 0.000000e+00 : f32
    %broadcast_in_dim3A_1209 = vector.broadcast %jit3A_1208 : f32 to vector<256x256xf32>
    %select_n3A_1210 = arith.select %eq3A_1195, %broadcast_in_dim3A_1207, %broadcast_in_dim3A_1209 : vector<256x256xi1>, vector<256x256xf32>
    %reduce_sum3A_1211 = arith.constant dense<0.000000e+00> : vector<256xf32>
    %reduce_sum3A_1212 = vector.multi_reduction <add>, %select_n3A_1210, %reduce_sum3A_1211 [0] : vector<256x256xf32> to vector<256xf32>
    %broadcast_in_dim3A_1213 = vector.shape_cast %reduce_sum3A_1212 : vector<256xf32> to vector<1x256xf32>
    %slice3A_1214 = vector.extract_strided_slice %concatenate3A_1192 {offsets = [512, 0], sizes = [256, 1], strides = [1, 1]} : vector<2048x1xf32> to vector<256x1xf32>
    %broadcast_in_dim3A_1215 = vector.shape_cast %slice3A_1214 : vector<256x1xf32> to vector<256x1xf32>
    %broadcast_in_dim3A_1216 = vector.broadcast %broadcast_in_dim3A_1215 : vector<256x1xf32> to vector<256x256xf32>
    %jit3A_1217 = arith.constant 0.000000e+00 : f32
    %broadcast_in_dim3A_1218 = vector.broadcast %jit3A_1217 : f32 to vector<256x256xf32>
    %select_n3A_1219 = arith.select %eq3A_1195, %broadcast_in_dim3A_1216, %broadcast_in_dim3A_1218 : vector<256x256xi1>, vector<256x256xf32>
    %reduce_sum3A_1220 = arith.constant dense<0.000000e+00> : vector<256xf32>
    %reduce_sum3A_1221 = vector.multi_reduction <add>, %select_n3A_1219, %reduce_sum3A_1220 [0] : vector<256x256xf32> to vector<256xf32>
    %broadcast_in_dim3A_1222 = vector.shape_cast %reduce_sum3A_1221 : vector<256xf32> to vector<1x256xf32>
    %slice3A_1223 = vector.extract_strided_slice %concatenate3A_1192 {offsets = [768, 0], sizes = [256, 1], strides = [1, 1]} : vector<2048x1xf32> to vector<256x1xf32>
    %broadcast_in_dim3A_1224 = vector.shape_cast %slice3A_1223 : vector<256x1xf32> to vector<256x1xf32>
    %broadcast_in_dim3A_1225 = vector.broadcast %broadcast_in_dim3A_1224 : vector<256x1xf32> to vector<256x256xf32>
    %jit3A_1226 = arith.constant 0.000000e+00 : f32
    %broadcast_in_dim3A_1227 = vector.broadcast %jit3A_1226 : f32 to vector<256x256xf32>
    %select_n3A_1228 = arith.select %eq3A_1195, %broadcast_in_dim3A_1225, %broadcast_in_dim3A_1227 : vector<256x256xi1>, vector<256x256xf32>
    %reduce_sum3A_1229 = arith.constant dense<0.000000e+00> : vector<256xf32>
    %reduce_sum3A_1230 = vector.multi_reduction <add>, %select_n3A_1228, %reduce_sum3A_1229 [0] : vector<256x256xf32> to vector<256xf32>
    %broadcast_in_dim3A_1231 = vector.shape_cast %reduce_sum3A_1230 : vector<256xf32> to vector<1x256xf32>
    %slice3A_1232 = vector.extract_strided_slice %concatenate3A_1192 {offsets = [1024, 0], sizes = [256, 1], strides = [1, 1]} : vector<2048x1xf32> to vector<256x1xf32>
    %broadcast_in_dim3A_1233 = vector.shape_cast %slice3A_1232 : vector<256x1xf32> to vector<256x1xf32>
    %broadcast_in_dim3A_1234 = vector.broadcast %broadcast_in_dim3A_1233 : vector<256x1xf32> to vector<256x256xf32>
    %jit3A_1235 = arith.constant 0.000000e+00 : f32
    %broadcast_in_dim3A_1236 = vector.broadcast %jit3A_1235 : f32 to vector<256x256xf32>
    %select_n3A_1237 = arith.select %eq3A_1195, %broadcast_in_dim3A_1234, %broadcast_in_dim3A_1236 : vector<256x256xi1>, vector<256x256xf32>
    %reduce_sum3A_1238 = arith.constant dense<0.000000e+00> : vector<256xf32>
    %reduce_sum3A_1239 = vector.multi_reduction <add>, %select_n3A_1237, %reduce_sum3A_1238 [0] : vector<256x256xf32> to vector<256xf32>
    %broadcast_in_dim3A_1240 = vector.shape_cast %reduce_sum3A_1239 : vector<256xf32> to vector<1x256xf32>
    %slice3A_1241 = vector.extract_strided_slice %concatenate3A_1192 {offsets = [1280, 0], sizes = [256, 1], strides = [1, 1]} : vector<2048x1xf32> to vector<256x1xf32>
    %broadcast_in_dim3A_1242 = vector.shape_cast %slice3A_1241 : vector<256x1xf32> to vector<256x1xf32>
    %broadcast_in_dim3A_1243 = vector.broadcast %broadcast_in_dim3A_1242 : vector<256x1xf32> to vector<256x256xf32>
    %jit3A_1244 = arith.constant 0.000000e+00 : f32
    %broadcast_in_dim3A_1245 = vector.broadcast %jit3A_1244 : f32 to vector<256x256xf32>
    %select_n3A_1246 = arith.select %eq3A_1195, %broadcast_in_dim3A_1243, %broadcast_in_dim3A_1245 : vector<256x256xi1>, vector<256x256xf32>
    %reduce_sum3A_1247 = arith.constant dense<0.000000e+00> : vector<256xf32>
    %reduce_sum3A_1248 = vector.multi_reduction <add>, %select_n3A_1246, %reduce_sum3A_1247 [0] : vector<256x256xf32> to vector<256xf32>
    %broadcast_in_dim3A_1249 = vector.shape_cast %reduce_sum3A_1248 : vector<256xf32> to vector<1x256xf32>
    %slice3A_1250 = vector.extract_strided_slice %concatenate3A_1192 {offsets = [1536, 0], sizes = [256, 1], strides = [1, 1]} : vector<2048x1xf32> to vector<256x1xf32>
    %broadcast_in_dim3A_1251 = vector.shape_cast %slice3A_1250 : vector<256x1xf32> to vector<256x1xf32>
    %broadcast_in_dim3A_1252 = vector.broadcast %broadcast_in_dim3A_1251 : vector<256x1xf32> to vector<256x256xf32>
    %jit3A_1253 = arith.constant 0.000000e+00 : f32
    %broadcast_in_dim3A_1254 = vector.broadcast %jit3A_1253 : f32 to vector<256x256xf32>
    %select_n3A_1255 = arith.select %eq3A_1195, %broadcast_in_dim3A_1252, %broadcast_in_dim3A_1254 : vector<256x256xi1>, vector<256x256xf32>
    %reduce_sum3A_1256 = arith.constant dense<0.000000e+00> : vector<256xf32>
    %reduce_sum3A_1257 = vector.multi_reduction <add>, %select_n3A_1255, %reduce_sum3A_1256 [0] : vector<256x256xf32> to vector<256xf32>
    %broadcast_in_dim3A_1258 = vector.shape_cast %reduce_sum3A_1257 : vector<256xf32> to vector<1x256xf32>
    %slice3A_1259 = vector.extract_strided_slice %concatenate3A_1192 {offsets = [1792, 0], sizes = [256, 1], strides = [1, 1]} : vector<2048x1xf32> to vector<256x1xf32>
    %broadcast_in_dim3A_1260 = vector.shape_cast %slice3A_1259 : vector<256x1xf32> to vector<256x1xf32>
    %broadcast_in_dim3A_1261 = vector.broadcast %broadcast_in_dim3A_1260 : vector<256x1xf32> to vector<256x256xf32>
    %jit3A_1262 = arith.constant 0.000000e+00 : f32
    %broadcast_in_dim3A_1263 = vector.broadcast %jit3A_1262 : f32 to vector<256x256xf32>
    %select_n3A_1264 = arith.select %eq3A_1195, %broadcast_in_dim3A_1261, %broadcast_in_dim3A_1263 : vector<256x256xi1>, vector<256x256xf32>
    %reduce_sum3A_1265 = arith.constant dense<0.000000e+00> : vector<256xf32>
    %reduce_sum3A_1266 = vector.multi_reduction <add>, %select_n3A_1264, %reduce_sum3A_1265 [0] : vector<256x256xf32> to vector<256xf32>
    %broadcast_in_dim3A_1267 = vector.shape_cast %reduce_sum3A_1266 : vector<256xf32> to vector<1x256xf32>
    %concatenate3A_1268 = tpu.concatenate %broadcast_in_dim3A_1204, %broadcast_in_dim3A_1213, %broadcast_in_dim3A_1222, %broadcast_in_dim3A_1231, %broadcast_in_dim3A_1240, %broadcast_in_dim3A_1249, %broadcast_in_dim3A_1258, %broadcast_in_dim3A_1267 in 1 : vector<1x256xf32>, vector<1x256xf32>, vector<1x256xf32>, vector<1x256xf32>, vector<1x256xf32>, vector<1x256xf32>, vector<1x256xf32>, vector<1x256xf32> -> vector<1x2048xf32>
    %gt3A_1269 = arith.constant 5.000000e-01 : f32
    %gt3A_1270 = vector.broadcast %gt3A_1269 : f32 to vector<1x2048xf32>
    %gt3A_1271 = arith.cmpf ogt, %concatenate3A_1268, %gt3A_1270 : vector<1x2048xf32>
    %and3A_1272 = arith.andi %gt3A_1271, %gt3A_5 : vector<1x2048xi1>
    %get3A_1273 = arith.constant 0 : index
    %get3A_1274 = arith.constant 0 : index
    %get3A_1275 = arith.constant 0 : index
    %get3A_1276 = vector.load %arg4[%get3A_1273, %get3A_1274, %get3A_1275] : memref<1x2048x256xf32, #tpu.memory_space<vmem>>, vector<1x2048x256xf32>
    %get3A_1277 = vector.shape_cast %get3A_1276 : vector<1x2048x256xf32> to vector<2048x256xf32>
    %swap3A_1278 = arith.constant 0 : index
    %swap3A_1279 = arith.constant 0 : index
    %swap3A_1280 = vector.load %arg11[%swap3A_1278, %swap3A_1279] : memref<2048x512xf32, #tpu.memory_space<vmem>>, vector<2048x256xf32>
    tpu.vector_store %arg11[%swap3A_1278, %swap3A_1279], %mul3A_1120 {strides = array<i32>} : memref<2048x512xf32, #tpu.memory_space<vmem>>, vector<2048x256xf32>,
    %swap3A_1281 = arith.constant 0 : index
    %swap3A_1282 = arith.constant 256 : index
    %swap3A_1283 = vector.load %arg11[%swap3A_1281, %swap3A_1282] : memref<2048x512xf32, #tpu.memory_space<vmem>>, vector<2048x256xf32>
    tpu.vector_store %arg11[%swap3A_1281, %swap3A_1282], %get3A_1277 {strides = array<i32>} : memref<2048x512xf32, #tpu.memory_space<vmem>>, vector<2048x256xf32>,
    %jit3A_1284 = arith.constant 9.99999974E-5 : f32
    %jit3A_1285 = arith.constant 0.999899983 : f32
    %max3A_1286 = vector.broadcast %jit3A_1284 : f32 to vector<1x2048xf32>
    %max3A_1287 = arith.maximumf %max3A_1286, %concatenate3A_1268 : vector<1x2048xf32>
    %min3A_1288 = vector.broadcast %jit3A_1285 : f32 to vector<1x2048xf32>
    %min3A_1289 = arith.minimumf %min3A_1288, %max3A_1287 : vector<1x2048xf32>
    %convert_element_type3A_1290 = arith.extui %and3A_1272 : vector<1x2048xi1> to vector<1x2048xi32>
    %convert_element_type3A_1291 = arith.sitofp %convert_element_type3A_1290 : vector<1x2048xi32> to vector<1x2048xf32>
    %broadcast_in_dim3A_1292 = arith.constant 0.000000e+00 : f32
    %broadcast_in_dim3A_1293 = vector.broadcast %broadcast_in_dim3A_1292 : f32 to vector<1x1xf32>
    %slice3A_1294 = vector.extract_strided_slice %convert_element_type3A_1291 {offsets = [0, 0], sizes = [1, 2047], strides = [1, 1]} : vector<1x2048xf32> to vector<1x2047xf32>
    %concatenate3A_1295 = tpu.concatenate %broadcast_in_dim3A_1293, %slice3A_1294 in 1 : vector<1x1xf32>, vector<1x2047xf32> -> vector<1x2048xf32>
    %add3A_1296 = arith.addf %convert_element_type3A_1291, %concatenate3A_1295 : vector<1x2048xf32>
    %broadcast_in_dim3A_1297 = arith.constant 0.000000e+00 : f32
    %broadcast_in_dim3A_1298 = vector.broadcast %broadcast_in_dim3A_1297 : f32 to vector<1x2xf32>
    %slice3A_1299 = vector.extract_strided_slice %add3A_1296 {offsets = [0, 0], sizes = [1, 2046], strides = [1, 1]} : vector<1x2048xf32> to vector<1x2046xf32>
    %concatenate3A_1300 = tpu.concatenate %broadcast_in_dim3A_1298, %slice3A_1299 in 1 : vector<1x2xf32>, vector<1x2046xf32> -> vector<1x2048xf32>
    %add3A_1301 = arith.addf %add3A_1296, %concatenate3A_1300 : vector<1x2048xf32>
    %broadcast_in_dim3A_1302 = arith.constant 0.000000e+00 : f32
    %broadcast_in_dim3A_1303 = vector.broadcast %broadcast_in_dim3A_1302 : f32 to vector<1x4xf32>
    %slice3A_1304 = vector.extract_strided_slice %add3A_1301 {offsets = [0, 0], sizes = [1, 2044], strides = [1, 1]} : vector<1x2048xf32> to vector<1x2044xf32>
    %concatenate3A_1305 = tpu.concatenate %broadcast_in_dim3A_1303, %slice3A_1304 in 1 : vector<1x4xf32>, vector<1x2044xf32> -> vector<1x2048xf32>
    %add3A_1306 = arith.addf %add3A_1301, %concatenate3A_1305 : vector<1x2048xf32>
    %broadcast_in_dim3A_1307 = arith.constant 0.000000e+00 : f32
    %broadcast_in_dim3A_1308 = vector.broadcast %broadcast_in_dim3A_1307 : f32 to vector<1x8xf32>
    %slice3A_1309 = vector.extract_strided_slice %add3A_1306 {offsets = [0, 0], sizes = [1, 2040], strides = [1, 1]} : vector<1x2048xf32> to vector<1x2040xf32>
    %concatenate3A_1310 = tpu.concatenate %broadcast_in_dim3A_1308, %slice3A_1309 in 1 : vector<1x8xf32>, vector<1x2040xf32> -> vector<1x2048xf32>
    %add3A_1311 = arith.addf %add3A_1306, %concatenate3A_1310 : vector<1x2048xf32>
    %broadcast_in_dim3A_1312 = arith.constant 0.000000e+00 : f32
    %broadcast_in_dim3A_1313 = vector.broadcast %broadcast_in_dim3A_1312 : f32 to vector<1x16xf32>
    %slice3A_1314 = vector.extract_strided_slice %add3A_1311 {offsets = [0, 0], sizes = [1, 2032], strides = [1, 1]} : vector<1x2048xf32> to vector<1x2032xf32>
    %concatenate3A_1315 = tpu.concatenate %broadcast_in_dim3A_1313, %slice3A_1314 in 1 : vector<1x16xf32>, vector<1x2032xf32> -> vector<1x2048xf32>
    %add3A_1316 = arith.addf %add3A_1311, %concatenate3A_1315 : vector<1x2048xf32>
    %broadcast_in_dim3A_1317 = arith.constant 0.000000e+00 : f32
    %broadcast_in_dim3A_1318 = vector.broadcast %broadcast_in_dim3A_1317 : f32 to vector<1x32xf32>
    %slice3A_1319 = vector.extract_strided_slice %add3A_1316 {offsets = [0, 0], sizes = [1, 2016], strides = [1, 1]} : vector<1x2048xf32> to vector<1x2016xf32>
    %concatenate3A_1320 = tpu.concatenate %broadcast_in_dim3A_1318, %slice3A_1319 in 1 : vector<1x32xf32>, vector<1x2016xf32> -> vector<1x2048xf32>
    %add3A_1321 = arith.addf %add3A_1316, %concatenate3A_1320 : vector<1x2048xf32>
    %broadcast_in_dim3A_1322 = arith.constant 0.000000e+00 : f32
    %broadcast_in_dim3A_1323 = vector.broadcast %broadcast_in_dim3A_1322 : f32 to vector<1x64xf32>
    %slice3A_1324 = vector.extract_strided_slice %add3A_1321 {offsets = [0, 0], sizes = [1, 1984], strides = [1, 1]} : vector<1x2048xf32> to vector<1x1984xf32>
    %concatenate3A_1325 = tpu.concatenate %broadcast_in_dim3A_1323, %slice3A_1324 in 1 : vector<1x64xf32>, vector<1x1984xf32> -> vector<1x2048xf32>
    %add3A_1326 = arith.addf %add3A_1321, %concatenate3A_1325 : vector<1x2048xf32>
    %broadcast_in_dim3A_1327 = arith.constant 0.000000e+00 : f32
    %broadcast_in_dim3A_1328 = vector.broadcast %broadcast_in_dim3A_1327 : f32 to vector<1x128xf32>
    %slice3A_1329 = vector.extract_strided_slice %add3A_1326 {offsets = [0, 0], sizes = [1, 1920], strides = [1, 1]} : vector<1x2048xf32> to vector<1x1920xf32>
    %concatenate3A_1330 = tpu.concatenate %broadcast_in_dim3A_1328, %slice3A_1329 in 1 : vector<1x128xf32>, vector<1x1920xf32> -> vector<1x2048xf32>
    %add3A_1331 = arith.addf %add3A_1326, %concatenate3A_1330 : vector<1x2048xf32>
    %broadcast_in_dim3A_1332 = arith.constant 0.000000e+00 : f32
    %broadcast_in_dim3A_1333 = vector.broadcast %broadcast_in_dim3A_1332 : f32 to vector<1x256xf32>
    %slice3A_1334 = vector.extract_strided_slice %add3A_1331 {offsets = [0, 0], sizes = [1, 1792], strides = [1, 1]} : vector<1x2048xf32> to vector<1x1792xf32>
    %concatenate3A_1335 = tpu.concatenate %broadcast_in_dim3A_1333, %slice3A_1334 in 1 : vector<1x256xf32>, vector<1x1792xf32> -> vector<1x2048xf32>
    %add3A_1336 = arith.addf %add3A_1331, %concatenate3A_1335 : vector<1x2048xf32>
    %broadcast_in_dim3A_1337 = arith.constant 0.000000e+00 : f32
    %broadcast_in_dim3A_1338 = vector.broadcast %broadcast_in_dim3A_1337 : f32 to vector<1x512xf32>
    %slice3A_1339 = vector.extract_strided_slice %add3A_1336 {offsets = [0, 0], sizes = [1, 1536], strides = [1, 1]} : vector<1x2048xf32> to vector<1x1536xf32>
    %concatenate3A_1340 = tpu.concatenate %broadcast_in_dim3A_1338, %slice3A_1339 in 1 : vector<1x512xf32>, vector<1x1536xf32> -> vector<1x2048xf32>
    %add3A_1341 = arith.addf %add3A_1336, %concatenate3A_1340 : vector<1x2048xf32>
    %broadcast_in_dim3A_1342 = arith.constant 0.000000e+00 : f32
    %broadcast_in_dim3A_1343 = vector.broadcast %broadcast_in_dim3A_1342 : f32 to vector<1x1024xf32>
    %slice3A_1344 = vector.extract_strided_slice %add3A_1341 {offsets = [0, 0], sizes = [1, 1024], strides = [1, 1]} : vector<1x2048xf32> to vector<1x1024xf32>
    %concatenate3A_1345 = tpu.concatenate %broadcast_in_dim3A_1343, %slice3A_1344 in 1 : vector<1x1024xf32>, vector<1x1024xf32> -> vector<1x2048xf32>
    %add3A_1346 = arith.addf %add3A_1341, %concatenate3A_1345 : vector<1x2048xf32>
    %sub3A_1347 = arith.constant 1.000000e+00 : f32
    %sub3A_1348 = vector.broadcast %sub3A_1347 : f32 to vector<1x2048xf32>
    %sub3A_1349 = arith.subf %add3A_1346, %sub3A_1348 : vector<1x2048xf32>
    %max3A_1350 = arith.constant 0.000000e+00 : f32
    %max3A_1351 = vector.broadcast %max3A_1350 : f32 to vector<1x2048xf32>
    %max3A_1352 = arith.maximumf %sub3A_1349, %max3A_1351 : vector<1x2048xf32>
    %swap3A_1353 = arith.constant 0 : index
    %swap3A_1354 = arith.constant 0 : index
    %swap3A_1355 = vector.load %arg12[%swap3A_1353, %swap3A_1354] : memref<1x2048xf32, #tpu.memory_space<vmem>>, vector<1x2048xf32>
    tpu.vector_store %arg12[%swap3A_1353, %swap3A_1354], %max3A_1352 {strides = array<i32>} : memref<1x2048xf32, #tpu.memory_space<vmem>>, vector<1x2048xf32>,
    %sub3A_1356 = arith.constant 1.000000e+00 : f32
    %sub3A_1357 = vector.broadcast %sub3A_1356 : f32 to vector<1x2048xf32>
    %sub3A_1358 = arith.subf %sub3A_1357, %min3A_1289 : vector<1x2048xf32>
    %log3A_1359 = math.log %sub3A_1358 : vector<1x2048xf32>
    %broadcast_in_dim3A_1360 = arith.constant 0.000000e+00 : f32
    %broadcast_in_dim3A_1361 = vector.broadcast %broadcast_in_dim3A_1360 : f32 to vector<1x1xf32>
    %slice3A_1362 = vector.extract_strided_slice %log3A_1359 {offsets = [0, 0], sizes = [1, 2047], strides = [1, 1]} : vector<1x2048xf32> to vector<1x2047xf32>
    %concatenate3A_1363 = tpu.concatenate %broadcast_in_dim3A_1361, %slice3A_1362 in 1 : vector<1x1xf32>, vector<1x2047xf32> -> vector<1x2048xf32>
    %add3A_1364 = arith.addf %log3A_1359, %concatenate3A_1363 : vector<1x2048xf32>
    %broadcast_in_dim3A_1365 = arith.constant 0.000000e+00 : f32
    %broadcast_in_dim3A_1366 = vector.broadcast %broadcast_in_dim3A_1365 : f32 to vector<1x2xf32>
    %slice3A_1367 = vector.extract_strided_slice %add3A_1364 {offsets = [0, 0], sizes = [1, 2046], strides = [1, 1]} : vector<1x2048xf32> to vector<1x2046xf32>
    %concatenate3A_1368 = tpu.concatenate %broadcast_in_dim3A_1366, %slice3A_1367 in 1 : vector<1x2xf32>, vector<1x2046xf32> -> vector<1x2048xf32>
    %add3A_1369 = arith.addf %add3A_1364, %concatenate3A_1368 : vector<1x2048xf32>
    %broadcast_in_dim3A_1370 = arith.constant 0.000000e+00 : f32
    %broadcast_in_dim3A_1371 = vector.broadcast %broadcast_in_dim3A_1370 : f32 to vector<1x4xf32>
    %slice3A_1372 = vector.extract_strided_slice %add3A_1369 {offsets = [0, 0], sizes = [1, 2044], strides = [1, 1]} : vector<1x2048xf32> to vector<1x2044xf32>
    %concatenate3A_1373 = tpu.concatenate %broadcast_in_dim3A_1371, %slice3A_1372 in 1 : vector<1x4xf32>, vector<1x2044xf32> -> vector<1x2048xf32>
    %add3A_1374 = arith.addf %add3A_1369, %concatenate3A_1373 : vector<1x2048xf32>
    %broadcast_in_dim3A_1375 = arith.constant 0.000000e+00 : f32
    %broadcast_in_dim3A_1376 = vector.broadcast %broadcast_in_dim3A_1375 : f32 to vector<1x8xf32>
    %slice3A_1377 = vector.extract_strided_slice %add3A_1374 {offsets = [0, 0], sizes = [1, 2040], strides = [1, 1]} : vector<1x2048xf32> to vector<1x2040xf32>
    %concatenate3A_1378 = tpu.concatenate %broadcast_in_dim3A_1376, %slice3A_1377 in 1 : vector<1x8xf32>, vector<1x2040xf32> -> vector<1x2048xf32>
    %add3A_1379 = arith.addf %add3A_1374, %concatenate3A_1378 : vector<1x2048xf32>
    %broadcast_in_dim3A_1380 = arith.constant 0.000000e+00 : f32
    %broadcast_in_dim3A_1381 = vector.broadcast %broadcast_in_dim3A_1380 : f32 to vector<1x16xf32>
    %slice3A_1382 = vector.extract_strided_slice %add3A_1379 {offsets = [0, 0], sizes = [1, 2032], strides = [1, 1]} : vector<1x2048xf32> to vector<1x2032xf32>
    %concatenate3A_1383 = tpu.concatenate %broadcast_in_dim3A_1381, %slice3A_1382 in 1 : vector<1x16xf32>, vector<1x2032xf32> -> vector<1x2048xf32>
    %add3A_1384 = arith.addf %add3A_1379, %concatenate3A_1383 : vector<1x2048xf32>
    %broadcast_in_dim3A_1385 = arith.constant 0.000000e+00 : f32
    %broadcast_in_dim3A_1386 = vector.broadcast %broadcast_in_dim3A_1385 : f32 to vector<1x32xf32>
    %slice3A_1387 = vector.extract_strided_slice %add3A_1384 {offsets = [0, 0], sizes = [1, 2016], strides = [1, 1]} : vector<1x2048xf32> to vector<1x2016xf32>
    %concatenate3A_1388 = tpu.concatenate %broadcast_in_dim3A_1386, %slice3A_1387 in 1 : vector<1x32xf32>, vector<1x2016xf32> -> vector<1x2048xf32>
    %add3A_1389 = arith.addf %add3A_1384, %concatenate3A_1388 : vector<1x2048xf32>
    %broadcast_in_dim3A_1390 = arith.constant 0.000000e+00 : f32
    %broadcast_in_dim3A_1391 = vector.broadcast %broadcast_in_dim3A_1390 : f32 to vector<1x64xf32>
    %slice3A_1392 = vector.extract_strided_slice %add3A_1389 {offsets = [0, 0], sizes = [1, 1984], strides = [1, 1]} : vector<1x2048xf32> to vector<1x1984xf32>
    %concatenate3A_1393 = tpu.concatenate %broadcast_in_dim3A_1391, %slice3A_1392 in 1 : vector<1x64xf32>, vector<1x1984xf32> -> vector<1x2048xf32>
    %add3A_1394 = arith.addf %add3A_1389, %concatenate3A_1393 : vector<1x2048xf32>
    %broadcast_in_dim3A_1395 = arith.constant 0.000000e+00 : f32
    %broadcast_in_dim3A_1396 = vector.broadcast %broadcast_in_dim3A_1395 : f32 to vector<1x128xf32>
    %slice3A_1397 = vector.extract_strided_slice %add3A_1394 {offsets = [0, 0], sizes = [1, 1920], strides = [1, 1]} : vector<1x2048xf32> to vector<1x1920xf32>
    %concatenate3A_1398 = tpu.concatenate %broadcast_in_dim3A_1396, %slice3A_1397 in 1 : vector<1x128xf32>, vector<1x1920xf32> -> vector<1x2048xf32>
    %add3A_1399 = arith.addf %add3A_1394, %concatenate3A_1398 : vector<1x2048xf32>
    %broadcast_in_dim3A_1400 = arith.constant 0.000000e+00 : f32
    %broadcast_in_dim3A_1401 = vector.broadcast %broadcast_in_dim3A_1400 : f32 to vector<1x256xf32>
    %slice3A_1402 = vector.extract_strided_slice %add3A_1399 {offsets = [0, 0], sizes = [1, 1792], strides = [1, 1]} : vector<1x2048xf32> to vector<1x1792xf32>
    %concatenate3A_1403 = tpu.concatenate %broadcast_in_dim3A_1401, %slice3A_1402 in 1 : vector<1x256xf32>, vector<1x1792xf32> -> vector<1x2048xf32>
    %add3A_1404 = arith.addf %add3A_1399, %concatenate3A_1403 : vector<1x2048xf32>
    %broadcast_in_dim3A_1405 = arith.constant 0.000000e+00 : f32
    %broadcast_in_dim3A_1406 = vector.broadcast %broadcast_in_dim3A_1405 : f32 to vector<1x512xf32>
    %slice3A_1407 = vector.extract_strided_slice %add3A_1404 {offsets = [0, 0], sizes = [1, 1536], strides = [1, 1]} : vector<1x2048xf32> to vector<1x1536xf32>
    %concatenate3A_1408 = tpu.concatenate %broadcast_in_dim3A_1406, %slice3A_1407 in 1 : vector<1x512xf32>, vector<1x1536xf32> -> vector<1x2048xf32>
    %add3A_1409 = arith.addf %add3A_1404, %concatenate3A_1408 : vector<1x2048xf32>
    %broadcast_in_dim3A_1410 = arith.constant 0.000000e+00 : f32
    %broadcast_in_dim3A_1411 = vector.broadcast %broadcast_in_dim3A_1410 : f32 to vector<1x1024xf32>
    %slice3A_1412 = vector.extract_strided_slice %add3A_1409 {offsets = [0, 0], sizes = [1, 1024], strides = [1, 1]} : vector<1x2048xf32> to vector<1x1024xf32>
    %concatenate3A_1413 = tpu.concatenate %broadcast_in_dim3A_1411, %slice3A_1412 in 1 : vector<1x1024xf32>, vector<1x1024xf32> -> vector<1x2048xf32>
    %add3A_1414 = arith.addf %add3A_1409, %concatenate3A_1413 : vector<1x2048xf32>
    %broadcast_in_dim3A_1415 = arith.constant 0.000000e+00 : f32
    %broadcast_in_dim3A_1416 = vector.broadcast %broadcast_in_dim3A_1415 : f32 to vector<1x1xf32>
    %slice3A_1417 = vector.extract_strided_slice %add3A_1414 {offsets = [0, 0], sizes = [1, 2047], strides = [1, 1]} : vector<1x2048xf32> to vector<1x2047xf32>
    %concatenate3A_1418 = tpu.concatenate %broadcast_in_dim3A_1416, %slice3A_1417 in 1 : vector<1x1xf32>, vector<1x2047xf32> -> vector<1x2048xf32>
    %iota3A_1419 = tpu.iota {dimensions = array<i32: 0>} : vector<256x256xi32>
    %iota3A_1420 = tpu.iota {dimensions = array<i32: 1>} : vector<256x256xi32>
    %ge3A_1421 = arith.cmpi sge, %iota3A_1419, %iota3A_1420 : vector<256x256xi32>
    %iota3A_1422 = tpu.iota {dimensions = array<i32: 1>} : vector<1x384xi32>
    %convert_element_type3A_1423 = arith.sitofp %iota3A_1422 : vector<1x384xi32> to vector<1x384xf32>
    %broadcast_in_dim3A_1424 = arith.constant 0.000000e+00 : f32
    %broadcast_in_dim3A_1425 = vector.broadcast %broadcast_in_dim3A_1424 : f32 to vector<1x512xf32>
    %slice3A_1426 = vector.extract_strided_slice %concatenate3A_1418 {offsets = [0, 0], sizes = [1, 256], strides = [1, 1]} : vector<1x2048xf32> to vector<1x256xf32>
    %slice3A_1427 = vector.extract_strided_slice %min3A_1289 {offsets = [0, 0], sizes = [1, 256], strides = [1, 1]} : vector<1x2048xf32> to vector<1x256xf32>
    %slice3A_1428 = vector.extract_strided_slice %max3A_1352 {offsets = [0, 0], sizes = [1, 256], strides = [1, 1]} : vector<1x2048xf32> to vector<1x256xf32>
    %iota3A_1429 = tpu.iota {dimensions = array<i32: 0>} : vector<256x256xi32>
    %iota3A_1430 = tpu.iota {dimensions = array<i32: 1>} : vector<256x256xi32>
    %eq3A_1431 = arith.cmpi eq, %iota3A_1429, %iota3A_1430 : vector<256x256xi32>
    %broadcast_in_dim3A_1432 = vector.shape_cast %slice3A_1428 : vector<1x256xf32> to vector<1x256xf32>
    %broadcast_in_dim3A_1433 = vector.broadcast %broadcast_in_dim3A_1432 : vector<1x256xf32> to vector<256x256xf32>
    %jit3A_1434 = arith.constant 0.000000e+00 : f32
    %broadcast_in_dim3A_1435 = vector.broadcast %jit3A_1434 : f32 to vector<256x256xf32>
    %select_n3A_1436 = arith.select %eq3A_1431, %broadcast_in_dim3A_1433, %broadcast_in_dim3A_1435 : vector<256x256xi1>, vector<256x256xf32>
    %reduce_sum3A_1437 = arith.constant dense<0.000000e+00> : vector<256xf32>
    %reduce_sum3A_1438 = vector.multi_reduction <add>, %select_n3A_1436, %reduce_sum3A_1437 [1] : vector<256x256xf32> to vector<256xf32>
    %broadcast_in_dim3A_1439 = vector.shape_cast %reduce_sum3A_1438 : vector<256xf32> to vector<256x1xf32>
    %iota3A_1440 = tpu.iota {dimensions = array<i32: 0>} : vector<256x256xi32>
    %iota3A_1441 = tpu.iota {dimensions = array<i32: 1>} : vector<256x256xi32>
    %eq3A_1442 = arith.cmpi eq, %iota3A_1440, %iota3A_1441 : vector<256x256xi32>
    %broadcast_in_dim3A_1443 = vector.shape_cast %slice3A_1426 : vector<1x256xf32> to vector<1x256xf32>
    %broadcast_in_dim3A_1444 = vector.broadcast %broadcast_in_dim3A_1443 : vector<1x256xf32> to vector<256x256xf32>
    %jit3A_1445 = arith.constant 0.000000e+00 : f32
    %broadcast_in_dim3A_1446 = vector.broadcast %jit3A_1445 : f32 to vector<256x256xf32>
    %select_n3A_1447 = arith.select %eq3A_1442, %broadcast_in_dim3A_1444, %broadcast_in_dim3A_1446 : vector<256x256xi1>, vector<256x256xf32>
    %reduce_sum3A_1448 = arith.constant dense<0.000000e+00> : vector<256xf32>
    %reduce_sum3A_1449 = vector.multi_reduction <add>, %select_n3A_1447, %reduce_sum3A_1448 [1] : vector<256x256xf32> to vector<256xf32>
    %broadcast_in_dim3A_1450 = vector.shape_cast %reduce_sum3A_1449 : vector<256xf32> to vector<256x1xf32>
    %get3A_1451 = arith.constant 0 : index
    %get3A_1452 = arith.constant 0 : index
    %get3A_1453 = vector.load %arg12[%get3A_1451, %get3A_1452] : memref<1x2048xf32, #tpu.memory_space<vmem>>, vector<1x1xf32>
    %get3A_1454 = vector.extract %get3A_1453[0, 0] : f32 from vector<1x1xf32>
    %convert_element_type3A_1455 = arith.fptosi %get3A_1454 : f32 to i32
    %jit3A_1456 = arith.constant 128 : i32
    %div3A_1457 = arith.divsi %convert_element_type3A_1455, %jit3A_1456 : i32
    %sign3A_1458 = arith.constant 0 : i32
    %sign3A_1459 = arith.cmpi sgt, %convert_element_type3A_1455, %sign3A_1458 : i32
    %sign3A_1460 = arith.extui %sign3A_1459 : i1 to i32
    %sign3A_1461 = arith.constant 0 : i32
    %sign3A_1462 = arith.cmpi slt, %convert_element_type3A_1455, %sign3A_1461 : i32
    %sign3A_1463 = arith.extui %sign3A_1462 : i1 to i32
    %sign3A_1464 = arith.subi %sign3A_1460, %sign3A_1463 : i32
    %sign3A_1465 = arith.constant 0 : i32
    %sign3A_1466 = arith.cmpi sgt, %jit3A_1456, %sign3A_1465 : i32
    %sign3A_1467 = arith.extui %sign3A_1466 : i1 to i32
    %sign3A_1468 = arith.constant 0 : i32
    %sign3A_1469 = arith.cmpi slt, %jit3A_1456, %sign3A_1468 : i32
    %sign3A_1470 = arith.extui %sign3A_1469 : i1 to i32
    %sign3A_1471 = arith.subi %sign3A_1467, %sign3A_1470 : i32
    %ne3A_1472 = arith.cmpi ne, %sign3A_1464, %sign3A_1471 : i32
    %rem3A_1473 = arith.remsi %convert_element_type3A_1455, %jit3A_1456 : i32
    %ne3A_1474 = arith.constant 0 : i32
    %ne3A_1475 = arith.cmpi ne, %rem3A_1473, %ne3A_1474 : i32
    %and3A_1476 = arith.andi %ne3A_1472, %ne3A_1475 : i1
    %sub3A_1477 = arith.constant 1 : i32
    %sub3A_1478 = arith.subi %div3A_1457, %sub3A_1477 : i32
    %select_n3A_1479 = arith.select %and3A_1476, %sub3A_1478, %div3A_1457 : i32
    %mul3A_1480 = arith.constant 128 : i32
    %mul3A_1481 = arith.muli %select_n3A_1479, %mul3A_1480 : i32
    %min3A_1482 = arith.constant 1664 : i32
    %min3A_1483 = arith.minsi %mul3A_1481, %min3A_1482 : i32
    %get3A_1484 = arith.index_cast %min3A_1483 : i32 to index
    %get3A_1485 = arith.constant 0 : index
    %get3A_1486 = vector.load %arg11[%get3A_1484, %get3A_1485] : memref<2048x512xf32, #tpu.memory_space<vmem>>, vector<384x512xf32>
    %convert_element_type3A_1487 = arith.sitofp %min3A_1483 : i32 to f32
    %sub3A_1488 = vector.broadcast %convert_element_type3A_1487 : f32 to vector<256x1xf32>
    %sub3A_1489 = arith.subf %broadcast_in_dim3A_1439, %sub3A_1488 : vector<256x1xf32>
    %eq3A_1490 = vector.broadcast %sub3A_1489 : vector<256x1xf32> to vector<256x384xf32>
    %eq3A_1491 = vector.broadcast %convert_element_type3A_1423 : vector<1x384xf32> to vector<256x384xf32>
    %eq3A_1492 = arith.cmpf oeq, %eq3A_1490, %eq3A_1491 : vector<256x384xf32>
    %jit3A_1493 = arith.constant 1.000000e+00 : f32
    %jit3A_1494 = arith.constant 0.000000e+00 : f32
    %broadcast_in_dim3A_1495 = vector.broadcast %jit3A_1493 : f32 to vector<256x384xf32>
    %broadcast_in_dim3A_1496 = vector.broadcast %jit3A_1494 : f32 to vector<256x384xf32>
    %select_n3A_1497 = arith.select %eq3A_1492, %broadcast_in_dim3A_1495, %broadcast_in_dim3A_1496 : vector<256x384xi1>, vector<256x384xf32>
    %dot_general3A_1498 = arith.constant dense<0.000000e+00> : vector<256x512xf32>
    %dot_general3A_1499 = tpu.matmul %select_n3A_1497, %get3A_1486, %dot_general3A_1498 {dimension_numbers = #tpu.dot_dimension_numbers<[1], [0], [0], [1], [0, 0, 1, 1], [], []>, transpose_lhs_hint = false} : vector<256x384xf32>, vector<384x512xf32>, vector<256x512xf32> -> vector<256x512xf32>
    %sub3A_1500 = vector.broadcast %broadcast_in_dim3A_1450 : vector<256x1xf32> to vector<256x256xf32>
    %sub3A_1501 = vector.broadcast %slice3A_1426 : vector<1x256xf32> to vector<256x256xf32>
    %sub3A_1502 = arith.subf %sub3A_1500, %sub3A_1501 : vector<256x256xf32>
    %exp3A_1503 = math.exp %sub3A_1502 : vector<256x256xf32>
    %mul3A_1504 = vector.broadcast %slice3A_1427 : vector<1x256xf32> to vector<256x256xf32>
    %mul3A_1505 = arith.mulf %mul3A_1504, %exp3A_1503 : vector<256x256xf32>
    %jit3A_1506 = arith.constant 0.000000e+00 : f32
    %broadcast_in_dim3A_1507 = vector.broadcast %jit3A_1506 : f32 to vector<256x256xf32>
    %select_n3A_1508 = arith.select %ge3A_1421, %mul3A_1505, %broadcast_in_dim3A_1507 : vector<256x256xi1>, vector<256x256xf32>
    %dot_general3A_1509 = arith.constant dense<0.000000e+00> : vector<256x512xf32>
    %dot_general3A_1510 = tpu.matmul %select_n3A_1508, %dot_general3A_1499, %dot_general3A_1509 {dimension_numbers = #tpu.dot_dimension_numbers<[1], [0], [0], [1], [0, 0, 1, 1], [], []>, transpose_lhs_hint = false} : vector<256x256xf32>, vector<256x512xf32>, vector<256x512xf32> -> vector<256x512xf32>
    %slice3A_1511 = vector.extract_strided_slice %slice3A_1426 {offsets = [0, 0], sizes = [1, 1], strides = [1, 1]} : vector<1x256xf32> to vector<1x1xf32>
    %sub3A_1512 = vector.broadcast %slice3A_1511 : vector<1x1xf32> to vector<256x1xf32>
    %sub3A_1513 = arith.subf %broadcast_in_dim3A_1450, %sub3A_1512 : vector<256x1xf32>
    %exp3A_1514 = math.exp %sub3A_1513 : vector<256x1xf32>
    %mul3A_1515 = vector.broadcast %exp3A_1514 : vector<256x1xf32> to vector<256x512xf32>
    %mul3A_1516 = vector.broadcast %broadcast_in_dim3A_1425 : vector<1x512xf32> to vector<256x512xf32>
    %mul3A_1517 = arith.mulf %mul3A_1515, %mul3A_1516 : vector<256x512xf32>
    %add3A_1518 = arith.addf %dot_general3A_1510, %mul3A_1517 : vector<256x512xf32>
    %slice3A_1519 = vector.extract_strided_slice %slice3A_1427 {offsets = [0, 255], sizes = [1, 1], strides = [1, 1]} : vector<1x256xf32> to vector<1x1xf32>
    %slice3A_1520 = vector.extract_strided_slice %add3A_1518 {offsets = [255, 0], sizes = [1, 512], strides = [1, 1]} : vector<256x512xf32> to vector<1x512xf32>
    %sub3A_1521 = arith.constant 1.000000e+00 : f32
    %sub3A_1522 = vector.broadcast %sub3A_1521 : f32 to vector<1x1xf32>
    %sub3A_1523 = arith.subf %sub3A_1522, %slice3A_1519 : vector<1x1xf32>
    %mul3A_1524 = vector.broadcast %sub3A_1523 : vector<1x1xf32> to vector<1x512xf32>
    %mul3A_1525 = arith.mulf %mul3A_1524, %slice3A_1520 : vector<1x512xf32>
    %slice3A_1526 = vector.extract_strided_slice %concatenate3A_1418 {offsets = [0, 256], sizes = [1, 256], strides = [1, 1]} : vector<1x2048xf32> to vector<1x256xf32>
    %slice3A_1527 = vector.extract_strided_slice %min3A_1289 {offsets = [0, 256], sizes = [1, 256], strides = [1, 1]} : vector<1x2048xf32> to vector<1x256xf32>
    %slice3A_1528 = vector.extract_strided_slice %max3A_1352 {offsets = [0, 256], sizes = [1, 256], strides = [1, 1]} : vector<1x2048xf32> to vector<1x256xf32>
    %iota3A_1529 = tpu.iota {dimensions = array<i32: 0>} : vector<256x256xi32>
    %iota3A_1530 = tpu.iota {dimensions = array<i32: 1>} : vector<256x256xi32>
    %eq3A_1531 = arith.cmpi eq, %iota3A_1529, %iota3A_1530 : vector<256x256xi32>
    %broadcast_in_dim3A_1532 = vector.shape_cast %slice3A_1528 : vector<1x256xf32> to vector<1x256xf32>
    %broadcast_in_dim3A_1533 = vector.broadcast %broadcast_in_dim3A_1532 : vector<1x256xf32> to vector<256x256xf32>
    %jit3A_1534 = arith.constant 0.000000e+00 : f32
    %broadcast_in_dim3A_1535 = vector.broadcast %jit3A_1534 : f32 to vector<256x256xf32>
    %select_n3A_1536 = arith.select %eq3A_1531, %broadcast_in_dim3A_1533, %broadcast_in_dim3A_1535 : vector<256x256xi1>, vector<256x256xf32>
    %reduce_sum3A_1537 = arith.constant dense<0.000000e+00> : vector<256xf32>
    %reduce_sum3A_1538 = vector.multi_reduction <add>, %select_n3A_1536, %reduce_sum3A_1537 [1] : vector<256x256xf32> to vector<256xf32>
    %broadcast_in_dim3A_1539 = vector.shape_cast %reduce_sum3A_1538 : vector<256xf32> to vector<256x1xf32>
    %iota3A_1540 = tpu.iota {dimensions = array<i32: 0>} : vector<256x256xi32>
    %iota3A_1541 = tpu.iota {dimensions = array<i32: 1>} : vector<256x256xi32>
    %eq3A_1542 = arith.cmpi eq, %iota3A_1540, %iota3A_1541 : vector<256x256xi32>
    %broadcast_in_dim3A_1543 = vector.shape_cast %slice3A_1526 : vector<1x256xf32> to vector<1x256xf32>
    %broadcast_in_dim3A_1544 = vector.broadcast %broadcast_in_dim3A_1543 : vector<1x256xf32> to vector<256x256xf32>
    %jit3A_1545 = arith.constant 0.000000e+00 : f32
    %broadcast_in_dim3A_1546 = vector.broadcast %jit3A_1545 : f32 to vector<256x256xf32>
    %select_n3A_1547 = arith.select %eq3A_1542, %broadcast_in_dim3A_1544, %broadcast_in_dim3A_1546 : vector<256x256xi1>, vector<256x256xf32>
    %reduce_sum3A_1548 = arith.constant dense<0.000000e+00> : vector<256xf32>
    %reduce_sum3A_1549 = vector.multi_reduction <add>, %select_n3A_1547, %reduce_sum3A_1548 [1] : vector<256x256xf32> to vector<256xf32>
    %broadcast_in_dim3A_1550 = vector.shape_cast %reduce_sum3A_1549 : vector<256xf32> to vector<256x1xf32>
    %get3A_1551 = arith.constant 0 : index
    %get3A_1552 = arith.constant 256 : index
    %get3A_1553 = vector.load %arg12[%get3A_1551, %get3A_1552] : memref<1x2048xf32, #tpu.memory_space<vmem>>, vector<1x1xf32>
    %get3A_1554 = vector.extract %get3A_1553[0, 0] : f32 from vector<1x1xf32>
    %convert_element_type3A_1555 = arith.fptosi %get3A_1554 : f32 to i32
    %jit3A_1556 = arith.constant 128 : i32
    %div3A_1557 = arith.divsi %convert_element_type3A_1555, %jit3A_1556 : i32
    %sign3A_1558 = arith.constant 0 : i32
    %sign3A_1559 = arith.cmpi sgt, %convert_element_type3A_1555, %sign3A_1558 : i32
    %sign3A_1560 = arith.extui %sign3A_1559 : i1 to i32
    %sign3A_1561 = arith.constant 0 : i32
    %sign3A_1562 = arith.cmpi slt, %convert_element_type3A_1555, %sign3A_1561 : i32
    %sign3A_1563 = arith.extui %sign3A_1562 : i1 to i32
    %sign3A_1564 = arith.subi %sign3A_1560, %sign3A_1563 : i32
    %sign3A_1565 = arith.constant 0 : i32
    %sign3A_1566 = arith.cmpi sgt, %jit3A_1556, %sign3A_1565 : i32
    %sign3A_1567 = arith.extui %sign3A_1566 : i1 to i32
    %sign3A_1568 = arith.constant 0 : i32
    %sign3A_1569 = arith.cmpi slt, %jit3A_1556, %sign3A_1568 : i32
    %sign3A_1570 = arith.extui %sign3A_1569 : i1 to i32
    %sign3A_1571 = arith.subi %sign3A_1567, %sign3A_1570 : i32
    %ne3A_1572 = arith.cmpi ne, %sign3A_1564, %sign3A_1571 : i32
    %rem3A_1573 = arith.remsi %convert_element_type3A_1555, %jit3A_1556 : i32
    %ne3A_1574 = arith.constant 0 : i32
    %ne3A_1575 = arith.cmpi ne, %rem3A_1573, %ne3A_1574 : i32
    %and3A_1576 = arith.andi %ne3A_1572, %ne3A_1575 : i1
    %sub3A_1577 = arith.constant 1 : i32
    %sub3A_1578 = arith.subi %div3A_1557, %sub3A_1577 : i32
    %select_n3A_1579 = arith.select %and3A_1576, %sub3A_1578, %div3A_1557 : i32
    %mul3A_1580 = arith.constant 128 : i32
    %mul3A_1581 = arith.muli %select_n3A_1579, %mul3A_1580 : i32
    %min3A_1582 = arith.constant 1664 : i32
    %min3A_1583 = arith.minsi %mul3A_1581, %min3A_1582 : i32
    %get3A_1584 = arith.index_cast %min3A_1583 : i32 to index
    %get3A_1585 = arith.constant 0 : index
    %get3A_1586 = vector.load %arg11[%get3A_1584, %get3A_1585] : memref<2048x512xf32, #tpu.memory_space<vmem>>, vector<384x512xf32>
    %convert_element_type3A_1587 = arith.sitofp %min3A_1583 : i32 to f32
    %sub3A_1588 = vector.broadcast %convert_element_type3A_1587 : f32 to vector<256x1xf32>
    %sub3A_1589 = arith.subf %broadcast_in_dim3A_1539, %sub3A_1588 : vector<256x1xf32>
    %eq3A_1590 = vector.broadcast %sub3A_1589 : vector<256x1xf32> to vector<256x384xf32>
    %eq3A_1591 = vector.broadcast %convert_element_type3A_1423 : vector<1x384xf32> to vector<256x384xf32>
    %eq3A_1592 = arith.cmpf oeq, %eq3A_1590, %eq3A_1591 : vector<256x384xf32>
    %jit3A_1593 = arith.constant 1.000000e+00 : f32
    %jit3A_1594 = arith.constant 0.000000e+00 : f32
    %broadcast_in_dim3A_1595 = vector.broadcast %jit3A_1593 : f32 to vector<256x384xf32>
    %broadcast_in_dim3A_1596 = vector.broadcast %jit3A_1594 : f32 to vector<256x384xf32>
    %select_n3A_1597 = arith.select %eq3A_1592, %broadcast_in_dim3A_1595, %broadcast_in_dim3A_1596 : vector<256x384xi1>, vector<256x384xf32>
    %dot_general3A_1598 = arith.constant dense<0.000000e+00> : vector<256x512xf32>
    %dot_general3A_1599 = tpu.matmul %select_n3A_1597, %get3A_1586, %dot_general3A_1598 {dimension_numbers = #tpu.dot_dimension_numbers<[1], [0], [0], [1], [0, 0, 1, 1], [], []>, transpose_lhs_hint = false} : vector<256x384xf32>, vector<384x512xf32>, vector<256x512xf32> -> vector<256x512xf32>
    %sub3A_1600 = vector.broadcast %broadcast_in_dim3A_1550 : vector<256x1xf32> to vector<256x256xf32>
    %sub3A_1601 = vector.broadcast %slice3A_1526 : vector<1x256xf32> to vector<256x256xf32>
    %sub3A_1602 = arith.subf %sub3A_1600, %sub3A_1601 : vector<256x256xf32>
    %exp3A_1603 = math.exp %sub3A_1602 : vector<256x256xf32>
    %mul3A_1604 = vector.broadcast %slice3A_1527 : vector<1x256xf32> to vector<256x256xf32>
    %mul3A_1605 = arith.mulf %mul3A_1604, %exp3A_1603 : vector<256x256xf32>
    %jit3A_1606 = arith.constant 0.000000e+00 : f32
    %broadcast_in_dim3A_1607 = vector.broadcast %jit3A_1606 : f32 to vector<256x256xf32>
    %select_n3A_1608 = arith.select %ge3A_1421, %mul3A_1605, %broadcast_in_dim3A_1607 : vector<256x256xi1>, vector<256x256xf32>
    %dot_general3A_1609 = arith.constant dense<0.000000e+00> : vector<256x512xf32>
    %dot_general3A_1610 = tpu.matmul %select_n3A_1608, %dot_general3A_1599, %dot_general3A_1609 {dimension_numbers = #tpu.dot_dimension_numbers<[1], [0], [0], [1], [0, 0, 1, 1], [], []>, transpose_lhs_hint = false} : vector<256x256xf32>, vector<256x512xf32>, vector<256x512xf32> -> vector<256x512xf32>
    %slice3A_1611 = vector.extract_strided_slice %slice3A_1526 {offsets = [0, 0], sizes = [1, 1], strides = [1, 1]} : vector<1x256xf32> to vector<1x1xf32>
    %sub3A_1612 = vector.broadcast %slice3A_1611 : vector<1x1xf32> to vector<256x1xf32>
    %sub3A_1613 = arith.subf %broadcast_in_dim3A_1550, %sub3A_1612 : vector<256x1xf32>
    %exp3A_1614 = math.exp %sub3A_1613 : vector<256x1xf32>
    %mul3A_1615 = vector.broadcast %exp3A_1614 : vector<256x1xf32> to vector<256x512xf32>
    %mul3A_1616 = vector.broadcast %mul3A_1525 : vector<1x512xf32> to vector<256x512xf32>
    %mul3A_1617 = arith.mulf %mul3A_1615, %mul3A_1616 : vector<256x512xf32>
    %add3A_1618 = arith.addf %dot_general3A_1610, %mul3A_1617 : vector<256x512xf32>
    %slice3A_1619 = vector.extract_strided_slice %slice3A_1527 {offsets = [0, 255], sizes = [1, 1], strides = [1, 1]} : vector<1x256xf32> to vector<1x1xf32>
    %slice3A_1620 = vector.extract_strided_slice %add3A_1618 {offsets = [255, 0], sizes = [1, 512], strides = [1, 1]} : vector<256x512xf32> to vector<1x512xf32>
    %sub3A_1621 = arith.constant 1.000000e+00 : f32
    %sub3A_1622 = vector.broadcast %sub3A_1621 : f32 to vector<1x1xf32>
    %sub3A_1623 = arith.subf %sub3A_1622, %slice3A_1619 : vector<1x1xf32>
    %mul3A_1624 = vector.broadcast %sub3A_1623 : vector<1x1xf32> to vector<1x512xf32>
    %mul3A_1625 = arith.mulf %mul3A_1624, %slice3A_1620 : vector<1x512xf32>
    %slice3A_1626 = vector.extract_strided_slice %concatenate3A_1418 {offsets = [0, 512], sizes = [1, 256], strides = [1, 1]} : vector<1x2048xf32> to vector<1x256xf32>
    %slice3A_1627 = vector.extract_strided_slice %min3A_1289 {offsets = [0, 512], sizes = [1, 256], strides = [1, 1]} : vector<1x2048xf32> to vector<1x256xf32>
    %slice3A_1628 = vector.extract_strided_slice %max3A_1352 {offsets = [0, 512], sizes = [1, 256], strides = [1, 1]} : vector<1x2048xf32> to vector<1x256xf32>
    %iota3A_1629 = tpu.iota {dimensions = array<i32: 0>} : vector<256x256xi32>
    %iota3A_1630 = tpu.iota {dimensions = array<i32: 1>} : vector<256x256xi32>
    %eq3A_1631 = arith.cmpi eq, %iota3A_1629, %iota3A_1630 : vector<256x256xi32>
    %broadcast_in_dim3A_1632 = vector.shape_cast %slice3A_1628 : vector<1x256xf32> to vector<1x256xf32>
    %broadcast_in_dim3A_1633 = vector.broadcast %broadcast_in_dim3A_1632 : vector<1x256xf32> to vector<256x256xf32>
    %jit3A_1634 = arith.constant 0.000000e+00 : f32
    %broadcast_in_dim3A_1635 = vector.broadcast %jit3A_1634 : f32 to vector<256x256xf32>
    %select_n3A_1636 = arith.select %eq3A_1631, %broadcast_in_dim3A_1633, %broadcast_in_dim3A_1635 : vector<256x256xi1>, vector<256x256xf32>
    %reduce_sum3A_1637 = arith.constant dense<0.000000e+00> : vector<256xf32>
    %reduce_sum3A_1638 = vector.multi_reduction <add>, %select_n3A_1636, %reduce_sum3A_1637 [1] : vector<256x256xf32> to vector<256xf32>
    %broadcast_in_dim3A_1639 = vector.shape_cast %reduce_sum3A_1638 : vector<256xf32> to vector<256x1xf32>
    %iota3A_1640 = tpu.iota {dimensions = array<i32: 0>} : vector<256x256xi32>
    %iota3A_1641 = tpu.iota {dimensions = array<i32: 1>} : vector<256x256xi32>
    %eq3A_1642 = arith.cmpi eq, %iota3A_1640, %iota3A_1641 : vector<256x256xi32>
    %broadcast_in_dim3A_1643 = vector.shape_cast %slice3A_1626 : vector<1x256xf32> to vector<1x256xf32>
    %broadcast_in_dim3A_1644 = vector.broadcast %broadcast_in_dim3A_1643 : vector<1x256xf32> to vector<256x256xf32>
    %jit3A_1645 = arith.constant 0.000000e+00 : f32
    %broadcast_in_dim3A_1646 = vector.broadcast %jit3A_1645 : f32 to vector<256x256xf32>
    %select_n3A_1647 = arith.select %eq3A_1642, %broadcast_in_dim3A_1644, %broadcast_in_dim3A_1646 : vector<256x256xi1>, vector<256x256xf32>
    %reduce_sum3A_1648 = arith.constant dense<0.000000e+00> : vector<256xf32>
    %reduce_sum3A_1649 = vector.multi_reduction <add>, %select_n3A_1647, %reduce_sum3A_1648 [1] : vector<256x256xf32> to vector<256xf32>
    %broadcast_in_dim3A_1650 = vector.shape_cast %reduce_sum3A_1649 : vector<256xf32> to vector<256x1xf32>
    %get3A_1651 = arith.constant 0 : index
    %get3A_1652 = arith.constant 512 : index
    %get3A_1653 = vector.load %arg12[%get3A_1651, %get3A_1652] : memref<1x2048xf32, #tpu.memory_space<vmem>>, vector<1x1xf32>
    %get3A_1654 = vector.extract %get3A_1653[0, 0] : f32 from vector<1x1xf32>
    %convert_element_type3A_1655 = arith.fptosi %get3A_1654 : f32 to i32
    %jit3A_1656 = arith.constant 128 : i32
    %div3A_1657 = arith.divsi %convert_element_type3A_1655, %jit3A_1656 : i32
    %sign3A_1658 = arith.constant 0 : i32
    %sign3A_1659 = arith.cmpi sgt, %convert_element_type3A_1655, %sign3A_1658 : i32
    %sign3A_1660 = arith.extui %sign3A_1659 : i1 to i32
    %sign3A_1661 = arith.constant 0 : i32
    %sign3A_1662 = arith.cmpi slt, %convert_element_type3A_1655, %sign3A_1661 : i32
    %sign3A_1663 = arith.extui %sign3A_1662 : i1 to i32
    %sign3A_1664 = arith.subi %sign3A_1660, %sign3A_1663 : i32
    %sign3A_1665 = arith.constant 0 : i32
    %sign3A_1666 = arith.cmpi sgt, %jit3A_1656, %sign3A_1665 : i32
    %sign3A_1667 = arith.extui %sign3A_1666 : i1 to i32
    %sign3A_1668 = arith.constant 0 : i32
    %sign3A_1669 = arith.cmpi slt, %jit3A_1656, %sign3A_1668 : i32
    %sign3A_1670 = arith.extui %sign3A_1669 : i1 to i32
    %sign3A_1671 = arith.subi %sign3A_1667, %sign3A_1670 : i32
    %ne3A_1672 = arith.cmpi ne, %sign3A_1664, %sign3A_1671 : i32
    %rem3A_1673 = arith.remsi %convert_element_type3A_1655, %jit3A_1656 : i32
    %ne3A_1674 = arith.constant 0 : i32
    %ne3A_1675 = arith.cmpi ne, %rem3A_1673, %ne3A_1674 : i32
    %and3A_1676 = arith.andi %ne3A_1672, %ne3A_1675 : i1
    %sub3A_1677 = arith.constant 1 : i32
    %sub3A_1678 = arith.subi %div3A_1657, %sub3A_1677 : i32
    %select_n3A_1679 = arith.select %and3A_1676, %sub3A_1678, %div3A_1657 : i32
    %mul3A_1680 = arith.constant 128 : i32
    %mul3A_1681 = arith.muli %select_n3A_1679, %mul3A_1680 : i32
    %min3A_1682 = arith.constant 1664 : i32
    %min3A_1683 = arith.minsi %mul3A_1681, %min3A_1682 : i32
    %get3A_1684 = arith.index_cast %min3A_1683 : i32 to index
    %get3A_1685 = arith.constant 0 : index
    %get3A_1686 = vector.load %arg11[%get3A_1684, %get3A_1685] : memref<2048x512xf32, #tpu.memory_space<vmem>>, vector<384x512xf32>
    %convert_element_type3A_1687 = arith.sitofp %min3A_1683 : i32 to f32
    %sub3A_1688 = vector.broadcast %convert_element_type3A_1687 : f32 to vector<256x1xf32>
    %sub3A_1689 = arith.subf %broadcast_in_dim3A_1639, %sub3A_1688 : vector<256x1xf32>
    %eq3A_1690 = vector.broadcast %sub3A_1689 : vector<256x1xf32> to vector<256x384xf32>
    %eq3A_1691 = vector.broadcast %convert_element_type3A_1423 : vector<1x384xf32> to vector<256x384xf32>
    %eq3A_1692 = arith.cmpf oeq, %eq3A_1690, %eq3A_1691 : vector<256x384xf32>
    %jit3A_1693 = arith.constant 1.000000e+00 : f32
    %jit3A_1694 = arith.constant 0.000000e+00 : f32
    %broadcast_in_dim3A_1695 = vector.broadcast %jit3A_1693 : f32 to vector<256x384xf32>
    %broadcast_in_dim3A_1696 = vector.broadcast %jit3A_1694 : f32 to vector<256x384xf32>
    %select_n3A_1697 = arith.select %eq3A_1692, %broadcast_in_dim3A_1695, %broadcast_in_dim3A_1696 : vector<256x384xi1>, vector<256x384xf32>
    %dot_general3A_1698 = arith.constant dense<0.000000e+00> : vector<256x512xf32>
    %dot_general3A_1699 = tpu.matmul %select_n3A_1697, %get3A_1686, %dot_general3A_1698 {dimension_numbers = #tpu.dot_dimension_numbers<[1], [0], [0], [1], [0, 0, 1, 1], [], []>, transpose_lhs_hint = false} : vector<256x384xf32>, vector<384x512xf32>, vector<256x512xf32> -> vector<256x512xf32>
    %sub3A_1700 = vector.broadcast %broadcast_in_dim3A_1650 : vector<256x1xf32> to vector<256x256xf32>
    %sub3A_1701 = vector.broadcast %slice3A_1626 : vector<1x256xf32> to vector<256x256xf32>
    %sub3A_1702 = arith.subf %sub3A_1700, %sub3A_1701 : vector<256x256xf32>
    %exp3A_1703 = math.exp %sub3A_1702 : vector<256x256xf32>
    %mul3A_1704 = vector.broadcast %slice3A_1627 : vector<1x256xf32> to vector<256x256xf32>
    %mul3A_1705 = arith.mulf %mul3A_1704, %exp3A_1703 : vector<256x256xf32>
    %jit3A_1706 = arith.constant 0.000000e+00 : f32
    %broadcast_in_dim3A_1707 = vector.broadcast %jit3A_1706 : f32 to vector<256x256xf32>
    %select_n3A_1708 = arith.select %ge3A_1421, %mul3A_1705, %broadcast_in_dim3A_1707 : vector<256x256xi1>, vector<256x256xf32>
    %dot_general3A_1709 = arith.constant dense<0.000000e+00> : vector<256x512xf32>
    %dot_general3A_1710 = tpu.matmul %select_n3A_1708, %dot_general3A_1699, %dot_general3A_1709 {dimension_numbers = #tpu.dot_dimension_numbers<[1], [0], [0], [1], [0, 0, 1, 1], [], []>, transpose_lhs_hint = false} : vector<256x256xf32>, vector<256x512xf32>, vector<256x512xf32> -> vector<256x512xf32>
    %slice3A_1711 = vector.extract_strided_slice %slice3A_1626 {offsets = [0, 0], sizes = [1, 1], strides = [1, 1]} : vector<1x256xf32> to vector<1x1xf32>
    %sub3A_1712 = vector.broadcast %slice3A_1711 : vector<1x1xf32> to vector<256x1xf32>
    %sub3A_1713 = arith.subf %broadcast_in_dim3A_1650, %sub3A_1712 : vector<256x1xf32>
    %exp3A_1714 = math.exp %sub3A_1713 : vector<256x1xf32>
    %mul3A_1715 = vector.broadcast %exp3A_1714 : vector<256x1xf32> to vector<256x512xf32>
    %mul3A_1716 = vector.broadcast %mul3A_1625 : vector<1x512xf32> to vector<256x512xf32>
    %mul3A_1717 = arith.mulf %mul3A_1715, %mul3A_1716 : vector<256x512xf32>
    %add3A_1718 = arith.addf %dot_general3A_1710, %mul3A_1717 : vector<256x512xf32>
    %slice3A_1719 = vector.extract_strided_slice %slice3A_1627 {offsets = [0, 255], sizes = [1, 1], strides = [1, 1]} : vector<1x256xf32> to vector<1x1xf32>
    %slice3A_1720 = vector.extract_strided_slice %add3A_1718 {offsets = [255, 0], sizes = [1, 512], strides = [1, 1]} : vector<256x512xf32> to vector<1x512xf32>
    %sub3A_1721 = arith.constant 1.000000e+00 : f32
    %sub3A_1722 = vector.broadcast %sub3A_1721 : f32 to vector<1x1xf32>
    %sub3A_1723 = arith.subf %sub3A_1722, %slice3A_1719 : vector<1x1xf32>
    %mul3A_1724 = vector.broadcast %sub3A_1723 : vector<1x1xf32> to vector<1x512xf32>
    %mul3A_1725 = arith.mulf %mul3A_1724, %slice3A_1720 : vector<1x512xf32>
    %slice3A_1726 = vector.extract_strided_slice %concatenate3A_1418 {offsets = [0, 768], sizes = [1, 256], strides = [1, 1]} : vector<1x2048xf32> to vector<1x256xf32>
    %slice3A_1727 = vector.extract_strided_slice %min3A_1289 {offsets = [0, 768], sizes = [1, 256], strides = [1, 1]} : vector<1x2048xf32> to vector<1x256xf32>
    %slice3A_1728 = vector.extract_strided_slice %max3A_1352 {offsets = [0, 768], sizes = [1, 256], strides = [1, 1]} : vector<1x2048xf32> to vector<1x256xf32>
    %iota3A_1729 = tpu.iota {dimensions = array<i32: 0>} : vector<256x256xi32>
    %iota3A_1730 = tpu.iota {dimensions = array<i32: 1>} : vector<256x256xi32>
    %eq3A_1731 = arith.cmpi eq, %iota3A_1729, %iota3A_1730 : vector<256x256xi32>
    %broadcast_in_dim3A_1732 = vector.shape_cast %slice3A_1728 : vector<1x256xf32> to vector<1x256xf32>
    %broadcast_in_dim3A_1733 = vector.broadcast %broadcast_in_dim3A_1732 : vector<1x256xf32> to vector<256x256xf32>
    %jit3A_1734 = arith.constant 0.000000e+00 : f32
    %broadcast_in_dim3A_1735 = vector.broadcast %jit3A_1734 : f32 to vector<256x256xf32>
    %select_n3A_1736 = arith.select %eq3A_1731, %broadcast_in_dim3A_1733, %broadcast_in_dim3A_1735 : vector<256x256xi1>, vector<256x256xf32>
    %reduce_sum3A_1737 = arith.constant dense<0.000000e+00> : vector<256xf32>
    %reduce_sum3A_1738 = vector.multi_reduction <add>, %select_n3A_1736, %reduce_sum3A_1737 [1] : vector<256x256xf32> to vector<256xf32>
    %broadcast_in_dim3A_1739 = vector.shape_cast %reduce_sum3A_1738 : vector<256xf32> to vector<256x1xf32>
    %iota3A_1740 = tpu.iota {dimensions = array<i32: 0>} : vector<256x256xi32>
    %iota3A_1741 = tpu.iota {dimensions = array<i32: 1>} : vector<256x256xi32>
    %eq3A_1742 = arith.cmpi eq, %iota3A_1740, %iota3A_1741 : vector<256x256xi32>
    %broadcast_in_dim3A_1743 = vector.shape_cast %slice3A_1726 : vector<1x256xf32> to vector<1x256xf32>
    %broadcast_in_dim3A_1744 = vector.broadcast %broadcast_in_dim3A_1743 : vector<1x256xf32> to vector<256x256xf32>
    %jit3A_1745 = arith.constant 0.000000e+00 : f32
    %broadcast_in_dim3A_1746 = vector.broadcast %jit3A_1745 : f32 to vector<256x256xf32>
    %select_n3A_1747 = arith.select %eq3A_1742, %broadcast_in_dim3A_1744, %broadcast_in_dim3A_1746 : vector<256x256xi1>, vector<256x256xf32>
    %reduce_sum3A_1748 = arith.constant dense<0.000000e+00> : vector<256xf32>
    %reduce_sum3A_1749 = vector.multi_reduction <add>, %select_n3A_1747, %reduce_sum3A_1748 [1] : vector<256x256xf32> to vector<256xf32>
    %broadcast_in_dim3A_1750 = vector.shape_cast %reduce_sum3A_1749 : vector<256xf32> to vector<256x1xf32>
    %get3A_1751 = arith.constant 0 : index
    %get3A_1752 = arith.constant 768 : index
    %get3A_1753 = vector.load %arg12[%get3A_1751, %get3A_1752] : memref<1x2048xf32, #tpu.memory_space<vmem>>, vector<1x1xf32>
    %get3A_1754 = vector.extract %get3A_1753[0, 0] : f32 from vector<1x1xf32>
    %convert_element_type3A_1755 = arith.fptosi %get3A_1754 : f32 to i32
    %jit3A_1756 = arith.constant 128 : i32
    %div3A_1757 = arith.divsi %convert_element_type3A_1755, %jit3A_1756 : i32
    %sign3A_1758 = arith.constant 0 : i32
    %sign3A_1759 = arith.cmpi sgt, %convert_element_type3A_1755, %sign3A_1758 : i32
    %sign3A_1760 = arith.extui %sign3A_1759 : i1 to i32
    %sign3A_1761 = arith.constant 0 : i32
    %sign3A_1762 = arith.cmpi slt, %convert_element_type3A_1755, %sign3A_1761 : i32
    %sign3A_1763 = arith.extui %sign3A_1762 : i1 to i32
    %sign3A_1764 = arith.subi %sign3A_1760, %sign3A_1763 : i32
    %sign3A_1765 = arith.constant 0 : i32
    %sign3A_1766 = arith.cmpi sgt, %jit3A_1756, %sign3A_1765 : i32
    %sign3A_1767 = arith.extui %sign3A_1766 : i1 to i32
    %sign3A_1768 = arith.constant 0 : i32
    %sign3A_1769 = arith.cmpi slt, %jit3A_1756, %sign3A_1768 : i32
    %sign3A_1770 = arith.extui %sign3A_1769 : i1 to i32
    %sign3A_1771 = arith.subi %sign3A_1767, %sign3A_1770 : i32
    %ne3A_1772 = arith.cmpi ne, %sign3A_1764, %sign3A_1771 : i32
    %rem3A_1773 = arith.remsi %convert_element_type3A_1755, %jit3A_1756 : i32
    %ne3A_1774 = arith.constant 0 : i32
    %ne3A_1775 = arith.cmpi ne, %rem3A_1773, %ne3A_1774 : i32
    %and3A_1776 = arith.andi %ne3A_1772, %ne3A_1775 : i1
    %sub3A_1777 = arith.constant 1 : i32
    %sub3A_1778 = arith.subi %div3A_1757, %sub3A_1777 : i32
    %select_n3A_1779 = arith.select %and3A_1776, %sub3A_1778, %div3A_1757 : i32
    %mul3A_1780 = arith.constant 128 : i32
    %mul3A_1781 = arith.muli %select_n3A_1779, %mul3A_1780 : i32
    %min3A_1782 = arith.constant 1664 : i32
    %min3A_1783 = arith.minsi %mul3A_1781, %min3A_1782 : i32
    %get3A_1784 = arith.index_cast %min3A_1783 : i32 to index
    %get3A_1785 = arith.constant 0 : index
    %get3A_1786 = vector.load %arg11[%get3A_1784, %get3A_1785] : memref<2048x512xf32, #tpu.memory_space<vmem>>, vector<384x512xf32>
    %convert_element_type3A_1787 = arith.sitofp %min3A_1783 : i32 to f32
    %sub3A_1788 = vector.broadcast %convert_element_type3A_1787 : f32 to vector<256x1xf32>
    %sub3A_1789 = arith.subf %broadcast_in_dim3A_1739, %sub3A_1788 : vector<256x1xf32>
    %eq3A_1790 = vector.broadcast %sub3A_1789 : vector<256x1xf32> to vector<256x384xf32>
    %eq3A_1791 = vector.broadcast %convert_element_type3A_1423 : vector<1x384xf32> to vector<256x384xf32>
    %eq3A_1792 = arith.cmpf oeq, %eq3A_1790, %eq3A_1791 : vector<256x384xf32>
    %jit3A_1793 = arith.constant 1.000000e+00 : f32
    %jit3A_1794 = arith.constant 0.000000e+00 : f32
    %broadcast_in_dim3A_1795 = vector.broadcast %jit3A_1793 : f32 to vector<256x384xf32>
    %broadcast_in_dim3A_1796 = vector.broadcast %jit3A_1794 : f32 to vector<256x384xf32>
    %select_n3A_1797 = arith.select %eq3A_1792, %broadcast_in_dim3A_1795, %broadcast_in_dim3A_1796 : vector<256x384xi1>, vector<256x384xf32>
    %dot_general3A_1798 = arith.constant dense<0.000000e+00> : vector<256x512xf32>
    %dot_general3A_1799 = tpu.matmul %select_n3A_1797, %get3A_1786, %dot_general3A_1798 {dimension_numbers = #tpu.dot_dimension_numbers<[1], [0], [0], [1], [0, 0, 1, 1], [], []>, transpose_lhs_hint = false} : vector<256x384xf32>, vector<384x512xf32>, vector<256x512xf32> -> vector<256x512xf32>
    %sub3A_1800 = vector.broadcast %broadcast_in_dim3A_1750 : vector<256x1xf32> to vector<256x256xf32>
    %sub3A_1801 = vector.broadcast %slice3A_1726 : vector<1x256xf32> to vector<256x256xf32>
    %sub3A_1802 = arith.subf %sub3A_1800, %sub3A_1801 : vector<256x256xf32>
    %exp3A_1803 = math.exp %sub3A_1802 : vector<256x256xf32>
    %mul3A_1804 = vector.broadcast %slice3A_1727 : vector<1x256xf32> to vector<256x256xf32>
    %mul3A_1805 = arith.mulf %mul3A_1804, %exp3A_1803 : vector<256x256xf32>
    %jit3A_1806 = arith.constant 0.000000e+00 : f32
    %broadcast_in_dim3A_1807 = vector.broadcast %jit3A_1806 : f32 to vector<256x256xf32>
    %select_n3A_1808 = arith.select %ge3A_1421, %mul3A_1805, %broadcast_in_dim3A_1807 : vector<256x256xi1>, vector<256x256xf32>
    %dot_general3A_1809 = arith.constant dense<0.000000e+00> : vector<256x512xf32>
    %dot_general3A_1810 = tpu.matmul %select_n3A_1808, %dot_general3A_1799, %dot_general3A_1809 {dimension_numbers = #tpu.dot_dimension_numbers<[1], [0], [0], [1], [0, 0, 1, 1], [], []>, transpose_lhs_hint = false} : vector<256x256xf32>, vector<256x512xf32>, vector<256x512xf32> -> vector<256x512xf32>
    %slice3A_1811 = vector.extract_strided_slice %slice3A_1726 {offsets = [0, 0], sizes = [1, 1], strides = [1, 1]} : vector<1x256xf32> to vector<1x1xf32>
    %sub3A_1812 = vector.broadcast %slice3A_1811 : vector<1x1xf32> to vector<256x1xf32>
    %sub3A_1813 = arith.subf %broadcast_in_dim3A_1750, %sub3A_1812 : vector<256x1xf32>
    %exp3A_1814 = math.exp %sub3A_1813 : vector<256x1xf32>
    %mul3A_1815 = vector.broadcast %exp3A_1814 : vector<256x1xf32> to vector<256x512xf32>
    %mul3A_1816 = vector.broadcast %mul3A_1725 : vector<1x512xf32> to vector<256x512xf32>
    %mul3A_1817 = arith.mulf %mul3A_1815, %mul3A_1816 : vector<256x512xf32>
    %add3A_1818 = arith.addf %dot_general3A_1810, %mul3A_1817 : vector<256x512xf32>
    %slice3A_1819 = vector.extract_strided_slice %slice3A_1727 {offsets = [0, 255], sizes = [1, 1], strides = [1, 1]} : vector<1x256xf32> to vector<1x1xf32>
    %slice3A_1820 = vector.extract_strided_slice %add3A_1818 {offsets = [255, 0], sizes = [1, 512], strides = [1, 1]} : vector<256x512xf32> to vector<1x512xf32>
    %sub3A_1821 = arith.constant 1.000000e+00 : f32
    %sub3A_1822 = vector.broadcast %sub3A_1821 : f32 to vector<1x1xf32>
    %sub3A_1823 = arith.subf %sub3A_1822, %slice3A_1819 : vector<1x1xf32>
    %mul3A_1824 = vector.broadcast %sub3A_1823 : vector<1x1xf32> to vector<1x512xf32>
    %mul3A_1825 = arith.mulf %mul3A_1824, %slice3A_1820 : vector<1x512xf32>
    %slice3A_1826 = vector.extract_strided_slice %concatenate3A_1418 {offsets = [0, 1024], sizes = [1, 256], strides = [1, 1]} : vector<1x2048xf32> to vector<1x256xf32>
    %slice3A_1827 = vector.extract_strided_slice %min3A_1289 {offsets = [0, 1024], sizes = [1, 256], strides = [1, 1]} : vector<1x2048xf32> to vector<1x256xf32>
    %slice3A_1828 = vector.extract_strided_slice %max3A_1352 {offsets = [0, 1024], sizes = [1, 256], strides = [1, 1]} : vector<1x2048xf32> to vector<1x256xf32>
    %iota3A_1829 = tpu.iota {dimensions = array<i32: 0>} : vector<256x256xi32>
    %iota3A_1830 = tpu.iota {dimensions = array<i32: 1>} : vector<256x256xi32>
    %eq3A_1831 = arith.cmpi eq, %iota3A_1829, %iota3A_1830 : vector<256x256xi32>
    %broadcast_in_dim3A_1832 = vector.shape_cast %slice3A_1828 : vector<1x256xf32> to vector<1x256xf32>
    %broadcast_in_dim3A_1833 = vector.broadcast %broadcast_in_dim3A_1832 : vector<1x256xf32> to vector<256x256xf32>
    %jit3A_1834 = arith.constant 0.000000e+00 : f32
    %broadcast_in_dim3A_1835 = vector.broadcast %jit3A_1834 : f32 to vector<256x256xf32>
    %select_n3A_1836 = arith.select %eq3A_1831, %broadcast_in_dim3A_1833, %broadcast_in_dim3A_1835 : vector<256x256xi1>, vector<256x256xf32>
    %reduce_sum3A_1837 = arith.constant dense<0.000000e+00> : vector<256xf32>
    %reduce_sum3A_1838 = vector.multi_reduction <add>, %select_n3A_1836, %reduce_sum3A_1837 [1] : vector<256x256xf32> to vector<256xf32>
    %broadcast_in_dim3A_1839 = vector.shape_cast %reduce_sum3A_1838 : vector<256xf32> to vector<256x1xf32>
    %iota3A_1840 = tpu.iota {dimensions = array<i32: 0>} : vector<256x256xi32>
    %iota3A_1841 = tpu.iota {dimensions = array<i32: 1>} : vector<256x256xi32>
    %eq3A_1842 = arith.cmpi eq, %iota3A_1840, %iota3A_1841 : vector<256x256xi32>
    %broadcast_in_dim3A_1843 = vector.shape_cast %slice3A_1826 : vector<1x256xf32> to vector<1x256xf32>
    %broadcast_in_dim3A_1844 = vector.broadcast %broadcast_in_dim3A_1843 : vector<1x256xf32> to vector<256x256xf32>
    %jit3A_1845 = arith.constant 0.000000e+00 : f32
    %broadcast_in_dim3A_1846 = vector.broadcast %jit3A_1845 : f32 to vector<256x256xf32>
    %select_n3A_1847 = arith.select %eq3A_1842, %broadcast_in_dim3A_1844, %broadcast_in_dim3A_1846 : vector<256x256xi1>, vector<256x256xf32>
    %reduce_sum3A_1848 = arith.constant dense<0.000000e+00> : vector<256xf32>
    %reduce_sum3A_1849 = vector.multi_reduction <add>, %select_n3A_1847, %reduce_sum3A_1848 [1] : vector<256x256xf32> to vector<256xf32>
    %broadcast_in_dim3A_1850 = vector.shape_cast %reduce_sum3A_1849 : vector<256xf32> to vector<256x1xf32>
    %get3A_1851 = arith.constant 0 : index
    %get3A_1852 = arith.constant 1024 : index
    %get3A_1853 = vector.load %arg12[%get3A_1851, %get3A_1852] : memref<1x2048xf32, #tpu.memory_space<vmem>>, vector<1x1xf32>
    %get3A_1854 = vector.extract %get3A_1853[0, 0] : f32 from vector<1x1xf32>
    %convert_element_type3A_1855 = arith.fptosi %get3A_1854 : f32 to i32
    %jit3A_1856 = arith.constant 128 : i32
    %div3A_1857 = arith.divsi %convert_element_type3A_1855, %jit3A_1856 : i32
    %sign3A_1858 = arith.constant 0 : i32
    %sign3A_1859 = arith.cmpi sgt, %convert_element_type3A_1855, %sign3A_1858 : i32
    %sign3A_1860 = arith.extui %sign3A_1859 : i1 to i32
    %sign3A_1861 = arith.constant 0 : i32
    %sign3A_1862 = arith.cmpi slt, %convert_element_type3A_1855, %sign3A_1861 : i32
    %sign3A_1863 = arith.extui %sign3A_1862 : i1 to i32
    %sign3A_1864 = arith.subi %sign3A_1860, %sign3A_1863 : i32
    %sign3A_1865 = arith.constant 0 : i32
    %sign3A_1866 = arith.cmpi sgt, %jit3A_1856, %sign3A_1865 : i32
    %sign3A_1867 = arith.extui %sign3A_1866 : i1 to i32
    %sign3A_1868 = arith.constant 0 : i32
    %sign3A_1869 = arith.cmpi slt, %jit3A_1856, %sign3A_1868 : i32
    %sign3A_1870 = arith.extui %sign3A_1869 : i1 to i32
    %sign3A_1871 = arith.subi %sign3A_1867, %sign3A_1870 : i32
    %ne3A_1872 = arith.cmpi ne, %sign3A_1864, %sign3A_1871 : i32
    %rem3A_1873 = arith.remsi %convert_element_type3A_1855, %jit3A_1856 : i32
    %ne3A_1874 = arith.constant 0 : i32
    %ne3A_1875 = arith.cmpi ne, %rem3A_1873, %ne3A_1874 : i32
    %and3A_1876 = arith.andi %ne3A_1872, %ne3A_1875 : i1
    %sub3A_1877 = arith.constant 1 : i32
    %sub3A_1878 = arith.subi %div3A_1857, %sub3A_1877 : i32
    %select_n3A_1879 = arith.select %and3A_1876, %sub3A_1878, %div3A_1857 : i32
    %mul3A_1880 = arith.constant 128 : i32
    %mul3A_1881 = arith.muli %select_n3A_1879, %mul3A_1880 : i32
    %min3A_1882 = arith.constant 1664 : i32
    %min3A_1883 = arith.minsi %mul3A_1881, %min3A_1882 : i32
    %get3A_1884 = arith.index_cast %min3A_1883 : i32 to index
    %get3A_1885 = arith.constant 0 : index
    %get3A_1886 = vector.load %arg11[%get3A_1884, %get3A_1885] : memref<2048x512xf32, #tpu.memory_space<vmem>>, vector<384x512xf32>
    %convert_element_type3A_1887 = arith.sitofp %min3A_1883 : i32 to f32
    %sub3A_1888 = vector.broadcast %convert_element_type3A_1887 : f32 to vector<256x1xf32>
    %sub3A_1889 = arith.subf %broadcast_in_dim3A_1839, %sub3A_1888 : vector<256x1xf32>
    %eq3A_1890 = vector.broadcast %sub3A_1889 : vector<256x1xf32> to vector<256x384xf32>
    %eq3A_1891 = vector.broadcast %convert_element_type3A_1423 : vector<1x384xf32> to vector<256x384xf32>
    %eq3A_1892 = arith.cmpf oeq, %eq3A_1890, %eq3A_1891 : vector<256x384xf32>
    %jit3A_1893 = arith.constant 1.000000e+00 : f32
    %jit3A_1894 = arith.constant 0.000000e+00 : f32
    %broadcast_in_dim3A_1895 = vector.broadcast %jit3A_1893 : f32 to vector<256x384xf32>
    %broadcast_in_dim3A_1896 = vector.broadcast %jit3A_1894 : f32 to vector<256x384xf32>
    %select_n3A_1897 = arith.select %eq3A_1892, %broadcast_in_dim3A_1895, %broadcast_in_dim3A_1896 : vector<256x384xi1>, vector<256x384xf32>
    %dot_general3A_1898 = arith.constant dense<0.000000e+00> : vector<256x512xf32>
    %dot_general3A_1899 = tpu.matmul %select_n3A_1897, %get3A_1886, %dot_general3A_1898 {dimension_numbers = #tpu.dot_dimension_numbers<[1], [0], [0], [1], [0, 0, 1, 1], [], []>, transpose_lhs_hint = false} : vector<256x384xf32>, vector<384x512xf32>, vector<256x512xf32> -> vector<256x512xf32>
    %sub3A_1900 = vector.broadcast %broadcast_in_dim3A_1850 : vector<256x1xf32> to vector<256x256xf32>
    %sub3A_1901 = vector.broadcast %slice3A_1826 : vector<1x256xf32> to vector<256x256xf32>
    %sub3A_1902 = arith.subf %sub3A_1900, %sub3A_1901 : vector<256x256xf32>
    %exp3A_1903 = math.exp %sub3A_1902 : vector<256x256xf32>
    %mul3A_1904 = vector.broadcast %slice3A_1827 : vector<1x256xf32> to vector<256x256xf32>
    %mul3A_1905 = arith.mulf %mul3A_1904, %exp3A_1903 : vector<256x256xf32>
    %jit3A_1906 = arith.constant 0.000000e+00 : f32
    %broadcast_in_dim3A_1907 = vector.broadcast %jit3A_1906 : f32 to vector<256x256xf32>
    %select_n3A_1908 = arith.select %ge3A_1421, %mul3A_1905, %broadcast_in_dim3A_1907 : vector<256x256xi1>, vector<256x256xf32>
    %dot_general3A_1909 = arith.constant dense<0.000000e+00> : vector<256x512xf32>
    %dot_general3A_1910 = tpu.matmul %select_n3A_1908, %dot_general3A_1899, %dot_general3A_1909 {dimension_numbers = #tpu.dot_dimension_numbers<[1], [0], [0], [1], [0, 0, 1, 1], [], []>, transpose_lhs_hint = false} : vector<256x256xf32>, vector<256x512xf32>, vector<256x512xf32> -> vector<256x512xf32>
    %slice3A_1911 = vector.extract_strided_slice %slice3A_1826 {offsets = [0, 0], sizes = [1, 1], strides = [1, 1]} : vector<1x256xf32> to vector<1x1xf32>
    %sub3A_1912 = vector.broadcast %slice3A_1911 : vector<1x1xf32> to vector<256x1xf32>
    %sub3A_1913 = arith.subf %broadcast_in_dim3A_1850, %sub3A_1912 : vector<256x1xf32>
    %exp3A_1914 = math.exp %sub3A_1913 : vector<256x1xf32>
    %mul3A_1915 = vector.broadcast %exp3A_1914 : vector<256x1xf32> to vector<256x512xf32>
    %mul3A_1916 = vector.broadcast %mul3A_1825 : vector<1x512xf32> to vector<256x512xf32>
    %mul3A_1917 = arith.mulf %mul3A_1915, %mul3A_1916 : vector<256x512xf32>
    %add3A_1918 = arith.addf %dot_general3A_1910, %mul3A_1917 : vector<256x512xf32>
    %slice3A_1919 = vector.extract_strided_slice %slice3A_1827 {offsets = [0, 255], sizes = [1, 1], strides = [1, 1]} : vector<1x256xf32> to vector<1x1xf32>
    %slice3A_1920 = vector.extract_strided_slice %add3A_1918 {offsets = [255, 0], sizes = [1, 512], strides = [1, 1]} : vector<256x512xf32> to vector<1x512xf32>
    %sub3A_1921 = arith.constant 1.000000e+00 : f32
    %sub3A_1922 = vector.broadcast %sub3A_1921 : f32 to vector<1x1xf32>
    %sub3A_1923 = arith.subf %sub3A_1922, %slice3A_1919 : vector<1x1xf32>
    %mul3A_1924 = vector.broadcast %sub3A_1923 : vector<1x1xf32> to vector<1x512xf32>
    %mul3A_1925 = arith.mulf %mul3A_1924, %slice3A_1920 : vector<1x512xf32>
    %slice3A_1926 = vector.extract_strided_slice %concatenate3A_1418 {offsets = [0, 1280], sizes = [1, 256], strides = [1, 1]} : vector<1x2048xf32> to vector<1x256xf32>
    %slice3A_1927 = vector.extract_strided_slice %min3A_1289 {offsets = [0, 1280], sizes = [1, 256], strides = [1, 1]} : vector<1x2048xf32> to vector<1x256xf32>
    %slice3A_1928 = vector.extract_strided_slice %max3A_1352 {offsets = [0, 1280], sizes = [1, 256], strides = [1, 1]} : vector<1x2048xf32> to vector<1x256xf32>
    %iota3A_1929 = tpu.iota {dimensions = array<i32: 0>} : vector<256x256xi32>
    %iota3A_1930 = tpu.iota {dimensions = array<i32: 1>} : vector<256x256xi32>
    %eq3A_1931 = arith.cmpi eq, %iota3A_1929, %iota3A_1930 : vector<256x256xi32>
    %broadcast_in_dim3A_1932 = vector.shape_cast %slice3A_1928 : vector<1x256xf32> to vector<1x256xf32>
    %broadcast_in_dim3A_1933 = vector.broadcast %broadcast_in_dim3A_1932 : vector<1x256xf32> to vector<256x256xf32>
    %jit3A_1934 = arith.constant 0.000000e+00 : f32
    %broadcast_in_dim3A_1935 = vector.broadcast %jit3A_1934 : f32 to vector<256x256xf32>
    %select_n3A_1936 = arith.select %eq3A_1931, %broadcast_in_dim3A_1933, %broadcast_in_dim3A_1935 : vector<256x256xi1>, vector<256x256xf32>
    %reduce_sum3A_1937 = arith.constant dense<0.000000e+00> : vector<256xf32>
    %reduce_sum3A_1938 = vector.multi_reduction <add>, %select_n3A_1936, %reduce_sum3A_1937 [1] : vector<256x256xf32> to vector<256xf32>
    %broadcast_in_dim3A_1939 = vector.shape_cast %reduce_sum3A_1938 : vector<256xf32> to vector<256x1xf32>
    %iota3A_1940 = tpu.iota {dimensions = array<i32: 0>} : vector<256x256xi32>
    %iota3A_1941 = tpu.iota {dimensions = array<i32: 1>} : vector<256x256xi32>
    %eq3A_1942 = arith.cmpi eq, %iota3A_1940, %iota3A_1941 : vector<256x256xi32>
    %broadcast_in_dim3A_1943 = vector.shape_cast %slice3A_1926 : vector<1x256xf32> to vector<1x256xf32>
    %broadcast_in_dim3A_1944 = vector.broadcast %broadcast_in_dim3A_1943 : vector<1x256xf32> to vector<256x256xf32>
    %jit3A_1945 = arith.constant 0.000000e+00 : f32
    %broadcast_in_dim3A_1946 = vector.broadcast %jit3A_1945 : f32 to vector<256x256xf32>
    %select_n3A_1947 = arith.select %eq3A_1942, %broadcast_in_dim3A_1944, %broadcast_in_dim3A_1946 : vector<256x256xi1>, vector<256x256xf32>
    %reduce_sum3A_1948 = arith.constant dense<0.000000e+00> : vector<256xf32>
    %reduce_sum3A_1949 = vector.multi_reduction <add>, %select_n3A_1947, %reduce_sum3A_1948 [1] : vector<256x256xf32> to vector<256xf32>
    %broadcast_in_dim3A_1950 = vector.shape_cast %reduce_sum3A_1949 : vector<256xf32> to vector<256x1xf32>
    %get3A_1951 = arith.constant 0 : index
    %get3A_1952 = arith.constant 1280 : index
    %get3A_1953 = vector.load %arg12[%get3A_1951, %get3A_1952] : memref<1x2048xf32, #tpu.memory_space<vmem>>, vector<1x1xf32>
    %get3A_1954 = vector.extract %get3A_1953[0, 0] : f32 from vector<1x1xf32>
    %convert_element_type3A_1955 = arith.fptosi %get3A_1954 : f32 to i32
    %jit3A_1956 = arith.constant 128 : i32
    %div3A_1957 = arith.divsi %convert_element_type3A_1955, %jit3A_1956 : i32
    %sign3A_1958 = arith.constant 0 : i32
    %sign3A_1959 = arith.cmpi sgt, %convert_element_type3A_1955, %sign3A_1958 : i32
    %sign3A_1960 = arith.extui %sign3A_1959 : i1 to i32
    %sign3A_1961 = arith.constant 0 : i32
    %sign3A_1962 = arith.cmpi slt, %convert_element_type3A_1955, %sign3A_1961 : i32
    %sign3A_1963 = arith.extui %sign3A_1962 : i1 to i32
    %sign3A_1964 = arith.subi %sign3A_1960, %sign3A_1963 : i32
    %sign3A_1965 = arith.constant 0 : i32
    %sign3A_1966 = arith.cmpi sgt, %jit3A_1956, %sign3A_1965 : i32
    %sign3A_1967 = arith.extui %sign3A_1966 : i1 to i32
    %sign3A_1968 = arith.constant 0 : i32
    %sign3A_1969 = arith.cmpi slt, %jit3A_1956, %sign3A_1968 : i32
    %sign3A_1970 = arith.extui %sign3A_1969 : i1 to i32
    %sign3A_1971 = arith.subi %sign3A_1967, %sign3A_1970 : i32
    %ne3A_1972 = arith.cmpi ne, %sign3A_1964, %sign3A_1971 : i32
    %rem3A_1973 = arith.remsi %convert_element_type3A_1955, %jit3A_1956 : i32
    %ne3A_1974 = arith.constant 0 : i32
    %ne3A_1975 = arith.cmpi ne, %rem3A_1973, %ne3A_1974 : i32
    %and3A_1976 = arith.andi %ne3A_1972, %ne3A_1975 : i1
    %sub3A_1977 = arith.constant 1 : i32
    %sub3A_1978 = arith.subi %div3A_1957, %sub3A_1977 : i32
    %select_n3A_1979 = arith.select %and3A_1976, %sub3A_1978, %div3A_1957 : i32
    %mul3A_1980 = arith.constant 128 : i32
    %mul3A_1981 = arith.muli %select_n3A_1979, %mul3A_1980 : i32
    %min3A_1982 = arith.constant 1664 : i32
    %min3A_1983 = arith.minsi %mul3A_1981, %min3A_1982 : i32
    %get3A_1984 = arith.index_cast %min3A_1983 : i32 to index
    %get3A_1985 = arith.constant 0 : index
    %get3A_1986 = vector.load %arg11[%get3A_1984, %get3A_1985] : memref<2048x512xf32, #tpu.memory_space<vmem>>, vector<384x512xf32>
    %convert_element_type3A_1987 = arith.sitofp %min3A_1983 : i32 to f32
    %sub3A_1988 = vector.broadcast %convert_element_type3A_1987 : f32 to vector<256x1xf32>
    %sub3A_1989 = arith.subf %broadcast_in_dim3A_1939, %sub3A_1988 : vector<256x1xf32>
    %eq3A_1990 = vector.broadcast %sub3A_1989 : vector<256x1xf32> to vector<256x384xf32>
    %eq3A_1991 = vector.broadcast %convert_element_type3A_1423 : vector<1x384xf32> to vector<256x384xf32>
    %eq3A_1992 = arith.cmpf oeq, %eq3A_1990, %eq3A_1991 : vector<256x384xf32>
    %jit3A_1993 = arith.constant 1.000000e+00 : f32
    %jit3A_1994 = arith.constant 0.000000e+00 : f32
    %broadcast_in_dim3A_1995 = vector.broadcast %jit3A_1993 : f32 to vector<256x384xf32>
    %broadcast_in_dim3A_1996 = vector.broadcast %jit3A_1994 : f32 to vector<256x384xf32>
    %select_n3A_1997 = arith.select %eq3A_1992, %broadcast_in_dim3A_1995, %broadcast_in_dim3A_1996 : vector<256x384xi1>, vector<256x384xf32>
    %dot_general3A_1998 = arith.constant dense<0.000000e+00> : vector<256x512xf32>
    %dot_general3A_1999 = tpu.matmul %select_n3A_1997, %get3A_1986, %dot_general3A_1998 {dimension_numbers = #tpu.dot_dimension_numbers<[1], [0], [0], [1], [0, 0, 1, 1], [], []>, transpose_lhs_hint = false} : vector<256x384xf32>, vector<384x512xf32>, vector<256x512xf32> -> vector<256x512xf32>
    %sub3A_2000 = vector.broadcast %broadcast_in_dim3A_1950 : vector<256x1xf32> to vector<256x256xf32>
    %sub3A_2001 = vector.broadcast %slice3A_1926 : vector<1x256xf32> to vector<256x256xf32>
    %sub3A_2002 = arith.subf %sub3A_2000, %sub3A_2001 : vector<256x256xf32>
    %exp3A_2003 = math.exp %sub3A_2002 : vector<256x256xf32>
    %mul3A_2004 = vector.broadcast %slice3A_1927 : vector<1x256xf32> to vector<256x256xf32>
    %mul3A_2005 = arith.mulf %mul3A_2004, %exp3A_2003 : vector<256x256xf32>
    %jit3A_2006 = arith.constant 0.000000e+00 : f32
    %broadcast_in_dim3A_2007 = vector.broadcast %jit3A_2006 : f32 to vector<256x256xf32>
    %select_n3A_2008 = arith.select %ge3A_1421, %mul3A_2005, %broadcast_in_dim3A_2007 : vector<256x256xi1>, vector<256x256xf32>
    %dot_general3A_2009 = arith.constant dense<0.000000e+00> : vector<256x512xf32>
    %dot_general3A_2010 = tpu.matmul %select_n3A_2008, %dot_general3A_1999, %dot_general3A_2009 {dimension_numbers = #tpu.dot_dimension_numbers<[1], [0], [0], [1], [0, 0, 1, 1], [], []>, transpose_lhs_hint = false} : vector<256x256xf32>, vector<256x512xf32>, vector<256x512xf32> -> vector<256x512xf32>
    %slice3A_2011 = vector.extract_strided_slice %slice3A_1926 {offsets = [0, 0], sizes = [1, 1], strides = [1, 1]} : vector<1x256xf32> to vector<1x1xf32>
    %sub3A_2012 = vector.broadcast %slice3A_2011 : vector<1x1xf32> to vector<256x1xf32>
    %sub3A_2013 = arith.subf %broadcast_in_dim3A_1950, %sub3A_2012 : vector<256x1xf32>
    %exp3A_2014 = math.exp %sub3A_2013 : vector<256x1xf32>
    %mul3A_2015 = vector.broadcast %exp3A_2014 : vector<256x1xf32> to vector<256x512xf32>
    %mul3A_2016 = vector.broadcast %mul3A_1925 : vector<1x512xf32> to vector<256x512xf32>
    %mul3A_2017 = arith.mulf %mul3A_2015, %mul3A_2016 : vector<256x512xf32>
    %add3A_2018 = arith.addf %dot_general3A_2010, %mul3A_2017 : vector<256x512xf32>
    %slice3A_2019 = vector.extract_strided_slice %slice3A_1927 {offsets = [0, 255], sizes = [1, 1], strides = [1, 1]} : vector<1x256xf32> to vector<1x1xf32>
    %slice3A_2020 = vector.extract_strided_slice %add3A_2018 {offsets = [255, 0], sizes = [1, 512], strides = [1, 1]} : vector<256x512xf32> to vector<1x512xf32>
    %sub3A_2021 = arith.constant 1.000000e+00 : f32
    %sub3A_2022 = vector.broadcast %sub3A_2021 : f32 to vector<1x1xf32>
    %sub3A_2023 = arith.subf %sub3A_2022, %slice3A_2019 : vector<1x1xf32>
    %mul3A_2024 = vector.broadcast %sub3A_2023 : vector<1x1xf32> to vector<1x512xf32>
    %mul3A_2025 = arith.mulf %mul3A_2024, %slice3A_2020 : vector<1x512xf32>
    %slice3A_2026 = vector.extract_strided_slice %concatenate3A_1418 {offsets = [0, 1536], sizes = [1, 256], strides = [1, 1]} : vector<1x2048xf32> to vector<1x256xf32>
    %slice3A_2027 = vector.extract_strided_slice %min3A_1289 {offsets = [0, 1536], sizes = [1, 256], strides = [1, 1]} : vector<1x2048xf32> to vector<1x256xf32>
    %slice3A_2028 = vector.extract_strided_slice %max3A_1352 {offsets = [0, 1536], sizes = [1, 256], strides = [1, 1]} : vector<1x2048xf32> to vector<1x256xf32>
    %iota3A_2029 = tpu.iota {dimensions = array<i32: 0>} : vector<256x256xi32>
    %iota3A_2030 = tpu.iota {dimensions = array<i32: 1>} : vector<256x256xi32>
    %eq3A_2031 = arith.cmpi eq, %iota3A_2029, %iota3A_2030 : vector<256x256xi32>
    %broadcast_in_dim3A_2032 = vector.shape_cast %slice3A_2028 : vector<1x256xf32> to vector<1x256xf32>
    %broadcast_in_dim3A_2033 = vector.broadcast %broadcast_in_dim3A_2032 : vector<1x256xf32> to vector<256x256xf32>
    %jit3A_2034 = arith.constant 0.000000e+00 : f32
    %broadcast_in_dim3A_2035 = vector.broadcast %jit3A_2034 : f32 to vector<256x256xf32>
    %select_n3A_2036 = arith.select %eq3A_2031, %broadcast_in_dim3A_2033, %broadcast_in_dim3A_2035 : vector<256x256xi1>, vector<256x256xf32>
    %reduce_sum3A_2037 = arith.constant dense<0.000000e+00> : vector<256xf32>
    %reduce_sum3A_2038 = vector.multi_reduction <add>, %select_n3A_2036, %reduce_sum3A_2037 [1] : vector<256x256xf32> to vector<256xf32>
    %broadcast_in_dim3A_2039 = vector.shape_cast %reduce_sum3A_2038 : vector<256xf32> to vector<256x1xf32>
    %iota3A_2040 = tpu.iota {dimensions = array<i32: 0>} : vector<256x256xi32>
    %iota3A_2041 = tpu.iota {dimensions = array<i32: 1>} : vector<256x256xi32>
    %eq3A_2042 = arith.cmpi eq, %iota3A_2040, %iota3A_2041 : vector<256x256xi32>
    %broadcast_in_dim3A_2043 = vector.shape_cast %slice3A_2026 : vector<1x256xf32> to vector<1x256xf32>
    %broadcast_in_dim3A_2044 = vector.broadcast %broadcast_in_dim3A_2043 : vector<1x256xf32> to vector<256x256xf32>
    %jit3A_2045 = arith.constant 0.000000e+00 : f32
    %broadcast_in_dim3A_2046 = vector.broadcast %jit3A_2045 : f32 to vector<256x256xf32>
    %select_n3A_2047 = arith.select %eq3A_2042, %broadcast_in_dim3A_2044, %broadcast_in_dim3A_2046 : vector<256x256xi1>, vector<256x256xf32>
    %reduce_sum3A_2048 = arith.constant dense<0.000000e+00> : vector<256xf32>
    %reduce_sum3A_2049 = vector.multi_reduction <add>, %select_n3A_2047, %reduce_sum3A_2048 [1] : vector<256x256xf32> to vector<256xf32>
    %broadcast_in_dim3A_2050 = vector.shape_cast %reduce_sum3A_2049 : vector<256xf32> to vector<256x1xf32>
    %get3A_2051 = arith.constant 0 : index
    %get3A_2052 = arith.constant 1536 : index
    %get3A_2053 = vector.load %arg12[%get3A_2051, %get3A_2052] : memref<1x2048xf32, #tpu.memory_space<vmem>>, vector<1x1xf32>
    %get3A_2054 = vector.extract %get3A_2053[0, 0] : f32 from vector<1x1xf32>
    %convert_element_type3A_2055 = arith.fptosi %get3A_2054 : f32 to i32
    %jit3A_2056 = arith.constant 128 : i32
    %div3A_2057 = arith.divsi %convert_element_type3A_2055, %jit3A_2056 : i32
    %sign3A_2058 = arith.constant 0 : i32
    %sign3A_2059 = arith.cmpi sgt, %convert_element_type3A_2055, %sign3A_2058 : i32
    %sign3A_2060 = arith.extui %sign3A_2059 : i1 to i32
    %sign3A_2061 = arith.constant 0 : i32
    %sign3A_2062 = arith.cmpi slt, %convert_element_type3A_2055, %sign3A_2061 : i32
    %sign3A_2063 = arith.extui %sign3A_2062 : i1 to i32
    %sign3A_2064 = arith.subi %sign3A_2060, %sign3A_2063 : i32
    %sign3A_2065 = arith.constant 0 : i32
    %sign3A_2066 = arith.cmpi sgt, %jit3A_2056, %sign3A_2065 : i32
    %sign3A_2067 = arith.extui %sign3A_2066 : i1 to i32
    %sign3A_2068 = arith.constant 0 : i32
    %sign3A_2069 = arith.cmpi slt, %jit3A_2056, %sign3A_2068 : i32
    %sign3A_2070 = arith.extui %sign3A_2069 : i1 to i32
    %sign3A_2071 = arith.subi %sign3A_2067, %sign3A_2070 : i32
    %ne3A_2072 = arith.cmpi ne, %sign3A_2064, %sign3A_2071 : i32
    %rem3A_2073 = arith.remsi %convert_element_type3A_2055, %jit3A_2056 : i32
    %ne3A_2074 = arith.constant 0 : i32
    %ne3A_2075 = arith.cmpi ne, %rem3A_2073, %ne3A_2074 : i32
    %and3A_2076 = arith.andi %ne3A_2072, %ne3A_2075 : i1
    %sub3A_2077 = arith.constant 1 : i32
    %sub3A_2078 = arith.subi %div3A_2057, %sub3A_2077 : i32
    %select_n3A_2079 = arith.select %and3A_2076, %sub3A_2078, %div3A_2057 : i32
    %mul3A_2080 = arith.constant 128 : i32
    %mul3A_2081 = arith.muli %select_n3A_2079, %mul3A_2080 : i32
    %min3A_2082 = arith.constant 1664 : i32
    %min3A_2083 = arith.minsi %mul3A_2081, %min3A_2082 : i32
    %get3A_2084 = arith.index_cast %min3A_2083 : i32 to index
    %get3A_2085 = arith.constant 0 : index
    %get3A_2086 = vector.load %arg11[%get3A_2084, %get3A_2085] : memref<2048x512xf32, #tpu.memory_space<vmem>>, vector<384x512xf32>
    %convert_element_type3A_2087 = arith.sitofp %min3A_2083 : i32 to f32
    %sub3A_2088 = vector.broadcast %convert_element_type3A_2087 : f32 to vector<256x1xf32>
    %sub3A_2089 = arith.subf %broadcast_in_dim3A_2039, %sub3A_2088 : vector<256x1xf32>
    %eq3A_2090 = vector.broadcast %sub3A_2089 : vector<256x1xf32> to vector<256x384xf32>
    %eq3A_2091 = vector.broadcast %convert_element_type3A_1423 : vector<1x384xf32> to vector<256x384xf32>
    %eq3A_2092 = arith.cmpf oeq, %eq3A_2090, %eq3A_2091 : vector<256x384xf32>
    %jit3A_2093 = arith.constant 1.000000e+00 : f32
    %jit3A_2094 = arith.constant 0.000000e+00 : f32
    %broadcast_in_dim3A_2095 = vector.broadcast %jit3A_2093 : f32 to vector<256x384xf32>
    %broadcast_in_dim3A_2096 = vector.broadcast %jit3A_2094 : f32 to vector<256x384xf32>
    %select_n3A_2097 = arith.select %eq3A_2092, %broadcast_in_dim3A_2095, %broadcast_in_dim3A_2096 : vector<256x384xi1>, vector<256x384xf32>
    %dot_general3A_2098 = arith.constant dense<0.000000e+00> : vector<256x512xf32>
    %dot_general3A_2099 = tpu.matmul %select_n3A_2097, %get3A_2086, %dot_general3A_2098 {dimension_numbers = #tpu.dot_dimension_numbers<[1], [0], [0], [1], [0, 0, 1, 1], [], []>, transpose_lhs_hint = false} : vector<256x384xf32>, vector<384x512xf32>, vector<256x512xf32> -> vector<256x512xf32>
    %sub3A_2100 = vector.broadcast %broadcast_in_dim3A_2050 : vector<256x1xf32> to vector<256x256xf32>
    %sub3A_2101 = vector.broadcast %slice3A_2026 : vector<1x256xf32> to vector<256x256xf32>
    %sub3A_2102 = arith.subf %sub3A_2100, %sub3A_2101 : vector<256x256xf32>
    %exp3A_2103 = math.exp %sub3A_2102 : vector<256x256xf32>
    %mul3A_2104 = vector.broadcast %slice3A_2027 : vector<1x256xf32> to vector<256x256xf32>
    %mul3A_2105 = arith.mulf %mul3A_2104, %exp3A_2103 : vector<256x256xf32>
    %jit3A_2106 = arith.constant 0.000000e+00 : f32
    %broadcast_in_dim3A_2107 = vector.broadcast %jit3A_2106 : f32 to vector<256x256xf32>
    %select_n3A_2108 = arith.select %ge3A_1421, %mul3A_2105, %broadcast_in_dim3A_2107 : vector<256x256xi1>, vector<256x256xf32>
    %dot_general3A_2109 = arith.constant dense<0.000000e+00> : vector<256x512xf32>
    %dot_general3A_2110 = tpu.matmul %select_n3A_2108, %dot_general3A_2099, %dot_general3A_2109 {dimension_numbers = #tpu.dot_dimension_numbers<[1], [0], [0], [1], [0, 0, 1, 1], [], []>, transpose_lhs_hint = false} : vector<256x256xf32>, vector<256x512xf32>, vector<256x512xf32> -> vector<256x512xf32>
    %slice3A_2111 = vector.extract_strided_slice %slice3A_2026 {offsets = [0, 0], sizes = [1, 1], strides = [1, 1]} : vector<1x256xf32> to vector<1x1xf32>
    %sub3A_2112 = vector.broadcast %slice3A_2111 : vector<1x1xf32> to vector<256x1xf32>
    %sub3A_2113 = arith.subf %broadcast_in_dim3A_2050, %sub3A_2112 : vector<256x1xf32>
    %exp3A_2114 = math.exp %sub3A_2113 : vector<256x1xf32>
    %mul3A_2115 = vector.broadcast %exp3A_2114 : vector<256x1xf32> to vector<256x512xf32>
    %mul3A_2116 = vector.broadcast %mul3A_2025 : vector<1x512xf32> to vector<256x512xf32>
    %mul3A_2117 = arith.mulf %mul3A_2115, %mul3A_2116 : vector<256x512xf32>
    %add3A_2118 = arith.addf %dot_general3A_2110, %mul3A_2117 : vector<256x512xf32>
    %slice3A_2119 = vector.extract_strided_slice %slice3A_2027 {offsets = [0, 255], sizes = [1, 1], strides = [1, 1]} : vector<1x256xf32> to vector<1x1xf32>
    %slice3A_2120 = vector.extract_strided_slice %add3A_2118 {offsets = [255, 0], sizes = [1, 512], strides = [1, 1]} : vector<256x512xf32> to vector<1x512xf32>
    %sub3A_2121 = arith.constant 1.000000e+00 : f32
    %sub3A_2122 = vector.broadcast %sub3A_2121 : f32 to vector<1x1xf32>
    %sub3A_2123 = arith.subf %sub3A_2122, %slice3A_2119 : vector<1x1xf32>
    %mul3A_2124 = vector.broadcast %sub3A_2123 : vector<1x1xf32> to vector<1x512xf32>
    %mul3A_2125 = arith.mulf %mul3A_2124, %slice3A_2120 : vector<1x512xf32>
    %slice3A_2126 = vector.extract_strided_slice %concatenate3A_1418 {offsets = [0, 1792], sizes = [1, 256], strides = [1, 1]} : vector<1x2048xf32> to vector<1x256xf32>
    %slice3A_2127 = vector.extract_strided_slice %min3A_1289 {offsets = [0, 1792], sizes = [1, 256], strides = [1, 1]} : vector<1x2048xf32> to vector<1x256xf32>
    %slice3A_2128 = vector.extract_strided_slice %max3A_1352 {offsets = [0, 1792], sizes = [1, 256], strides = [1, 1]} : vector<1x2048xf32> to vector<1x256xf32>
    %iota3A_2129 = tpu.iota {dimensions = array<i32: 0>} : vector<256x256xi32>
    %iota3A_2130 = tpu.iota {dimensions = array<i32: 1>} : vector<256x256xi32>
    %eq3A_2131 = arith.cmpi eq, %iota3A_2129, %iota3A_2130 : vector<256x256xi32>
    %broadcast_in_dim3A_2132 = vector.shape_cast %slice3A_2128 : vector<1x256xf32> to vector<1x256xf32>
    %broadcast_in_dim3A_2133 = vector.broadcast %broadcast_in_dim3A_2132 : vector<1x256xf32> to vector<256x256xf32>
    %jit3A_2134 = arith.constant 0.000000e+00 : f32
    %broadcast_in_dim3A_2135 = vector.broadcast %jit3A_2134 : f32 to vector<256x256xf32>
    %select_n3A_2136 = arith.select %eq3A_2131, %broadcast_in_dim3A_2133, %broadcast_in_dim3A_2135 : vector<256x256xi1>, vector<256x256xf32>
    %reduce_sum3A_2137 = arith.constant dense<0.000000e+00> : vector<256xf32>
    %reduce_sum3A_2138 = vector.multi_reduction <add>, %select_n3A_2136, %reduce_sum3A_2137 [1] : vector<256x256xf32> to vector<256xf32>
    %broadcast_in_dim3A_2139 = vector.shape_cast %reduce_sum3A_2138 : vector<256xf32> to vector<256x1xf32>
    %iota3A_2140 = tpu.iota {dimensions = array<i32: 0>} : vector<256x256xi32>
    %iota3A_2141 = tpu.iota {dimensions = array<i32: 1>} : vector<256x256xi32>
    %eq3A_2142 = arith.cmpi eq, %iota3A_2140, %iota3A_2141 : vector<256x256xi32>
    %broadcast_in_dim3A_2143 = vector.shape_cast %slice3A_2126 : vector<1x256xf32> to vector<1x256xf32>
    %broadcast_in_dim3A_2144 = vector.broadcast %broadcast_in_dim3A_2143 : vector<1x256xf32> to vector<256x256xf32>
    %jit3A_2145 = arith.constant 0.000000e+00 : f32
    %broadcast_in_dim3A_2146 = vector.broadcast %jit3A_2145 : f32 to vector<256x256xf32>
    %select_n3A_2147 = arith.select %eq3A_2142, %broadcast_in_dim3A_2144, %broadcast_in_dim3A_2146 : vector<256x256xi1>, vector<256x256xf32>
    %reduce_sum3A_2148 = arith.constant dense<0.000000e+00> : vector<256xf32>
    %reduce_sum3A_2149 = vector.multi_reduction <add>, %select_n3A_2147, %reduce_sum3A_2148 [1] : vector<256x256xf32> to vector<256xf32>
    %broadcast_in_dim3A_2150 = vector.shape_cast %reduce_sum3A_2149 : vector<256xf32> to vector<256x1xf32>
    %get3A_2151 = arith.constant 0 : index
    %get3A_2152 = arith.constant 1792 : index
    %get3A_2153 = vector.load %arg12[%get3A_2151, %get3A_2152] : memref<1x2048xf32, #tpu.memory_space<vmem>>, vector<1x1xf32>
    %get3A_2154 = vector.extract %get3A_2153[0, 0] : f32 from vector<1x1xf32>
    %convert_element_type3A_2155 = arith.fptosi %get3A_2154 : f32 to i32
    %jit3A_2156 = arith.constant 128 : i32
    %div3A_2157 = arith.divsi %convert_element_type3A_2155, %jit3A_2156 : i32
    %sign3A_2158 = arith.constant 0 : i32
    %sign3A_2159 = arith.cmpi sgt, %convert_element_type3A_2155, %sign3A_2158 : i32
    %sign3A_2160 = arith.extui %sign3A_2159 : i1 to i32
    %sign3A_2161 = arith.constant 0 : i32
    %sign3A_2162 = arith.cmpi slt, %convert_element_type3A_2155, %sign3A_2161 : i32
    %sign3A_2163 = arith.extui %sign3A_2162 : i1 to i32
    %sign3A_2164 = arith.subi %sign3A_2160, %sign3A_2163 : i32
    %sign3A_2165 = arith.constant 0 : i32
    %sign3A_2166 = arith.cmpi sgt, %jit3A_2156, %sign3A_2165 : i32
    %sign3A_2167 = arith.extui %sign3A_2166 : i1 to i32
    %sign3A_2168 = arith.constant 0 : i32
    %sign3A_2169 = arith.cmpi slt, %jit3A_2156, %sign3A_2168 : i32
    %sign3A_2170 = arith.extui %sign3A_2169 : i1 to i32
    %sign3A_2171 = arith.subi %sign3A_2167, %sign3A_2170 : i32
    %ne3A_2172 = arith.cmpi ne, %sign3A_2164, %sign3A_2171 : i32
    %rem3A_2173 = arith.remsi %convert_element_type3A_2155, %jit3A_2156 : i32
    %ne3A_2174 = arith.constant 0 : i32
    %ne3A_2175 = arith.cmpi ne, %rem3A_2173, %ne3A_2174 : i32
    %and3A_2176 = arith.andi %ne3A_2172, %ne3A_2175 : i1
    %sub3A_2177 = arith.constant 1 : i32
    %sub3A_2178 = arith.subi %div3A_2157, %sub3A_2177 : i32
    %select_n3A_2179 = arith.select %and3A_2176, %sub3A_2178, %div3A_2157 : i32
    %mul3A_2180 = arith.constant 128 : i32
    %mul3A_2181 = arith.muli %select_n3A_2179, %mul3A_2180 : i32
    %min3A_2182 = arith.constant 1664 : i32
    %min3A_2183 = arith.minsi %mul3A_2181, %min3A_2182 : i32
    %get3A_2184 = arith.index_cast %min3A_2183 : i32 to index
    %get3A_2185 = arith.constant 0 : index
    %get3A_2186 = vector.load %arg11[%get3A_2184, %get3A_2185] : memref<2048x512xf32, #tpu.memory_space<vmem>>, vector<384x512xf32>
    %convert_element_type3A_2187 = arith.sitofp %min3A_2183 : i32 to f32
    %sub3A_2188 = vector.broadcast %convert_element_type3A_2187 : f32 to vector<256x1xf32>
    %sub3A_2189 = arith.subf %broadcast_in_dim3A_2139, %sub3A_2188 : vector<256x1xf32>
    %eq3A_2190 = vector.broadcast %sub3A_2189 : vector<256x1xf32> to vector<256x384xf32>
    %eq3A_2191 = vector.broadcast %convert_element_type3A_1423 : vector<1x384xf32> to vector<256x384xf32>
    %eq3A_2192 = arith.cmpf oeq, %eq3A_2190, %eq3A_2191 : vector<256x384xf32>
    %jit3A_2193 = arith.constant 1.000000e+00 : f32
    %jit3A_2194 = arith.constant 0.000000e+00 : f32
    %broadcast_in_dim3A_2195 = vector.broadcast %jit3A_2193 : f32 to vector<256x384xf32>
    %broadcast_in_dim3A_2196 = vector.broadcast %jit3A_2194 : f32 to vector<256x384xf32>
    %select_n3A_2197 = arith.select %eq3A_2192, %broadcast_in_dim3A_2195, %broadcast_in_dim3A_2196 : vector<256x384xi1>, vector<256x384xf32>
    %dot_general3A_2198 = arith.constant dense<0.000000e+00> : vector<256x512xf32>
    %dot_general3A_2199 = tpu.matmul %select_n3A_2197, %get3A_2186, %dot_general3A_2198 {dimension_numbers = #tpu.dot_dimension_numbers<[1], [0], [0], [1], [0, 0, 1, 1], [], []>, transpose_lhs_hint = false} : vector<256x384xf32>, vector<384x512xf32>, vector<256x512xf32> -> vector<256x512xf32>
    %sub3A_2200 = vector.broadcast %broadcast_in_dim3A_2150 : vector<256x1xf32> to vector<256x256xf32>
    %sub3A_2201 = vector.broadcast %slice3A_2126 : vector<1x256xf32> to vector<256x256xf32>
    %sub3A_2202 = arith.subf %sub3A_2200, %sub3A_2201 : vector<256x256xf32>
    %exp3A_2203 = math.exp %sub3A_2202 : vector<256x256xf32>
    %mul3A_2204 = vector.broadcast %slice3A_2127 : vector<1x256xf32> to vector<256x256xf32>
    %mul3A_2205 = arith.mulf %mul3A_2204, %exp3A_2203 : vector<256x256xf32>
    %jit3A_2206 = arith.constant 0.000000e+00 : f32
    %broadcast_in_dim3A_2207 = vector.broadcast %jit3A_2206 : f32 to vector<256x256xf32>
    %select_n3A_2208 = arith.select %ge3A_1421, %mul3A_2205, %broadcast_in_dim3A_2207 : vector<256x256xi1>, vector<256x256xf32>
    %dot_general3A_2209 = arith.constant dense<0.000000e+00> : vector<256x512xf32>
    %dot_general3A_2210 = tpu.matmul %select_n3A_2208, %dot_general3A_2199, %dot_general3A_2209 {dimension_numbers = #tpu.dot_dimension_numbers<[1], [0], [0], [1], [0, 0, 1, 1], [], []>, transpose_lhs_hint = false} : vector<256x256xf32>, vector<256x512xf32>, vector<256x512xf32> -> vector<256x512xf32>
    %slice3A_2211 = vector.extract_strided_slice %slice3A_2126 {offsets = [0, 0], sizes = [1, 1], strides = [1, 1]} : vector<1x256xf32> to vector<1x1xf32>
    %sub3A_2212 = vector.broadcast %slice3A_2211 : vector<1x1xf32> to vector<256x1xf32>
    %sub3A_2213 = arith.subf %broadcast_in_dim3A_2150, %sub3A_2212 : vector<256x1xf32>
    %exp3A_2214 = math.exp %sub3A_2213 : vector<256x1xf32>
    %mul3A_2215 = vector.broadcast %exp3A_2214 : vector<256x1xf32> to vector<256x512xf32>
    %mul3A_2216 = vector.broadcast %mul3A_2125 : vector<1x512xf32> to vector<256x512xf32>
    %mul3A_2217 = arith.mulf %mul3A_2215, %mul3A_2216 : vector<256x512xf32>
    %add3A_2218 = arith.addf %dot_general3A_2210, %mul3A_2217 : vector<256x512xf32>
    %concatenate3A_2219 = tpu.concatenate %add3A_1518, %add3A_1618, %add3A_1718, %add3A_1818, %add3A_1918, %add3A_2018, %add3A_2118, %add3A_2218 in 0 : vector<256x512xf32>, vector<256x512xf32>, vector<256x512xf32>, vector<256x512xf32>, vector<256x512xf32>, vector<256x512xf32>, vector<256x512xf32>, vector<256x512xf32> -> vector<2048x512xf32>
    %slice3A_2220 = vector.extract_strided_slice %concatenate3A_2219 {offsets = [0, 0], sizes = [2048, 256], strides = [1, 1]} : vector<2048x512xf32> to vector<2048x256xf32>
    %slice3A_2221 = vector.extract_strided_slice %get3A_10 {offsets = [0, 1], sizes = [1, 1], strides = [1, 1]} : vector<1x2xf32> to vector<1x1xf32>
    %slice3A_2222 = vector.extract_strided_slice %concatenate3A_2219 {offsets = [0, 256], sizes = [2048, 256], strides = [1, 1]} : vector<2048x512xf32> to vector<2048x256xf32>
    %mul3A_2223 = vector.broadcast %slice3A_2221 : vector<1x1xf32> to vector<2048x256xf32>
    %mul3A_2224 = arith.mulf %mul3A_2223, %slice3A_2222 : vector<2048x256xf32>
    %add3A_2225 = arith.addf %slice3A_2220, %mul3A_2224 : vector<2048x256xf32>
    %swap3A_2226 = arith.constant 0 : index
    %swap3A_2227 = arith.constant 0 : index
    %swap3A_2228 = arith.constant 0 : index
    %swap3A_2229 = vector.load %arg10[%swap3A_2226, %swap3A_2227, %swap3A_2228] : memref<1x2048x256xf32, #tpu.memory_space<vmem>>, vector<1x2048x256xf32>
    %swap3A_2230 = vector.shape_cast %swap3A_2229 : vector<1x2048x256xf32> to vector<2048x256xf32>
    %swap3A_2231 = vector.shape_cast %add3A_2225 : vector<2048x256xf32> to vector<1x2048x256xf32>
    tpu.vector_store %arg10[%swap3A_2226, %swap3A_2227, %swap3A_2228], %swap3A_2231 {strides = array<i32>} : memref<1x2048x256xf32, #tpu.memory_space<vmem>>, vector<1x2048x256xf32>,
    return
  }
  func.func @transform_0(%arg0: i32) -> (i32, i32, i32) {
    %c0_i32 = arith.constant 0 : i32
    %c0_i32_0 = arith.constant 0 : i32
    %c0_i32_1 = arith.constant 0 : i32
    return %arg0, %c0_i32, %c0_i32_0 : i32, i32, i32
  }
  func.func @transform_1(%arg0: i32) -> (i32, i32, i32) {
    %c0_i32 = arith.constant 0 : i32
    %c0_i32_0 = arith.constant 0 : i32
    %c0_i32_1 = arith.constant 0 : i32
    return %arg0, %c0_i32, %c0_i32_0 : i32, i32, i32
  }
  func.func @transform_2(%arg0: i32) -> (i32, i32, i32) {
    %c0_i32 = arith.constant 0 : i32
    %c0_i32_0 = arith.constant 0 : i32
    %c0_i32_1 = arith.constant 0 : i32
    return %arg0, %c0_i32, %c0_i32_0 : i32, i32, i32
  }
  func.func @transform_3(%arg0: i32) -> (i32, i32, i32) {
    %c0_i32 = arith.constant 0 : i32
    %c0_i32_0 = arith.constant 0 : i32
    %c0_i32_1 = arith.constant 0 : i32
    return %arg0, %c0_i32, %c0_i32_0 : i32, i32, i32
  }
  func.func @transform_4(%arg0: i32) -> (i32, i32, i32) {
    %c0_i32 = arith.constant 0 : i32
    %c0_i32_0 = arith.constant 0 : i32
    %c0_i32_1 = arith.constant 0 : i32
    %c0_i32_2 = arith.constant 0 : i32
    return %c0_i32, %c0_i32_0, %c0_i32_1 : i32, i32, i32
  }
  func.func @transform_5(%arg0: i32) -> (i32, i32, i32) {
    %c0_i32 = arith.constant 0 : i32
    %c0_i32_0 = arith.constant 0 : i32
    %c0_i32_1 = arith.constant 0 : i32
    %c0_i32_2 = arith.constant 0 : i32
    return %c0_i32, %c0_i32_0, %c0_i32_1 : i32, i32, i32
  }
  func.func @transform_6(%arg0: i32) -> (i32, i32, i32) {
    %c0_i32 = arith.constant 0 : i32
    %c0_i32_0 = arith.constant 0 : i32
    %c0_i32_1 = arith.constant 0 : i32
    %c0_i32_2 = arith.constant 0 : i32
    return %c0_i32, %c0_i32_0, %c0_i32_1 : i32, i32, i32
  }
  func.func @transform_7(%arg0: i32) -> (i32, i32, i32) {
    %c0_i32 = arith.constant 0 : i32
    %c0_i32_0 = arith.constant 0 : i32
    %c0_i32_1 = arith.constant 0 : i32
    %c0_i32_2 = arith.constant 0 : i32
    return %c0_i32, %c0_i32_0, %c0_i32_1 : i32, i32, i32
  }
  func.func @transform_8(%arg0: i32) -> (i32, i32, i32) {
    %c0_i32 = arith.constant 0 : i32
    %c0_i32_0 = arith.constant 0 : i32
    %c0_i32_1 = arith.constant 0 : i32
    %c0_i32_2 = arith.constant 0 : i32
    return %c0_i32, %c0_i32_0, %c0_i32_1 : i32, i32, i32
  }
  func.func @transform_9(%arg0: i32) -> (i32, i32, i32) {
    %c0_i32 = arith.constant 0 : i32
    %c0_i32_0 = arith.constant 0 : i32
    %c0_i32_1 = arith.constant 0 : i32
    return %arg0, %c0_i32, %c0_i32_0 : i32, i32, i32
  }
}

</mosaic_0001>

<sc_bundles>
// kernel: kernel.10.cloned.1.call-start
scs
__scs_entry_jumppad:
0x0: {  	(pc) =	sbr.rel $0x88, $3  }
0x1: {  	(tag) =	ssettag $0x0;
	lr =	simm.s32 $0x1  }
0x2: {  	[smem:$0x3F96] =	sst lr;
	_ =	strace $0xD0000000  }
0x3: {  	_ = 	snop  }
0x4: {  	_ = 	snop  }
0x5: {  	_ = 	snop  }
0x6: {  	_ = 	snop  }
0x7: {  	_ = 	snop  }
__scs_overlays_trampoline_lowered:
0x8: {  	[smem:$0x3FA5] =	sst s0  }
0x9: {  	[smem:$0x3FA6] =	sst s1  }
0xa: {  	[smem:$0x3FA7] =	sst s2  }
0xb: {  	[smem:$0x3FA8] =	sst s3  }
0xc: {  	[smem:$0x3FA9] =	sst s4  }
0xd: {  	[smem:$0x3FAA] =	sst s5  }
0xe: {  	[smem:$0x3FAB] =	sst s6  }
0xf: {  	[smem:$0x3FAC] =	sst s7  }
0x10: {  	[smem:$0x3FAD] =	sst s8  }
0x11: {  	[smem:$0x3FAE] =	sst s9;
	s0 =	simm.s32 @!p0 $0x0  }
0x12: {  	s1 =	sld [smem:$0x3F94];
	s0 =	simm.s32 @p0 $0x1  }
0x13: {  	[smem:$0x3FAF] =	sst s0;
	s0 =	simm.s32 @!p1 $0x0  }
0x14: {  	s2 =	sld [smem:$0x3F93];
	s0 =	simm.s32 @p1 $0x1  }
0x15: {  	[smem:$0x3FB0] =	sst s0;
	s0 =	simm.s32 @!p2 $0x0  }
0x16: {  	s3 =	sld [smem:$0x3FDB];
	s0 =	simm.s32 @p2 $0x1  }
0x17: {  	s4 =	simm.s32 $0x1BF5;
	[smem:$0x3FB2] =	sst s0  }
0x18: {  	s0 =	sld [smem:$0x3F95];
	_ =	swait.ge [sflag:s4], $0x0  }
0x19: {  	s7 =	sld [smem:$0x3F96]  }
0x1a: {  	s8 =	sadd.s32 $0xFFFFE003, lr  }
0x1b: {  	s9 =	sadd.s32 $0xFFFFFEF7, lr;
	s5 =	simm.s32 $0xFFFFFFFF;
	p2 =	slt.u32 s8, $0xFFFFF086  }
0x1c: {  	p1 =	slt.u32 s9, $0xF7A;
	s5 =	simm.s32 @!p2 $0x0  }
0x1d: {  	s5 =	simm.s32 @p1 $0x1;
	p0 =	seq.s32 s7, s2  }
0x1e: {  	s7 =	smul.u32 @!p0 $0xF7A, s2;
	p2 =	seq.s32 @!p0 s5, $0x0  }
0x1f: {  	s9 =	smul.u32 $0xF7A, s1;
	s8 =	simm.s32 @!p0 $0x1BF5;
	p2 =	por !p2, p0  }
0x20: {  	[sflag:s8] =	ssyncset.s32 @!p0 $0xFFFFF086;
	s6 =	sadd.s32 @!p0 s3, s7;
	s7 =	simm.s32 @!p0 $0x108  }
0x21: {  	s3 =	sadd.s32 s3, s9;
	s6 =	sadd.s32 @!p0 $0x88, s6;
	s7 =	simm.s32 @p2 $0x1082  }
0x22: {  	[simem:s7], [sflag:s8] =	dma.local @!p0 [hbm:s6], $0xF7A  }
0x23: {  	s9 =	sor.u32 $0xD0000000, s2;
	s6 =	simm.s32 $0x108;
	_ =	swait.ge @!p0 [sflag:s8], $0x0  }
0x24: {  	s3 =	sadd.s32 $0x88, s3;
	s6 =	simm.s32 @!p1 $0x1082;
	[sflag:s4] =	ssyncset.s32 $0xFFFFF086  }
0x25: {  	[simem:s6], [sflag:s4] =	dma.local [hbm:s3], $0xF7A  }
0x26: {  	[smem:$0x3F96] =	sst s1;
	(tag) =	ssettag s2;
	_ =	strace s9  }
0x27: {  	s1 =	sld [smem:$0x3FA6]  }
0x28: {  	s2 =	sld [smem:$0x3FA7]  }
0x29: {  	s4 =	sld [smem:$0x3FA9]  }
0x2a: {  	p0 =	seq.s32 s5, $0x0;
	s5 =	sld [smem:$0x3FAA]  }
0x2b: {  	s6 =	sld [smem:$0x3FAB]  }
0x2c: {  	s7 =	sld [smem:$0x3FAC]  }
0x2d: {  	s3 =	simm.s32 $0x108;
	s8 =	sld [smem:$0x3FAD]  }
0x2e: {  	s3 =	simm.s32 @!p0 $0x1082;
	s9 =	sld [smem:$0x3FAE]  }
0x2f: {  	lr =	sadd.s32 s0, s3;
	s0 =	sld [smem:$0x3FA5]  }
0x30: {  	s3 =	sld [smem:$0x3FA8]  }
0x31: {  	[smem:$0x3FB1] =	sst s10  }
0x32: {  	s10 =	sld [smem:$0x3FAF];
	_ =	sdelay $0x3  }
0x33: {  	p0 =	seq.s32 s10, $0x1;
	s10 =	sld [smem:$0x3FB1];
	_ =	sdelay $0x3  }
0x34: {  	[smem:$0x3FB1] =	sst s10  }
0x35: {  	s10 =	sld [smem:$0x3FB0];
	_ =	sdelay $0x3  }
0x36: {  	p1 =	seq.s32 s10, $0x1;
	s10 =	sld [smem:$0x3FB1];
	_ =	sdelay $0x3  }
0x37: {  	[smem:$0x3FB1] =	sst s10  }
0x38: {  	s10 =	sld [smem:$0x3FB2]  }
0x39: {  	_ = 	snop;
	(pc) =	sbr.ind lr, $3  }
0x3a: {  	_ = 	snop  }
0x3b: {  	_ = 	snop  }
0x3c: {  	p2 =	seq.s32 s10, $0x1;
	s10 =	sld [smem:$0x3FB1]  }
0x3d: {  	_ =	shalt  }
0x3e: {  	_ =	shalt  }
0x3f: {  	_ =	shalt  }
0x40: {  	_ =	shalt  }
0x41: {  	_ =	shalt  }
0x42: {  	_ =	shalt  }
0x43: {  	_ =	shalt  }
0x44: {  	_ =	shalt  }
0x45: {  	_ =	shalt  }
0x46: {  	_ =	shalt  }
0x47: {  	_ =	shalt  }
0x48: {  	_ =	shalt  }
0x49: {  	_ =	shalt  }
0x4a: {  	_ =	shalt  }
0x4b: {  	_ =	shalt  }
0x4c: {  	_ =	shalt  }
0x4d: {  	_ =	shalt  }
0x4e: {  	_ =	shalt  }
0x4f: {  	_ =	shalt  }
0x50: {  	_ =	shalt  }
0x51: {  	_ =	shalt  }
0x52: {  	_ =	shalt  }
0x53: {  	_ =	shalt  }
0x54: {  	_ =	shalt  }
0x55: {  	_ =	shalt  }
0x56: {  	_ =	shalt  }
0x57: {  	_ =	shalt  }
0x58: {  	_ =	shalt  }
0x59: {  	_ =	shalt  }
0x5a: {  	_ =	shalt  }
0x5b: {  	_ =	shalt  }
0x5c: {  	_ =	shalt  }
0x5d: {  	_ =	shalt  }
0x5e: {  	_ =	shalt  }
0x5f: {  	_ =	shalt  }
0x60: {  	_ =	shalt  }
0x61: {  	_ =	shalt  }
0x62: {  	_ =	shalt  }
0x63: {  	_ =	shalt  }
0x64: {  	_ =	shalt  }
0x65: {  	_ =	shalt  }
0x66: {  	_ =	shalt  }
0x67: {  	_ =	shalt  }
0x68: {  	_ =	shalt  }
0x69: {  	_ =	shalt  }
0x6a: {  	_ =	shalt  }
0x6b: {  	_ =	shalt  }
0x6c: {  	_ =	shalt  }
0x6d: {  	_ =	shalt  }
0x6e: {  	_ =	shalt  }
0x6f: {  	_ =	shalt  }
0x70: {  	_ =	shalt  }
0x71: {  	_ =	shalt  }
0x72: {  	_ =	shalt  }
0x73: {  	_ =	shalt  }
0x74: {  	_ =	shalt  }
0x75: {  	_ =	shalt  }
0x76: {  	_ =	shalt  }
0x77: {  	_ =	shalt  }
0x78: {  	_ =	shalt  }
0x79: {  	_ =	shalt  }
0x7a: {  	_ =	shalt  }
0x7b: {  	_ =	shalt  }
0x7c: {  	_ =	shalt  }
0x7d: {  	_ =	shalt  }
0x7e: {  	_ =	shalt  }
0x7f: {  	_ =	shalt  }
0x80: {  	_ =	shalt  }
0x81: {  	_ =	shalt  }
0x82: {  	_ =	shalt  }
0x83: {  	_ =	shalt  }
0x84: {  	_ =	shalt  }
0x85: {  	_ =	shalt  }
0x86: {  	_ =	shalt  }
0x87: {  	_ =	shalt  }
.Lfunc_end0:
.L_simem_size_0:
called_computation.1_lowered:
.L_overlay_start_0:
0x88: {  	s2 =	sld [smem:$0x3FD9]  }
0x89: {  	s3 =	sld [smem:$0x3FFE];
	_ =	sdelay $0x1  }
0x8a: {  	s1 =	srdreg.scid  }
0x8b: {  	s0 =	sand.u32 $0x1, s1  }
0x8c: {  	s17 =	sshll.u32 s0, $0xA;
	s2 =	sadd.s32 s3, s2  }
0x8d: {  	s2 =	sadd.s32 s2, s17  }
0x8e: {  	[smem:$0x3FBD] =	sst s2  }
0x8f: {  	_ = 	snop  }
0x90: {  	s2 =	sld [smem:$0x3FD0];
	(tm) =	ssettm $0x1  }
0x91: {  	s18 =	sld [smem:$0x3FFB];
	_ =	sdelay $0x3  }
0x92: {  	_ =	strace s18  }
0x93: {  	s3 =	sld [smem:$0x3FFC];
	_ =	sdelay $0x3  }
0x94: {  	_ =	strace s3  }
0x95: {  	s3 =	sld [smem:$0x3FFD];
	_ =	sdelay $0x3  }
0x96: {  	_ =	strace s3  }
0x97: {  	_ =	strace $0x8FFFFFFF  }
0x98: {  	s19 =	sld [smem:$0x3FDB];
	_ =	sdelay $0x1  }
0x99: {  	s4 =	simm.s32 $_scs_section_size  }
0x9a: {  	s5 =	simm.s32 $_size__tile_overlayer_lowered;
	s6 =	simm.s32 $_tile_overlayer_lowered  }
0x9b: {  	s22 =	simm.s32 $0x1BFF;
	s21 =	sshll.u32 s6, $0x1;
	s3 =	sadd.s32 s4, s19  }
0x9c: {  	s7 =	simm.s32 $0x0;
	s20 =	sshll.u32 s5, $0x1;
	s5 =	sadd.s32 s21, s3  }
0x9d: {  	[timem:s7], [sflag:s22] =	dma.local [hbm:s5], s20  }
0x9e: {  	_ =	swait.ge [sflag:s22], s20  }
0x9f: {  	s4 =	ssub.s32 $0x0, s20;
	[sflag:s22] =	ssyncset.done $0x0  }
0xa0: {  	[sflag:s22] =	ssyncadd.s32 s4;
	_ =	sdelay $0x1  }
0xa1: {  	s23 =	simm.s32 $0x1B8B  }
0xa2: {  	_ =	swait.ge [sflag:s23], $0x1  }
0xa3: {  	[sflag:s23] =	ssyncset.done $0x0  }
0xa4: {  	s25 =	simm.s32 $0x1B8E;
	s24 =	sld [smem:$0x3FFE];
	[sflag:s23] =	ssyncadd.s32 $0xFFFFFFFF  }
0xa5: {  	s26 =	simm.s32 $execute0_lowered;
	[smem:$0x3FD2] =	sst s25  }
0xa6: {  	s5 =	sshll.u32 s26, $0x1;
	_ =	strace $0x80000049;
	[dreg:$0x1] =	wrdreg $0xFFFFFFFF  }
0xa7: {  	s28 =	simm.s32 $_size_execute0_lowered;
	s3 =	sadd.s32 s3, s5;
	[dreg:$0x0] =	wrdreg $0x0  }
0xa8: {  	s5 =	sshll.u32 s28, $0x1;
	[dreg:$0x2] =	wrdreg s3  }
0xa9: {  	[dreg:$0x3] =	wrdreg s5  }
0xaa: {  	[dreg:$0x4] =	wrdreg $0xC0  }
0xab: {  	_ =	task [dreg:s7], $0x5FFFF  }
0xac: {  	[dreg:$0x1] =	wrdreg $0xFFFFFFFF  }
0xad: {  	[dreg:$0x0] =	wrdreg $0x60  }
0xae: {  	[dreg:$0x2] =	wrdreg s2  }
0xaf: {  	[dreg:$0x3] =	wrdreg s24  }
0xb0: {  	[dreg:$0x4] =	wrdreg $0x9  }
0xb1: {  	_ =	task.clear_ibuf [dreg:s7], $0x5FFFF;
	_ =	strace $0x90000049  }
0xb2: {  	s29 =	simm.s32 $0x9;
	_ =	strace $0x8000004B  }
0xb3: {  	_ =	swait.ge [sflag:s29], $0x1  }
0xb4: {  	[sflag:s29] =	ssyncadd.s32 $0xFFFFFFFF  }
0xb5: {  	_ =	strace $0x9000004B  }
0xb6: {  	_ =	sfence  }
0xb7: {  	s30 =	sld [smem:$0x0];
	_ =	sdelay $0x2  }
0xb8: {  	s31 =	sshll.u32 s1, $0xD;
	s1 =	sshrl.u32 s1, $0x2  }
0xb9: {  	s3 =	sand.u32 $0x4000, s31;
	s1 =	sadd.s32 s1, s30  }
0xba: {  	s0 =	sor.u32 s3, s0;
	s1 =	sshll.u32 s1, $0x11  }
0xbb: {  	s0 =	sor.u32 s1, s0  }
0xbc: {  	s0 =	sadd.s32 $0x8F2B, s0  }
0xbd: {  	[sflag:s0] =	ssyncadd.remote.s32 $0x1  }
0xbe: {  	_ =	sfence.sel $0xFFFF  }
0xbf: {  	[dreg:$0x0] =	wrdreg $0xFFFFFFFF;
	(pc) =	sbr.abs _section_cstart, $3  }
0xc0: {  	[dreg:$0x1] =	wrdreg $0xFFFFFFFF  }
0xc1: {  	_ =	task.clear_ibuf [dreg:s7], $0x2FFFF;
	_ =	strace $0x9FFFFFFF  }
0xc2: {  	(tm) =	ssettm $0x7FFFFFFF  }
0xc3: {  	_ =	shalt  }
tec
execute0_lowered:
.L_overlay_start_1:
0x0: {  	(tag) =	ssettag $0x1  }
0x1: {  	s1 =	srdreg.scid;
	s2 =	rddreg [dreg:$0x0]  }
0x2: {  	s0 =	stileid.u32;
	s4 =	rddreg [dreg:$0x1];
	s19 =	simm.s32 $0x900  }
0x3: {  	s20 =	simm.s32 $0x1100;
	s21 =	simm.s32 $0x1900;
	s23 =	simm.s32 $0x2100  }
0x4: {  	s24 =	simm.s32 $0x2900;
	s25 =	simm.s32 $0x3100;
	s26 =	simm.s32 $0x3900  }
0x5: {  	s8 =	simm.s32 $0x4900;
	s9 =	simm.s32 $0x5100;
	s10 =	simm.s32 $0x5900  }
0x6: {  	s11 =	simm.s32 $0x6100;
	s12 =	simm.s32 $0x6900;
	s13 =	simm.s32 $0x7100  }
0x7: {  	s14 =	simm.s32 $0x7900;
	s1 =	sand.u32 $0x1, s1;
	s3 =	sshll.u32 s0, $0x1  }
0x8: {  	s15 =	simm.s32 $0x1;
	s5 =	sor.u32 s1, s3;
	s3 =	simm.s32 $0x0  }
0x9: {  	s16 =	simm.s32 $0x8100;
	s17 =	simm.s32 $0x8900;
	[smem:$0x7FF] =	sst s3  }
0xa: {  	s28 =	simm.s32 $0xD900;
	_ =	strace $0x8000004A;
	[dreg:$0x5] =	wrdreg s19  }
0xb: {  	s29 =	simm.s32 $0xE100;
	s30 =	simm.s32 $0xE900;
	[dreg:$0x6] =	wrdreg s20  }
0xc: {  	s31 =	simm.s32 $0xF100;
	s1 =	ssub.s32 $0x2, s1;
	[dreg:$0x7] =	wrdreg s21  }
0xd: {  	s6 =	sshll.u32 s5, $0x5;
	s5 =	sshll.u32 s5, $0xD;
	[dreg:$0x8] =	wrdreg s23  }
0xe: {  	s22 =	sshrl.u32 s1, $0x1;
	s6 =	sadd.s32 s6, s4;
	[dreg:$0x9] =	wrdreg s24  }
0xf: {  	s4 =	sadd.s32 s5, s4;
	s1 =	ssub.s32 s1, s22;
	[dreg:$0xa] =	wrdreg s25  }
0x10: {  	s5 =	simm.s32 $0x2;
	[dreg:$0xb] =	wrdreg s26;
	s19 =	simm.s32 $0x9900  }
0x11: {  	s20 =	simm.s32 $0xA100;
	s21 =	simm.s32 $0xA900;
	s22 =	simm.s32 $0xB100  }
0x12: {  	s23 =	simm.s32 $0xB900;
	s24 =	simm.s32 $0xC100;
	s18 =	sadd.s32 $0x42600, s6  }
0x13: {  	v2 =	vlaneseq.u32;
	s25 =	simm.s32 $0xC900;
	s4 =	sadd.s32 $0x42A00, s4;
	[dreg:$0x3] =	wrdreg s18  }
0x14: {  	vm0 =	vmmov $0xffff;
	v1 =	vshrl.u32 v2, $0x3;
	s26 =	simm.s32 $0xD100;
	s6 =	simm.s32 $0x100;
	[dreg:$0x4] =	wrdreg s4  }
0x15: {  	v0 =	vand.u32 $0x7, v2;
	v2 =	vor.u32 $0x8, v2;
	v1 =	vmul.u32 $0x8, v1;
	s4 =	smax.u32 s1, $0x1;
	s18 =	simm.s32 $0x9100;
	s1 =	simm.s32 $0xF900  }
.LBB2_1:
0x16: {  	s0 =	rddreg [dreg:$0x3]  }
0x17: {  	[tilespmem:s3], [sflag:$0x2] =	stream.linear.gather [hbm4b:s0+s3], $0x100, $0x38;
	[tilespmem:$0x10100] =	vst v63  }
0x18: {  	_ =	swait.ge [sflag:s5], $0x100  }
0x19: {  	[sflag:s5] =	ssyncset.done $0x0  }
0x1a: {  	[sflag:s5] =	ssyncadd.s32 $0xFFFFFF00  }
0x1b: {  	v3 =	vld [tilespmem:$0x0];
	_ =	sdelay $0x4  }
0x1c: {  	v4 =	vshll.u32 v3, $0x1  }
0x1d: {  	v3 =	vand.u32 $0x7, v3;
	v4 =	vand.u32 $0xFFFFFFF0, v4  }
0x1e: {  	v3 =	vor.u32 v3, v4  }
0x1f: {  	v4 =	vperm.xlane v3, v0;
	_ =	sdelay $0x1  }
0x20: {  	v3 =	vperm.xlane v3, v2;
	v4 =	vadd.s32 v1, v4;
	_ =	sdelay $0x1  }
0x21: {  	v3 =	vadd.s32 v1, v3;
	_ =	sdelay $0x2  }
0x22: {  	[tilespmem:s6], [sflag:$0x1] =	stream.indirect_vreg.gather [hbm4b:s2+s3], $0x80, v4, vm0, $0xb8;
	[tilespmem:$0x10100] =	vst v63  }
0x23: {  	s7 =	rddreg [dreg:$0x5]  }
0x24: {  	[tilespmem:s7], [sflag:$0x1] =	stream.indirect_vreg.gather [hbm4b:s2+s3], $0x80, v3, vm0, $0xb8;
	[tilespmem:$0x10100] =	vst v63  }
0x25: {  	v3 =	vld [tilespmem:$0x10];
	_ =	sdelay $0x4  }
0x26: {  	v49 =	vshll.u32 v3, $0x1  }
0x27: {  	v3 =	vand.u32 $0x7, v3;
	v4 =	vand.u32 $0xFFFFFFF0, v49  }
0x28: {  	v3 =	vor.u32 v3, v4  }
0x29: {  	v4 =	vperm.xlane v3, v0;
	_ =	sdelay $0x1  }
0x2a: {  	v3 =	vperm.xlane v3, v2;
	v4 =	vadd.s32 v1, v4;
	_ =	sdelay $0x1  }
0x2b: {  	v3 =	vadd.s32 v1, v3;
	_ =	sdelay $0x1  }
0x2c: {  	s0 =	rddreg [dreg:$0x6]  }
0x2d: {  	[tilespmem:s0], [sflag:$0x1] =	stream.indirect_vreg.gather [hbm4b:s2+s3], $0x80, v4, vm0, $0xb8;
	[tilespmem:$0x10100] =	vst v63  }
0x2e: {  	s7 =	rddreg [dreg:$0x7]  }
0x2f: {  	[tilespmem:s7], [sflag:$0x1] =	stream.indirect_vreg.gather [hbm4b:s2+s3], $0x80, v3, vm0, $0xb8;
	[tilespmem:$0x10100] =	vst v63  }
0x30: {  	v3 =	vld [tilespmem:$0x20];
	_ =	sdelay $0x4  }
0x31: {  	v50 =	vshll.u32 v3, $0x1  }
0x32: {  	v3 =	vand.u32 $0x7, v3;
	v4 =	vand.u32 $0xFFFFFFF0, v50  }
0x33: {  	v3 =	vor.u32 v3, v4  }
0x34: {  	v4 =	vperm.xlane v3, v0;
	_ =	sdelay $0x1  }
0x35: {  	v3 =	vperm.xlane v3, v2;
	v4 =	vadd.s32 v1, v4;
	_ =	sdelay $0x1  }
0x36: {  	v3 =	vadd.s32 v1, v3;
	_ =	sdelay $0x1  }
0x37: {  	s0 =	rddreg [dreg:$0x8]  }
0x38: {  	[tilespmem:s0], [sflag:$0x1] =	stream.indirect_vreg.gather [hbm4b:s2+s3], $0x80, v4, vm0, $0xb8;
	[tilespmem:$0x10100] =	vst v63  }
0x39: {  	s7 =	rddreg [dreg:$0x9]  }
0x3a: {  	[tilespmem:s7], [sflag:$0x1] =	stream.indirect_vreg.gather [hbm4b:s2+s3], $0x80, v3, vm0, $0xb8;
	[tilespmem:$0x10100] =	vst v63  }
0x3b: {  	v3 =	vld [tilespmem:$0x30];
	_ =	sdelay $0x4  }
0x3c: {  	v51 =	vshll.u32 v3, $0x1  }
0x3d: {  	v3 =	vand.u32 $0x7, v3;
	v4 =	vand.u32 $0xFFFFFFF0, v51  }
0x3e: {  	v3 =	vor.u32 v3, v4  }
0x3f: {  	v4 =	vperm.xlane v3, v0;
	_ =	sdelay $0x1  }
0x40: {  	v3 =	vperm.xlane v3, v2;
	v4 =	vadd.s32 v1, v4;
	_ =	sdelay $0x1  }
0x41: {  	v3 =	vadd.s32 v1, v3;
	_ =	sdelay $0x1  }
0x42: {  	s0 =	rddreg [dreg:$0xa]  }
0x43: {  	[tilespmem:s0], [sflag:$0x1] =	stream.indirect_vreg.gather [hbm4b:s2+s3], $0x80, v4, vm0, $0xb8;
	[tilespmem:$0x10100] =	vst v63  }
0x44: {  	s7 =	rddreg [dreg:$0xb]  }
0x45: {  	[tilespmem:s7], [sflag:$0x1] =	stream.indirect_vreg.gather [hbm4b:s2+s3], $0x80, v3, vm0, $0xb8;
	[tilespmem:$0x10100] =	vst v63  }
0x46: {  	v3 =	vld [tilespmem:$0x40];
	_ =	sdelay $0x4  }
0x47: {  	v52 =	vshll.u32 v3, $0x1  }
0x48: {  	v3 =	vand.u32 $0x7, v3;
	v4 =	vand.u32 $0xFFFFFFF0, v52  }
0x49: {  	v3 =	vor.u32 v3, v4  }
0x4a: {  	v4 =	vperm.xlane v3, v0;
	_ =	sdelay $0x1  }
0x4b: {  	v3 =	vperm.xlane v3, v2;
	v4 =	vadd.s32 v1, v4;
	_ =	sdelay $0x1  }
0x4c: {  	v3 =	vadd.s32 v1, v3;
	_ =	sdelay $0x1  }
0x4d: {  	s7 =	simm.s32 $0x4100  }
0x4e: {  	[tilespmem:s7], [sflag:$0x1] =	stream.indirect_vreg.gather [hbm4b:s2+s3], $0x80, v4, vm0, $0xb8;
	[tilespmem:$0x10100] =	vst v63  }
0x4f: {  	_ = 	snop  }
0x50: {  	[tilespmem:s8], [sflag:$0x1] =	stream.indirect_vreg.gather [hbm4b:s2+s3], $0x80, v3, vm0, $0xb8;
	[tilespmem:$0x10100] =	vst v63  }
0x51: {  	v3 =	vld [tilespmem:$0x50];
	_ =	sdelay $0x4  }
0x52: {  	v53 =	vshll.u32 v3, $0x1  }
0x53: {  	v3 =	vand.u32 $0x7, v3;
	v4 =	vand.u32 $0xFFFFFFF0, v53  }
0x54: {  	v3 =	vor.u32 v3, v4  }
0x55: {  	v4 =	vperm.xlane v3, v0;
	_ =	sdelay $0x1  }
0x56: {  	v3 =	vperm.xlane v3, v2;
	v4 =	vadd.s32 v1, v4;
	_ =	sdelay $0x1  }
0x57: {  	v3 =	vadd.s32 v1, v3;
	_ =	sdelay $0x2  }
0x58: {  	[tilespmem:s9], [sflag:$0x1] =	stream.indirect_vreg.gather [hbm4b:s2+s3], $0x80, v4, vm0, $0xb8;
	[tilespmem:$0x10100] =	vst v63  }
0x59: {  	_ = 	snop  }
0x5a: {  	[tilespmem:s10], [sflag:$0x1] =	stream.indirect_vreg.gather [hbm4b:s2+s3], $0x80, v3, vm0, $0xb8;
	[tilespmem:$0x10100] =	vst v63  }
0x5b: {  	v3 =	vld [tilespmem:$0x60];
	_ =	sdelay $0x4  }
0x5c: {  	v54 =	vshll.u32 v3, $0x1  }
0x5d: {  	v3 =	vand.u32 $0x7, v3;
	v4 =	vand.u32 $0xFFFFFFF0, v54  }
0x5e: {  	v3 =	vor.u32 v3, v4  }
0x5f: {  	v4 =	vperm.xlane v3, v0;
	_ =	sdelay $0x1  }
0x60: {  	v3 =	vperm.xlane v3, v2;
	v4 =	vadd.s32 v1, v4;
	_ =	sdelay $0x1  }
0x61: {  	v3 =	vadd.s32 v1, v3;
	_ =	sdelay $0x2  }
0x62: {  	[tilespmem:s11], [sflag:$0x1] =	stream.indirect_vreg.gather [hbm4b:s2+s3], $0x80, v4, vm0, $0xb8;
	[tilespmem:$0x10100] =	vst v63  }
0x63: {  	_ = 	snop  }
0x64: {  	[tilespmem:s12], [sflag:$0x1] =	stream.indirect_vreg.gather [hbm4b:s2+s3], $0x80, v3, vm0, $0xb8;
	[tilespmem:$0x10100] =	vst v63  }
0x65: {  	v3 =	vld [tilespmem:$0x70];
	_ =	sdelay $0x4  }
0x66: {  	v55 =	vshll.u32 v3, $0x1  }
0x67: {  	v3 =	vand.u32 $0x7, v3;
	v4 =	vand.u32 $0xFFFFFFF0, v55  }
0x68: {  	v3 =	vor.u32 v3, v4  }
0x69: {  	v4 =	vperm.xlane v3, v0;
	_ =	sdelay $0x1  }
0x6a: {  	v3 =	vperm.xlane v3, v2;
	v4 =	vadd.s32 v1, v4;
	_ =	sdelay $0x1  }
0x6b: {  	v3 =	vadd.s32 v1, v3;
	_ =	sdelay $0x2  }
0x6c: {  	[tilespmem:s13], [sflag:$0x1] =	stream.indirect_vreg.gather [hbm4b:s2+s3], $0x80, v4, vm0, $0xb8;
	[tilespmem:$0x10100] =	vst v63  }
0x6d: {  	_ = 	snop  }
0x6e: {  	[tilespmem:s14], [sflag:$0x1] =	stream.indirect_vreg.gather [hbm4b:s2+s3], $0x80, v3, vm0, $0xb8;
	[tilespmem:$0x10100] =	vst v63  }
0x6f: {  	_ =	swait.ge [sflag:s15], $0x8000  }
0x70: {  	[sflag:s15] =	ssyncset.done $0x0  }
0x71: {  	[sflag:s15] =	ssyncadd.s32 $0xFFFF8000  }
0x72: {  	v3 =	vld [tilespmem:$0x80];
	_ =	sdelay $0x4  }
0x73: {  	v56 =	vshll.u32 v3, $0x1  }
0x74: {  	v3 =	vand.u32 $0x7, v3;
	v4 =	vand.u32 $0xFFFFFFF0, v56  }
0x75: {  	v3 =	vor.u32 v3, v4  }
0x76: {  	v4 =	vperm.xlane v3, v0;
	_ =	sdelay $0x1  }
0x77: {  	v3 =	vperm.xlane v3, v2;
	v4 =	vadd.s32 v1, v4;
	_ =	sdelay $0x1  }
0x78: {  	v3 =	vadd.s32 v1, v3;
	_ =	sdelay $0x2  }
0x79: {  	[tilespmem:s16], [sflag:$0x1] =	stream.indirect_vreg.gather [hbm4b:s2+s3], $0x80, v4, vm0, $0xb8;
	[tilespmem:$0x10100] =	vst v63  }
0x7a: {  	_ = 	snop  }
0x7b: {  	[tilespmem:s17], [sflag:$0x1] =	stream.indirect_vreg.gather [hbm4b:s2+s3], $0x80, v3, vm0, $0xb8;
	[tilespmem:$0x10100] =	vst v63  }
0x7c: {  	v3 =	vld [tilespmem:$0x90];
	_ =	sdelay $0x4  }
0x7d: {  	v57 =	vshll.u32 v3, $0x1  }
0x7e: {  	v3 =	vand.u32 $0x7, v3;
	v4 =	vand.u32 $0xFFFFFFF0, v57  }
0x7f: {  	v3 =	vor.u32 v3, v4  }
0x80: {  	v4 =	vperm.xlane v3, v0;
	_ =	sdelay $0x1  }
0x81: {  	v3 =	vperm.xlane v3, v2;
	v4 =	vadd.s32 v1, v4;
	_ =	sdelay $0x1  }
0x82: {  	v3 =	vadd.s32 v1, v3;
	_ =	sdelay $0x2  }
0x83: {  	[tilespmem:s18], [sflag:$0x1] =	stream.indirect_vreg.gather [hbm4b:s2+s3], $0x80, v4, vm0, $0xb8;
	[tilespmem:$0x10100] =	vst v63  }
0x84: {  	_ = 	snop  }
0x85: {  	[tilespmem:s19], [sflag:$0x1] =	stream.indirect_vreg.gather [hbm4b:s2+s3], $0x80, v3, vm0, $0xb8;
	[tilespmem:$0x10100] =	vst v63  }
0x86: {  	v3 =	vld [tilespmem:$0xA0];
	_ =	sdelay $0x4  }
0x87: {  	v58 =	vshll.u32 v3, $0x1  }
0x88: {  	v3 =	vand.u32 $0x7, v3;
	v4 =	vand.u32 $0xFFFFFFF0, v58  }
0x89: {  	v3 =	vor.u32 v3, v4  }
0x8a: {  	v4 =	vperm.xlane v3, v0;
	_ =	sdelay $0x1  }
0x8b: {  	v3 =	vperm.xlane v3, v2;
	v4 =	vadd.s32 v1, v4;
	_ =	sdelay $0x1  }
0x8c: {  	v3 =	vadd.s32 v1, v3;
	_ =	sdelay $0x2  }
0x8d: {  	[tilespmem:s20], [sflag:$0x1] =	stream.indirect_vreg.gather [hbm4b:s2+s3], $0x80, v4, vm0, $0xb8;
	[tilespmem:$0x10100] =	vst v63  }
0x8e: {  	_ = 	snop  }
0x8f: {  	[tilespmem:s21], [sflag:$0x1] =	stream.indirect_vreg.gather [hbm4b:s2+s3], $0x80, v3, vm0, $0xb8;
	[tilespmem:$0x10100] =	vst v63  }
0x90: {  	v3 =	vld [tilespmem:$0xB0];
	_ =	sdelay $0x4  }
0x91: {  	v59 =	vshll.u32 v3, $0x1  }
0x92: {  	v3 =	vand.u32 $0x7, v3;
	v4 =	vand.u32 $0xFFFFFFF0, v59  }
0x93: {  	v3 =	vor.u32 v3, v4  }
0x94: {  	v4 =	vperm.xlane v3, v0;
	_ =	sdelay $0x1  }
0x95: {  	v3 =	vperm.xlane v3, v2;
	v4 =	vadd.s32 v1, v4;
	_ =	sdelay $0x1  }
0x96: {  	v3 =	vadd.s32 v1, v3;
	_ =	sdelay $0x2  }
0x97: {  	[tilespmem:s22], [sflag:$0x1] =	stream.indirect_vreg.gather [hbm4b:s2+s3], $0x80, v4, vm0, $0xb8;
	[tilespmem:$0x10100] =	vst v63  }
0x98: {  	_ = 	snop  }
0x99: {  	[tilespmem:s23], [sflag:$0x1] =	stream.indirect_vreg.gather [hbm4b:s2+s3], $0x80, v3, vm0, $0xb8;
	[tilespmem:$0x10100] =	vst v63  }
0x9a: {  	v3 =	vld [tilespmem:$0xC0];
	_ =	sdelay $0x4  }
0x9b: {  	v60 =	vshll.u32 v3, $0x1  }
0x9c: {  	v3 =	vand.u32 $0x7, v3;
	v4 =	vand.u32 $0xFFFFFFF0, v60  }
0x9d: {  	v3 =	vor.u32 v3, v4  }
0x9e: {  	v4 =	vperm.xlane v3, v0;
	_ =	sdelay $0x1  }
0x9f: {  	v3 =	vperm.xlane v3, v2;
	v4 =	vadd.s32 v1, v4;
	_ =	sdelay $0x1  }
0xa0: {  	v3 =	vadd.s32 v1, v3;
	_ =	sdelay $0x2  }
0xa1: {  	[tilespmem:s24], [sflag:$0x1] =	stream.indirect_vreg.gather [hbm4b:s2+s3], $0x80, v4, vm0, $0xb8;
	[tilespmem:$0x10100] =	vst v63  }
0xa2: {  	_ = 	snop  }
0xa3: {  	[tilespmem:s25], [sflag:$0x1] =	stream.indirect_vreg.gather [hbm4b:s2+s3], $0x80, v3, vm0, $0xb8;
	[tilespmem:$0x10100] =	vst v63  }
0xa4: {  	v3 =	vld [tilespmem:$0xD0];
	_ =	sdelay $0x4  }
0xa5: {  	v61 =	vshll.u32 v3, $0x1  }
0xa6: {  	v3 =	vand.u32 $0x7, v3;
	v4 =	vand.u32 $0xFFFFFFF0, v61  }
0xa7: {  	v3 =	vor.u32 v3, v4  }
0xa8: {  	v4 =	vperm.xlane v3, v0;
	_ =	sdelay $0x1  }
0xa9: {  	v3 =	vperm.xlane v3, v2;
	v4 =	vadd.s32 v1, v4;
	_ =	sdelay $0x1  }
0xaa: {  	v3 =	vadd.s32 v1, v3;
	_ =	sdelay $0x2  }
0xab: {  	[tilespmem:s26], [sflag:$0x1] =	stream.indirect_vreg.gather [hbm4b:s2+s3], $0x80, v4, vm0, $0xb8;
	[tilespmem:$0x10100] =	vst v63  }
0xac: {  	_ = 	snop  }
0xad: {  	[tilespmem:s28], [sflag:$0x1] =	stream.indirect_vreg.gather [hbm4b:s2+s3], $0x80, v3, vm0, $0xb8;
	[tilespmem:$0x10100] =	vst v63  }
0xae: {  	v3 =	vld [tilespmem:$0xE0];
	_ =	sdelay $0x4  }
0xaf: {  	v62 =	vshll.u32 v3, $0x1  }
0xb0: {  	v3 =	vand.u32 $0x7, v3;
	v4 =	vand.u32 $0xFFFFFFF0, v62  }
0xb1: {  	v3 =	vor.u32 v3, v4  }
0xb2: {  	v4 =	vperm.xlane v3, v0;
	_ =	sdelay $0x1  }
0xb3: {  	v3 =	vperm.xlane v3, v2;
	v4 =	vadd.s32 v1, v4;
	_ =	sdelay $0x1  }
0xb4: {  	v3 =	vadd.s32 v1, v3;
	_ =	sdelay $0x2  }
0xb5: {  	[tilespmem:s29], [sflag:$0x1] =	stream.indirect_vreg.gather [hbm4b:s2+s3], $0x80, v4, vm0, $0xb8;
	[tilespmem:$0x10100] =	vst v63  }
0xb6: {  	_ = 	snop  }
0xb7: {  	[tilespmem:s30], [sflag:$0x1] =	stream.indirect_vreg.gather [hbm4b:s2+s3], $0x80, v3, vm0, $0xb8;
	[tilespmem:$0x10100] =	vst v63  }
0xb8: {  	v3 =	vld [tilespmem:$0xF0];
	_ =	sdelay $0x4  }
0xb9: {  	v63 =	vshll.u32 v3, $0x1  }
0xba: {  	v3 =	vand.u32 $0x7, v3;
	v4 =	vand.u32 $0xFFFFFFF0, v63  }
0xbb: {  	v3 =	vor.u32 v3, v4  }
0xbc: {  	v4 =	vperm.xlane v3, v0;
	_ =	sdelay $0x1  }
0xbd: {  	v3 =	vperm.xlane v3, v2;
	v4 =	vadd.s32 v1, v4;
	_ =	sdelay $0x1  }
0xbe: {  	v3 =	vadd.s32 v1, v3;
	_ =	sdelay $0x2  }
0xbf: {  	[tilespmem:s31], [sflag:$0x1] =	stream.indirect_vreg.gather [hbm4b:s2+s3], $0x80, v4, vm0, $0xb8;
	[tilespmem:$0x10100] =	vst v63  }
0xc0: {  	_ = 	snop  }
0xc1: {  	[tilespmem:s1], [sflag:$0x1] =	stream.indirect_vreg.gather [hbm4b:s2+s3], $0x80, v3, vm0, $0xb8;
	[tilespmem:$0x10100] =	vst v63  }
0xc2: {  	_ =	swait.ge [sflag:s15], $0x8000  }
0xc3: {  	p0 =	sne.s32 s4, $0x1;
	[sflag:s15] =	ssyncset.done $0x0  }
.Ltmp0:
0xc4: {  	s7 =	rddreg [dreg:$0x4];
	[sflag:s15] =	ssyncadd.s32 $0xFFFF8000;
	(pc) =	sbr.rel @p0 .LBB2_1-.Ltmp0, $4  }
0xc5: {  	[hbm4b:s7+s3] =	stream.linear.scatter [tilespmem:s6], [sflag:$0x2], $0x10000, $0x38;
	[tilespmem:$0x10100] =	vst v63  }
0xc6: {  	_ =	swait.ge [sflag:s5], $0x10000  }
0xc7: {  	[sflag:s5] =	ssyncset.done $0x0  }
0xc8: {  	s4 =	sadd.s32 $0xFFFFFFFF, s4;
	[sflag:s5] =	ssyncadd.s32 $0xFFFF0000  }
0xc9: {  	_ =	sfence.sel $0x180000  }
0xca: {  	[bflag:$0x0] =	sbarrier.arrive $0xFFFF  }
0xcb: {  	_ =	strace $0x9000004A  }
0xcc: {  	s0 =	stileid.u32;
	[bflag:$0x2] =	sbarrier.arrive $0xFFFF  }
0xcd: {  	p0 =	sne.s32 s0, $0x0;
	s0 =	rddreg [dreg:$0x2]  }
0xce: {  	s0 =	sadd.s32 @!p0 $0x100000, s0  }
0xcf: {  	[sflag:s0] =	ssyncadd.tile.s32 @!p0 $0x1;
	_ =	shalt  }
.Lfunc_end2:
_tile_overlayer_lowered:
.L_overlay_start_2:
0xd0: {  	(tag) =	ssettag $0x2  }
0xd1: {  	s0 =	rddreg [dreg:$0x0];
	s2 =	stileid.u32  }
0xd2: {  	s1 =	rddreg [dreg:$0x1];
	p0 =	sne.s32 s2, $0x0  }
0xd3: {  	s3 =	rddreg [dreg:$0x2];
	[bflag:$0x3] =	sbarrier.arrive $0xFFFF;
	s2 =	simm.s32 @!p0 $0x1C02  }
0xd4: {  	[timem:s3], [sflag:s2] =	dma.local @!p0 [hbm:s0], s1  }
0xd5: {  	s0 =	simm.s32 @!p0 $0x2  }
0xd6: {  	_ =	swait.ge @!p0 [sflag:s0], s1  }
0xd7: {  	s1 =	ssub.s32 @!p0 $0x0, s1;
	[sflag:s0] =	ssyncset.done @!p0 $0x0  }
0xd8: {  	[sflag:s0] =	ssyncadd.s32 @!p0 s1  }
0xd9: {  	[bflag:$0x3] =	sbarrier.arrive $0xFFFF  }
0xda: {  	_ =	shalt  }

// kernel: kernel.7.cloned.1.call-start
scs
__scs_entry_jumppad:
0x0: {  	(pc) =	sbr.rel $0x88, $3  }
0x1: {  	(tag) =	ssettag $0x0;
	lr =	simm.s32 $0x1  }
0x2: {  	[smem:$0x3F96] =	sst lr;
	_ =	strace $0xD0000000  }
0x3: {  	_ = 	snop  }
0x4: {  	_ = 	snop  }
0x5: {  	_ = 	snop  }
0x6: {  	_ = 	snop  }
0x7: {  	_ = 	snop  }
__scs_overlays_trampoline_lowered:
0x8: {  	[smem:$0x3FA5] =	sst s0  }
0x9: {  	[smem:$0x3FA6] =	sst s1  }
0xa: {  	[smem:$0x3FA7] =	sst s2  }
0xb: {  	[smem:$0x3FA8] =	sst s3  }
0xc: {  	[smem:$0x3FA9] =	sst s4  }
0xd: {  	[smem:$0x3FAA] =	sst s5  }
0xe: {  	[smem:$0x3FAB] =	sst s6  }
0xf: {  	[smem:$0x3FAC] =	sst s7  }
0x10: {  	[smem:$0x3FAD] =	sst s8  }
0x11: {  	[smem:$0x3FAE] =	sst s9;
	s0 =	simm.s32 @!p0 $0x0  }
0x12: {  	s1 =	sld [smem:$0x3F94];
	s0 =	simm.s32 @p0 $0x1  }
0x13: {  	[smem:$0x3FAF] =	sst s0;
	s0 =	simm.s32 @!p1 $0x0  }
0x14: {  	s2 =	sld [smem:$0x3F93];
	s0 =	simm.s32 @p1 $0x1  }
0x15: {  	[smem:$0x3FB0] =	sst s0;
	s0 =	simm.s32 @!p2 $0x0  }
0x16: {  	s3 =	sld [smem:$0x3FDB];
	s0 =	simm.s32 @p2 $0x1  }
0x17: {  	s4 =	simm.s32 $0x1BF5;
	[smem:$0x3FB2] =	sst s0  }
0x18: {  	s0 =	sld [smem:$0x3F95];
	_ =	swait.ge [sflag:s4], $0x0  }
0x19: {  	s7 =	sld [smem:$0x3F96]  }
0x1a: {  	s8 =	sadd.s32 $0xFFFFE003, lr  }
0x1b: {  	s9 =	sadd.s32 $0xFFFFFEF7, lr;
	s5 =	simm.s32 $0xFFFFFFFF;
	p2 =	slt.u32 s8, $0xFFFFF086  }
0x1c: {  	p1 =	slt.u32 s9, $0xF7A;
	s5 =	simm.s32 @!p2 $0x0  }
0x1d: {  	s5 =	simm.s32 @p1 $0x1;
	p0 =	seq.s32 s7, s2  }
0x1e: {  	s7 =	smul.u32 @!p0 $0xF7A, s2;
	p2 =	seq.s32 @!p0 s5, $0x0  }
0x1f: {  	s9 =	smul.u32 $0xF7A, s1;
	s8 =	simm.s32 @!p0 $0x1BF5;
	p2 =	por !p2, p0  }
0x20: {  	[sflag:s8] =	ssyncset.s32 @!p0 $0xFFFFF086;
	s6 =	sadd.s32 @!p0 s3, s7;
	s7 =	simm.s32 @!p0 $0x108  }
0x21: {  	s3 =	sadd.s32 s3, s9;
	s6 =	sadd.s32 @!p0 $0x88, s6;
	s7 =	simm.s32 @p2 $0x1082  }
0x22: {  	[simem:s7], [sflag:s8] =	dma.local @!p0 [hbm:s6], $0xF7A  }
0x23: {  	s9 =	sor.u32 $0xD0000000, s2;
	s6 =	simm.s32 $0x108;
	_ =	swait.ge @!p0 [sflag:s8], $0x0  }
0x24: {  	s3 =	sadd.s32 $0x88, s3;
	s6 =	simm.s32 @!p1 $0x1082;
	[sflag:s4] =	ssyncset.s32 $0xFFFFF086  }
0x25: {  	[simem:s6], [sflag:s4] =	dma.local [hbm:s3], $0xF7A  }
0x26: {  	[smem:$0x3F96] =	sst s1;
	(tag) =	ssettag s2;
	_ =	strace s9  }
0x27: {  	s1 =	sld [smem:$0x3FA6]  }
0x28: {  	s2 =	sld [smem:$0x3FA7]  }
0x29: {  	s4 =	sld [smem:$0x3FA9]  }
0x2a: {  	p0 =	seq.s32 s5, $0x0;
	s5 =	sld [smem:$0x3FAA]  }
0x2b: {  	s6 =	sld [smem:$0x3FAB]  }
0x2c: {  	s7 =	sld [smem:$0x3FAC]  }
0x2d: {  	s3 =	simm.s32 $0x108;
	s8 =	sld [smem:$0x3FAD]  }
0x2e: {  	s3 =	simm.s32 @!p0 $0x1082;
	s9 =	sld [smem:$0x3FAE]  }
0x2f: {  	lr =	sadd.s32 s0, s3;
	s0 =	sld [smem:$0x3FA5]  }
0x30: {  	s3 =	sld [smem:$0x3FA8]  }
0x31: {  	[smem:$0x3FB1] =	sst s10  }
0x32: {  	s10 =	sld [smem:$0x3FAF];
	_ =	sdelay $0x3  }
0x33: {  	p0 =	seq.s32 s10, $0x1;
	s10 =	sld [smem:$0x3FB1];
	_ =	sdelay $0x3  }
0x34: {  	[smem:$0x3FB1] =	sst s10  }
0x35: {  	s10 =	sld [smem:$0x3FB0];
	_ =	sdelay $0x3  }
0x36: {  	p1 =	seq.s32 s10, $0x1;
	s10 =	sld [smem:$0x3FB1];
	_ =	sdelay $0x3  }
0x37: {  	[smem:$0x3FB1] =	sst s10  }
0x38: {  	s10 =	sld [smem:$0x3FB2]  }
0x39: {  	_ = 	snop;
	(pc) =	sbr.ind lr, $3  }
0x3a: {  	_ = 	snop  }
0x3b: {  	_ = 	snop  }
0x3c: {  	p2 =	seq.s32 s10, $0x1;
	s10 =	sld [smem:$0x3FB1]  }
0x3d: {  	_ =	shalt  }
0x3e: {  	_ =	shalt  }
0x3f: {  	_ =	shalt  }
0x40: {  	_ =	shalt  }
0x41: {  	_ =	shalt  }
0x42: {  	_ =	shalt  }
0x43: {  	_ =	shalt  }
0x44: {  	_ =	shalt  }
0x45: {  	_ =	shalt  }
0x46: {  	_ =	shalt  }
0x47: {  	_ =	shalt  }
0x48: {  	_ =	shalt  }
0x49: {  	_ =	shalt  }
0x4a: {  	_ =	shalt  }
0x4b: {  	_ =	shalt  }
0x4c: {  	_ =	shalt  }
0x4d: {  	_ =	shalt  }
0x4e: {  	_ =	shalt  }
0x4f: {  	_ =	shalt  }
0x50: {  	_ =	shalt  }
0x51: {  	_ =	shalt  }
0x52: {  	_ =	shalt  }
0x53: {  	_ =	shalt  }
0x54: {  	_ =	shalt  }
0x55: {  	_ =	shalt  }
0x56: {  	_ =	shalt  }
0x57: {  	_ =	shalt  }
0x58: {  	_ =	shalt  }
0x59: {  	_ =	shalt  }
0x5a: {  	_ =	shalt  }
0x5b: {  	_ =	shalt  }
0x5c: {  	_ =	shalt  }
0x5d: {  	_ =	shalt  }
0x5e: {  	_ =	shalt  }
0x5f: {  	_ =	shalt  }
0x60: {  	_ =	shalt  }
0x61: {  	_ =	shalt  }
0x62: {  	_ =	shalt  }
0x63: {  	_ =	shalt  }
0x64: {  	_ =	shalt  }
0x65: {  	_ =	shalt  }
0x66: {  	_ =	shalt  }
0x67: {  	_ =	shalt  }
0x68: {  	_ =	shalt  }
0x69: {  	_ =	shalt  }
0x6a: {  	_ =	shalt  }
0x6b: {  	_ =	shalt  }
0x6c: {  	_ =	shalt  }
0x6d: {  	_ =	shalt  }
0x6e: {  	_ =	shalt  }
0x6f: {  	_ =	shalt  }
0x70: {  	_ =	shalt  }
0x71: {  	_ =	shalt  }
0x72: {  	_ =	shalt  }
0x73: {  	_ =	shalt  }
0x74: {  	_ =	shalt  }
0x75: {  	_ =	shalt  }
0x76: {  	_ =	shalt  }
0x77: {  	_ =	shalt  }
0x78: {  	_ =	shalt  }
0x79: {  	_ =	shalt  }
0x7a: {  	_ =	shalt  }
0x7b: {  	_ =	shalt  }
0x7c: {  	_ =	shalt  }
0x7d: {  	_ =	shalt  }
0x7e: {  	_ =	shalt  }
0x7f: {  	_ =	shalt  }
0x80: {  	_ =	shalt  }
0x81: {  	_ =	shalt  }
0x82: {  	_ =	shalt  }
0x83: {  	_ =	shalt  }
0x84: {  	_ =	shalt  }
0x85: {  	_ =	shalt  }
0x86: {  	_ =	shalt  }
0x87: {  	_ =	shalt  }
.Lfunc_end0:
.L_simem_size_0:
called_computation_lowered:
.L_overlay_start_0:
0x88: {  	s2 =	sld [smem:$0x3FD9]  }
0x89: {  	s3 =	sld [smem:$0x3FFE];
	_ =	sdelay $0x1  }
0x8a: {  	s1 =	srdreg.scid  }
0x8b: {  	s0 =	sand.u32 $0x1, s1  }
0x8c: {  	s17 =	sshll.u32 s0, $0xA;
	s2 =	sadd.s32 s3, s2  }
0x8d: {  	s2 =	sadd.s32 s2, s17  }
0x8e: {  	[smem:$0x3FBD] =	sst s2  }
0x8f: {  	_ = 	snop  }
0x90: {  	s2 =	sld [smem:$0x3FD0];
	(tm) =	ssettm $0x1  }
0x91: {  	s18 =	sld [smem:$0x3FFB];
	_ =	sdelay $0x3  }
0x92: {  	_ =	strace s18  }
0x93: {  	s3 =	sld [smem:$0x3FFC];
	_ =	sdelay $0x3  }
0x94: {  	_ =	strace s3  }
0x95: {  	s3 =	sld [smem:$0x3FFD];
	_ =	sdelay $0x3  }
0x96: {  	_ =	strace s3  }
0x97: {  	_ =	strace $0x8FFFFFFF  }
0x98: {  	s19 =	sld [smem:$0x3FDB];
	_ =	sdelay $0x1  }
0x99: {  	s4 =	simm.s32 $_scs_section_size  }
0x9a: {  	s5 =	simm.s32 $_size__tile_overlayer_lowered;
	s6 =	simm.s32 $_tile_overlayer_lowered  }
0x9b: {  	s22 =	simm.s32 $0x1BFF;
	s21 =	sshll.u32 s6, $0x1;
	s3 =	sadd.s32 s4, s19  }
0x9c: {  	s7 =	simm.s32 $0x0;
	s20 =	sshll.u32 s5, $0x1;
	s5 =	sadd.s32 s21, s3  }
0x9d: {  	[timem:s7], [sflag:s22] =	dma.local [hbm:s5], s20  }
0x9e: {  	_ =	swait.ge [sflag:s22], s20  }
0x9f: {  	s4 =	ssub.s32 $0x0, s20;
	[sflag:s22] =	ssyncset.done $0x0  }
0xa0: {  	[sflag:s22] =	ssyncadd.s32 s4;
	_ =	sdelay $0x1  }
0xa1: {  	s23 =	simm.s32 $0x1B8B  }
0xa2: {  	_ =	swait.ge [sflag:s23], $0x1  }
0xa3: {  	[sflag:s23] =	ssyncset.done $0x0  }
0xa4: {  	s25 =	simm.s32 $0x1B8E;
	s24 =	sld [smem:$0x3FFE];
	[sflag:s23] =	ssyncadd.s32 $0xFFFFFFFF  }
0xa5: {  	s26 =	simm.s32 $execute0_lowered;
	[smem:$0x3FD2] =	sst s25  }
0xa6: {  	s5 =	sshll.u32 s26, $0x1;
	_ =	strace $0x80000046;
	[dreg:$0x1] =	wrdreg $0xFFFFFFFF  }
0xa7: {  	s28 =	simm.s32 $_size_execute0_lowered;
	s3 =	sadd.s32 s3, s5;
	[dreg:$0x0] =	wrdreg $0x0  }
0xa8: {  	s5 =	sshll.u32 s28, $0x1;
	[dreg:$0x2] =	wrdreg s3  }
0xa9: {  	[dreg:$0x3] =	wrdreg s5  }
0xaa: {  	[dreg:$0x4] =	wrdreg $0xC0  }
0xab: {  	_ =	task [dreg:s7], $0x5FFFF  }
0xac: {  	[dreg:$0x1] =	wrdreg $0xFFFFFFFF  }
0xad: {  	[dreg:$0x0] =	wrdreg $0x60  }
0xae: {  	[dreg:$0x2] =	wrdreg s24  }
0xaf: {  	[dreg:$0x3] =	wrdreg s2  }
0xb0: {  	[dreg:$0x4] =	wrdreg $0x9  }
0xb1: {  	_ =	task.clear_ibuf [dreg:s7], $0x5FFFF;
	_ =	strace $0x90000046  }
0xb2: {  	s29 =	simm.s32 $0x9;
	_ =	strace $0x80000048  }
0xb3: {  	_ =	swait.ge [sflag:s29], $0x1  }
0xb4: {  	[sflag:s29] =	ssyncadd.s32 $0xFFFFFFFF  }
0xb5: {  	_ =	strace $0x90000048  }
0xb6: {  	_ =	sfence  }
0xb7: {  	s30 =	sld [smem:$0x0];
	_ =	sdelay $0x2  }
0xb8: {  	s31 =	sshll.u32 s1, $0xD;
	s1 =	sshrl.u32 s1, $0x2  }
0xb9: {  	s3 =	sand.u32 $0x4000, s31;
	s1 =	sadd.s32 s1, s30  }
0xba: {  	s0 =	sor.u32 s3, s0;
	s1 =	sshll.u32 s1, $0x11  }
0xbb: {  	s0 =	sor.u32 s1, s0  }
0xbc: {  	s0 =	sadd.s32 $0x8F2B, s0  }
0xbd: {  	[sflag:s0] =	ssyncadd.remote.s32 $0x1  }
0xbe: {  	_ =	sfence.sel $0xFFFF  }
0xbf: {  	[dreg:$0x0] =	wrdreg $0xFFFFFFFF;
	(pc) =	sbr.abs _section_cstart, $3  }
0xc0: {  	[dreg:$0x1] =	wrdreg $0xFFFFFFFF  }
0xc1: {  	_ =	task.clear_ibuf [dreg:s7], $0x2FFFF;
	_ =	strace $0x9FFFFFFF  }
0xc2: {  	(tm) =	ssettm $0x7FFFFFFF  }
0xc3: {  	_ =	shalt  }
tec
execute0_lowered:
.L_overlay_start_1:
0x0: {  	(tag) =	ssettag $0x1  }
0x1: {  	s1 =	srdreg.scid;
	s3 =	rddreg [dreg:$0x0]  }
0x2: {  	s0 =	stileid.u32;
	s4 =	rddreg [dreg:$0x1];
	s19 =	simm.s32 $0x900  }
0x3: {  	s20 =	simm.s32 $0x1100;
	s21 =	simm.s32 $0x1900;
	s23 =	simm.s32 $0x2100  }
0x4: {  	s24 =	simm.s32 $0x2900;
	s25 =	simm.s32 $0x3100;
	s26 =	simm.s32 $0x3900  }
0x5: {  	s8 =	simm.s32 $0x4900;
	s9 =	simm.s32 $0x5100;
	s10 =	simm.s32 $0x5900  }
0x6: {  	s11 =	simm.s32 $0x6100;
	s12 =	simm.s32 $0x6900;
	s13 =	simm.s32 $0x7100  }
0x7: {  	s14 =	simm.s32 $0x7900;
	s15 =	simm.s32 $0x1;
	s16 =	simm.s32 $0x8100  }
0x8: {  	s17 =	simm.s32 $0x8900;
	s1 =	sand.u32 $0x1, s1;
	s2 =	sshll.u32 s0, $0x1  }
0x9: {  	s18 =	simm.s32 $0x9100;
	s5 =	sor.u32 s1, s2;
	s2 =	simm.s32 $0x0  }
0xa: {  	s28 =	simm.s32 $0xD900;
	s29 =	simm.s32 $0xE100;
	[smem:$0x7FF] =	sst s2  }
0xb: {  	s30 =	simm.s32 $0xE900;
	_ =	strace $0x80000047;
	[dreg:$0x5] =	wrdreg s19  }
0xc: {  	s31 =	simm.s32 $0xF100;
	s1 =	ssub.s32 $0x2, s1;
	[dreg:$0x6] =	wrdreg s20  }
0xd: {  	s6 =	sshll.u32 s5, $0x5;
	s5 =	sshll.u32 s5, $0xD;
	[dreg:$0x7] =	wrdreg s21  }
0xe: {  	s22 =	sshrl.u32 s1, $0x1;
	s6 =	sadd.s32 s6, s3;
	[dreg:$0x8] =	wrdreg s23  }
0xf: {  	s4 =	sadd.s32 s4, s5;
	s3 =	sadd.s32 $0x2600, s3;
	[dreg:$0x9] =	wrdreg s24  }
0x10: {  	s1 =	ssub.s32 s1, s22;
	s5 =	simm.s32 $0x2;
	[dreg:$0xa] =	wrdreg s25  }
0x11: {  	[dreg:$0xb] =	wrdreg s26;
	s19 =	simm.s32 $0x9900;
	s20 =	simm.s32 $0xA100  }
0x12: {  	s21 =	simm.s32 $0xA900;
	s22 =	simm.s32 $0xB100;
	s23 =	simm.s32 $0xB900  }
0x13: {  	v2 =	vlaneseq.u32;
	s24 =	simm.s32 $0xC100;
	s25 =	simm.s32 $0xC900;
	s26 =	simm.s32 $0xD100  }
0x14: {  	vm0 =	vmmov $0xffff;
	v1 =	vshrl.u32 v2, $0x3;
	s6 =	sadd.s32 $0x42600, s6;
	[dreg:$0x4] =	wrdreg s4;
	s4 =	smax.u32 s1, $0x1  }
0x15: {  	v0 =	vand.u32 $0x7, v2;
	v2 =	vor.u32 $0x8, v2;
	v1 =	vmul.u32 $0x8, v1;
	s1 =	simm.s32 $0xF900;
	[dreg:$0x3] =	wrdreg s6;
	s6 =	simm.s32 $0x100  }
.LBB2_1:
0x16: {  	s0 =	rddreg [dreg:$0x3]  }
0x17: {  	[tilespmem:s2], [sflag:$0x2] =	stream.linear.gather [hbm4b:s0+s2], $0x100, $0x38;
	[tilespmem:$0x10100] =	vst v63  }
0x18: {  	_ =	swait.ge [sflag:s5], $0x100  }
0x19: {  	[sflag:s5] =	ssyncset.done $0x0  }
0x1a: {  	[sflag:s5] =	ssyncadd.s32 $0xFFFFFF00  }
0x1b: {  	v3 =	vld [tilespmem:$0x0];
	_ =	sdelay $0x4  }
0x1c: {  	v4 =	vshll.u32 v3, $0x1  }
0x1d: {  	v3 =	vand.u32 $0x7, v3;
	v4 =	vand.u32 $0xFFFFFFF0, v4  }
0x1e: {  	v3 =	vor.u32 v3, v4  }
0x1f: {  	v4 =	vperm.xlane v3, v0;
	_ =	sdelay $0x1  }
0x20: {  	v3 =	vperm.xlane v3, v2;
	v4 =	vadd.s32 v1, v4;
	_ =	sdelay $0x1  }
0x21: {  	v3 =	vadd.s32 v1, v3;
	_ =	sdelay $0x2  }
0x22: {  	[tilespmem:s6], [sflag:$0x1] =	stream.indirect_vreg.gather [hbm4b:s3+s2], $0x80, v4, vm0, $0xb8;
	[tilespmem:$0x10100] =	vst v63  }
0x23: {  	s7 =	rddreg [dreg:$0x5]  }
0x24: {  	[tilespmem:s7], [sflag:$0x1] =	stream.indirect_vreg.gather [hbm4b:s3+s2], $0x80, v3, vm0, $0xb8;
	[tilespmem:$0x10100] =	vst v63  }
0x25: {  	v3 =	vld [tilespmem:$0x10];
	_ =	sdelay $0x4  }
0x26: {  	v49 =	vshll.u32 v3, $0x1  }
0x27: {  	v3 =	vand.u32 $0x7, v3;
	v4 =	vand.u32 $0xFFFFFFF0, v49  }
0x28: {  	v3 =	vor.u32 v3, v4  }
0x29: {  	v4 =	vperm.xlane v3, v0;
	_ =	sdelay $0x1  }
0x2a: {  	v3 =	vperm.xlane v3, v2;
	v4 =	vadd.s32 v1, v4;
	_ =	sdelay $0x1  }
0x2b: {  	v3 =	vadd.s32 v1, v3;
	_ =	sdelay $0x1  }
0x2c: {  	s0 =	rddreg [dreg:$0x6]  }
0x2d: {  	[tilespmem:s0], [sflag:$0x1] =	stream.indirect_vreg.gather [hbm4b:s3+s2], $0x80, v4, vm0, $0xb8;
	[tilespmem:$0x10100] =	vst v63  }
0x2e: {  	s7 =	rddreg [dreg:$0x7]  }
0x2f: {  	[tilespmem:s7], [sflag:$0x1] =	stream.indirect_vreg.gather [hbm4b:s3+s2], $0x80, v3, vm0, $0xb8;
	[tilespmem:$0x10100] =	vst v63  }
0x30: {  	v3 =	vld [tilespmem:$0x20];
	_ =	sdelay $0x4  }
0x31: {  	v50 =	vshll.u32 v3, $0x1  }
0x32: {  	v3 =	vand.u32 $0x7, v3;
	v4 =	vand.u32 $0xFFFFFFF0, v50  }
0x33: {  	v3 =	vor.u32 v3, v4  }
0x34: {  	v4 =	vperm.xlane v3, v0;
	_ =	sdelay $0x1  }
0x35: {  	v3 =	vperm.xlane v3, v2;
	v4 =	vadd.s32 v1, v4;
	_ =	sdelay $0x1  }
0x36: {  	v3 =	vadd.s32 v1, v3;
	_ =	sdelay $0x1  }
0x37: {  	s0 =	rddreg [dreg:$0x8]  }
0x38: {  	[tilespmem:s0], [sflag:$0x1] =	stream.indirect_vreg.gather [hbm4b:s3+s2], $0x80, v4, vm0, $0xb8;
	[tilespmem:$0x10100] =	vst v63  }
0x39: {  	s7 =	rddreg [dreg:$0x9]  }
0x3a: {  	[tilespmem:s7], [sflag:$0x1] =	stream.indirect_vreg.gather [hbm4b:s3+s2], $0x80, v3, vm0, $0xb8;
	[tilespmem:$0x10100] =	vst v63  }
0x3b: {  	v3 =	vld [tilespmem:$0x30];
	_ =	sdelay $0x4  }
0x3c: {  	v51 =	vshll.u32 v3, $0x1  }
0x3d: {  	v3 =	vand.u32 $0x7, v3;
	v4 =	vand.u32 $0xFFFFFFF0, v51  }
0x3e: {  	v3 =	vor.u32 v3, v4  }
0x3f: {  	v4 =	vperm.xlane v3, v0;
	_ =	sdelay $0x1  }
0x40: {  	v3 =	vperm.xlane v3, v2;
	v4 =	vadd.s32 v1, v4;
	_ =	sdelay $0x1  }
0x41: {  	v3 =	vadd.s32 v1, v3;
	_ =	sdelay $0x1  }
0x42: {  	s0 =	rddreg [dreg:$0xa]  }
0x43: {  	[tilespmem:s0], [sflag:$0x1] =	stream.indirect_vreg.gather [hbm4b:s3+s2], $0x80, v4, vm0, $0xb8;
	[tilespmem:$0x10100] =	vst v63  }
0x44: {  	s7 =	rddreg [dreg:$0xb]  }
0x45: {  	[tilespmem:s7], [sflag:$0x1] =	stream.indirect_vreg.gather [hbm4b:s3+s2], $0x80, v3, vm0, $0xb8;
	[tilespmem:$0x10100] =	vst v63  }
0x46: {  	v3 =	vld [tilespmem:$0x40];
	_ =	sdelay $0x4  }
0x47: {  	v52 =	vshll.u32 v3, $0x1  }
0x48: {  	v3 =	vand.u32 $0x7, v3;
	v4 =	vand.u32 $0xFFFFFFF0, v52  }
0x49: {  	v3 =	vor.u32 v3, v4  }
0x4a: {  	v4 =	vperm.xlane v3, v0;
	_ =	sdelay $0x1  }
0x4b: {  	v3 =	vperm.xlane v3, v2;
	v4 =	vadd.s32 v1, v4;
	_ =	sdelay $0x1  }
0x4c: {  	v3 =	vadd.s32 v1, v3;
	_ =	sdelay $0x1  }
0x4d: {  	s7 =	simm.s32 $0x4100  }
0x4e: {  	[tilespmem:s7], [sflag:$0x1] =	stream.indirect_vreg.gather [hbm4b:s3+s2], $0x80, v4, vm0, $0xb8;
	[tilespmem:$0x10100] =	vst v63  }
0x4f: {  	_ = 	snop  }
0x50: {  	[tilespmem:s8], [sflag:$0x1] =	stream.indirect_vreg.gather [hbm4b:s3+s2], $0x80, v3, vm0, $0xb8;
	[tilespmem:$0x10100] =	vst v63  }
0x51: {  	v3 =	vld [tilespmem:$0x50];
	_ =	sdelay $0x4  }
0x52: {  	v53 =	vshll.u32 v3, $0x1  }
0x53: {  	v3 =	vand.u32 $0x7, v3;
	v4 =	vand.u32 $0xFFFFFFF0, v53  }
0x54: {  	v3 =	vor.u32 v3, v4  }
0x55: {  	v4 =	vperm.xlane v3, v0;
	_ =	sdelay $0x1  }
0x56: {  	v3 =	vperm.xlane v3, v2;
	v4 =	vadd.s32 v1, v4;
	_ =	sdelay $0x1  }
0x57: {  	v3 =	vadd.s32 v1, v3;
	_ =	sdelay $0x2  }
0x58: {  	[tilespmem:s9], [sflag:$0x1] =	stream.indirect_vreg.gather [hbm4b:s3+s2], $0x80, v4, vm0, $0xb8;
	[tilespmem:$0x10100] =	vst v63  }
0x59: {  	_ = 	snop  }
0x5a: {  	[tilespmem:s10], [sflag:$0x1] =	stream.indirect_vreg.gather [hbm4b:s3+s2], $0x80, v3, vm0, $0xb8;
	[tilespmem:$0x10100] =	vst v63  }
0x5b: {  	v3 =	vld [tilespmem:$0x60];
	_ =	sdelay $0x4  }
0x5c: {  	v54 =	vshll.u32 v3, $0x1  }
0x5d: {  	v3 =	vand.u32 $0x7, v3;
	v4 =	vand.u32 $0xFFFFFFF0, v54  }
0x5e: {  	v3 =	vor.u32 v3, v4  }
0x5f: {  	v4 =	vperm.xlane v3, v0;
	_ =	sdelay $0x1  }
0x60: {  	v3 =	vperm.xlane v3, v2;
	v4 =	vadd.s32 v1, v4;
	_ =	sdelay $0x1  }
0x61: {  	v3 =	vadd.s32 v1, v3;
	_ =	sdelay $0x2  }
0x62: {  	[tilespmem:s11], [sflag:$0x1] =	stream.indirect_vreg.gather [hbm4b:s3+s2], $0x80, v4, vm0, $0xb8;
	[tilespmem:$0x10100] =	vst v63  }
0x63: {  	_ = 	snop  }
0x64: {  	[tilespmem:s12], [sflag:$0x1] =	stream.indirect_vreg.gather [hbm4b:s3+s2], $0x80, v3, vm0, $0xb8;
	[tilespmem:$0x10100] =	vst v63  }
0x65: {  	v3 =	vld [tilespmem:$0x70];
	_ =	sdelay $0x4  }
0x66: {  	v55 =	vshll.u32 v3, $0x1  }
0x67: {  	v3 =	vand.u32 $0x7, v3;
	v4 =	vand.u32 $0xFFFFFFF0, v55  }
0x68: {  	v3 =	vor.u32 v3, v4  }
0x69: {  	v4 =	vperm.xlane v3, v0;
	_ =	sdelay $0x1  }
0x6a: {  	v3 =	vperm.xlane v3, v2;
	v4 =	vadd.s32 v1, v4;
	_ =	sdelay $0x1  }
0x6b: {  	v3 =	vadd.s32 v1, v3;
	_ =	sdelay $0x2  }
0x6c: {  	[tilespmem:s13], [sflag:$0x1] =	stream.indirect_vreg.gather [hbm4b:s3+s2], $0x80, v4, vm0, $0xb8;
	[tilespmem:$0x10100] =	vst v63  }
0x6d: {  	_ = 	snop  }
0x6e: {  	[tilespmem:s14], [sflag:$0x1] =	stream.indirect_vreg.gather [hbm4b:s3+s2], $0x80, v3, vm0, $0xb8;
	[tilespmem:$0x10100] =	vst v63  }
0x6f: {  	_ =	swait.ge [sflag:s15], $0x8000  }
0x70: {  	[sflag:s15] =	ssyncset.done $0x0  }
0x71: {  	[sflag:s15] =	ssyncadd.s32 $0xFFFF8000  }
0x72: {  	v3 =	vld [tilespmem:$0x80];
	_ =	sdelay $0x4  }
0x73: {  	v56 =	vshll.u32 v3, $0x1  }
0x74: {  	v3 =	vand.u32 $0x7, v3;
	v4 =	vand.u32 $0xFFFFFFF0, v56  }
0x75: {  	v3 =	vor.u32 v3, v4  }
0x76: {  	v4 =	vperm.xlane v3, v0;
	_ =	sdelay $0x1  }
0x77: {  	v3 =	vperm.xlane v3, v2;
	v4 =	vadd.s32 v1, v4;
	_ =	sdelay $0x1  }
0x78: {  	v3 =	vadd.s32 v1, v3;
	_ =	sdelay $0x2  }
0x79: {  	[tilespmem:s16], [sflag:$0x1] =	stream.indirect_vreg.gather [hbm4b:s3+s2], $0x80, v4, vm0, $0xb8;
	[tilespmem:$0x10100] =	vst v63  }
0x7a: {  	_ = 	snop  }
0x7b: {  	[tilespmem:s17], [sflag:$0x1] =	stream.indirect_vreg.gather [hbm4b:s3+s2], $0x80, v3, vm0, $0xb8;
	[tilespmem:$0x10100] =	vst v63  }
0x7c: {  	v3 =	vld [tilespmem:$0x90];
	_ =	sdelay $0x4  }
0x7d: {  	v57 =	vshll.u32 v3, $0x1  }
0x7e: {  	v3 =	vand.u32 $0x7, v3;
	v4 =	vand.u32 $0xFFFFFFF0, v57  }
0x7f: {  	v3 =	vor.u32 v3, v4  }
0x80: {  	v4 =	vperm.xlane v3, v0;
	_ =	sdelay $0x1  }
0x81: {  	v3 =	vperm.xlane v3, v2;
	v4 =	vadd.s32 v1, v4;
	_ =	sdelay $0x1  }
0x82: {  	v3 =	vadd.s32 v1, v3;
	_ =	sdelay $0x2  }
0x83: {  	[tilespmem:s18], [sflag:$0x1] =	stream.indirect_vreg.gather [hbm4b:s3+s2], $0x80, v4, vm0, $0xb8;
	[tilespmem:$0x10100] =	vst v63  }
0x84: {  	_ = 	snop  }
0x85: {  	[tilespmem:s19], [sflag:$0x1] =	stream.indirect_vreg.gather [hbm4b:s3+s2], $0x80, v3, vm0, $0xb8;
	[tilespmem:$0x10100] =	vst v63  }
0x86: {  	v3 =	vld [tilespmem:$0xA0];
	_ =	sdelay $0x4  }
0x87: {  	v58 =	vshll.u32 v3, $0x1  }
0x88: {  	v3 =	vand.u32 $0x7, v3;
	v4 =	vand.u32 $0xFFFFFFF0, v58  }
0x89: {  	v3 =	vor.u32 v3, v4  }
0x8a: {  	v4 =	vperm.xlane v3, v0;
	_ =	sdelay $0x1  }
0x8b: {  	v3 =	vperm.xlane v3, v2;
	v4 =	vadd.s32 v1, v4;
	_ =	sdelay $0x1  }
0x8c: {  	v3 =	vadd.s32 v1, v3;
	_ =	sdelay $0x2  }
0x8d: {  	[tilespmem:s20], [sflag:$0x1] =	stream.indirect_vreg.gather [hbm4b:s3+s2], $0x80, v4, vm0, $0xb8;
	[tilespmem:$0x10100] =	vst v63  }
0x8e: {  	_ = 	snop  }
0x8f: {  	[tilespmem:s21], [sflag:$0x1] =	stream.indirect_vreg.gather [hbm4b:s3+s2], $0x80, v3, vm0, $0xb8;
	[tilespmem:$0x10100] =	vst v63  }
0x90: {  	v3 =	vld [tilespmem:$0xB0];
	_ =	sdelay $0x4  }
0x91: {  	v59 =	vshll.u32 v3, $0x1  }
0x92: {  	v3 =	vand.u32 $0x7, v3;
	v4 =	vand.u32 $0xFFFFFFF0, v59  }
0x93: {  	v3 =	vor.u32 v3, v4  }
0x94: {  	v4 =	vperm.xlane v3, v0;
	_ =	sdelay $0x1  }
0x95: {  	v3 =	vperm.xlane v3, v2;
	v4 =	vadd.s32 v1, v4;
	_ =	sdelay $0x1  }
0x96: {  	v3 =	vadd.s32 v1, v3;
	_ =	sdelay $0x2  }
0x97: {  	[tilespmem:s22], [sflag:$0x1] =	stream.indirect_vreg.gather [hbm4b:s3+s2], $0x80, v4, vm0, $0xb8;
	[tilespmem:$0x10100] =	vst v63  }
0x98: {  	_ = 	snop  }
0x99: {  	[tilespmem:s23], [sflag:$0x1] =	stream.indirect_vreg.gather [hbm4b:s3+s2], $0x80, v3, vm0, $0xb8;
	[tilespmem:$0x10100] =	vst v63  }
0x9a: {  	v3 =	vld [tilespmem:$0xC0];
	_ =	sdelay $0x4  }
0x9b: {  	v60 =	vshll.u32 v3, $0x1  }
0x9c: {  	v3 =	vand.u32 $0x7, v3;
	v4 =	vand.u32 $0xFFFFFFF0, v60  }
0x9d: {  	v3 =	vor.u32 v3, v4  }
0x9e: {  	v4 =	vperm.xlane v3, v0;
	_ =	sdelay $0x1  }
0x9f: {  	v3 =	vperm.xlane v3, v2;
	v4 =	vadd.s32 v1, v4;
	_ =	sdelay $0x1  }
0xa0: {  	v3 =	vadd.s32 v1, v3;
	_ =	sdelay $0x2  }
0xa1: {  	[tilespmem:s24], [sflag:$0x1] =	stream.indirect_vreg.gather [hbm4b:s3+s2], $0x80, v4, vm0, $0xb8;
	[tilespmem:$0x10100] =	vst v63  }
0xa2: {  	_ = 	snop  }
0xa3: {  	[tilespmem:s25], [sflag:$0x1] =	stream.indirect_vreg.gather [hbm4b:s3+s2], $0x80, v3, vm0, $0xb8;
	[tilespmem:$0x10100] =	vst v63  }
0xa4: {  	v3 =	vld [tilespmem:$0xD0];
	_ =	sdelay $0x4  }
0xa5: {  	v61 =	vshll.u32 v3, $0x1  }
0xa6: {  	v3 =	vand.u32 $0x7, v3;
	v4 =	vand.u32 $0xFFFFFFF0, v61  }
0xa7: {  	v3 =	vor.u32 v3, v4  }
0xa8: {  	v4 =	vperm.xlane v3, v0;
	_ =	sdelay $0x1  }
0xa9: {  	v3 =	vperm.xlane v3, v2;
	v4 =	vadd.s32 v1, v4;
	_ =	sdelay $0x1  }
0xaa: {  	v3 =	vadd.s32 v1, v3;
	_ =	sdelay $0x2  }
0xab: {  	[tilespmem:s26], [sflag:$0x1] =	stream.indirect_vreg.gather [hbm4b:s3+s2], $0x80, v4, vm0, $0xb8;
	[tilespmem:$0x10100] =	vst v63  }
0xac: {  	_ = 	snop  }
0xad: {  	[tilespmem:s28], [sflag:$0x1] =	stream.indirect_vreg.gather [hbm4b:s3+s2], $0x80, v3, vm0, $0xb8;
	[tilespmem:$0x10100] =	vst v63  }
0xae: {  	v3 =	vld [tilespmem:$0xE0];
	_ =	sdelay $0x4  }
0xaf: {  	v62 =	vshll.u32 v3, $0x1  }
0xb0: {  	v3 =	vand.u32 $0x7, v3;
	v4 =	vand.u32 $0xFFFFFFF0, v62  }
0xb1: {  	v3 =	vor.u32 v3, v4  }
0xb2: {  	v4 =	vperm.xlane v3, v0;
	_ =	sdelay $0x1  }
0xb3: {  	v3 =	vperm.xlane v3, v2;
	v4 =	vadd.s32 v1, v4;
	_ =	sdelay $0x1  }
0xb4: {  	v3 =	vadd.s32 v1, v3;
	_ =	sdelay $0x2  }
0xb5: {  	[tilespmem:s29], [sflag:$0x1] =	stream.indirect_vreg.gather [hbm4b:s3+s2], $0x80, v4, vm0, $0xb8;
	[tilespmem:$0x10100] =	vst v63  }
0xb6: {  	_ = 	snop  }
0xb7: {  	[tilespmem:s30], [sflag:$0x1] =	stream.indirect_vreg.gather [hbm4b:s3+s2], $0x80, v3, vm0, $0xb8;
	[tilespmem:$0x10100] =	vst v63  }
0xb8: {  	v3 =	vld [tilespmem:$0xF0];
	_ =	sdelay $0x4  }
0xb9: {  	v63 =	vshll.u32 v3, $0x1  }
0xba: {  	v3 =	vand.u32 $0x7, v3;
	v4 =	vand.u32 $0xFFFFFFF0, v63  }
0xbb: {  	v3 =	vor.u32 v3, v4  }
0xbc: {  	v4 =	vperm.xlane v3, v0;
	_ =	sdelay $0x1  }
0xbd: {  	v3 =	vperm.xlane v3, v2;
	v4 =	vadd.s32 v1, v4;
	_ =	sdelay $0x1  }
0xbe: {  	v3 =	vadd.s32 v1, v3;
	_ =	sdelay $0x2  }
0xbf: {  	[tilespmem:s31], [sflag:$0x1] =	stream.indirect_vreg.gather [hbm4b:s3+s2], $0x80, v4, vm0, $0xb8;
	[tilespmem:$0x10100] =	vst v63  }
0xc0: {  	_ = 	snop  }
0xc1: {  	[tilespmem:s1], [sflag:$0x1] =	stream.indirect_vreg.gather [hbm4b:s3+s2], $0x80, v3, vm0, $0xb8;
	[tilespmem:$0x10100] =	vst v63  }
0xc2: {  	_ =	swait.ge [sflag:s15], $0x8000  }
0xc3: {  	p0 =	sne.s32 s4, $0x1;
	[sflag:s15] =	ssyncset.done $0x0  }
.Ltmp0:
0xc4: {  	s7 =	rddreg [dreg:$0x4];
	[sflag:s15] =	ssyncadd.s32 $0xFFFF8000;
	(pc) =	sbr.rel @p0 .LBB2_1-.Ltmp0, $4  }
0xc5: {  	[hbm4b:s7+s2] =	stream.linear.scatter [tilespmem:s6], [sflag:$0x2], $0x10000, $0x38;
	[tilespmem:$0x10100] =	vst v63  }
0xc6: {  	_ =	swait.ge [sflag:s5], $0x10000  }
0xc7: {  	[sflag:s5] =	ssyncset.done $0x0  }
0xc8: {  	s4 =	sadd.s32 $0xFFFFFFFF, s4;
	[sflag:s5] =	ssyncadd.s32 $0xFFFF0000  }
0xc9: {  	_ =	sfence.sel $0x180000  }
0xca: {  	[bflag:$0x0] =	sbarrier.arrive $0xFFFF  }
0xcb: {  	_ =	strace $0x90000047  }
0xcc: {  	s0 =	stileid.u32;
	[bflag:$0x2] =	sbarrier.arrive $0xFFFF  }
0xcd: {  	p0 =	sne.s32 s0, $0x0;
	s0 =	rddreg [dreg:$0x2]  }
0xce: {  	s0 =	sadd.s32 @!p0 $0x100000, s0  }
0xcf: {  	[sflag:s0] =	ssyncadd.tile.s32 @!p0 $0x1;
	_ =	shalt  }
.Lfunc_end2:
_tile_overlayer_lowered:
.L_overlay_start_2:
0xd0: {  	(tag) =	ssettag $0x2  }
0xd1: {  	s0 =	rddreg [dreg:$0x0];
	s2 =	stileid.u32  }
0xd2: {  	s1 =	rddreg [dreg:$0x1];
	p0 =	sne.s32 s2, $0x0  }
0xd3: {  	s3 =	rddreg [dreg:$0x2];
	[bflag:$0x3] =	sbarrier.arrive $0xFFFF;
	s2 =	simm.s32 @!p0 $0x1C02  }
0xd4: {  	[timem:s3], [sflag:s2] =	dma.local @!p0 [hbm:s0], s1  }
0xd5: {  	s0 =	simm.s32 @!p0 $0x2  }
0xd6: {  	_ =	swait.ge @!p0 [sflag:s0], s1  }
0xd7: {  	s1 =	ssub.s32 @!p0 $0x0, s1;
	[sflag:s0] =	ssyncset.done @!p0 $0x0  }
0xd8: {  	[sflag:s0] =	ssyncadd.s32 @!p0 s1  }
0xd9: {  	[bflag:$0x3] =	sbarrier.arrive $0xFFFF  }
0xda: {  	_ =	shalt  }

</sc_bundles>
